<compile_context>
chip_gen: v7x
topology: tpu7x:2x2x1
jax: 0.10.2.dev20260603
libtpu: 0.0.44.dev20260713+nightly
codegen_flags: <defaults>
</compile_context>

<pallas_src>
import functools

import jax
import jax.numpy as jnp
from jax import lax
from jax.experimental import pallas as pl
from jax.experimental.pallas import tpu as pltpu
from jax.experimental.pallas import tpu_sc as plsc

N = 10000
F = 128
D = 128
B = 4096

ROW_BLK = 400


def _encode_body(feat_ref, adj_ref, w_ref, b_ref, x_ref, support_ref):
    @pl.when(pl.program_id(0) == 0)
    def _():
        s = jnp.dot(
            feat_ref[...].astype(jnp.bfloat16),
            w_ref[...].astype(jnp.bfloat16),
            preferred_element_type=jnp.float32,
        )
        support_ref[...] = s.astype(jnp.bfloat16)

    acc = jnp.dot(
        adj_ref[...].astype(jnp.bfloat16),
        support_ref[...],
        preferred_element_type=jnp.float32,
    )
    x_ref[...] = jnp.tanh(acc + b_ref[...])


def _encode(feature, adj, W, b2d):
    grid = (N // ROW_BLK,)
    return pl.pallas_call(
        _encode_body,
        grid=grid,
        in_specs=[
            pl.BlockSpec((N, F), lambda i: (0, 0)),
            pl.BlockSpec((ROW_BLK, N), lambda i: (i, 0)),
            pl.BlockSpec((F, D), lambda i: (0, 0)),
            pl.BlockSpec((1, D), lambda i: (0, 0)),
        ],
        out_specs=pl.BlockSpec((ROW_BLK, D), lambda i: (i, 0)),
        out_shape=jax.ShapeDtypeStruct((N, D), jnp.float32),
        scratch_shapes=[pltpu.VMEM((N, D), jnp.bfloat16)],
        compiler_params=pltpu.CompilerParams(vmem_limit_bytes=110 * 1024 * 1024),
    )(feature, adj, W, b2d)


_NC = 2
_NS = 16
_NW = _NC * _NS
_BPW = B // _NW


def _decode_body(x_hbm, u_hbm, ip_hbm, in_hbm, pp_hbm, pn_hbm,
                 outp_hbm, outn_hbm,
                 iu, iip, iin, ipp, ipn,
                 ru, rip, rin, rpp, rpn,
                 op_v, on_v, sem, sem2, sem3, sem4):
    wid = lax.axis_index("s") * _NC + lax.axis_index("c")
    base = wid * _BPW
    pltpu.sync_copy(u_hbm.at[pl.ds(base, _BPW)], iu)
    pltpu.sync_copy(ip_hbm.at[pl.ds(base, _BPW)], iip)
    pltpu.sync_copy(in_hbm.at[pl.ds(base, _BPW)], iin)
    pltpu.sync_copy(pp_hbm.at[pl.ds(base, _BPW)], ipp)
    pltpu.sync_copy(pn_hbm.at[pl.ds(base, _BPW)], ipn)
    sems = (sem, sem2, sem3, sem4)
    descs = []
    for q in range(4):
        sl = pl.ds(q * 32, 32)
        descs.append([
            pltpu.async_copy(x_hbm.at[iu.at[sl]], ru.at[sl], sems[q]),
            pltpu.async_copy(x_hbm.at[iip.at[sl]], rip.at[sl], sems[q]),
            pltpu.async_copy(x_hbm.at[iin.at[sl]], rin.at[sl], sems[q]),
            pltpu.async_copy(x_hbm.at[ipp.at[sl]], rpp.at[sl], sems[q]),
            pltpu.async_copy(x_hbm.at[ipn.at[sl]], rpn.at[sl], sems[q]),
        ])

    lane = lax.iota(jnp.int32, 16)

    def body(g, carry):
        for q in range(4):
            @pl.when(g == 2 * q)
            def _():
                for c in descs[q]:
                    c.wait()
        accp_vec = jnp.zeros((16,), jnp.float32)
        accn_vec = jnp.zeros((16,), jnp.float32)
        for jj in range(16):
            j = g * 16 + jj
            accp = jnp.zeros((16,), jnp.float32)
            accn = jnp.zeros((16,), jnp.float32)
            for ci in range(D // 16):
                sl = pl.ds(ci * 16, 16)
                ue = ru[j, sl]
                ipe = rip[j, sl]
                ine = rin[j, sl]
                ppe = rpp[j, sl]
                pne = rpn[j, sl]
                accp = accp + ue * (ipe + ppe) + ipe * ppe
                accn = accn + ue * (ine + pne) + ine * pne
            accp_vec = jnp.where(lane == jj, jnp.sum(accp), accp_vec)
            accn_vec = jnp.where(lane == jj, jnp.sum(accn), accn_vec)
        op_v[pl.ds(g * 16, 16)] = accp_vec
        on_v[pl.ds(g * 16, 16)] = accn_vec
        return carry

    lax.fori_loop(0, _BPW // 16, body, 0)
    pltpu.sync_copy(op_v, outp_hbm.at[pl.ds(base, _BPW)])
    pltpu.sync_copy(on_v, outn_hbm.at[pl.ds(base, _BPW)])


def _decode(x, user, item_p, item_n, price_p, price_n):
    mesh = plsc.VectorSubcoreMesh(core_axis_name="c", subcore_axis_name="s")
    f = pl.kernel(
        _decode_body,
        mesh=mesh,
        compiler_params=pltpu.CompilerParams(needs_layout_passes=False),
        out_type=(
            jax.ShapeDtypeStruct((B,), jnp.float32),
            jax.ShapeDtypeStruct((B,), jnp.float32),
        ),
        scratch_types=[
            pltpu.VMEM((_BPW,), jnp.int32),
            pltpu.VMEM((_BPW,), jnp.int32),
            pltpu.VMEM((_BPW,), jnp.int32),
            pltpu.VMEM((_BPW,), jnp.int32),
            pltpu.VMEM((_BPW,), jnp.int32),
            pltpu.VMEM((_BPW, D), jnp.float32),
            pltpu.VMEM((_BPW, D), jnp.float32),
            pltpu.VMEM((_BPW, D), jnp.float32),
            pltpu.VMEM((_BPW, D), jnp.float32),
            pltpu.VMEM((_BPW, D), jnp.float32),
            pltpu.VMEM((_BPW,), jnp.float32),
            pltpu.VMEM((_BPW,), jnp.float32),
            pltpu.SemaphoreType.DMA,
            pltpu.SemaphoreType.DMA,
            pltpu.SemaphoreType.DMA,
            pltpu.SemaphoreType.DMA,
        ],
    )
    return f(x, user, item_p, item_n, price_p, price_n)


@jax.jit
def kernel(feature, adj, user, item_p, item_n, price_p, price_n, W, b):
    x = _encode(feature, adj, W, b.reshape(1, D))
    i32 = jnp.int32
    return _decode(x, user.astype(i32), item_p.astype(i32),
                   item_n.astype(i32), price_p.astype(i32),
                   price_n.astype(i32))

# --- scband reference (transcript-rebuilt; emitter-appended) ---
"""Pipeline reference for scband-pupminus-c-54168127537486 (READ-ONLY COPY).

The authoritative reference and input builder live on the scoring server;
editing this copy changes nothing except your own understanding.
"""

import jax, jax.numpy as jnp
import numpy as np

N = 10000
F = 128
D = 128
B = 4096
DROPOUT = 0.0  # p=0 -> identity


def setup_inputs(seed: int = 0) -> dict:
    key = jax.random.key(seed)
    ks = jax.random.split(key, 9)
    feature = jax.random.normal(ks[0], (N, F), dtype=jnp.float32)
    adj = jax.random.uniform(ks[1], (N, N), dtype=jnp.float32)
    user = jax.random.randint(ks[2], (B,), 0, N, dtype=jnp.int64 if jax.config.jax_enable_x64 else jnp.int32)
    item_p = jax.random.randint(ks[3], (B,), 0, N)
    item_n = jax.random.randint(ks[4], (B,), 0, N)
    price_p = jax.random.randint(ks[5], (B,), 0, N)
    price_n = jax.random.randint(ks[6], (B,), 0, N)
    stdv = 1.0 / np.sqrt(D)
    W = jax.random.uniform(ks[7], (F, D), minval=-stdv, maxval=stdv, dtype=jnp.float32)
    b = jax.random.uniform(ks[8], (D,), minval=-stdv, maxval=stdv, dtype=jnp.float32)
    return {"feature": feature, "adj": adj, "user": user, "item_p": item_p,
            "item_n": item_n, "price_p": price_p, "price_n": price_n, "W": W, "b": b}


def _fm(ue, ie, pe):
    sum_f = ue + ie + pe
    sum_sqr = ue * ue + ie * ie + pe * pe
    return jnp.sum(0.5 * (sum_f ** 2 - sum_sqr), axis=1)


def reference(feature, adj, user, item_p, item_n, price_p, price_n, W, b):
    # encode: GraphConvolution -> tanh -> dropout(p=0)
    support = feature @ W
    out = adj @ support + b
    x = jnp.tanh(out)
    # decode: gather node embeddings and FM score
    pred_p = _fm(x[user], x[item_p], x[price_p])
    pred_n = _fm(x[user], x[item_n], x[price_n])
    return (pred_p, pred_n)

if __name__ == "__main__":
    import jax
    _d = setup_inputs()
    print(jax.jit(kernel)(*tuple(_d.values())))

</pallas_src>

<mosaic_0001>
#map = affine_map<(d0, d1) -> (0, 0)>
#map1 = affine_map<(d0, d1) -> (0)>
module attributes {stable_mosaic.version = 14 : i64} {
  func.func @_decode_body(%arg0: i32, %arg1: i32, %arg2: memref<10000x128xf32, #tpu.memory_space<hbm>>, %arg3: memref<4096xi32, #tpu.memory_space<hbm>>, %arg4: memref<4096xi32, #tpu.memory_space<hbm>>, %arg5: memref<4096xi32, #tpu.memory_space<hbm>>, %arg6: memref<4096xi32, #tpu.memory_space<hbm>>, %arg7: memref<4096xi32, #tpu.memory_space<hbm>>, %arg8: memref<4096xf32, #tpu.memory_space<hbm>>, %arg9: memref<4096xf32, #tpu.memory_space<hbm>>, %arg10: memref<128xi32, #tpu.memory_space<vmem>>, %arg11: memref<128xi32, #tpu.memory_space<vmem>>, %arg12: memref<128xi32, #tpu.memory_space<vmem>>, %arg13: memref<128xi32, #tpu.memory_space<vmem>>, %arg14: memref<128xi32, #tpu.memory_space<vmem>>, %arg15: memref<128x128xf32, #tpu.memory_space<vmem>>, %arg16: memref<128x128xf32, #tpu.memory_space<vmem>>, %arg17: memref<128x128xf32, #tpu.memory_space<vmem>>, %arg18: memref<128x128xf32, #tpu.memory_space<vmem>>, %arg19: memref<128x128xf32, #tpu.memory_space<vmem>>, %arg20: memref<128xf32, #tpu.memory_space<vmem>>, %arg21: memref<128xf32, #tpu.memory_space<vmem>>, %arg22: memref<!tpu.dma_semaphore, #tpu.memory_space<semaphore_mem>>, %arg23: memref<!tpu.dma_semaphore, #tpu.memory_space<semaphore_mem>>, %arg24: memref<!tpu.dma_semaphore, #tpu.memory_space<semaphore_mem>>, %arg25: memref<!tpu.dma_semaphore, #tpu.memory_space<semaphore_mem>>) attributes {dimension_semantics = [#tpu.dimension_semantics<core_parallel>, #tpu.dimension_semantics<subcore_parallel>], iteration_bounds = array<i64: 2, 16>, scalar_prefetch = 0 : i64, scratch_operands = 16 : i64, tpu.core_type = #tpu.core_type<sc_vector_subcore>, window_params = [{transform_indices = #map}, {transform_indices = #map1}, {transform_indices = #map1}, {transform_indices = #map1}, {transform_indices = #map1}, {transform_indices = #map1}, {transform_indices = #map1}, {transform_indices = #map1}]} {
    %mul3A = arith.constant 2 : i32
    %mul3A_0 = arith.muli %arg1, %mul3A : i32
    %add3A = arith.addi %mul3A_0, %arg0 : i32
    %mul3A_1 = arith.constant 128 : i32
    %mul3A_2 = arith.muli %add3A, %mul3A_1 : i32
    "tpu.region"() ({
      %run_scoped3A = tpu.sem_alloc : memref<!tpu.dma_semaphore, #tpu.memory_space<semaphore_mem>>
      %dma_start3A_167 = tpu.memref_slice %arg3[%mul3A_2] : memref<4096xi32, #tpu.memory_space<hbm>> -> memref<128xi32, #tpu.memory_space<hbm>>
      %dma_start3A_168 = tpu.memref_slice %arg3[%mul3A_2] : memref<4096xi32, #tpu.memory_space<hbm>> -> memref<128xi32, #tpu.memory_space<hbm>>
      tpu.enqueue_dma source(%dma_start3A_168 : memref<128xi32, #tpu.memory_space<hbm>>) target(%arg10 : memref<128xi32, #tpu.memory_space<vmem>>) target_semaphore(%run_scoped3A : memref<!tpu.dma_semaphore, #tpu.memory_space<semaphore_mem>>)
      %dma_wait3A = tpu.memref_slice %arg3[%mul3A_2] : memref<4096xi32, #tpu.memory_space<hbm>> -> memref<128xi32, #tpu.memory_space<hbm>>
      %dma_wait3A_169 = tpu.memref_slice %arg3[%mul3A_2] : memref<4096xi32, #tpu.memory_space<hbm>> -> memref<128xi32, #tpu.memory_space<hbm>>
      tpu.wait_dma2 semaphore(%run_scoped3A : memref<!tpu.dma_semaphore, #tpu.memory_space<semaphore_mem>>) src(%dma_wait3A_169 : memref<128xi32, #tpu.memory_space<hbm>>) dst(%arg10 : memref<128xi32, #tpu.memory_space<vmem>>)
      tpu.yield
    }) : () -> ()
    "tpu.region"() ({
      %run_scoped3A = tpu.sem_alloc : memref<!tpu.dma_semaphore, #tpu.memory_space<semaphore_mem>>
      %dma_start3A_167 = tpu.memref_slice %arg4[%mul3A_2] : memref<4096xi32, #tpu.memory_space<hbm>> -> memref<128xi32, #tpu.memory_space<hbm>>
      %dma_start3A_168 = tpu.memref_slice %arg4[%mul3A_2] : memref<4096xi32, #tpu.memory_space<hbm>> -> memref<128xi32, #tpu.memory_space<hbm>>
      tpu.enqueue_dma source(%dma_start3A_168 : memref<128xi32, #tpu.memory_space<hbm>>) target(%arg11 : memref<128xi32, #tpu.memory_space<vmem>>) target_semaphore(%run_scoped3A : memref<!tpu.dma_semaphore, #tpu.memory_space<semaphore_mem>>)
      %dma_wait3A = tpu.memref_slice %arg4[%mul3A_2] : memref<4096xi32, #tpu.memory_space<hbm>> -> memref<128xi32, #tpu.memory_space<hbm>>
      %dma_wait3A_169 = tpu.memref_slice %arg4[%mul3A_2] : memref<4096xi32, #tpu.memory_space<hbm>> -> memref<128xi32, #tpu.memory_space<hbm>>
      tpu.wait_dma2 semaphore(%run_scoped3A : memref<!tpu.dma_semaphore, #tpu.memory_space<semaphore_mem>>) src(%dma_wait3A_169 : memref<128xi32, #tpu.memory_space<hbm>>) dst(%arg11 : memref<128xi32, #tpu.memory_space<vmem>>)
      tpu.yield
    }) : () -> ()
    "tpu.region"() ({
      %run_scoped3A = tpu.sem_alloc : memref<!tpu.dma_semaphore, #tpu.memory_space<semaphore_mem>>
      %dma_start3A_167 = tpu.memref_slice %arg5[%mul3A_2] : memref<4096xi32, #tpu.memory_space<hbm>> -> memref<128xi32, #tpu.memory_space<hbm>>
      %dma_start3A_168 = tpu.memref_slice %arg5[%mul3A_2] : memref<4096xi32, #tpu.memory_space<hbm>> -> memref<128xi32, #tpu.memory_space<hbm>>
      tpu.enqueue_dma source(%dma_start3A_168 : memref<128xi32, #tpu.memory_space<hbm>>) target(%arg12 : memref<128xi32, #tpu.memory_space<vmem>>) target_semaphore(%run_scoped3A : memref<!tpu.dma_semaphore, #tpu.memory_space<semaphore_mem>>)
      %dma_wait3A = tpu.memref_slice %arg5[%mul3A_2] : memref<4096xi32, #tpu.memory_space<hbm>> -> memref<128xi32, #tpu.memory_space<hbm>>
      %dma_wait3A_169 = tpu.memref_slice %arg5[%mul3A_2] : memref<4096xi32, #tpu.memory_space<hbm>> -> memref<128xi32, #tpu.memory_space<hbm>>
      tpu.wait_dma2 semaphore(%run_scoped3A : memref<!tpu.dma_semaphore, #tpu.memory_space<semaphore_mem>>) src(%dma_wait3A_169 : memref<128xi32, #tpu.memory_space<hbm>>) dst(%arg12 : memref<128xi32, #tpu.memory_space<vmem>>)
      tpu.yield
    }) : () -> ()
    "tpu.region"() ({
      %run_scoped3A = tpu.sem_alloc : memref<!tpu.dma_semaphore, #tpu.memory_space<semaphore_mem>>
      %dma_start3A_167 = tpu.memref_slice %arg6[%mul3A_2] : memref<4096xi32, #tpu.memory_space<hbm>> -> memref<128xi32, #tpu.memory_space<hbm>>
      %dma_start3A_168 = tpu.memref_slice %arg6[%mul3A_2] : memref<4096xi32, #tpu.memory_space<hbm>> -> memref<128xi32, #tpu.memory_space<hbm>>
      tpu.enqueue_dma source(%dma_start3A_168 : memref<128xi32, #tpu.memory_space<hbm>>) target(%arg13 : memref<128xi32, #tpu.memory_space<vmem>>) target_semaphore(%run_scoped3A : memref<!tpu.dma_semaphore, #tpu.memory_space<semaphore_mem>>)
      %dma_wait3A = tpu.memref_slice %arg6[%mul3A_2] : memref<4096xi32, #tpu.memory_space<hbm>> -> memref<128xi32, #tpu.memory_space<hbm>>
      %dma_wait3A_169 = tpu.memref_slice %arg6[%mul3A_2] : memref<4096xi32, #tpu.memory_space<hbm>> -> memref<128xi32, #tpu.memory_space<hbm>>
      tpu.wait_dma2 semaphore(%run_scoped3A : memref<!tpu.dma_semaphore, #tpu.memory_space<semaphore_mem>>) src(%dma_wait3A_169 : memref<128xi32, #tpu.memory_space<hbm>>) dst(%arg13 : memref<128xi32, #tpu.memory_space<vmem>>)
      tpu.yield
    }) : () -> ()
    "tpu.region"() ({
      %run_scoped3A = tpu.sem_alloc : memref<!tpu.dma_semaphore, #tpu.memory_space<semaphore_mem>>
      %dma_start3A_167 = tpu.memref_slice %arg7[%mul3A_2] : memref<4096xi32, #tpu.memory_space<hbm>> -> memref<128xi32, #tpu.memory_space<hbm>>
      %dma_start3A_168 = tpu.memref_slice %arg7[%mul3A_2] : memref<4096xi32, #tpu.memory_space<hbm>> -> memref<128xi32, #tpu.memory_space<hbm>>
      tpu.enqueue_dma source(%dma_start3A_168 : memref<128xi32, #tpu.memory_space<hbm>>) target(%arg14 : memref<128xi32, #tpu.memory_space<vmem>>) target_semaphore(%run_scoped3A : memref<!tpu.dma_semaphore, #tpu.memory_space<semaphore_mem>>)
      %dma_wait3A = tpu.memref_slice %arg7[%mul3A_2] : memref<4096xi32, #tpu.memory_space<hbm>> -> memref<128xi32, #tpu.memory_space<hbm>>
      %dma_wait3A_169 = tpu.memref_slice %arg7[%mul3A_2] : memref<4096xi32, #tpu.memory_space<hbm>> -> memref<128xi32, #tpu.memory_space<hbm>>
      tpu.wait_dma2 semaphore(%run_scoped3A : memref<!tpu.dma_semaphore, #tpu.memory_space<semaphore_mem>>) src(%dma_wait3A_169 : memref<128xi32, #tpu.memory_space<hbm>>) dst(%arg14 : memref<128xi32, #tpu.memory_space<vmem>>)
      tpu.yield
    }) : () -> ()
    %dma_start3A = arith.constant 0 : i32
    %dma_start3A_3 = arith.constant 0 : i32
    %dma_start3A_4 = tpu.memref_slice %arg15[%dma_start3A, %dma_start3A_3] : memref<128x128xf32, #tpu.memory_space<vmem>> -> memref<32x128xf32, #tpu.memory_space<vmem>>
    %dma_start3A_5 = arith.constant 0 : i32
    %dma_start3A_6 = tpu.memref_slice %arg10[%dma_start3A_5] : memref<128xi32, #tpu.memory_space<vmem>> -> memref<32xi32, #tpu.memory_space<vmem>>
    %dma_start3A_7 = arith.constant 0 : i32
    %dma_start3A_8 = arith.constant 0 : i32
    %dma_start3A_9 = tpu.memref_slice %arg2[%dma_start3A_7, %dma_start3A_8] : memref<10000x128xf32, #tpu.memory_space<hbm>> -> memref<10000x128xf32, #tpu.memory_space<hbm>>
    tpu.enqueue_indirect_dma source(%dma_start3A_9 : memref<10000x128xf32, #tpu.memory_space<hbm>>) target(%dma_start3A_4 : memref<32x128xf32, #tpu.memory_space<vmem>>) offsets(%dma_start3A_6 : memref<32xi32, #tpu.memory_space<vmem>>) semaphore(%arg22 : memref<!tpu.dma_semaphore, #tpu.memory_space<semaphore_mem>>)
    %dma_start3A_10 = arith.constant 0 : i32
    %dma_start3A_11 = arith.constant 0 : i32
    %dma_start3A_12 = tpu.memref_slice %arg16[%dma_start3A_10, %dma_start3A_11] : memref<128x128xf32, #tpu.memory_space<vmem>> -> memref<32x128xf32, #tpu.memory_space<vmem>>
    %dma_start3A_13 = arith.constant 0 : i32
    %dma_start3A_14 = tpu.memref_slice %arg11[%dma_start3A_13] : memref<128xi32, #tpu.memory_space<vmem>> -> memref<32xi32, #tpu.memory_space<vmem>>
    %dma_start3A_15 = arith.constant 0 : i32
    %dma_start3A_16 = arith.constant 0 : i32
    %dma_start3A_17 = tpu.memref_slice %arg2[%dma_start3A_15, %dma_start3A_16] : memref<10000x128xf32, #tpu.memory_space<hbm>> -> memref<10000x128xf32, #tpu.memory_space<hbm>>
    tpu.enqueue_indirect_dma source(%dma_start3A_17 : memref<10000x128xf32, #tpu.memory_space<hbm>>) target(%dma_start3A_12 : memref<32x128xf32, #tpu.memory_space<vmem>>) offsets(%dma_start3A_14 : memref<32xi32, #tpu.memory_space<vmem>>) semaphore(%arg22 : memref<!tpu.dma_semaphore, #tpu.memory_space<semaphore_mem>>)
    %dma_start3A_18 = arith.constant 0 : i32
    %dma_start3A_19 = arith.constant 0 : i32
    %dma_start3A_20 = tpu.memref_slice %arg17[%dma_start3A_18, %dma_start3A_19] : memref<128x128xf32, #tpu.memory_space<vmem>> -> memref<32x128xf32, #tpu.memory_space<vmem>>
    %dma_start3A_21 = arith.constant 0 : i32
    %dma_start3A_22 = tpu.memref_slice %arg12[%dma_start3A_21] : memref<128xi32, #tpu.memory_space<vmem>> -> memref<32xi32, #tpu.memory_space<vmem>>
    %dma_start3A_23 = arith.constant 0 : i32
    %dma_start3A_24 = arith.constant 0 : i32
    %dma_start3A_25 = tpu.memref_slice %arg2[%dma_start3A_23, %dma_start3A_24] : memref<10000x128xf32, #tpu.memory_space<hbm>> -> memref<10000x128xf32, #tpu.memory_space<hbm>>
    tpu.enqueue_indirect_dma source(%dma_start3A_25 : memref<10000x128xf32, #tpu.memory_space<hbm>>) target(%dma_start3A_20 : memref<32x128xf32, #tpu.memory_space<vmem>>) offsets(%dma_start3A_22 : memref<32xi32, #tpu.memory_space<vmem>>) semaphore(%arg22 : memref<!tpu.dma_semaphore, #tpu.memory_space<semaphore_mem>>)
    %dma_start3A_26 = arith.constant 0 : i32
    %dma_start3A_27 = arith.constant 0 : i32
    %dma_start3A_28 = tpu.memref_slice %arg18[%dma_start3A_26, %dma_start3A_27] : memref<128x128xf32, #tpu.memory_space<vmem>> -> memref<32x128xf32, #tpu.memory_space<vmem>>
    %dma_start3A_29 = arith.constant 0 : i32
    %dma_start3A_30 = tpu.memref_slice %arg13[%dma_start3A_29] : memref<128xi32, #tpu.memory_space<vmem>> -> memref<32xi32, #tpu.memory_space<vmem>>
    %dma_start3A_31 = arith.constant 0 : i32
    %dma_start3A_32 = arith.constant 0 : i32
    %dma_start3A_33 = tpu.memref_slice %arg2[%dma_start3A_31, %dma_start3A_32] : memref<10000x128xf32, #tpu.memory_space<hbm>> -> memref<10000x128xf32, #tpu.memory_space<hbm>>
    tpu.enqueue_indirect_dma source(%dma_start3A_33 : memref<10000x128xf32, #tpu.memory_space<hbm>>) target(%dma_start3A_28 : memref<32x128xf32, #tpu.memory_space<vmem>>) offsets(%dma_start3A_30 : memref<32xi32, #tpu.memory_space<vmem>>) semaphore(%arg22 : memref<!tpu.dma_semaphore, #tpu.memory_space<semaphore_mem>>)
    %dma_start3A_34 = arith.constant 0 : i32
    %dma_start3A_35 = arith.constant 0 : i32
    %dma_start3A_36 = tpu.memref_slice %arg19[%dma_start3A_34, %dma_start3A_35] : memref<128x128xf32, #tpu.memory_space<vmem>> -> memref<32x128xf32, #tpu.memory_space<vmem>>
    %dma_start3A_37 = arith.constant 0 : i32
    %dma_start3A_38 = tpu.memref_slice %arg14[%dma_start3A_37] : memref<128xi32, #tpu.memory_space<vmem>> -> memref<32xi32, #tpu.memory_space<vmem>>
    %dma_start3A_39 = arith.constant 0 : i32
    %dma_start3A_40 = arith.constant 0 : i32
    %dma_start3A_41 = tpu.memref_slice %arg2[%dma_start3A_39, %dma_start3A_40] : memref<10000x128xf32, #tpu.memory_space<hbm>> -> memref<10000x128xf32, #tpu.memory_space<hbm>>
    tpu.enqueue_indirect_dma source(%dma_start3A_41 : memref<10000x128xf32, #tpu.memory_space<hbm>>) target(%dma_start3A_36 : memref<32x128xf32, #tpu.memory_space<vmem>>) offsets(%dma_start3A_38 : memref<32xi32, #tpu.memory_space<vmem>>) semaphore(%arg22 : memref<!tpu.dma_semaphore, #tpu.memory_space<semaphore_mem>>)
    %dma_start3A_42 = arith.constant 32 : i32
    %dma_start3A_43 = arith.constant 0 : i32
    %dma_start3A_44 = tpu.memref_slice %arg15[%dma_start3A_42, %dma_start3A_43] : memref<128x128xf32, #tpu.memory_space<vmem>> -> memref<32x128xf32, #tpu.memory_space<vmem>>
    %dma_start3A_45 = arith.constant 32 : i32
    %dma_start3A_46 = tpu.memref_slice %arg10[%dma_start3A_45] : memref<128xi32, #tpu.memory_space<vmem>> -> memref<32xi32, #tpu.memory_space<vmem>>
    %dma_start3A_47 = arith.constant 0 : i32
    %dma_start3A_48 = arith.constant 0 : i32
    %dma_start3A_49 = tpu.memref_slice %arg2[%dma_start3A_47, %dma_start3A_48] : memref<10000x128xf32, #tpu.memory_space<hbm>> -> memref<10000x128xf32, #tpu.memory_space<hbm>>
    tpu.enqueue_indirect_dma source(%dma_start3A_49 : memref<10000x128xf32, #tpu.memory_space<hbm>>) target(%dma_start3A_44 : memref<32x128xf32, #tpu.memory_space<vmem>>) offsets(%dma_start3A_46 : memref<32xi32, #tpu.memory_space<vmem>>) semaphore(%arg23 : memref<!tpu.dma_semaphore, #tpu.memory_space<semaphore_mem>>)
    %dma_start3A_50 = arith.constant 32 : i32
    %dma_start3A_51 = arith.constant 0 : i32
    %dma_start3A_52 = tpu.memref_slice %arg16[%dma_start3A_50, %dma_start3A_51] : memref<128x128xf32, #tpu.memory_space<vmem>> -> memref<32x128xf32, #tpu.memory_space<vmem>>
    %dma_start3A_53 = arith.constant 32 : i32
    %dma_start3A_54 = tpu.memref_slice %arg11[%dma_start3A_53] : memref<128xi32, #tpu.memory_space<vmem>> -> memref<32xi32, #tpu.memory_space<vmem>>
    %dma_start3A_55 = arith.constant 0 : i32
    %dma_start3A_56 = arith.constant 0 : i32
    %dma_start3A_57 = tpu.memref_slice %arg2[%dma_start3A_55, %dma_start3A_56] : memref<10000x128xf32, #tpu.memory_space<hbm>> -> memref<10000x128xf32, #tpu.memory_space<hbm>>
    tpu.enqueue_indirect_dma source(%dma_start3A_57 : memref<10000x128xf32, #tpu.memory_space<hbm>>) target(%dma_start3A_52 : memref<32x128xf32, #tpu.memory_space<vmem>>) offsets(%dma_start3A_54 : memref<32xi32, #tpu.memory_space<vmem>>) semaphore(%arg23 : memref<!tpu.dma_semaphore, #tpu.memory_space<semaphore_mem>>)
    %dma_start3A_58 = arith.constant 32 : i32
    %dma_start3A_59 = arith.constant 0 : i32
    %dma_start3A_60 = tpu.memref_slice %arg17[%dma_start3A_58, %dma_start3A_59] : memref<128x128xf32, #tpu.memory_space<vmem>> -> memref<32x128xf32, #tpu.memory_space<vmem>>
    %dma_start3A_61 = arith.constant 32 : i32
    %dma_start3A_62 = tpu.memref_slice %arg12[%dma_start3A_61] : memref<128xi32, #tpu.memory_space<vmem>> -> memref<32xi32, #tpu.memory_space<vmem>>
    %dma_start3A_63 = arith.constant 0 : i32
    %dma_start3A_64 = arith.constant 0 : i32
    %dma_start3A_65 = tpu.memref_slice %arg2[%dma_start3A_63, %dma_start3A_64] : memref<10000x128xf32, #tpu.memory_space<hbm>> -> memref<10000x128xf32, #tpu.memory_space<hbm>>
    tpu.enqueue_indirect_dma source(%dma_start3A_65 : memref<10000x128xf32, #tpu.memory_space<hbm>>) target(%dma_start3A_60 : memref<32x128xf32, #tpu.memory_space<vmem>>) offsets(%dma_start3A_62 : memref<32xi32, #tpu.memory_space<vmem>>) semaphore(%arg23 : memref<!tpu.dma_semaphore, #tpu.memory_space<semaphore_mem>>)
    %dma_start3A_66 = arith.constant 32 : i32
    %dma_start3A_67 = arith.constant 0 : i32
    %dma_start3A_68 = tpu.memref_slice %arg18[%dma_start3A_66, %dma_start3A_67] : memref<128x128xf32, #tpu.memory_space<vmem>> -> memref<32x128xf32, #tpu.memory_space<vmem>>
    %dma_start3A_69 = arith.constant 32 : i32
    %dma_start3A_70 = tpu.memref_slice %arg13[%dma_start3A_69] : memref<128xi32, #tpu.memory_space<vmem>> -> memref<32xi32, #tpu.memory_space<vmem>>
    %dma_start3A_71 = arith.constant 0 : i32
    %dma_start3A_72 = arith.constant 0 : i32
    %dma_start3A_73 = tpu.memref_slice %arg2[%dma_start3A_71, %dma_start3A_72] : memref<10000x128xf32, #tpu.memory_space<hbm>> -> memref<10000x128xf32, #tpu.memory_space<hbm>>
    tpu.enqueue_indirect_dma source(%dma_start3A_73 : memref<10000x128xf32, #tpu.memory_space<hbm>>) target(%dma_start3A_68 : memref<32x128xf32, #tpu.memory_space<vmem>>) offsets(%dma_start3A_70 : memref<32xi32, #tpu.memory_space<vmem>>) semaphore(%arg23 : memref<!tpu.dma_semaphore, #tpu.memory_space<semaphore_mem>>)
    %dma_start3A_74 = arith.constant 32 : i32
    %dma_start3A_75 = arith.constant 0 : i32
    %dma_start3A_76 = tpu.memref_slice %arg19[%dma_start3A_74, %dma_start3A_75] : memref<128x128xf32, #tpu.memory_space<vmem>> -> memref<32x128xf32, #tpu.memory_space<vmem>>
    %dma_start3A_77 = arith.constant 32 : i32
    %dma_start3A_78 = tpu.memref_slice %arg14[%dma_start3A_77] : memref<128xi32, #tpu.memory_space<vmem>> -> memref<32xi32, #tpu.memory_space<vmem>>
    %dma_start3A_79 = arith.constant 0 : i32
    %dma_start3A_80 = arith.constant 0 : i32
    %dma_start3A_81 = tpu.memref_slice %arg2[%dma_start3A_79, %dma_start3A_80] : memref<10000x128xf32, #tpu.memory_space<hbm>> -> memref<10000x128xf32, #tpu.memory_space<hbm>>
    tpu.enqueue_indirect_dma source(%dma_start3A_81 : memref<10000x128xf32, #tpu.memory_space<hbm>>) target(%dma_start3A_76 : memref<32x128xf32, #tpu.memory_space<vmem>>) offsets(%dma_start3A_78 : memref<32xi32, #tpu.memory_space<vmem>>) semaphore(%arg23 : memref<!tpu.dma_semaphore, #tpu.memory_space<semaphore_mem>>)
    %dma_start3A_82 = arith.constant 64 : i32
    %dma_start3A_83 = arith.constant 0 : i32
    %dma_start3A_84 = tpu.memref_slice %arg15[%dma_start3A_82, %dma_start3A_83] : memref<128x128xf32, #tpu.memory_space<vmem>> -> memref<32x128xf32, #tpu.memory_space<vmem>>
    %dma_start3A_85 = arith.constant 64 : i32
    %dma_start3A_86 = tpu.memref_slice %arg10[%dma_start3A_85] : memref<128xi32, #tpu.memory_space<vmem>> -> memref<32xi32, #tpu.memory_space<vmem>>
    %dma_start3A_87 = arith.constant 0 : i32
    %dma_start3A_88 = arith.constant 0 : i32
    %dma_start3A_89 = tpu.memref_slice %arg2[%dma_start3A_87, %dma_start3A_88] : memref<10000x128xf32, #tpu.memory_space<hbm>> -> memref<10000x128xf32, #tpu.memory_space<hbm>>
    tpu.enqueue_indirect_dma source(%dma_start3A_89 : memref<10000x128xf32, #tpu.memory_space<hbm>>) target(%dma_start3A_84 : memref<32x128xf32, #tpu.memory_space<vmem>>) offsets(%dma_start3A_86 : memref<32xi32, #tpu.memory_space<vmem>>) semaphore(%arg24 : memref<!tpu.dma_semaphore, #tpu.memory_space<semaphore_mem>>)
    %dma_start3A_90 = arith.constant 64 : i32
    %dma_start3A_91 = arith.constant 0 : i32
    %dma_start3A_92 = tpu.memref_slice %arg16[%dma_start3A_90, %dma_start3A_91] : memref<128x128xf32, #tpu.memory_space<vmem>> -> memref<32x128xf32, #tpu.memory_space<vmem>>
    %dma_start3A_93 = arith.constant 64 : i32
    %dma_start3A_94 = tpu.memref_slice %arg11[%dma_start3A_93] : memref<128xi32, #tpu.memory_space<vmem>> -> memref<32xi32, #tpu.memory_space<vmem>>
    %dma_start3A_95 = arith.constant 0 : i32
    %dma_start3A_96 = arith.constant 0 : i32
    %dma_start3A_97 = tpu.memref_slice %arg2[%dma_start3A_95, %dma_start3A_96] : memref<10000x128xf32, #tpu.memory_space<hbm>> -> memref<10000x128xf32, #tpu.memory_space<hbm>>
    tpu.enqueue_indirect_dma source(%dma_start3A_97 : memref<10000x128xf32, #tpu.memory_space<hbm>>) target(%dma_start3A_92 : memref<32x128xf32, #tpu.memory_space<vmem>>) offsets(%dma_start3A_94 : memref<32xi32, #tpu.memory_space<vmem>>) semaphore(%arg24 : memref<!tpu.dma_semaphore, #tpu.memory_space<semaphore_mem>>)
    %dma_start3A_98 = arith.constant 64 : i32
    %dma_start3A_99 = arith.constant 0 : i32
    %dma_start3A_100 = tpu.memref_slice %arg17[%dma_start3A_98, %dma_start3A_99] : memref<128x128xf32, #tpu.memory_space<vmem>> -> memref<32x128xf32, #tpu.memory_space<vmem>>
    %dma_start3A_101 = arith.constant 64 : i32
    %dma_start3A_102 = tpu.memref_slice %arg12[%dma_start3A_101] : memref<128xi32, #tpu.memory_space<vmem>> -> memref<32xi32, #tpu.memory_space<vmem>>
    %dma_start3A_103 = arith.constant 0 : i32
    %dma_start3A_104 = arith.constant 0 : i32
    %dma_start3A_105 = tpu.memref_slice %arg2[%dma_start3A_103, %dma_start3A_104] : memref<10000x128xf32, #tpu.memory_space<hbm>> -> memref<10000x128xf32, #tpu.memory_space<hbm>>
    tpu.enqueue_indirect_dma source(%dma_start3A_105 : memref<10000x128xf32, #tpu.memory_space<hbm>>) target(%dma_start3A_100 : memref<32x128xf32, #tpu.memory_space<vmem>>) offsets(%dma_start3A_102 : memref<32xi32, #tpu.memory_space<vmem>>) semaphore(%arg24 : memref<!tpu.dma_semaphore, #tpu.memory_space<semaphore_mem>>)
    %dma_start3A_106 = arith.constant 64 : i32
    %dma_start3A_107 = arith.constant 0 : i32
    %dma_start3A_108 = tpu.memref_slice %arg18[%dma_start3A_106, %dma_start3A_107] : memref<128x128xf32, #tpu.memory_space<vmem>> -> memref<32x128xf32, #tpu.memory_space<vmem>>
    %dma_start3A_109 = arith.constant 64 : i32
    %dma_start3A_110 = tpu.memref_slice %arg13[%dma_start3A_109] : memref<128xi32, #tpu.memory_space<vmem>> -> memref<32xi32, #tpu.memory_space<vmem>>
    %dma_start3A_111 = arith.constant 0 : i32
    %dma_start3A_112 = arith.constant 0 : i32
    %dma_start3A_113 = tpu.memref_slice %arg2[%dma_start3A_111, %dma_start3A_112] : memref<10000x128xf32, #tpu.memory_space<hbm>> -> memref<10000x128xf32, #tpu.memory_space<hbm>>
    tpu.enqueue_indirect_dma source(%dma_start3A_113 : memref<10000x128xf32, #tpu.memory_space<hbm>>) target(%dma_start3A_108 : memref<32x128xf32, #tpu.memory_space<vmem>>) offsets(%dma_start3A_110 : memref<32xi32, #tpu.memory_space<vmem>>) semaphore(%arg24 : memref<!tpu.dma_semaphore, #tpu.memory_space<semaphore_mem>>)
    %dma_start3A_114 = arith.constant 64 : i32
    %dma_start3A_115 = arith.constant 0 : i32
    %dma_start3A_116 = tpu.memref_slice %arg19[%dma_start3A_114, %dma_start3A_115] : memref<128x128xf32, #tpu.memory_space<vmem>> -> memref<32x128xf32, #tpu.memory_space<vmem>>
    %dma_start3A_117 = arith.constant 64 : i32
    %dma_start3A_118 = tpu.memref_slice %arg14[%dma_start3A_117] : memref<128xi32, #tpu.memory_space<vmem>> -> memref<32xi32, #tpu.memory_space<vmem>>
    %dma_start3A_119 = arith.constant 0 : i32
    %dma_start3A_120 = arith.constant 0 : i32
    %dma_start3A_121 = tpu.memref_slice %arg2[%dma_start3A_119, %dma_start3A_120] : memref<10000x128xf32, #tpu.memory_space<hbm>> -> memref<10000x128xf32, #tpu.memory_space<hbm>>
    tpu.enqueue_indirect_dma source(%dma_start3A_121 : memref<10000x128xf32, #tpu.memory_space<hbm>>) target(%dma_start3A_116 : memref<32x128xf32, #tpu.memory_space<vmem>>) offsets(%dma_start3A_118 : memref<32xi32, #tpu.memory_space<vmem>>) semaphore(%arg24 : memref<!tpu.dma_semaphore, #tpu.memory_space<semaphore_mem>>)
    %dma_start3A_122 = arith.constant 96 : i32
    %dma_start3A_123 = arith.constant 0 : i32
    %dma_start3A_124 = tpu.memref_slice %arg15[%dma_start3A_122, %dma_start3A_123] : memref<128x128xf32, #tpu.memory_space<vmem>> -> memref<32x128xf32, #tpu.memory_space<vmem>>
    %dma_start3A_125 = arith.constant 96 : i32
    %dma_start3A_126 = tpu.memref_slice %arg10[%dma_start3A_125] : memref<128xi32, #tpu.memory_space<vmem>> -> memref<32xi32, #tpu.memory_space<vmem>>
    %dma_start3A_127 = arith.constant 0 : i32
    %dma_start3A_128 = arith.constant 0 : i32
    %dma_start3A_129 = tpu.memref_slice %arg2[%dma_start3A_127, %dma_start3A_128] : memref<10000x128xf32, #tpu.memory_space<hbm>> -> memref<10000x128xf32, #tpu.memory_space<hbm>>
    tpu.enqueue_indirect_dma source(%dma_start3A_129 : memref<10000x128xf32, #tpu.memory_space<hbm>>) target(%dma_start3A_124 : memref<32x128xf32, #tpu.memory_space<vmem>>) offsets(%dma_start3A_126 : memref<32xi32, #tpu.memory_space<vmem>>) semaphore(%arg25 : memref<!tpu.dma_semaphore, #tpu.memory_space<semaphore_mem>>)
    %dma_start3A_130 = arith.constant 96 : i32
    %dma_start3A_131 = arith.constant 0 : i32
    %dma_start3A_132 = tpu.memref_slice %arg16[%dma_start3A_130, %dma_start3A_131] : memref<128x128xf32, #tpu.memory_space<vmem>> -> memref<32x128xf32, #tpu.memory_space<vmem>>
    %dma_start3A_133 = arith.constant 96 : i32
    %dma_start3A_134 = tpu.memref_slice %arg11[%dma_start3A_133] : memref<128xi32, #tpu.memory_space<vmem>> -> memref<32xi32, #tpu.memory_space<vmem>>
    %dma_start3A_135 = arith.constant 0 : i32
    %dma_start3A_136 = arith.constant 0 : i32
    %dma_start3A_137 = tpu.memref_slice %arg2[%dma_start3A_135, %dma_start3A_136] : memref<10000x128xf32, #tpu.memory_space<hbm>> -> memref<10000x128xf32, #tpu.memory_space<hbm>>
    tpu.enqueue_indirect_dma source(%dma_start3A_137 : memref<10000x128xf32, #tpu.memory_space<hbm>>) target(%dma_start3A_132 : memref<32x128xf32, #tpu.memory_space<vmem>>) offsets(%dma_start3A_134 : memref<32xi32, #tpu.memory_space<vmem>>) semaphore(%arg25 : memref<!tpu.dma_semaphore, #tpu.memory_space<semaphore_mem>>)
    %dma_start3A_138 = arith.constant 96 : i32
    %dma_start3A_139 = arith.constant 0 : i32
    %dma_start3A_140 = tpu.memref_slice %arg17[%dma_start3A_138, %dma_start3A_139] : memref<128x128xf32, #tpu.memory_space<vmem>> -> memref<32x128xf32, #tpu.memory_space<vmem>>
    %dma_start3A_141 = arith.constant 96 : i32
    %dma_start3A_142 = tpu.memref_slice %arg12[%dma_start3A_141] : memref<128xi32, #tpu.memory_space<vmem>> -> memref<32xi32, #tpu.memory_space<vmem>>
    %dma_start3A_143 = arith.constant 0 : i32
    %dma_start3A_144 = arith.constant 0 : i32
    %dma_start3A_145 = tpu.memref_slice %arg2[%dma_start3A_143, %dma_start3A_144] : memref<10000x128xf32, #tpu.memory_space<hbm>> -> memref<10000x128xf32, #tpu.memory_space<hbm>>
    tpu.enqueue_indirect_dma source(%dma_start3A_145 : memref<10000x128xf32, #tpu.memory_space<hbm>>) target(%dma_start3A_140 : memref<32x128xf32, #tpu.memory_space<vmem>>) offsets(%dma_start3A_142 : memref<32xi32, #tpu.memory_space<vmem>>) semaphore(%arg25 : memref<!tpu.dma_semaphore, #tpu.memory_space<semaphore_mem>>)
    %dma_start3A_146 = arith.constant 96 : i32
    %dma_start3A_147 = arith.constant 0 : i32
    %dma_start3A_148 = tpu.memref_slice %arg18[%dma_start3A_146, %dma_start3A_147] : memref<128x128xf32, #tpu.memory_space<vmem>> -> memref<32x128xf32, #tpu.memory_space<vmem>>
    %dma_start3A_149 = arith.constant 96 : i32
    %dma_start3A_150 = tpu.memref_slice %arg13[%dma_start3A_149] : memref<128xi32, #tpu.memory_space<vmem>> -> memref<32xi32, #tpu.memory_space<vmem>>
    %dma_start3A_151 = arith.constant 0 : i32
    %dma_start3A_152 = arith.constant 0 : i32
    %dma_start3A_153 = tpu.memref_slice %arg2[%dma_start3A_151, %dma_start3A_152] : memref<10000x128xf32, #tpu.memory_space<hbm>> -> memref<10000x128xf32, #tpu.memory_space<hbm>>
    tpu.enqueue_indirect_dma source(%dma_start3A_153 : memref<10000x128xf32, #tpu.memory_space<hbm>>) target(%dma_start3A_148 : memref<32x128xf32, #tpu.memory_space<vmem>>) offsets(%dma_start3A_150 : memref<32xi32, #tpu.memory_space<vmem>>) semaphore(%arg25 : memref<!tpu.dma_semaphore, #tpu.memory_space<semaphore_mem>>)
    %dma_start3A_154 = arith.constant 96 : i32
    %dma_start3A_155 = arith.constant 0 : i32
    %dma_start3A_156 = tpu.memref_slice %arg19[%dma_start3A_154, %dma_start3A_155] : memref<128x128xf32, #tpu.memory_space<vmem>> -> memref<32x128xf32, #tpu.memory_space<vmem>>
    %dma_start3A_157 = arith.constant 96 : i32
    %dma_start3A_158 = tpu.memref_slice %arg14[%dma_start3A_157] : memref<128xi32, #tpu.memory_space<vmem>> -> memref<32xi32, #tpu.memory_space<vmem>>
    %dma_start3A_159 = arith.constant 0 : i32
    %dma_start3A_160 = arith.constant 0 : i32
    %dma_start3A_161 = tpu.memref_slice %arg2[%dma_start3A_159, %dma_start3A_160] : memref<10000x128xf32, #tpu.memory_space<hbm>> -> memref<10000x128xf32, #tpu.memory_space<hbm>>
    tpu.enqueue_indirect_dma source(%dma_start3A_161 : memref<10000x128xf32, #tpu.memory_space<hbm>>) target(%dma_start3A_156 : memref<32x128xf32, #tpu.memory_space<vmem>>) offsets(%dma_start3A_158 : memref<32xi32, #tpu.memory_space<vmem>>) semaphore(%arg25 : memref<!tpu.dma_semaphore, #tpu.memory_space<semaphore_mem>>)
    %iota3A = tpu.iota {dimensions = array<i32: 0>} : vector<16xi32>
    %scan3A = arith.constant 0 : i32
    %scan3A_162 = arith.constant 0 : i32
    %scan3A_163 = arith.constant 8 : i32
    %scan3A_164 = arith.addi %scan3A_162, %scan3A_163 : i32
    %scan3A_165 = arith.constant 1 : i32
    scf.for %scan3A_167 = %scan3A_162 to %scan3A_164 step %scan3A_165  : i32 {
      %eq3A = arith.constant 0 : i32
      %eq3A_168 = arith.cmpi eq, %scan3A_167, %eq3A : i32
      %convert_element_type3A = arith.extui %eq3A_168 : i1 to i32
      %cond3A = arith.constant 0 : i32
      %cond3A_169 = arith.cmpi ne, %convert_element_type3A, %cond3A : i32
      scf.if %cond3A_169 {
        %dma_wait3A = arith.constant 0 : i32
        %dma_wait3A_3808 = arith.constant 0 : i32
        %dma_wait3A_3809 = tpu.memref_slice %arg15[%dma_wait3A, %dma_wait3A_3808] : memref<128x128xf32, #tpu.memory_space<vmem>> -> memref<32x128xf32, #tpu.memory_space<vmem>>
        %dma_wait3A_3810 = arith.constant 0 : i32
        %dma_wait3A_3811 = tpu.memref_slice %arg10[%dma_wait3A_3810] : memref<128xi32, #tpu.memory_space<vmem>> -> memref<32xi32, #tpu.memory_space<vmem>>
        %dma_wait3A_3812 = arith.constant 0 : i32
        %dma_wait3A_3813 = arith.constant 0 : i32
        %dma_wait3A_3814 = tpu.memref_slice %arg2[%dma_wait3A_3812, %dma_wait3A_3813] : memref<10000x128xf32, #tpu.memory_space<hbm>> -> memref<10000x128xf32, #tpu.memory_space<hbm>>
        tpu.wait_indirect_dma semaphore(%arg22 : memref<!tpu.dma_semaphore, #tpu.memory_space<semaphore_mem>>) src(%dma_wait3A_3814 : memref<10000x128xf32, #tpu.memory_space<hbm>>) dst(%dma_wait3A_3809 : memref<32x128xf32, #tpu.memory_space<vmem>>)
        %dma_wait3A_3815 = arith.constant 0 : i32
        %dma_wait3A_3816 = arith.constant 0 : i32
        %dma_wait3A_3817 = tpu.memref_slice %arg16[%dma_wait3A_3815, %dma_wait3A_3816] : memref<128x128xf32, #tpu.memory_space<vmem>> -> memref<32x128xf32, #tpu.memory_space<vmem>>
        %dma_wait3A_3818 = arith.constant 0 : i32
        %dma_wait3A_3819 = tpu.memref_slice %arg11[%dma_wait3A_3818] : memref<128xi32, #tpu.memory_space<vmem>> -> memref<32xi32, #tpu.memory_space<vmem>>
        %dma_wait3A_3820 = arith.constant 0 : i32
        %dma_wait3A_3821 = arith.constant 0 : i32
        %dma_wait3A_3822 = tpu.memref_slice %arg2[%dma_wait3A_3820, %dma_wait3A_3821] : memref<10000x128xf32, #tpu.memory_space<hbm>> -> memref<10000x128xf32, #tpu.memory_space<hbm>>
        tpu.wait_indirect_dma semaphore(%arg22 : memref<!tpu.dma_semaphore, #tpu.memory_space<semaphore_mem>>) src(%dma_wait3A_3822 : memref<10000x128xf32, #tpu.memory_space<hbm>>) dst(%dma_wait3A_3817 : memref<32x128xf32, #tpu.memory_space<vmem>>)
        %dma_wait3A_3823 = arith.constant 0 : i32
        %dma_wait3A_3824 = arith.constant 0 : i32
        %dma_wait3A_3825 = tpu.memref_slice %arg17[%dma_wait3A_3823, %dma_wait3A_3824] : memref<128x128xf32, #tpu.memory_space<vmem>> -> memref<32x128xf32, #tpu.memory_space<vmem>>
        %dma_wait3A_3826 = arith.constant 0 : i32
        %dma_wait3A_3827 = tpu.memref_slice %arg12[%dma_wait3A_3826] : memref<128xi32, #tpu.memory_space<vmem>> -> memref<32xi32, #tpu.memory_space<vmem>>
        %dma_wait3A_3828 = arith.constant 0 : i32
        %dma_wait3A_3829 = arith.constant 0 : i32
        %dma_wait3A_3830 = tpu.memref_slice %arg2[%dma_wait3A_3828, %dma_wait3A_3829] : memref<10000x128xf32, #tpu.memory_space<hbm>> -> memref<10000x128xf32, #tpu.memory_space<hbm>>
        tpu.wait_indirect_dma semaphore(%arg22 : memref<!tpu.dma_semaphore, #tpu.memory_space<semaphore_mem>>) src(%dma_wait3A_3830 : memref<10000x128xf32, #tpu.memory_space<hbm>>) dst(%dma_wait3A_3825 : memref<32x128xf32, #tpu.memory_space<vmem>>)
        %dma_wait3A_3831 = arith.constant 0 : i32
        %dma_wait3A_3832 = arith.constant 0 : i32
        %dma_wait3A_3833 = tpu.memref_slice %arg18[%dma_wait3A_3831, %dma_wait3A_3832] : memref<128x128xf32, #tpu.memory_space<vmem>> -> memref<32x128xf32, #tpu.memory_space<vmem>>
        %dma_wait3A_3834 = arith.constant 0 : i32
        %dma_wait3A_3835 = tpu.memref_slice %arg13[%dma_wait3A_3834] : memref<128xi32, #tpu.memory_space<vmem>> -> memref<32xi32, #tpu.memory_space<vmem>>
        %dma_wait3A_3836 = arith.constant 0 : i32
        %dma_wait3A_3837 = arith.constant 0 : i32
        %dma_wait3A_3838 = tpu.memref_slice %arg2[%dma_wait3A_3836, %dma_wait3A_3837] : memref<10000x128xf32, #tpu.memory_space<hbm>> -> memref<10000x128xf32, #tpu.memory_space<hbm>>
        tpu.wait_indirect_dma semaphore(%arg22 : memref<!tpu.dma_semaphore, #tpu.memory_space<semaphore_mem>>) src(%dma_wait3A_3838 : memref<10000x128xf32, #tpu.memory_space<hbm>>) dst(%dma_wait3A_3833 : memref<32x128xf32, #tpu.memory_space<vmem>>)
        %dma_wait3A_3839 = arith.constant 0 : i32
        %dma_wait3A_3840 = arith.constant 0 : i32
        %dma_wait3A_3841 = tpu.memref_slice %arg19[%dma_wait3A_3839, %dma_wait3A_3840] : memref<128x128xf32, #tpu.memory_space<vmem>> -> memref<32x128xf32, #tpu.memory_space<vmem>>
        %dma_wait3A_3842 = arith.constant 0 : i32
        %dma_wait3A_3843 = tpu.memref_slice %arg14[%dma_wait3A_3842] : memref<128xi32, #tpu.memory_space<vmem>> -> memref<32xi32, #tpu.memory_space<vmem>>
        %dma_wait3A_3844 = arith.constant 0 : i32
        %dma_wait3A_3845 = arith.constant 0 : i32
        %dma_wait3A_3846 = tpu.memref_slice %arg2[%dma_wait3A_3844, %dma_wait3A_3845] : memref<10000x128xf32, #tpu.memory_space<hbm>> -> memref<10000x128xf32, #tpu.memory_space<hbm>>
        tpu.wait_indirect_dma semaphore(%arg22 : memref<!tpu.dma_semaphore, #tpu.memory_space<semaphore_mem>>) src(%dma_wait3A_3846 : memref<10000x128xf32, #tpu.memory_space<hbm>>) dst(%dma_wait3A_3841 : memref<32x128xf32, #tpu.memory_space<vmem>>)
      } else {
      }
      %eq3A_170 = arith.constant 2 : i32
      %eq3A_171 = arith.cmpi eq, %scan3A_167, %eq3A_170 : i32
      %convert_element_type3A_172 = arith.extui %eq3A_171 : i1 to i32
      %cond3A_173 = arith.constant 0 : i32
      %cond3A_174 = arith.cmpi ne, %convert_element_type3A_172, %cond3A_173 : i32
      scf.if %cond3A_174 {
        %dma_wait3A = arith.constant 32 : i32
        %dma_wait3A_3808 = arith.constant 0 : i32
        %dma_wait3A_3809 = tpu.memref_slice %arg15[%dma_wait3A, %dma_wait3A_3808] : memref<128x128xf32, #tpu.memory_space<vmem>> -> memref<32x128xf32, #tpu.memory_space<vmem>>
        %dma_wait3A_3810 = arith.constant 32 : i32
        %dma_wait3A_3811 = tpu.memref_slice %arg10[%dma_wait3A_3810] : memref<128xi32, #tpu.memory_space<vmem>> -> memref<32xi32, #tpu.memory_space<vmem>>
        %dma_wait3A_3812 = arith.constant 0 : i32
        %dma_wait3A_3813 = arith.constant 0 : i32
        %dma_wait3A_3814 = tpu.memref_slice %arg2[%dma_wait3A_3812, %dma_wait3A_3813] : memref<10000x128xf32, #tpu.memory_space<hbm>> -> memref<10000x128xf32, #tpu.memory_space<hbm>>
        tpu.wait_indirect_dma semaphore(%arg23 : memref<!tpu.dma_semaphore, #tpu.memory_space<semaphore_mem>>) src(%dma_wait3A_3814 : memref<10000x128xf32, #tpu.memory_space<hbm>>) dst(%dma_wait3A_3809 : memref<32x128xf32, #tpu.memory_space<vmem>>)
        %dma_wait3A_3815 = arith.constant 32 : i32
        %dma_wait3A_3816 = arith.constant 0 : i32
        %dma_wait3A_3817 = tpu.memref_slice %arg16[%dma_wait3A_3815, %dma_wait3A_3816] : memref<128x128xf32, #tpu.memory_space<vmem>> -> memref<32x128xf32, #tpu.memory_space<vmem>>
        %dma_wait3A_3818 = arith.constant 32 : i32
        %dma_wait3A_3819 = tpu.memref_slice %arg11[%dma_wait3A_3818] : memref<128xi32, #tpu.memory_space<vmem>> -> memref<32xi32, #tpu.memory_space<vmem>>
        %dma_wait3A_3820 = arith.constant 0 : i32
        %dma_wait3A_3821 = arith.constant 0 : i32
        %dma_wait3A_3822 = tpu.memref_slice %arg2[%dma_wait3A_3820, %dma_wait3A_3821] : memref<10000x128xf32, #tpu.memory_space<hbm>> -> memref<10000x128xf32, #tpu.memory_space<hbm>>
        tpu.wait_indirect_dma semaphore(%arg23 : memref<!tpu.dma_semaphore, #tpu.memory_space<semaphore_mem>>) src(%dma_wait3A_3822 : memref<10000x128xf32, #tpu.memory_space<hbm>>) dst(%dma_wait3A_3817 : memref<32x128xf32, #tpu.memory_space<vmem>>)
        %dma_wait3A_3823 = arith.constant 32 : i32
        %dma_wait3A_3824 = arith.constant 0 : i32
        %dma_wait3A_3825 = tpu.memref_slice %arg17[%dma_wait3A_3823, %dma_wait3A_3824] : memref<128x128xf32, #tpu.memory_space<vmem>> -> memref<32x128xf32, #tpu.memory_space<vmem>>
        %dma_wait3A_3826 = arith.constant 32 : i32
        %dma_wait3A_3827 = tpu.memref_slice %arg12[%dma_wait3A_3826] : memref<128xi32, #tpu.memory_space<vmem>> -> memref<32xi32, #tpu.memory_space<vmem>>
        %dma_wait3A_3828 = arith.constant 0 : i32
        %dma_wait3A_3829 = arith.constant 0 : i32
        %dma_wait3A_3830 = tpu.memref_slice %arg2[%dma_wait3A_3828, %dma_wait3A_3829] : memref<10000x128xf32, #tpu.memory_space<hbm>> -> memref<10000x128xf32, #tpu.memory_space<hbm>>
        tpu.wait_indirect_dma semaphore(%arg23 : memref<!tpu.dma_semaphore, #tpu.memory_space<semaphore_mem>>) src(%dma_wait3A_3830 : memref<10000x128xf32, #tpu.memory_space<hbm>>) dst(%dma_wait3A_3825 : memref<32x128xf32, #tpu.memory_space<vmem>>)
        %dma_wait3A_3831 = arith.constant 32 : i32
        %dma_wait3A_3832 = arith.constant 0 : i32
        %dma_wait3A_3833 = tpu.memref_slice %arg18[%dma_wait3A_3831, %dma_wait3A_3832] : memref<128x128xf32, #tpu.memory_space<vmem>> -> memref<32x128xf32, #tpu.memory_space<vmem>>
        %dma_wait3A_3834 = arith.constant 32 : i32
        %dma_wait3A_3835 = tpu.memref_slice %arg13[%dma_wait3A_3834] : memref<128xi32, #tpu.memory_space<vmem>> -> memref<32xi32, #tpu.memory_space<vmem>>
        %dma_wait3A_3836 = arith.constant 0 : i32
        %dma_wait3A_3837 = arith.constant 0 : i32
        %dma_wait3A_3838 = tpu.memref_slice %arg2[%dma_wait3A_3836, %dma_wait3A_3837] : memref<10000x128xf32, #tpu.memory_space<hbm>> -> memref<10000x128xf32, #tpu.memory_space<hbm>>
        tpu.wait_indirect_dma semaphore(%arg23 : memref<!tpu.dma_semaphore, #tpu.memory_space<semaphore_mem>>) src(%dma_wait3A_3838 : memref<10000x128xf32, #tpu.memory_space<hbm>>) dst(%dma_wait3A_3833 : memref<32x128xf32, #tpu.memory_space<vmem>>)
        %dma_wait3A_3839 = arith.constant 32 : i32
        %dma_wait3A_3840 = arith.constant 0 : i32
        %dma_wait3A_3841 = tpu.memref_slice %arg19[%dma_wait3A_3839, %dma_wait3A_3840] : memref<128x128xf32, #tpu.memory_space<vmem>> -> memref<32x128xf32, #tpu.memory_space<vmem>>
        %dma_wait3A_3842 = arith.constant 32 : i32
        %dma_wait3A_3843 = tpu.memref_slice %arg14[%dma_wait3A_3842] : memref<128xi32, #tpu.memory_space<vmem>> -> memref<32xi32, #tpu.memory_space<vmem>>
        %dma_wait3A_3844 = arith.constant 0 : i32
        %dma_wait3A_3845 = arith.constant 0 : i32
        %dma_wait3A_3846 = tpu.memref_slice %arg2[%dma_wait3A_3844, %dma_wait3A_3845] : memref<10000x128xf32, #tpu.memory_space<hbm>> -> memref<10000x128xf32, #tpu.memory_space<hbm>>
        tpu.wait_indirect_dma semaphore(%arg23 : memref<!tpu.dma_semaphore, #tpu.memory_space<semaphore_mem>>) src(%dma_wait3A_3846 : memref<10000x128xf32, #tpu.memory_space<hbm>>) dst(%dma_wait3A_3841 : memref<32x128xf32, #tpu.memory_space<vmem>>)
      } else {
      }
      %eq3A_175 = arith.constant 4 : i32
      %eq3A_176 = arith.cmpi eq, %scan3A_167, %eq3A_175 : i32
      %convert_element_type3A_177 = arith.extui %eq3A_176 : i1 to i32
      %cond3A_178 = arith.constant 0 : i32
      %cond3A_179 = arith.cmpi ne, %convert_element_type3A_177, %cond3A_178 : i32
      scf.if %cond3A_179 {
        %dma_wait3A = arith.constant 64 : i32
        %dma_wait3A_3808 = arith.constant 0 : i32
        %dma_wait3A_3809 = tpu.memref_slice %arg15[%dma_wait3A, %dma_wait3A_3808] : memref<128x128xf32, #tpu.memory_space<vmem>> -> memref<32x128xf32, #tpu.memory_space<vmem>>
        %dma_wait3A_3810 = arith.constant 64 : i32
        %dma_wait3A_3811 = tpu.memref_slice %arg10[%dma_wait3A_3810] : memref<128xi32, #tpu.memory_space<vmem>> -> memref<32xi32, #tpu.memory_space<vmem>>
        %dma_wait3A_3812 = arith.constant 0 : i32
        %dma_wait3A_3813 = arith.constant 0 : i32
        %dma_wait3A_3814 = tpu.memref_slice %arg2[%dma_wait3A_3812, %dma_wait3A_3813] : memref<10000x128xf32, #tpu.memory_space<hbm>> -> memref<10000x128xf32, #tpu.memory_space<hbm>>
        tpu.wait_indirect_dma semaphore(%arg24 : memref<!tpu.dma_semaphore, #tpu.memory_space<semaphore_mem>>) src(%dma_wait3A_3814 : memref<10000x128xf32, #tpu.memory_space<hbm>>) dst(%dma_wait3A_3809 : memref<32x128xf32, #tpu.memory_space<vmem>>)
        %dma_wait3A_3815 = arith.constant 64 : i32
        %dma_wait3A_3816 = arith.constant 0 : i32
        %dma_wait3A_3817 = tpu.memref_slice %arg16[%dma_wait3A_3815, %dma_wait3A_3816] : memref<128x128xf32, #tpu.memory_space<vmem>> -> memref<32x128xf32, #tpu.memory_space<vmem>>
        %dma_wait3A_3818 = arith.constant 64 : i32
        %dma_wait3A_3819 = tpu.memref_slice %arg11[%dma_wait3A_3818] : memref<128xi32, #tpu.memory_space<vmem>> -> memref<32xi32, #tpu.memory_space<vmem>>
        %dma_wait3A_3820 = arith.constant 0 : i32
        %dma_wait3A_3821 = arith.constant 0 : i32
        %dma_wait3A_3822 = tpu.memref_slice %arg2[%dma_wait3A_3820, %dma_wait3A_3821] : memref<10000x128xf32, #tpu.memory_space<hbm>> -> memref<10000x128xf32, #tpu.memory_space<hbm>>
        tpu.wait_indirect_dma semaphore(%arg24 : memref<!tpu.dma_semaphore, #tpu.memory_space<semaphore_mem>>) src(%dma_wait3A_3822 : memref<10000x128xf32, #tpu.memory_space<hbm>>) dst(%dma_wait3A_3817 : memref<32x128xf32, #tpu.memory_space<vmem>>)
        %dma_wait3A_3823 = arith.constant 64 : i32
        %dma_wait3A_3824 = arith.constant 0 : i32
        %dma_wait3A_3825 = tpu.memref_slice %arg17[%dma_wait3A_3823, %dma_wait3A_3824] : memref<128x128xf32, #tpu.memory_space<vmem>> -> memref<32x128xf32, #tpu.memory_space<vmem>>
        %dma_wait3A_3826 = arith.constant 64 : i32
        %dma_wait3A_3827 = tpu.memref_slice %arg12[%dma_wait3A_3826] : memref<128xi32, #tpu.memory_space<vmem>> -> memref<32xi32, #tpu.memory_space<vmem>>
        %dma_wait3A_3828 = arith.constant 0 : i32
        %dma_wait3A_3829 = arith.constant 0 : i32
        %dma_wait3A_3830 = tpu.memref_slice %arg2[%dma_wait3A_3828, %dma_wait3A_3829] : memref<10000x128xf32, #tpu.memory_space<hbm>> -> memref<10000x128xf32, #tpu.memory_space<hbm>>
        tpu.wait_indirect_dma semaphore(%arg24 : memref<!tpu.dma_semaphore, #tpu.memory_space<semaphore_mem>>) src(%dma_wait3A_3830 : memref<10000x128xf32, #tpu.memory_space<hbm>>) dst(%dma_wait3A_3825 : memref<32x128xf32, #tpu.memory_space<vmem>>)
        %dma_wait3A_3831 = arith.constant 64 : i32
        %dma_wait3A_3832 = arith.constant 0 : i32
        %dma_wait3A_3833 = tpu.memref_slice %arg18[%dma_wait3A_3831, %dma_wait3A_3832] : memref<128x128xf32, #tpu.memory_space<vmem>> -> memref<32x128xf32, #tpu.memory_space<vmem>>
        %dma_wait3A_3834 = arith.constant 64 : i32
        %dma_wait3A_3835 = tpu.memref_slice %arg13[%dma_wait3A_3834] : memref<128xi32, #tpu.memory_space<vmem>> -> memref<32xi32, #tpu.memory_space<vmem>>
        %dma_wait3A_3836 = arith.constant 0 : i32
        %dma_wait3A_3837 = arith.constant 0 : i32
        %dma_wait3A_3838 = tpu.memref_slice %arg2[%dma_wait3A_3836, %dma_wait3A_3837] : memref<10000x128xf32, #tpu.memory_space<hbm>> -> memref<10000x128xf32, #tpu.memory_space<hbm>>
        tpu.wait_indirect_dma semaphore(%arg24 : memref<!tpu.dma_semaphore, #tpu.memory_space<semaphore_mem>>) src(%dma_wait3A_3838 : memref<10000x128xf32, #tpu.memory_space<hbm>>) dst(%dma_wait3A_3833 : memref<32x128xf32, #tpu.memory_space<vmem>>)
        %dma_wait3A_3839 = arith.constant 64 : i32
        %dma_wait3A_3840 = arith.constant 0 : i32
        %dma_wait3A_3841 = tpu.memref_slice %arg19[%dma_wait3A_3839, %dma_wait3A_3840] : memref<128x128xf32, #tpu.memory_space<vmem>> -> memref<32x128xf32, #tpu.memory_space<vmem>>
        %dma_wait3A_3842 = arith.constant 64 : i32
        %dma_wait3A_3843 = tpu.memref_slice %arg14[%dma_wait3A_3842] : memref<128xi32, #tpu.memory_space<vmem>> -> memref<32xi32, #tpu.memory_space<vmem>>
        %dma_wait3A_3844 = arith.constant 0 : i32
        %dma_wait3A_3845 = arith.constant 0 : i32
        %dma_wait3A_3846 = tpu.memref_slice %arg2[%dma_wait3A_3844, %dma_wait3A_3845] : memref<10000x128xf32, #tpu.memory_space<hbm>> -> memref<10000x128xf32, #tpu.memory_space<hbm>>
        tpu.wait_indirect_dma semaphore(%arg24 : memref<!tpu.dma_semaphore, #tpu.memory_space<semaphore_mem>>) src(%dma_wait3A_3846 : memref<10000x128xf32, #tpu.memory_space<hbm>>) dst(%dma_wait3A_3841 : memref<32x128xf32, #tpu.memory_space<vmem>>)
      } else {
      }
      %eq3A_180 = arith.constant 6 : i32
      %eq3A_181 = arith.cmpi eq, %scan3A_167, %eq3A_180 : i32
      %convert_element_type3A_182 = arith.extui %eq3A_181 : i1 to i32
      %cond3A_183 = arith.constant 0 : i32
      %cond3A_184 = arith.cmpi ne, %convert_element_type3A_182, %cond3A_183 : i32
      scf.if %cond3A_184 {
        %dma_wait3A = arith.constant 96 : i32
        %dma_wait3A_3808 = arith.constant 0 : i32
        %dma_wait3A_3809 = tpu.memref_slice %arg15[%dma_wait3A, %dma_wait3A_3808] : memref<128x128xf32, #tpu.memory_space<vmem>> -> memref<32x128xf32, #tpu.memory_space<vmem>>
        %dma_wait3A_3810 = arith.constant 96 : i32
        %dma_wait3A_3811 = tpu.memref_slice %arg10[%dma_wait3A_3810] : memref<128xi32, #tpu.memory_space<vmem>> -> memref<32xi32, #tpu.memory_space<vmem>>
        %dma_wait3A_3812 = arith.constant 0 : i32
        %dma_wait3A_3813 = arith.constant 0 : i32
        %dma_wait3A_3814 = tpu.memref_slice %arg2[%dma_wait3A_3812, %dma_wait3A_3813] : memref<10000x128xf32, #tpu.memory_space<hbm>> -> memref<10000x128xf32, #tpu.memory_space<hbm>>
        tpu.wait_indirect_dma semaphore(%arg25 : memref<!tpu.dma_semaphore, #tpu.memory_space<semaphore_mem>>) src(%dma_wait3A_3814 : memref<10000x128xf32, #tpu.memory_space<hbm>>) dst(%dma_wait3A_3809 : memref<32x128xf32, #tpu.memory_space<vmem>>)
        %dma_wait3A_3815 = arith.constant 96 : i32
        %dma_wait3A_3816 = arith.constant 0 : i32
        %dma_wait3A_3817 = tpu.memref_slice %arg16[%dma_wait3A_3815, %dma_wait3A_3816] : memref<128x128xf32, #tpu.memory_space<vmem>> -> memref<32x128xf32, #tpu.memory_space<vmem>>
        %dma_wait3A_3818 = arith.constant 96 : i32
        %dma_wait3A_3819 = tpu.memref_slice %arg11[%dma_wait3A_3818] : memref<128xi32, #tpu.memory_space<vmem>> -> memref<32xi32, #tpu.memory_space<vmem>>
        %dma_wait3A_3820 = arith.constant 0 : i32
        %dma_wait3A_3821 = arith.constant 0 : i32
        %dma_wait3A_3822 = tpu.memref_slice %arg2[%dma_wait3A_3820, %dma_wait3A_3821] : memref<10000x128xf32, #tpu.memory_space<hbm>> -> memref<10000x128xf32, #tpu.memory_space<hbm>>
        tpu.wait_indirect_dma semaphore(%arg25 : memref<!tpu.dma_semaphore, #tpu.memory_space<semaphore_mem>>) src(%dma_wait3A_3822 : memref<10000x128xf32, #tpu.memory_space<hbm>>) dst(%dma_wait3A_3817 : memref<32x128xf32, #tpu.memory_space<vmem>>)
        %dma_wait3A_3823 = arith.constant 96 : i32
        %dma_wait3A_3824 = arith.constant 0 : i32
        %dma_wait3A_3825 = tpu.memref_slice %arg17[%dma_wait3A_3823, %dma_wait3A_3824] : memref<128x128xf32, #tpu.memory_space<vmem>> -> memref<32x128xf32, #tpu.memory_space<vmem>>
        %dma_wait3A_3826 = arith.constant 96 : i32
        %dma_wait3A_3827 = tpu.memref_slice %arg12[%dma_wait3A_3826] : memref<128xi32, #tpu.memory_space<vmem>> -> memref<32xi32, #tpu.memory_space<vmem>>
        %dma_wait3A_3828 = arith.constant 0 : i32
        %dma_wait3A_3829 = arith.constant 0 : i32
        %dma_wait3A_3830 = tpu.memref_slice %arg2[%dma_wait3A_3828, %dma_wait3A_3829] : memref<10000x128xf32, #tpu.memory_space<hbm>> -> memref<10000x128xf32, #tpu.memory_space<hbm>>
        tpu.wait_indirect_dma semaphore(%arg25 : memref<!tpu.dma_semaphore, #tpu.memory_space<semaphore_mem>>) src(%dma_wait3A_3830 : memref<10000x128xf32, #tpu.memory_space<hbm>>) dst(%dma_wait3A_3825 : memref<32x128xf32, #tpu.memory_space<vmem>>)
        %dma_wait3A_3831 = arith.constant 96 : i32
        %dma_wait3A_3832 = arith.constant 0 : i32
        %dma_wait3A_3833 = tpu.memref_slice %arg18[%dma_wait3A_3831, %dma_wait3A_3832] : memref<128x128xf32, #tpu.memory_space<vmem>> -> memref<32x128xf32, #tpu.memory_space<vmem>>
        %dma_wait3A_3834 = arith.constant 96 : i32
        %dma_wait3A_3835 = tpu.memref_slice %arg13[%dma_wait3A_3834] : memref<128xi32, #tpu.memory_space<vmem>> -> memref<32xi32, #tpu.memory_space<vmem>>
        %dma_wait3A_3836 = arith.constant 0 : i32
        %dma_wait3A_3837 = arith.constant 0 : i32
        %dma_wait3A_3838 = tpu.memref_slice %arg2[%dma_wait3A_3836, %dma_wait3A_3837] : memref<10000x128xf32, #tpu.memory_space<hbm>> -> memref<10000x128xf32, #tpu.memory_space<hbm>>
        tpu.wait_indirect_dma semaphore(%arg25 : memref<!tpu.dma_semaphore, #tpu.memory_space<semaphore_mem>>) src(%dma_wait3A_3838 : memref<10000x128xf32, #tpu.memory_space<hbm>>) dst(%dma_wait3A_3833 : memref<32x128xf32, #tpu.memory_space<vmem>>)
        %dma_wait3A_3839 = arith.constant 96 : i32
        %dma_wait3A_3840 = arith.constant 0 : i32
        %dma_wait3A_3841 = tpu.memref_slice %arg19[%dma_wait3A_3839, %dma_wait3A_3840] : memref<128x128xf32, #tpu.memory_space<vmem>> -> memref<32x128xf32, #tpu.memory_space<vmem>>
        %dma_wait3A_3842 = arith.constant 96 : i32
        %dma_wait3A_3843 = tpu.memref_slice %arg14[%dma_wait3A_3842] : memref<128xi32, #tpu.memory_space<vmem>> -> memref<32xi32, #tpu.memory_space<vmem>>
        %dma_wait3A_3844 = arith.constant 0 : i32
        %dma_wait3A_3845 = arith.constant 0 : i32
        %dma_wait3A_3846 = tpu.memref_slice %arg2[%dma_wait3A_3844, %dma_wait3A_3845] : memref<10000x128xf32, #tpu.memory_space<hbm>> -> memref<10000x128xf32, #tpu.memory_space<hbm>>
        tpu.wait_indirect_dma semaphore(%arg25 : memref<!tpu.dma_semaphore, #tpu.memory_space<semaphore_mem>>) src(%dma_wait3A_3846 : memref<10000x128xf32, #tpu.memory_space<hbm>>) dst(%dma_wait3A_3841 : memref<32x128xf32, #tpu.memory_space<vmem>>)
      } else {
      }
      %broadcast_in_dim3A = arith.constant 0.000000e+00 : f32
      %broadcast_in_dim3A_185 = vector.broadcast %broadcast_in_dim3A : f32 to vector<16xf32>
      %broadcast_in_dim3A_186 = arith.constant 0.000000e+00 : f32
      %broadcast_in_dim3A_187 = vector.broadcast %broadcast_in_dim3A_186 : f32 to vector<16xf32>
      %mul3A_188 = arith.constant 16 : i32
      %mul3A_189 = arith.muli %scan3A_167, %mul3A_188 : i32
      %add3A_190 = arith.constant 0 : i32
      %add3A_191 = arith.addi %mul3A_189, %add3A_190 : i32
      %broadcast_in_dim3A_192 = arith.constant 0.000000e+00 : f32
      %broadcast_in_dim3A_193 = vector.broadcast %broadcast_in_dim3A_192 : f32 to vector<16xf32>
      %broadcast_in_dim3A_194 = arith.constant 0.000000e+00 : f32
      %broadcast_in_dim3A_195 = vector.broadcast %broadcast_in_dim3A_194 : f32 to vector<16xf32>
      %get3A = arith.index_cast %add3A_191 : i32 to index
      %get3A_196 = arith.constant 0 : index
      %get3A_197 = tpu.vector_load %arg15[%get3A, %get3A_196] {strides = array<i32>} : memref<128x128xf32, #tpu.memory_space<vmem>>, vector<16xf32>,
      %get3A_198 = arith.index_cast %add3A_191 : i32 to index
      %get3A_199 = arith.constant 0 : index
      %get3A_200 = tpu.vector_load %arg16[%get3A_198, %get3A_199] {strides = array<i32>} : memref<128x128xf32, #tpu.memory_space<vmem>>, vector<16xf32>,
      %get3A_201 = arith.index_cast %add3A_191 : i32 to index
      %get3A_202 = arith.constant 0 : index
      %get3A_203 = tpu.vector_load %arg17[%get3A_201, %get3A_202] {strides = array<i32>} : memref<128x128xf32, #tpu.memory_space<vmem>>, vector<16xf32>,
      %get3A_204 = arith.index_cast %add3A_191 : i32 to index
      %get3A_205 = arith.constant 0 : index
      %get3A_206 = tpu.vector_load %arg18[%get3A_204, %get3A_205] {strides = array<i32>} : memref<128x128xf32, #tpu.memory_space<vmem>>, vector<16xf32>,
      %get3A_207 = arith.index_cast %add3A_191 : i32 to index
      %get3A_208 = arith.constant 0 : index
      %get3A_209 = tpu.vector_load %arg19[%get3A_207, %get3A_208] {strides = array<i32>} : memref<128x128xf32, #tpu.memory_space<vmem>>, vector<16xf32>,
      %add3A_210 = arith.addf %get3A_200, %get3A_206 : vector<16xf32>
      %mul3A_211 = arith.mulf %get3A_197, %add3A_210 : vector<16xf32>
      %add3A_212 = arith.addf %broadcast_in_dim3A_193, %mul3A_211 : vector<16xf32>
      %mul3A_213 = arith.mulf %get3A_200, %get3A_206 : vector<16xf32>
      %add3A_214 = arith.addf %add3A_212, %mul3A_213 : vector<16xf32>
      %add3A_215 = arith.addf %get3A_203, %get3A_209 : vector<16xf32>
      %mul3A_216 = arith.mulf %get3A_197, %add3A_215 : vector<16xf32>
      %add3A_217 = arith.addf %broadcast_in_dim3A_195, %mul3A_216 : vector<16xf32>
      %mul3A_218 = arith.mulf %get3A_203, %get3A_209 : vector<16xf32>
      %add3A_219 = arith.addf %add3A_217, %mul3A_218 : vector<16xf32>
      %get3A_220 = arith.index_cast %add3A_191 : i32 to index
      %get3A_221 = arith.constant 16 : index
      %get3A_222 = tpu.vector_load %arg15[%get3A_220, %get3A_221] {strides = array<i32>} : memref<128x128xf32, #tpu.memory_space<vmem>>, vector<16xf32>,
      %get3A_223 = arith.index_cast %add3A_191 : i32 to index
      %get3A_224 = arith.constant 16 : index
      %get3A_225 = tpu.vector_load %arg16[%get3A_223, %get3A_224] {strides = array<i32>} : memref<128x128xf32, #tpu.memory_space<vmem>>, vector<16xf32>,
      %get3A_226 = arith.index_cast %add3A_191 : i32 to index
      %get3A_227 = arith.constant 16 : index
      %get3A_228 = tpu.vector_load %arg17[%get3A_226, %get3A_227] {strides = array<i32>} : memref<128x128xf32, #tpu.memory_space<vmem>>, vector<16xf32>,
      %get3A_229 = arith.index_cast %add3A_191 : i32 to index
      %get3A_230 = arith.constant 16 : index
      %get3A_231 = tpu.vector_load %arg18[%get3A_229, %get3A_230] {strides = array<i32>} : memref<128x128xf32, #tpu.memory_space<vmem>>, vector<16xf32>,
      %get3A_232 = arith.index_cast %add3A_191 : i32 to index
      %get3A_233 = arith.constant 16 : index
      %get3A_234 = tpu.vector_load %arg19[%get3A_232, %get3A_233] {strides = array<i32>} : memref<128x128xf32, #tpu.memory_space<vmem>>, vector<16xf32>,
      %add3A_235 = arith.addf %get3A_225, %get3A_231 : vector<16xf32>
      %mul3A_236 = arith.mulf %get3A_222, %add3A_235 : vector<16xf32>
      %add3A_237 = arith.addf %add3A_214, %mul3A_236 : vector<16xf32>
      %mul3A_238 = arith.mulf %get3A_225, %get3A_231 : vector<16xf32>
      %add3A_239 = arith.addf %add3A_237, %mul3A_238 : vector<16xf32>
      %add3A_240 = arith.addf %get3A_228, %get3A_234 : vector<16xf32>
      %mul3A_241 = arith.mulf %get3A_222, %add3A_240 : vector<16xf32>
      %add3A_242 = arith.addf %add3A_219, %mul3A_241 : vector<16xf32>
      %mul3A_243 = arith.mulf %get3A_228, %get3A_234 : vector<16xf32>
      %add3A_244 = arith.addf %add3A_242, %mul3A_243 : vector<16xf32>
      %get3A_245 = arith.index_cast %add3A_191 : i32 to index
      %get3A_246 = arith.constant 32 : index
      %get3A_247 = tpu.vector_load %arg15[%get3A_245, %get3A_246] {strides = array<i32>} : memref<128x128xf32, #tpu.memory_space<vmem>>, vector<16xf32>,
      %get3A_248 = arith.index_cast %add3A_191 : i32 to index
      %get3A_249 = arith.constant 32 : index
      %get3A_250 = tpu.vector_load %arg16[%get3A_248, %get3A_249] {strides = array<i32>} : memref<128x128xf32, #tpu.memory_space<vmem>>, vector<16xf32>,
      %get3A_251 = arith.index_cast %add3A_191 : i32 to index
      %get3A_252 = arith.constant 32 : index
      %get3A_253 = tpu.vector_load %arg17[%get3A_251, %get3A_252] {strides = array<i32>} : memref<128x128xf32, #tpu.memory_space<vmem>>, vector<16xf32>,
      %get3A_254 = arith.index_cast %add3A_191 : i32 to index
      %get3A_255 = arith.constant 32 : index
      %get3A_256 = tpu.vector_load %arg18[%get3A_254, %get3A_255] {strides = array<i32>} : memref<128x128xf32, #tpu.memory_space<vmem>>, vector<16xf32>,
      %get3A_257 = arith.index_cast %add3A_191 : i32 to index
      %get3A_258 = arith.constant 32 : index
      %get3A_259 = tpu.vector_load %arg19[%get3A_257, %get3A_258] {strides = array<i32>} : memref<128x128xf32, #tpu.memory_space<vmem>>, vector<16xf32>,
      %add3A_260 = arith.addf %get3A_250, %get3A_256 : vector<16xf32>
      %mul3A_261 = arith.mulf %get3A_247, %add3A_260 : vector<16xf32>
      %add3A_262 = arith.addf %add3A_239, %mul3A_261 : vector<16xf32>
      %mul3A_263 = arith.mulf %get3A_250, %get3A_256 : vector<16xf32>
      %add3A_264 = arith.addf %add3A_262, %mul3A_263 : vector<16xf32>
      %add3A_265 = arith.addf %get3A_253, %get3A_259 : vector<16xf32>
      %mul3A_266 = arith.mulf %get3A_247, %add3A_265 : vector<16xf32>
      %add3A_267 = arith.addf %add3A_244, %mul3A_266 : vector<16xf32>
      %mul3A_268 = arith.mulf %get3A_253, %get3A_259 : vector<16xf32>
      %add3A_269 = arith.addf %add3A_267, %mul3A_268 : vector<16xf32>
      %get3A_270 = arith.index_cast %add3A_191 : i32 to index
      %get3A_271 = arith.constant 48 : index
      %get3A_272 = tpu.vector_load %arg15[%get3A_270, %get3A_271] {strides = array<i32>} : memref<128x128xf32, #tpu.memory_space<vmem>>, vector<16xf32>,
      %get3A_273 = arith.index_cast %add3A_191 : i32 to index
      %get3A_274 = arith.constant 48 : index
      %get3A_275 = tpu.vector_load %arg16[%get3A_273, %get3A_274] {strides = array<i32>} : memref<128x128xf32, #tpu.memory_space<vmem>>, vector<16xf32>,
      %get3A_276 = arith.index_cast %add3A_191 : i32 to index
      %get3A_277 = arith.constant 48 : index
      %get3A_278 = tpu.vector_load %arg17[%get3A_276, %get3A_277] {strides = array<i32>} : memref<128x128xf32, #tpu.memory_space<vmem>>, vector<16xf32>,
      %get3A_279 = arith.index_cast %add3A_191 : i32 to index
      %get3A_280 = arith.constant 48 : index
      %get3A_281 = tpu.vector_load %arg18[%get3A_279, %get3A_280] {strides = array<i32>} : memref<128x128xf32, #tpu.memory_space<vmem>>, vector<16xf32>,
      %get3A_282 = arith.index_cast %add3A_191 : i32 to index
      %get3A_283 = arith.constant 48 : index
      %get3A_284 = tpu.vector_load %arg19[%get3A_282, %get3A_283] {strides = array<i32>} : memref<128x128xf32, #tpu.memory_space<vmem>>, vector<16xf32>,
      %add3A_285 = arith.addf %get3A_275, %get3A_281 : vector<16xf32>
      %mul3A_286 = arith.mulf %get3A_272, %add3A_285 : vector<16xf32>
      %add3A_287 = arith.addf %add3A_264, %mul3A_286 : vector<16xf32>
      %mul3A_288 = arith.mulf %get3A_275, %get3A_281 : vector<16xf32>
      %add3A_289 = arith.addf %add3A_287, %mul3A_288 : vector<16xf32>
      %add3A_290 = arith.addf %get3A_278, %get3A_284 : vector<16xf32>
      %mul3A_291 = arith.mulf %get3A_272, %add3A_290 : vector<16xf32>
      %add3A_292 = arith.addf %add3A_269, %mul3A_291 : vector<16xf32>
      %mul3A_293 = arith.mulf %get3A_278, %get3A_284 : vector<16xf32>
      %add3A_294 = arith.addf %add3A_292, %mul3A_293 : vector<16xf32>
      %get3A_295 = arith.index_cast %add3A_191 : i32 to index
      %get3A_296 = arith.constant 64 : index
      %get3A_297 = tpu.vector_load %arg15[%get3A_295, %get3A_296] {strides = array<i32>} : memref<128x128xf32, #tpu.memory_space<vmem>>, vector<16xf32>,
      %get3A_298 = arith.index_cast %add3A_191 : i32 to index
      %get3A_299 = arith.constant 64 : index
      %get3A_300 = tpu.vector_load %arg16[%get3A_298, %get3A_299] {strides = array<i32>} : memref<128x128xf32, #tpu.memory_space<vmem>>, vector<16xf32>,
      %get3A_301 = arith.index_cast %add3A_191 : i32 to index
      %get3A_302 = arith.constant 64 : index
      %get3A_303 = tpu.vector_load %arg17[%get3A_301, %get3A_302] {strides = array<i32>} : memref<128x128xf32, #tpu.memory_space<vmem>>, vector<16xf32>,
      %get3A_304 = arith.index_cast %add3A_191 : i32 to index
      %get3A_305 = arith.constant 64 : index
      %get3A_306 = tpu.vector_load %arg18[%get3A_304, %get3A_305] {strides = array<i32>} : memref<128x128xf32, #tpu.memory_space<vmem>>, vector<16xf32>,
      %get3A_307 = arith.index_cast %add3A_191 : i32 to index
      %get3A_308 = arith.constant 64 : index
      %get3A_309 = tpu.vector_load %arg19[%get3A_307, %get3A_308] {strides = array<i32>} : memref<128x128xf32, #tpu.memory_space<vmem>>, vector<16xf32>,
      %add3A_310 = arith.addf %get3A_300, %get3A_306 : vector<16xf32>
      %mul3A_311 = arith.mulf %get3A_297, %add3A_310 : vector<16xf32>
      %add3A_312 = arith.addf %add3A_289, %mul3A_311 : vector<16xf32>
      %mul3A_313 = arith.mulf %get3A_300, %get3A_306 : vector<16xf32>
      %add3A_314 = arith.addf %add3A_312, %mul3A_313 : vector<16xf32>
      %add3A_315 = arith.addf %get3A_303, %get3A_309 : vector<16xf32>
      %mul3A_316 = arith.mulf %get3A_297, %add3A_315 : vector<16xf32>
      %add3A_317 = arith.addf %add3A_294, %mul3A_316 : vector<16xf32>
      %mul3A_318 = arith.mulf %get3A_303, %get3A_309 : vector<16xf32>
      %add3A_319 = arith.addf %add3A_317, %mul3A_318 : vector<16xf32>
      %get3A_320 = arith.index_cast %add3A_191 : i32 to index
      %get3A_321 = arith.constant 80 : index
      %get3A_322 = tpu.vector_load %arg15[%get3A_320, %get3A_321] {strides = array<i32>} : memref<128x128xf32, #tpu.memory_space<vmem>>, vector<16xf32>,
      %get3A_323 = arith.index_cast %add3A_191 : i32 to index
      %get3A_324 = arith.constant 80 : index
      %get3A_325 = tpu.vector_load %arg16[%get3A_323, %get3A_324] {strides = array<i32>} : memref<128x128xf32, #tpu.memory_space<vmem>>, vector<16xf32>,
      %get3A_326 = arith.index_cast %add3A_191 : i32 to index
      %get3A_327 = arith.constant 80 : index
      %get3A_328 = tpu.vector_load %arg17[%get3A_326, %get3A_327] {strides = array<i32>} : memref<128x128xf32, #tpu.memory_space<vmem>>, vector<16xf32>,
      %get3A_329 = arith.index_cast %add3A_191 : i32 to index
      %get3A_330 = arith.constant 80 : index
      %get3A_331 = tpu.vector_load %arg18[%get3A_329, %get3A_330] {strides = array<i32>} : memref<128x128xf32, #tpu.memory_space<vmem>>, vector<16xf32>,
      %get3A_332 = arith.index_cast %add3A_191 : i32 to index
      %get3A_333 = arith.constant 80 : index
      %get3A_334 = tpu.vector_load %arg19[%get3A_332, %get3A_333] {strides = array<i32>} : memref<128x128xf32, #tpu.memory_space<vmem>>, vector<16xf32>,
      %add3A_335 = arith.addf %get3A_325, %get3A_331 : vector<16xf32>
      %mul3A_336 = arith.mulf %get3A_322, %add3A_335 : vector<16xf32>
      %add3A_337 = arith.addf %add3A_314, %mul3A_336 : vector<16xf32>
      %mul3A_338 = arith.mulf %get3A_325, %get3A_331 : vector<16xf32>
      %add3A_339 = arith.addf %add3A_337, %mul3A_338 : vector<16xf32>
      %add3A_340 = arith.addf %get3A_328, %get3A_334 : vector<16xf32>
      %mul3A_341 = arith.mulf %get3A_322, %add3A_340 : vector<16xf32>
      %add3A_342 = arith.addf %add3A_319, %mul3A_341 : vector<16xf32>
      %mul3A_343 = arith.mulf %get3A_328, %get3A_334 : vector<16xf32>
      %add3A_344 = arith.addf %add3A_342, %mul3A_343 : vector<16xf32>
      %get3A_345 = arith.index_cast %add3A_191 : i32 to index
      %get3A_346 = arith.constant 96 : index
      %get3A_347 = tpu.vector_load %arg15[%get3A_345, %get3A_346] {strides = array<i32>} : memref<128x128xf32, #tpu.memory_space<vmem>>, vector<16xf32>,
      %get3A_348 = arith.index_cast %add3A_191 : i32 to index
      %get3A_349 = arith.constant 96 : index
      %get3A_350 = tpu.vector_load %arg16[%get3A_348, %get3A_349] {strides = array<i32>} : memref<128x128xf32, #tpu.memory_space<vmem>>, vector<16xf32>,
      %get3A_351 = arith.index_cast %add3A_191 : i32 to index
      %get3A_352 = arith.constant 96 : index
      %get3A_353 = tpu.vector_load %arg17[%get3A_351, %get3A_352] {strides = array<i32>} : memref<128x128xf32, #tpu.memory_space<vmem>>, vector<16xf32>,
      %get3A_354 = arith.index_cast %add3A_191 : i32 to index
      %get3A_355 = arith.constant 96 : index
      %get3A_356 = tpu.vector_load %arg18[%get3A_354, %get3A_355] {strides = array<i32>} : memref<128x128xf32, #tpu.memory_space<vmem>>, vector<16xf32>,
      %get3A_357 = arith.index_cast %add3A_191 : i32 to index
      %get3A_358 = arith.constant 96 : index
      %get3A_359 = tpu.vector_load %arg19[%get3A_357, %get3A_358] {strides = array<i32>} : memref<128x128xf32, #tpu.memory_space<vmem>>, vector<16xf32>,
      %add3A_360 = arith.addf %get3A_350, %get3A_356 : vector<16xf32>
      %mul3A_361 = arith.mulf %get3A_347, %add3A_360 : vector<16xf32>
      %add3A_362 = arith.addf %add3A_339, %mul3A_361 : vector<16xf32>
      %mul3A_363 = arith.mulf %get3A_350, %get3A_356 : vector<16xf32>
      %add3A_364 = arith.addf %add3A_362, %mul3A_363 : vector<16xf32>
      %add3A_365 = arith.addf %get3A_353, %get3A_359 : vector<16xf32>
      %mul3A_366 = arith.mulf %get3A_347, %add3A_365 : vector<16xf32>
      %add3A_367 = arith.addf %add3A_344, %mul3A_366 : vector<16xf32>
      %mul3A_368 = arith.mulf %get3A_353, %get3A_359 : vector<16xf32>
      %add3A_369 = arith.addf %add3A_367, %mul3A_368 : vector<16xf32>
      %get3A_370 = arith.index_cast %add3A_191 : i32 to index
      %get3A_371 = arith.constant 112 : index
      %get3A_372 = tpu.vector_load %arg15[%get3A_370, %get3A_371] {strides = array<i32>} : memref<128x128xf32, #tpu.memory_space<vmem>>, vector<16xf32>,
      %get3A_373 = arith.index_cast %add3A_191 : i32 to index
      %get3A_374 = arith.constant 112 : index
      %get3A_375 = tpu.vector_load %arg16[%get3A_373, %get3A_374] {strides = array<i32>} : memref<128x128xf32, #tpu.memory_space<vmem>>, vector<16xf32>,
      %get3A_376 = arith.index_cast %add3A_191 : i32 to index
      %get3A_377 = arith.constant 112 : index
      %get3A_378 = tpu.vector_load %arg17[%get3A_376, %get3A_377] {strides = array<i32>} : memref<128x128xf32, #tpu.memory_space<vmem>>, vector<16xf32>,
      %get3A_379 = arith.index_cast %add3A_191 : i32 to index
      %get3A_380 = arith.constant 112 : index
      %get3A_381 = tpu.vector_load %arg18[%get3A_379, %get3A_380] {strides = array<i32>} : memref<128x128xf32, #tpu.memory_space<vmem>>, vector<16xf32>,
      %get3A_382 = arith.index_cast %add3A_191 : i32 to index
      %get3A_383 = arith.constant 112 : index
      %get3A_384 = tpu.vector_load %arg19[%get3A_382, %get3A_383] {strides = array<i32>} : memref<128x128xf32, #tpu.memory_space<vmem>>, vector<16xf32>,
      %add3A_385 = arith.addf %get3A_375, %get3A_381 : vector<16xf32>
      %mul3A_386 = arith.mulf %get3A_372, %add3A_385 : vector<16xf32>
      %add3A_387 = arith.addf %add3A_364, %mul3A_386 : vector<16xf32>
      %mul3A_388 = arith.mulf %get3A_375, %get3A_381 : vector<16xf32>
      %add3A_389 = arith.addf %add3A_387, %mul3A_388 : vector<16xf32>
      %add3A_390 = arith.addf %get3A_378, %get3A_384 : vector<16xf32>
      %mul3A_391 = arith.mulf %get3A_372, %add3A_390 : vector<16xf32>
      %add3A_392 = arith.addf %add3A_369, %mul3A_391 : vector<16xf32>
      %mul3A_393 = arith.mulf %get3A_378, %get3A_384 : vector<16xf32>
      %add3A_394 = arith.addf %add3A_392, %mul3A_393 : vector<16xf32>
      %eq3A_395 = arith.constant 0 : i32
      %eq3A_396 = vector.broadcast %eq3A_395 : i32 to vector<16xi32>
      %eq3A_397 = arith.cmpi eq, %iota3A, %eq3A_396 : vector<16xi32>
      %reduce_sum3A = arith.constant true
      %reduce_sum3A_398 = vector.broadcast %reduce_sum3A : i1 to vector<16xi1>
      %reduce_sum3A_399 = tpu.scan <sum>, %add3A_389 masked %reduce_sum3A_398 : vector<16xf32>, vector<16xi1> -> vector<16xf32>
      %reduce_sum3A_400 = vector.extract %reduce_sum3A_399[15] : f32 from vector<16xf32>
      %broadcast_in_dim3A_401 = vector.broadcast %reduce_sum3A_400 : f32 to vector<16xf32>
      %select_n3A = arith.select %eq3A_397, %broadcast_in_dim3A_401, %broadcast_in_dim3A_185 : vector<16xi1>, vector<16xf32>
      %eq3A_402 = arith.constant 0 : i32
      %eq3A_403 = vector.broadcast %eq3A_402 : i32 to vector<16xi32>
      %eq3A_404 = arith.cmpi eq, %iota3A, %eq3A_403 : vector<16xi32>
      %reduce_sum3A_405 = arith.constant true
      %reduce_sum3A_406 = vector.broadcast %reduce_sum3A_405 : i1 to vector<16xi1>
      %reduce_sum3A_407 = tpu.scan <sum>, %add3A_394 masked %reduce_sum3A_406 : vector<16xf32>, vector<16xi1> -> vector<16xf32>
      %reduce_sum3A_408 = vector.extract %reduce_sum3A_407[15] : f32 from vector<16xf32>
      %broadcast_in_dim3A_409 = vector.broadcast %reduce_sum3A_408 : f32 to vector<16xf32>
      %select_n3A_410 = arith.select %eq3A_404, %broadcast_in_dim3A_409, %broadcast_in_dim3A_187 : vector<16xi1>, vector<16xf32>
      %mul3A_411 = arith.constant 16 : i32
      %mul3A_412 = arith.muli %scan3A_167, %mul3A_411 : i32
      %add3A_413 = arith.constant 1 : i32
      %add3A_414 = arith.addi %mul3A_412, %add3A_413 : i32
      %broadcast_in_dim3A_415 = arith.constant 0.000000e+00 : f32
      %broadcast_in_dim3A_416 = vector.broadcast %broadcast_in_dim3A_415 : f32 to vector<16xf32>
      %broadcast_in_dim3A_417 = arith.constant 0.000000e+00 : f32
      %broadcast_in_dim3A_418 = vector.broadcast %broadcast_in_dim3A_417 : f32 to vector<16xf32>
      %get3A_419 = arith.index_cast %add3A_414 : i32 to index
      %get3A_420 = arith.constant 0 : index
      %get3A_421 = tpu.vector_load %arg15[%get3A_419, %get3A_420] {strides = array<i32>} : memref<128x128xf32, #tpu.memory_space<vmem>>, vector<16xf32>,
      %get3A_422 = arith.index_cast %add3A_414 : i32 to index
      %get3A_423 = arith.constant 0 : index
      %get3A_424 = tpu.vector_load %arg16[%get3A_422, %get3A_423] {strides = array<i32>} : memref<128x128xf32, #tpu.memory_space<vmem>>, vector<16xf32>,
      %get3A_425 = arith.index_cast %add3A_414 : i32 to index
      %get3A_426 = arith.constant 0 : index
      %get3A_427 = tpu.vector_load %arg17[%get3A_425, %get3A_426] {strides = array<i32>} : memref<128x128xf32, #tpu.memory_space<vmem>>, vector<16xf32>,
      %get3A_428 = arith.index_cast %add3A_414 : i32 to index
      %get3A_429 = arith.constant 0 : index
      %get3A_430 = tpu.vector_load %arg18[%get3A_428, %get3A_429] {strides = array<i32>} : memref<128x128xf32, #tpu.memory_space<vmem>>, vector<16xf32>,
      %get3A_431 = arith.index_cast %add3A_414 : i32 to index
      %get3A_432 = arith.constant 0 : index
      %get3A_433 = tpu.vector_load %arg19[%get3A_431, %get3A_432] {strides = array<i32>} : memref<128x128xf32, #tpu.memory_space<vmem>>, vector<16xf32>,
      %add3A_434 = arith.addf %get3A_424, %get3A_430 : vector<16xf32>
      %mul3A_435 = arith.mulf %get3A_421, %add3A_434 : vector<16xf32>
      %add3A_436 = arith.addf %broadcast_in_dim3A_416, %mul3A_435 : vector<16xf32>
      %mul3A_437 = arith.mulf %get3A_424, %get3A_430 : vector<16xf32>
      %add3A_438 = arith.addf %add3A_436, %mul3A_437 : vector<16xf32>
      %add3A_439 = arith.addf %get3A_427, %get3A_433 : vector<16xf32>
      %mul3A_440 = arith.mulf %get3A_421, %add3A_439 : vector<16xf32>
      %add3A_441 = arith.addf %broadcast_in_dim3A_418, %mul3A_440 : vector<16xf32>
      %mul3A_442 = arith.mulf %get3A_427, %get3A_433 : vector<16xf32>
      %add3A_443 = arith.addf %add3A_441, %mul3A_442 : vector<16xf32>
      %get3A_444 = arith.index_cast %add3A_414 : i32 to index
      %get3A_445 = arith.constant 16 : index
      %get3A_446 = tpu.vector_load %arg15[%get3A_444, %get3A_445] {strides = array<i32>} : memref<128x128xf32, #tpu.memory_space<vmem>>, vector<16xf32>,
      %get3A_447 = arith.index_cast %add3A_414 : i32 to index
      %get3A_448 = arith.constant 16 : index
      %get3A_449 = tpu.vector_load %arg16[%get3A_447, %get3A_448] {strides = array<i32>} : memref<128x128xf32, #tpu.memory_space<vmem>>, vector<16xf32>,
      %get3A_450 = arith.index_cast %add3A_414 : i32 to index
      %get3A_451 = arith.constant 16 : index
      %get3A_452 = tpu.vector_load %arg17[%get3A_450, %get3A_451] {strides = array<i32>} : memref<128x128xf32, #tpu.memory_space<vmem>>, vector<16xf32>,
      %get3A_453 = arith.index_cast %add3A_414 : i32 to index
      %get3A_454 = arith.constant 16 : index
      %get3A_455 = tpu.vector_load %arg18[%get3A_453, %get3A_454] {strides = array<i32>} : memref<128x128xf32, #tpu.memory_space<vmem>>, vector<16xf32>,
      %get3A_456 = arith.index_cast %add3A_414 : i32 to index
      %get3A_457 = arith.constant 16 : index
      %get3A_458 = tpu.vector_load %arg19[%get3A_456, %get3A_457] {strides = array<i32>} : memref<128x128xf32, #tpu.memory_space<vmem>>, vector<16xf32>,
      %add3A_459 = arith.addf %get3A_449, %get3A_455 : vector<16xf32>
      %mul3A_460 = arith.mulf %get3A_446, %add3A_459 : vector<16xf32>
      %add3A_461 = arith.addf %add3A_438, %mul3A_460 : vector<16xf32>
      %mul3A_462 = arith.mulf %get3A_449, %get3A_455 : vector<16xf32>
      %add3A_463 = arith.addf %add3A_461, %mul3A_462 : vector<16xf32>
      %add3A_464 = arith.addf %get3A_452, %get3A_458 : vector<16xf32>
      %mul3A_465 = arith.mulf %get3A_446, %add3A_464 : vector<16xf32>
      %add3A_466 = arith.addf %add3A_443, %mul3A_465 : vector<16xf32>
      %mul3A_467 = arith.mulf %get3A_452, %get3A_458 : vector<16xf32>
      %add3A_468 = arith.addf %add3A_466, %mul3A_467 : vector<16xf32>
      %get3A_469 = arith.index_cast %add3A_414 : i32 to index
      %get3A_470 = arith.constant 32 : index
      %get3A_471 = tpu.vector_load %arg15[%get3A_469, %get3A_470] {strides = array<i32>} : memref<128x128xf32, #tpu.memory_space<vmem>>, vector<16xf32>,
      %get3A_472 = arith.index_cast %add3A_414 : i32 to index
      %get3A_473 = arith.constant 32 : index
      %get3A_474 = tpu.vector_load %arg16[%get3A_472, %get3A_473] {strides = array<i32>} : memref<128x128xf32, #tpu.memory_space<vmem>>, vector<16xf32>,
      %get3A_475 = arith.index_cast %add3A_414 : i32 to index
      %get3A_476 = arith.constant 32 : index
      %get3A_477 = tpu.vector_load %arg17[%get3A_475, %get3A_476] {strides = array<i32>} : memref<128x128xf32, #tpu.memory_space<vmem>>, vector<16xf32>,
      %get3A_478 = arith.index_cast %add3A_414 : i32 to index
      %get3A_479 = arith.constant 32 : index
      %get3A_480 = tpu.vector_load %arg18[%get3A_478, %get3A_479] {strides = array<i32>} : memref<128x128xf32, #tpu.memory_space<vmem>>, vector<16xf32>,
      %get3A_481 = arith.index_cast %add3A_414 : i32 to index
      %get3A_482 = arith.constant 32 : index
      %get3A_483 = tpu.vector_load %arg19[%get3A_481, %get3A_482] {strides = array<i32>} : memref<128x128xf32, #tpu.memory_space<vmem>>, vector<16xf32>,
      %add3A_484 = arith.addf %get3A_474, %get3A_480 : vector<16xf32>
      %mul3A_485 = arith.mulf %get3A_471, %add3A_484 : vector<16xf32>
      %add3A_486 = arith.addf %add3A_463, %mul3A_485 : vector<16xf32>
      %mul3A_487 = arith.mulf %get3A_474, %get3A_480 : vector<16xf32>
      %add3A_488 = arith.addf %add3A_486, %mul3A_487 : vector<16xf32>
      %add3A_489 = arith.addf %get3A_477, %get3A_483 : vector<16xf32>
      %mul3A_490 = arith.mulf %get3A_471, %add3A_489 : vector<16xf32>
      %add3A_491 = arith.addf %add3A_468, %mul3A_490 : vector<16xf32>
      %mul3A_492 = arith.mulf %get3A_477, %get3A_483 : vector<16xf32>
      %add3A_493 = arith.addf %add3A_491, %mul3A_492 : vector<16xf32>
      %get3A_494 = arith.index_cast %add3A_414 : i32 to index
      %get3A_495 = arith.constant 48 : index
      %get3A_496 = tpu.vector_load %arg15[%get3A_494, %get3A_495] {strides = array<i32>} : memref<128x128xf32, #tpu.memory_space<vmem>>, vector<16xf32>,
      %get3A_497 = arith.index_cast %add3A_414 : i32 to index
      %get3A_498 = arith.constant 48 : index
      %get3A_499 = tpu.vector_load %arg16[%get3A_497, %get3A_498] {strides = array<i32>} : memref<128x128xf32, #tpu.memory_space<vmem>>, vector<16xf32>,
      %get3A_500 = arith.index_cast %add3A_414 : i32 to index
      %get3A_501 = arith.constant 48 : index
      %get3A_502 = tpu.vector_load %arg17[%get3A_500, %get3A_501] {strides = array<i32>} : memref<128x128xf32, #tpu.memory_space<vmem>>, vector<16xf32>,
      %get3A_503 = arith.index_cast %add3A_414 : i32 to index
      %get3A_504 = arith.constant 48 : index
      %get3A_505 = tpu.vector_load %arg18[%get3A_503, %get3A_504] {strides = array<i32>} : memref<128x128xf32, #tpu.memory_space<vmem>>, vector<16xf32>,
      %get3A_506 = arith.index_cast %add3A_414 : i32 to index
      %get3A_507 = arith.constant 48 : index
      %get3A_508 = tpu.vector_load %arg19[%get3A_506, %get3A_507] {strides = array<i32>} : memref<128x128xf32, #tpu.memory_space<vmem>>, vector<16xf32>,
      %add3A_509 = arith.addf %get3A_499, %get3A_505 : vector<16xf32>
      %mul3A_510 = arith.mulf %get3A_496, %add3A_509 : vector<16xf32>
      %add3A_511 = arith.addf %add3A_488, %mul3A_510 : vector<16xf32>
      %mul3A_512 = arith.mulf %get3A_499, %get3A_505 : vector<16xf32>
      %add3A_513 = arith.addf %add3A_511, %mul3A_512 : vector<16xf32>
      %add3A_514 = arith.addf %get3A_502, %get3A_508 : vector<16xf32>
      %mul3A_515 = arith.mulf %get3A_496, %add3A_514 : vector<16xf32>
      %add3A_516 = arith.addf %add3A_493, %mul3A_515 : vector<16xf32>
      %mul3A_517 = arith.mulf %get3A_502, %get3A_508 : vector<16xf32>
      %add3A_518 = arith.addf %add3A_516, %mul3A_517 : vector<16xf32>
      %get3A_519 = arith.index_cast %add3A_414 : i32 to index
      %get3A_520 = arith.constant 64 : index
      %get3A_521 = tpu.vector_load %arg15[%get3A_519, %get3A_520] {strides = array<i32>} : memref<128x128xf32, #tpu.memory_space<vmem>>, vector<16xf32>,
      %get3A_522 = arith.index_cast %add3A_414 : i32 to index
      %get3A_523 = arith.constant 64 : index
      %get3A_524 = tpu.vector_load %arg16[%get3A_522, %get3A_523] {strides = array<i32>} : memref<128x128xf32, #tpu.memory_space<vmem>>, vector<16xf32>,
      %get3A_525 = arith.index_cast %add3A_414 : i32 to index
      %get3A_526 = arith.constant 64 : index
      %get3A_527 = tpu.vector_load %arg17[%get3A_525, %get3A_526] {strides = array<i32>} : memref<128x128xf32, #tpu.memory_space<vmem>>, vector<16xf32>,
      %get3A_528 = arith.index_cast %add3A_414 : i32 to index
      %get3A_529 = arith.constant 64 : index
      %get3A_530 = tpu.vector_load %arg18[%get3A_528, %get3A_529] {strides = array<i32>} : memref<128x128xf32, #tpu.memory_space<vmem>>, vector<16xf32>,
      %get3A_531 = arith.index_cast %add3A_414 : i32 to index
      %get3A_532 = arith.constant 64 : index
      %get3A_533 = tpu.vector_load %arg19[%get3A_531, %get3A_532] {strides = array<i32>} : memref<128x128xf32, #tpu.memory_space<vmem>>, vector<16xf32>,
      %add3A_534 = arith.addf %get3A_524, %get3A_530 : vector<16xf32>
      %mul3A_535 = arith.mulf %get3A_521, %add3A_534 : vector<16xf32>
      %add3A_536 = arith.addf %add3A_513, %mul3A_535 : vector<16xf32>
      %mul3A_537 = arith.mulf %get3A_524, %get3A_530 : vector<16xf32>
      %add3A_538 = arith.addf %add3A_536, %mul3A_537 : vector<16xf32>
      %add3A_539 = arith.addf %get3A_527, %get3A_533 : vector<16xf32>
      %mul3A_540 = arith.mulf %get3A_521, %add3A_539 : vector<16xf32>
      %add3A_541 = arith.addf %add3A_518, %mul3A_540 : vector<16xf32>
      %mul3A_542 = arith.mulf %get3A_527, %get3A_533 : vector<16xf32>
      %add3A_543 = arith.addf %add3A_541, %mul3A_542 : vector<16xf32>
      %get3A_544 = arith.index_cast %add3A_414 : i32 to index
      %get3A_545 = arith.constant 80 : index
      %get3A_546 = tpu.vector_load %arg15[%get3A_544, %get3A_545] {strides = array<i32>} : memref<128x128xf32, #tpu.memory_space<vmem>>, vector<16xf32>,
      %get3A_547 = arith.index_cast %add3A_414 : i32 to index
      %get3A_548 = arith.constant 80 : index
      %get3A_549 = tpu.vector_load %arg16[%get3A_547, %get3A_548] {strides = array<i32>} : memref<128x128xf32, #tpu.memory_space<vmem>>, vector<16xf32>,
      %get3A_550 = arith.index_cast %add3A_414 : i32 to index
      %get3A_551 = arith.constant 80 : index
      %get3A_552 = tpu.vector_load %arg17[%get3A_550, %get3A_551] {strides = array<i32>} : memref<128x128xf32, #tpu.memory_space<vmem>>, vector<16xf32>,
      %get3A_553 = arith.index_cast %add3A_414 : i32 to index
      %get3A_554 = arith.constant 80 : index
      %get3A_555 = tpu.vector_load %arg18[%get3A_553, %get3A_554] {strides = array<i32>} : memref<128x128xf32, #tpu.memory_space<vmem>>, vector<16xf32>,
      %get3A_556 = arith.index_cast %add3A_414 : i32 to index
      %get3A_557 = arith.constant 80 : index
      %get3A_558 = tpu.vector_load %arg19[%get3A_556, %get3A_557] {strides = array<i32>} : memref<128x128xf32, #tpu.memory_space<vmem>>, vector<16xf32>,
      %add3A_559 = arith.addf %get3A_549, %get3A_555 : vector<16xf32>
      %mul3A_560 = arith.mulf %get3A_546, %add3A_559 : vector<16xf32>
      %add3A_561 = arith.addf %add3A_538, %mul3A_560 : vector<16xf32>
      %mul3A_562 = arith.mulf %get3A_549, %get3A_555 : vector<16xf32>
      %add3A_563 = arith.addf %add3A_561, %mul3A_562 : vector<16xf32>
      %add3A_564 = arith.addf %get3A_552, %get3A_558 : vector<16xf32>
      %mul3A_565 = arith.mulf %get3A_546, %add3A_564 : vector<16xf32>
      %add3A_566 = arith.addf %add3A_543, %mul3A_565 : vector<16xf32>
      %mul3A_567 = arith.mulf %get3A_552, %get3A_558 : vector<16xf32>
      %add3A_568 = arith.addf %add3A_566, %mul3A_567 : vector<16xf32>
      %get3A_569 = arith.index_cast %add3A_414 : i32 to index
      %get3A_570 = arith.constant 96 : index
      %get3A_571 = tpu.vector_load %arg15[%get3A_569, %get3A_570] {strides = array<i32>} : memref<128x128xf32, #tpu.memory_space<vmem>>, vector<16xf32>,
      %get3A_572 = arith.index_cast %add3A_414 : i32 to index
      %get3A_573 = arith.constant 96 : index
      %get3A_574 = tpu.vector_load %arg16[%get3A_572, %get3A_573] {strides = array<i32>} : memref<128x128xf32, #tpu.memory_space<vmem>>, vector<16xf32>,
      %get3A_575 = arith.index_cast %add3A_414 : i32 to index
      %get3A_576 = arith.constant 96 : index
      %get3A_577 = tpu.vector_load %arg17[%get3A_575, %get3A_576] {strides = array<i32>} : memref<128x128xf32, #tpu.memory_space<vmem>>, vector<16xf32>,
      %get3A_578 = arith.index_cast %add3A_414 : i32 to index
      %get3A_579 = arith.constant 96 : index
      %get3A_580 = tpu.vector_load %arg18[%get3A_578, %get3A_579] {strides = array<i32>} : memref<128x128xf32, #tpu.memory_space<vmem>>, vector<16xf32>,
      %get3A_581 = arith.index_cast %add3A_414 : i32 to index
      %get3A_582 = arith.constant 96 : index
      %get3A_583 = tpu.vector_load %arg19[%get3A_581, %get3A_582] {strides = array<i32>} : memref<128x128xf32, #tpu.memory_space<vmem>>, vector<16xf32>,
      %add3A_584 = arith.addf %get3A_574, %get3A_580 : vector<16xf32>
      %mul3A_585 = arith.mulf %get3A_571, %add3A_584 : vector<16xf32>
      %add3A_586 = arith.addf %add3A_563, %mul3A_585 : vector<16xf32>
      %mul3A_587 = arith.mulf %get3A_574, %get3A_580 : vector<16xf32>
      %add3A_588 = arith.addf %add3A_586, %mul3A_587 : vector<16xf32>
      %add3A_589 = arith.addf %get3A_577, %get3A_583 : vector<16xf32>
      %mul3A_590 = arith.mulf %get3A_571, %add3A_589 : vector<16xf32>
      %add3A_591 = arith.addf %add3A_568, %mul3A_590 : vector<16xf32>
      %mul3A_592 = arith.mulf %get3A_577, %get3A_583 : vector<16xf32>
      %add3A_593 = arith.addf %add3A_591, %mul3A_592 : vector<16xf32>
      %get3A_594 = arith.index_cast %add3A_414 : i32 to index
      %get3A_595 = arith.constant 112 : index
      %get3A_596 = tpu.vector_load %arg15[%get3A_594, %get3A_595] {strides = array<i32>} : memref<128x128xf32, #tpu.memory_space<vmem>>, vector<16xf32>,
      %get3A_597 = arith.index_cast %add3A_414 : i32 to index
      %get3A_598 = arith.constant 112 : index
      %get3A_599 = tpu.vector_load %arg16[%get3A_597, %get3A_598] {strides = array<i32>} : memref<128x128xf32, #tpu.memory_space<vmem>>, vector<16xf32>,
      %get3A_600 = arith.index_cast %add3A_414 : i32 to index
      %get3A_601 = arith.constant 112 : index
      %get3A_602 = tpu.vector_load %arg17[%get3A_600, %get3A_601] {strides = array<i32>} : memref<128x128xf32, #tpu.memory_space<vmem>>, vector<16xf32>,
      %get3A_603 = arith.index_cast %add3A_414 : i32 to index
      %get3A_604 = arith.constant 112 : index
      %get3A_605 = tpu.vector_load %arg18[%get3A_603, %get3A_604] {strides = array<i32>} : memref<128x128xf32, #tpu.memory_space<vmem>>, vector<16xf32>,
      %get3A_606 = arith.index_cast %add3A_414 : i32 to index
      %get3A_607 = arith.constant 112 : index
      %get3A_608 = tpu.vector_load %arg19[%get3A_606, %get3A_607] {strides = array<i32>} : memref<128x128xf32, #tpu.memory_space<vmem>>, vector<16xf32>,
      %add3A_609 = arith.addf %get3A_599, %get3A_605 : vector<16xf32>
      %mul3A_610 = arith.mulf %get3A_596, %add3A_609 : vector<16xf32>
      %add3A_611 = arith.addf %add3A_588, %mul3A_610 : vector<16xf32>
      %mul3A_612 = arith.mulf %get3A_599, %get3A_605 : vector<16xf32>
      %add3A_613 = arith.addf %add3A_611, %mul3A_612 : vector<16xf32>
      %add3A_614 = arith.addf %get3A_602, %get3A_608 : vector<16xf32>
      %mul3A_615 = arith.mulf %get3A_596, %add3A_614 : vector<16xf32>
      %add3A_616 = arith.addf %add3A_593, %mul3A_615 : vector<16xf32>
      %mul3A_617 = arith.mulf %get3A_602, %get3A_608 : vector<16xf32>
      %add3A_618 = arith.addf %add3A_616, %mul3A_617 : vector<16xf32>
      %eq3A_619 = arith.constant 1 : i32
      %eq3A_620 = vector.broadcast %eq3A_619 : i32 to vector<16xi32>
      %eq3A_621 = arith.cmpi eq, %iota3A, %eq3A_620 : vector<16xi32>
      %reduce_sum3A_622 = arith.constant true
      %reduce_sum3A_623 = vector.broadcast %reduce_sum3A_622 : i1 to vector<16xi1>
      %reduce_sum3A_624 = tpu.scan <sum>, %add3A_613 masked %reduce_sum3A_623 : vector<16xf32>, vector<16xi1> -> vector<16xf32>
      %reduce_sum3A_625 = vector.extract %reduce_sum3A_624[15] : f32 from vector<16xf32>
      %broadcast_in_dim3A_626 = vector.broadcast %reduce_sum3A_625 : f32 to vector<16xf32>
      %select_n3A_627 = arith.select %eq3A_621, %broadcast_in_dim3A_626, %select_n3A : vector<16xi1>, vector<16xf32>
      %eq3A_628 = arith.constant 1 : i32
      %eq3A_629 = vector.broadcast %eq3A_628 : i32 to vector<16xi32>
      %eq3A_630 = arith.cmpi eq, %iota3A, %eq3A_629 : vector<16xi32>
      %reduce_sum3A_631 = arith.constant true
      %reduce_sum3A_632 = vector.broadcast %reduce_sum3A_631 : i1 to vector<16xi1>
      %reduce_sum3A_633 = tpu.scan <sum>, %add3A_618 masked %reduce_sum3A_632 : vector<16xf32>, vector<16xi1> -> vector<16xf32>
      %reduce_sum3A_634 = vector.extract %reduce_sum3A_633[15] : f32 from vector<16xf32>
      %broadcast_in_dim3A_635 = vector.broadcast %reduce_sum3A_634 : f32 to vector<16xf32>
      %select_n3A_636 = arith.select %eq3A_630, %broadcast_in_dim3A_635, %select_n3A_410 : vector<16xi1>, vector<16xf32>
      %mul3A_637 = arith.constant 16 : i32
      %mul3A_638 = arith.muli %scan3A_167, %mul3A_637 : i32
      %add3A_639 = arith.constant 2 : i32
      %add3A_640 = arith.addi %mul3A_638, %add3A_639 : i32
      %broadcast_in_dim3A_641 = arith.constant 0.000000e+00 : f32
      %broadcast_in_dim3A_642 = vector.broadcast %broadcast_in_dim3A_641 : f32 to vector<16xf32>
      %broadcast_in_dim3A_643 = arith.constant 0.000000e+00 : f32
      %broadcast_in_dim3A_644 = vector.broadcast %broadcast_in_dim3A_643 : f32 to vector<16xf32>
      %get3A_645 = arith.index_cast %add3A_640 : i32 to index
      %get3A_646 = arith.constant 0 : index
      %get3A_647 = tpu.vector_load %arg15[%get3A_645, %get3A_646] {strides = array<i32>} : memref<128x128xf32, #tpu.memory_space<vmem>>, vector<16xf32>,
      %get3A_648 = arith.index_cast %add3A_640 : i32 to index
      %get3A_649 = arith.constant 0 : index
      %get3A_650 = tpu.vector_load %arg16[%get3A_648, %get3A_649] {strides = array<i32>} : memref<128x128xf32, #tpu.memory_space<vmem>>, vector<16xf32>,
      %get3A_651 = arith.index_cast %add3A_640 : i32 to index
      %get3A_652 = arith.constant 0 : index
      %get3A_653 = tpu.vector_load %arg17[%get3A_651, %get3A_652] {strides = array<i32>} : memref<128x128xf32, #tpu.memory_space<vmem>>, vector<16xf32>,
      %get3A_654 = arith.index_cast %add3A_640 : i32 to index
      %get3A_655 = arith.constant 0 : index
      %get3A_656 = tpu.vector_load %arg18[%get3A_654, %get3A_655] {strides = array<i32>} : memref<128x128xf32, #tpu.memory_space<vmem>>, vector<16xf32>,
      %get3A_657 = arith.index_cast %add3A_640 : i32 to index
      %get3A_658 = arith.constant 0 : index
      %get3A_659 = tpu.vector_load %arg19[%get3A_657, %get3A_658] {strides = array<i32>} : memref<128x128xf32, #tpu.memory_space<vmem>>, vector<16xf32>,
      %add3A_660 = arith.addf %get3A_650, %get3A_656 : vector<16xf32>
      %mul3A_661 = arith.mulf %get3A_647, %add3A_660 : vector<16xf32>
      %add3A_662 = arith.addf %broadcast_in_dim3A_642, %mul3A_661 : vector<16xf32>
      %mul3A_663 = arith.mulf %get3A_650, %get3A_656 : vector<16xf32>
      %add3A_664 = arith.addf %add3A_662, %mul3A_663 : vector<16xf32>
      %add3A_665 = arith.addf %get3A_653, %get3A_659 : vector<16xf32>
      %mul3A_666 = arith.mulf %get3A_647, %add3A_665 : vector<16xf32>
      %add3A_667 = arith.addf %broadcast_in_dim3A_644, %mul3A_666 : vector<16xf32>
      %mul3A_668 = arith.mulf %get3A_653, %get3A_659 : vector<16xf32>
      %add3A_669 = arith.addf %add3A_667, %mul3A_668 : vector<16xf32>
      %get3A_670 = arith.index_cast %add3A_640 : i32 to index
      %get3A_671 = arith.constant 16 : index
      %get3A_672 = tpu.vector_load %arg15[%get3A_670, %get3A_671] {strides = array<i32>} : memref<128x128xf32, #tpu.memory_space<vmem>>, vector<16xf32>,
      %get3A_673 = arith.index_cast %add3A_640 : i32 to index
      %get3A_674 = arith.constant 16 : index
      %get3A_675 = tpu.vector_load %arg16[%get3A_673, %get3A_674] {strides = array<i32>} : memref<128x128xf32, #tpu.memory_space<vmem>>, vector<16xf32>,
      %get3A_676 = arith.index_cast %add3A_640 : i32 to index
      %get3A_677 = arith.constant 16 : index
      %get3A_678 = tpu.vector_load %arg17[%get3A_676, %get3A_677] {strides = array<i32>} : memref<128x128xf32, #tpu.memory_space<vmem>>, vector<16xf32>,
      %get3A_679 = arith.index_cast %add3A_640 : i32 to index
      %get3A_680 = arith.constant 16 : index
      %get3A_681 = tpu.vector_load %arg18[%get3A_679, %get3A_680] {strides = array<i32>} : memref<128x128xf32, #tpu.memory_space<vmem>>, vector<16xf32>,
      %get3A_682 = arith.index_cast %add3A_640 : i32 to index
      %get3A_683 = arith.constant 16 : index
      %get3A_684 = tpu.vector_load %arg19[%get3A_682, %get3A_683] {strides = array<i32>} : memref<128x128xf32, #tpu.memory_space<vmem>>, vector<16xf32>,
      %add3A_685 = arith.addf %get3A_675, %get3A_681 : vector<16xf32>
      %mul3A_686 = arith.mulf %get3A_672, %add3A_685 : vector<16xf32>
      %add3A_687 = arith.addf %add3A_664, %mul3A_686 : vector<16xf32>
      %mul3A_688 = arith.mulf %get3A_675, %get3A_681 : vector<16xf32>
      %add3A_689 = arith.addf %add3A_687, %mul3A_688 : vector<16xf32>
      %add3A_690 = arith.addf %get3A_678, %get3A_684 : vector<16xf32>
      %mul3A_691 = arith.mulf %get3A_672, %add3A_690 : vector<16xf32>
      %add3A_692 = arith.addf %add3A_669, %mul3A_691 : vector<16xf32>
      %mul3A_693 = arith.mulf %get3A_678, %get3A_684 : vector<16xf32>
      %add3A_694 = arith.addf %add3A_692, %mul3A_693 : vector<16xf32>
      %get3A_695 = arith.index_cast %add3A_640 : i32 to index
      %get3A_696 = arith.constant 32 : index
      %get3A_697 = tpu.vector_load %arg15[%get3A_695, %get3A_696] {strides = array<i32>} : memref<128x128xf32, #tpu.memory_space<vmem>>, vector<16xf32>,
      %get3A_698 = arith.index_cast %add3A_640 : i32 to index
      %get3A_699 = arith.constant 32 : index
      %get3A_700 = tpu.vector_load %arg16[%get3A_698, %get3A_699] {strides = array<i32>} : memref<128x128xf32, #tpu.memory_space<vmem>>, vector<16xf32>,
      %get3A_701 = arith.index_cast %add3A_640 : i32 to index
      %get3A_702 = arith.constant 32 : index
      %get3A_703 = tpu.vector_load %arg17[%get3A_701, %get3A_702] {strides = array<i32>} : memref<128x128xf32, #tpu.memory_space<vmem>>, vector<16xf32>,
      %get3A_704 = arith.index_cast %add3A_640 : i32 to index
      %get3A_705 = arith.constant 32 : index
      %get3A_706 = tpu.vector_load %arg18[%get3A_704, %get3A_705] {strides = array<i32>} : memref<128x128xf32, #tpu.memory_space<vmem>>, vector<16xf32>,
      %get3A_707 = arith.index_cast %add3A_640 : i32 to index
      %get3A_708 = arith.constant 32 : index
      %get3A_709 = tpu.vector_load %arg19[%get3A_707, %get3A_708] {strides = array<i32>} : memref<128x128xf32, #tpu.memory_space<vmem>>, vector<16xf32>,
      %add3A_710 = arith.addf %get3A_700, %get3A_706 : vector<16xf32>
      %mul3A_711 = arith.mulf %get3A_697, %add3A_710 : vector<16xf32>
      %add3A_712 = arith.addf %add3A_689, %mul3A_711 : vector<16xf32>
      %mul3A_713 = arith.mulf %get3A_700, %get3A_706 : vector<16xf32>
      %add3A_714 = arith.addf %add3A_712, %mul3A_713 : vector<16xf32>
      %add3A_715 = arith.addf %get3A_703, %get3A_709 : vector<16xf32>
      %mul3A_716 = arith.mulf %get3A_697, %add3A_715 : vector<16xf32>
      %add3A_717 = arith.addf %add3A_694, %mul3A_716 : vector<16xf32>
      %mul3A_718 = arith.mulf %get3A_703, %get3A_709 : vector<16xf32>
      %add3A_719 = arith.addf %add3A_717, %mul3A_718 : vector<16xf32>
      %get3A_720 = arith.index_cast %add3A_640 : i32 to index
      %get3A_721 = arith.constant 48 : index
      %get3A_722 = tpu.vector_load %arg15[%get3A_720, %get3A_721] {strides = array<i32>} : memref<128x128xf32, #tpu.memory_space<vmem>>, vector<16xf32>,
      %get3A_723 = arith.index_cast %add3A_640 : i32 to index
      %get3A_724 = arith.constant 48 : index
      %get3A_725 = tpu.vector_load %arg16[%get3A_723, %get3A_724] {strides = array<i32>} : memref<128x128xf32, #tpu.memory_space<vmem>>, vector<16xf32>,
      %get3A_726 = arith.index_cast %add3A_640 : i32 to index
      %get3A_727 = arith.constant 48 : index
      %get3A_728 = tpu.vector_load %arg17[%get3A_726, %get3A_727] {strides = array<i32>} : memref<128x128xf32, #tpu.memory_space<vmem>>, vector<16xf32>,
      %get3A_729 = arith.index_cast %add3A_640 : i32 to index
      %get3A_730 = arith.constant 48 : index
      %get3A_731 = tpu.vector_load %arg18[%get3A_729, %get3A_730] {strides = array<i32>} : memref<128x128xf32, #tpu.memory_space<vmem>>, vector<16xf32>,
      %get3A_732 = arith.index_cast %add3A_640 : i32 to index
      %get3A_733 = arith.constant 48 : index
      %get3A_734 = tpu.vector_load %arg19[%get3A_732, %get3A_733] {strides = array<i32>} : memref<128x128xf32, #tpu.memory_space<vmem>>, vector<16xf32>,
      %add3A_735 = arith.addf %get3A_725, %get3A_731 : vector<16xf32>
      %mul3A_736 = arith.mulf %get3A_722, %add3A_735 : vector<16xf32>
      %add3A_737 = arith.addf %add3A_714, %mul3A_736 : vector<16xf32>
      %mul3A_738 = arith.mulf %get3A_725, %get3A_731 : vector<16xf32>
      %add3A_739 = arith.addf %add3A_737, %mul3A_738 : vector<16xf32>
      %add3A_740 = arith.addf %get3A_728, %get3A_734 : vector<16xf32>
      %mul3A_741 = arith.mulf %get3A_722, %add3A_740 : vector<16xf32>
      %add3A_742 = arith.addf %add3A_719, %mul3A_741 : vector<16xf32>
      %mul3A_743 = arith.mulf %get3A_728, %get3A_734 : vector<16xf32>
      %add3A_744 = arith.addf %add3A_742, %mul3A_743 : vector<16xf32>
      %get3A_745 = arith.index_cast %add3A_640 : i32 to index
      %get3A_746 = arith.constant 64 : index
      %get3A_747 = tpu.vector_load %arg15[%get3A_745, %get3A_746] {strides = array<i32>} : memref<128x128xf32, #tpu.memory_space<vmem>>, vector<16xf32>,
      %get3A_748 = arith.index_cast %add3A_640 : i32 to index
      %get3A_749 = arith.constant 64 : index
      %get3A_750 = tpu.vector_load %arg16[%get3A_748, %get3A_749] {strides = array<i32>} : memref<128x128xf32, #tpu.memory_space<vmem>>, vector<16xf32>,
      %get3A_751 = arith.index_cast %add3A_640 : i32 to index
      %get3A_752 = arith.constant 64 : index
      %get3A_753 = tpu.vector_load %arg17[%get3A_751, %get3A_752] {strides = array<i32>} : memref<128x128xf32, #tpu.memory_space<vmem>>, vector<16xf32>,
      %get3A_754 = arith.index_cast %add3A_640 : i32 to index
      %get3A_755 = arith.constant 64 : index
      %get3A_756 = tpu.vector_load %arg18[%get3A_754, %get3A_755] {strides = array<i32>} : memref<128x128xf32, #tpu.memory_space<vmem>>, vector<16xf32>,
      %get3A_757 = arith.index_cast %add3A_640 : i32 to index
      %get3A_758 = arith.constant 64 : index
      %get3A_759 = tpu.vector_load %arg19[%get3A_757, %get3A_758] {strides = array<i32>} : memref<128x128xf32, #tpu.memory_space<vmem>>, vector<16xf32>,
      %add3A_760 = arith.addf %get3A_750, %get3A_756 : vector<16xf32>
      %mul3A_761 = arith.mulf %get3A_747, %add3A_760 : vector<16xf32>
      %add3A_762 = arith.addf %add3A_739, %mul3A_761 : vector<16xf32>
      %mul3A_763 = arith.mulf %get3A_750, %get3A_756 : vector<16xf32>
      %add3A_764 = arith.addf %add3A_762, %mul3A_763 : vector<16xf32>
      %add3A_765 = arith.addf %get3A_753, %get3A_759 : vector<16xf32>
      %mul3A_766 = arith.mulf %get3A_747, %add3A_765 : vector<16xf32>
      %add3A_767 = arith.addf %add3A_744, %mul3A_766 : vector<16xf32>
      %mul3A_768 = arith.mulf %get3A_753, %get3A_759 : vector<16xf32>
      %add3A_769 = arith.addf %add3A_767, %mul3A_768 : vector<16xf32>
      %get3A_770 = arith.index_cast %add3A_640 : i32 to index
      %get3A_771 = arith.constant 80 : index
      %get3A_772 = tpu.vector_load %arg15[%get3A_770, %get3A_771] {strides = array<i32>} : memref<128x128xf32, #tpu.memory_space<vmem>>, vector<16xf32>,
      %get3A_773 = arith.index_cast %add3A_640 : i32 to index
      %get3A_774 = arith.constant 80 : index
      %get3A_775 = tpu.vector_load %arg16[%get3A_773, %get3A_774] {strides = array<i32>} : memref<128x128xf32, #tpu.memory_space<vmem>>, vector<16xf32>,
      %get3A_776 = arith.index_cast %add3A_640 : i32 to index
      %get3A_777 = arith.constant 80 : index
      %get3A_778 = tpu.vector_load %arg17[%get3A_776, %get3A_777] {strides = array<i32>} : memref<128x128xf32, #tpu.memory_space<vmem>>, vector<16xf32>,
      %get3A_779 = arith.index_cast %add3A_640 : i32 to index
      %get3A_780 = arith.constant 80 : index
      %get3A_781 = tpu.vector_load %arg18[%get3A_779, %get3A_780] {strides = array<i32>} : memref<128x128xf32, #tpu.memory_space<vmem>>, vector<16xf32>,
      %get3A_782 = arith.index_cast %add3A_640 : i32 to index
      %get3A_783 = arith.constant 80 : index
      %get3A_784 = tpu.vector_load %arg19[%get3A_782, %get3A_783] {strides = array<i32>} : memref<128x128xf32, #tpu.memory_space<vmem>>, vector<16xf32>,
      %add3A_785 = arith.addf %get3A_775, %get3A_781 : vector<16xf32>
      %mul3A_786 = arith.mulf %get3A_772, %add3A_785 : vector<16xf32>
      %add3A_787 = arith.addf %add3A_764, %mul3A_786 : vector<16xf32>
      %mul3A_788 = arith.mulf %get3A_775, %get3A_781 : vector<16xf32>
      %add3A_789 = arith.addf %add3A_787, %mul3A_788 : vector<16xf32>
      %add3A_790 = arith.addf %get3A_778, %get3A_784 : vector<16xf32>
      %mul3A_791 = arith.mulf %get3A_772, %add3A_790 : vector<16xf32>
      %add3A_792 = arith.addf %add3A_769, %mul3A_791 : vector<16xf32>
      %mul3A_793 = arith.mulf %get3A_778, %get3A_784 : vector<16xf32>
      %add3A_794 = arith.addf %add3A_792, %mul3A_793 : vector<16xf32>
      %get3A_795 = arith.index_cast %add3A_640 : i32 to index
      %get3A_796 = arith.constant 96 : index
      %get3A_797 = tpu.vector_load %arg15[%get3A_795, %get3A_796] {strides = array<i32>} : memref<128x128xf32, #tpu.memory_space<vmem>>, vector<16xf32>,
      %get3A_798 = arith.index_cast %add3A_640 : i32 to index
      %get3A_799 = arith.constant 96 : index
      %get3A_800 = tpu.vector_load %arg16[%get3A_798, %get3A_799] {strides = array<i32>} : memref<128x128xf32, #tpu.memory_space<vmem>>, vector<16xf32>,
      %get3A_801 = arith.index_cast %add3A_640 : i32 to index
      %get3A_802 = arith.constant 96 : index
      %get3A_803 = tpu.vector_load %arg17[%get3A_801, %get3A_802] {strides = array<i32>} : memref<128x128xf32, #tpu.memory_space<vmem>>, vector<16xf32>,
      %get3A_804 = arith.index_cast %add3A_640 : i32 to index
      %get3A_805 = arith.constant 96 : index
      %get3A_806 = tpu.vector_load %arg18[%get3A_804, %get3A_805] {strides = array<i32>} : memref<128x128xf32, #tpu.memory_space<vmem>>, vector<16xf32>,
      %get3A_807 = arith.index_cast %add3A_640 : i32 to index
      %get3A_808 = arith.constant 96 : index
      %get3A_809 = tpu.vector_load %arg19[%get3A_807, %get3A_808] {strides = array<i32>} : memref<128x128xf32, #tpu.memory_space<vmem>>, vector<16xf32>,
      %add3A_810 = arith.addf %get3A_800, %get3A_806 : vector<16xf32>
      %mul3A_811 = arith.mulf %get3A_797, %add3A_810 : vector<16xf32>
      %add3A_812 = arith.addf %add3A_789, %mul3A_811 : vector<16xf32>
      %mul3A_813 = arith.mulf %get3A_800, %get3A_806 : vector<16xf32>
      %add3A_814 = arith.addf %add3A_812, %mul3A_813 : vector<16xf32>
      %add3A_815 = arith.addf %get3A_803, %get3A_809 : vector<16xf32>
      %mul3A_816 = arith.mulf %get3A_797, %add3A_815 : vector<16xf32>
      %add3A_817 = arith.addf %add3A_794, %mul3A_816 : vector<16xf32>
      %mul3A_818 = arith.mulf %get3A_803, %get3A_809 : vector<16xf32>
      %add3A_819 = arith.addf %add3A_817, %mul3A_818 : vector<16xf32>
      %get3A_820 = arith.index_cast %add3A_640 : i32 to index
      %get3A_821 = arith.constant 112 : index
      %get3A_822 = tpu.vector_load %arg15[%get3A_820, %get3A_821] {strides = array<i32>} : memref<128x128xf32, #tpu.memory_space<vmem>>, vector<16xf32>,
      %get3A_823 = arith.index_cast %add3A_640 : i32 to index
      %get3A_824 = arith.constant 112 : index
      %get3A_825 = tpu.vector_load %arg16[%get3A_823, %get3A_824] {strides = array<i32>} : memref<128x128xf32, #tpu.memory_space<vmem>>, vector<16xf32>,
      %get3A_826 = arith.index_cast %add3A_640 : i32 to index
      %get3A_827 = arith.constant 112 : index
      %get3A_828 = tpu.vector_load %arg17[%get3A_826, %get3A_827] {strides = array<i32>} : memref<128x128xf32, #tpu.memory_space<vmem>>, vector<16xf32>,
      %get3A_829 = arith.index_cast %add3A_640 : i32 to index
      %get3A_830 = arith.constant 112 : index
      %get3A_831 = tpu.vector_load %arg18[%get3A_829, %get3A_830] {strides = array<i32>} : memref<128x128xf32, #tpu.memory_space<vmem>>, vector<16xf32>,
      %get3A_832 = arith.index_cast %add3A_640 : i32 to index
      %get3A_833 = arith.constant 112 : index
      %get3A_834 = tpu.vector_load %arg19[%get3A_832, %get3A_833] {strides = array<i32>} : memref<128x128xf32, #tpu.memory_space<vmem>>, vector<16xf32>,
      %add3A_835 = arith.addf %get3A_825, %get3A_831 : vector<16xf32>
      %mul3A_836 = arith.mulf %get3A_822, %add3A_835 : vector<16xf32>
      %add3A_837 = arith.addf %add3A_814, %mul3A_836 : vector<16xf32>
      %mul3A_838 = arith.mulf %get3A_825, %get3A_831 : vector<16xf32>
      %add3A_839 = arith.addf %add3A_837, %mul3A_838 : vector<16xf32>
      %add3A_840 = arith.addf %get3A_828, %get3A_834 : vector<16xf32>
      %mul3A_841 = arith.mulf %get3A_822, %add3A_840 : vector<16xf32>
      %add3A_842 = arith.addf %add3A_819, %mul3A_841 : vector<16xf32>
      %mul3A_843 = arith.mulf %get3A_828, %get3A_834 : vector<16xf32>
      %add3A_844 = arith.addf %add3A_842, %mul3A_843 : vector<16xf32>
      %eq3A_845 = arith.constant 2 : i32
      %eq3A_846 = vector.broadcast %eq3A_845 : i32 to vector<16xi32>
      %eq3A_847 = arith.cmpi eq, %iota3A, %eq3A_846 : vector<16xi32>
      %reduce_sum3A_848 = arith.constant true
      %reduce_sum3A_849 = vector.broadcast %reduce_sum3A_848 : i1 to vector<16xi1>
      %reduce_sum3A_850 = tpu.scan <sum>, %add3A_839 masked %reduce_sum3A_849 : vector<16xf32>, vector<16xi1> -> vector<16xf32>
      %reduce_sum3A_851 = vector.extract %reduce_sum3A_850[15] : f32 from vector<16xf32>
      %broadcast_in_dim3A_852 = vector.broadcast %reduce_sum3A_851 : f32 to vector<16xf32>
      %select_n3A_853 = arith.select %eq3A_847, %broadcast_in_dim3A_852, %select_n3A_627 : vector<16xi1>, vector<16xf32>
      %eq3A_854 = arith.constant 2 : i32
      %eq3A_855 = vector.broadcast %eq3A_854 : i32 to vector<16xi32>
      %eq3A_856 = arith.cmpi eq, %iota3A, %eq3A_855 : vector<16xi32>
      %reduce_sum3A_857 = arith.constant true
      %reduce_sum3A_858 = vector.broadcast %reduce_sum3A_857 : i1 to vector<16xi1>
      %reduce_sum3A_859 = tpu.scan <sum>, %add3A_844 masked %reduce_sum3A_858 : vector<16xf32>, vector<16xi1> -> vector<16xf32>
      %reduce_sum3A_860 = vector.extract %reduce_sum3A_859[15] : f32 from vector<16xf32>
      %broadcast_in_dim3A_861 = vector.broadcast %reduce_sum3A_860 : f32 to vector<16xf32>
      %select_n3A_862 = arith.select %eq3A_856, %broadcast_in_dim3A_861, %select_n3A_636 : vector<16xi1>, vector<16xf32>
      %mul3A_863 = arith.constant 16 : i32
      %mul3A_864 = arith.muli %scan3A_167, %mul3A_863 : i32
      %add3A_865 = arith.constant 3 : i32
      %add3A_866 = arith.addi %mul3A_864, %add3A_865 : i32
      %broadcast_in_dim3A_867 = arith.constant 0.000000e+00 : f32
      %broadcast_in_dim3A_868 = vector.broadcast %broadcast_in_dim3A_867 : f32 to vector<16xf32>
      %broadcast_in_dim3A_869 = arith.constant 0.000000e+00 : f32
      %broadcast_in_dim3A_870 = vector.broadcast %broadcast_in_dim3A_869 : f32 to vector<16xf32>
      %get3A_871 = arith.index_cast %add3A_866 : i32 to index
      %get3A_872 = arith.constant 0 : index
      %get3A_873 = tpu.vector_load %arg15[%get3A_871, %get3A_872] {strides = array<i32>} : memref<128x128xf32, #tpu.memory_space<vmem>>, vector<16xf32>,
      %get3A_874 = arith.index_cast %add3A_866 : i32 to index
      %get3A_875 = arith.constant 0 : index
      %get3A_876 = tpu.vector_load %arg16[%get3A_874, %get3A_875] {strides = array<i32>} : memref<128x128xf32, #tpu.memory_space<vmem>>, vector<16xf32>,
      %get3A_877 = arith.index_cast %add3A_866 : i32 to index
      %get3A_878 = arith.constant 0 : index
      %get3A_879 = tpu.vector_load %arg17[%get3A_877, %get3A_878] {strides = array<i32>} : memref<128x128xf32, #tpu.memory_space<vmem>>, vector<16xf32>,
      %get3A_880 = arith.index_cast %add3A_866 : i32 to index
      %get3A_881 = arith.constant 0 : index
      %get3A_882 = tpu.vector_load %arg18[%get3A_880, %get3A_881] {strides = array<i32>} : memref<128x128xf32, #tpu.memory_space<vmem>>, vector<16xf32>,
      %get3A_883 = arith.index_cast %add3A_866 : i32 to index
      %get3A_884 = arith.constant 0 : index
      %get3A_885 = tpu.vector_load %arg19[%get3A_883, %get3A_884] {strides = array<i32>} : memref<128x128xf32, #tpu.memory_space<vmem>>, vector<16xf32>,
      %add3A_886 = arith.addf %get3A_876, %get3A_882 : vector<16xf32>
      %mul3A_887 = arith.mulf %get3A_873, %add3A_886 : vector<16xf32>
      %add3A_888 = arith.addf %broadcast_in_dim3A_868, %mul3A_887 : vector<16xf32>
      %mul3A_889 = arith.mulf %get3A_876, %get3A_882 : vector<16xf32>
      %add3A_890 = arith.addf %add3A_888, %mul3A_889 : vector<16xf32>
      %add3A_891 = arith.addf %get3A_879, %get3A_885 : vector<16xf32>
      %mul3A_892 = arith.mulf %get3A_873, %add3A_891 : vector<16xf32>
      %add3A_893 = arith.addf %broadcast_in_dim3A_870, %mul3A_892 : vector<16xf32>
      %mul3A_894 = arith.mulf %get3A_879, %get3A_885 : vector<16xf32>
      %add3A_895 = arith.addf %add3A_893, %mul3A_894 : vector<16xf32>
      %get3A_896 = arith.index_cast %add3A_866 : i32 to index
      %get3A_897 = arith.constant 16 : index
      %get3A_898 = tpu.vector_load %arg15[%get3A_896, %get3A_897] {strides = array<i32>} : memref<128x128xf32, #tpu.memory_space<vmem>>, vector<16xf32>,
      %get3A_899 = arith.index_cast %add3A_866 : i32 to index
      %get3A_900 = arith.constant 16 : index
      %get3A_901 = tpu.vector_load %arg16[%get3A_899, %get3A_900] {strides = array<i32>} : memref<128x128xf32, #tpu.memory_space<vmem>>, vector<16xf32>,
      %get3A_902 = arith.index_cast %add3A_866 : i32 to index
      %get3A_903 = arith.constant 16 : index
      %get3A_904 = tpu.vector_load %arg17[%get3A_902, %get3A_903] {strides = array<i32>} : memref<128x128xf32, #tpu.memory_space<vmem>>, vector<16xf32>,
      %get3A_905 = arith.index_cast %add3A_866 : i32 to index
      %get3A_906 = arith.constant 16 : index
      %get3A_907 = tpu.vector_load %arg18[%get3A_905, %get3A_906] {strides = array<i32>} : memref<128x128xf32, #tpu.memory_space<vmem>>, vector<16xf32>,
      %get3A_908 = arith.index_cast %add3A_866 : i32 to index
      %get3A_909 = arith.constant 16 : index
      %get3A_910 = tpu.vector_load %arg19[%get3A_908, %get3A_909] {strides = array<i32>} : memref<128x128xf32, #tpu.memory_space<vmem>>, vector<16xf32>,
      %add3A_911 = arith.addf %get3A_901, %get3A_907 : vector<16xf32>
      %mul3A_912 = arith.mulf %get3A_898, %add3A_911 : vector<16xf32>
      %add3A_913 = arith.addf %add3A_890, %mul3A_912 : vector<16xf32>
      %mul3A_914 = arith.mulf %get3A_901, %get3A_907 : vector<16xf32>
      %add3A_915 = arith.addf %add3A_913, %mul3A_914 : vector<16xf32>
      %add3A_916 = arith.addf %get3A_904, %get3A_910 : vector<16xf32>
      %mul3A_917 = arith.mulf %get3A_898, %add3A_916 : vector<16xf32>
      %add3A_918 = arith.addf %add3A_895, %mul3A_917 : vector<16xf32>
      %mul3A_919 = arith.mulf %get3A_904, %get3A_910 : vector<16xf32>
      %add3A_920 = arith.addf %add3A_918, %mul3A_919 : vector<16xf32>
      %get3A_921 = arith.index_cast %add3A_866 : i32 to index
      %get3A_922 = arith.constant 32 : index
      %get3A_923 = tpu.vector_load %arg15[%get3A_921, %get3A_922] {strides = array<i32>} : memref<128x128xf32, #tpu.memory_space<vmem>>, vector<16xf32>,
      %get3A_924 = arith.index_cast %add3A_866 : i32 to index
      %get3A_925 = arith.constant 32 : index
      %get3A_926 = tpu.vector_load %arg16[%get3A_924, %get3A_925] {strides = array<i32>} : memref<128x128xf32, #tpu.memory_space<vmem>>, vector<16xf32>,
      %get3A_927 = arith.index_cast %add3A_866 : i32 to index
      %get3A_928 = arith.constant 32 : index
      %get3A_929 = tpu.vector_load %arg17[%get3A_927, %get3A_928] {strides = array<i32>} : memref<128x128xf32, #tpu.memory_space<vmem>>, vector<16xf32>,
      %get3A_930 = arith.index_cast %add3A_866 : i32 to index
      %get3A_931 = arith.constant 32 : index
      %get3A_932 = tpu.vector_load %arg18[%get3A_930, %get3A_931] {strides = array<i32>} : memref<128x128xf32, #tpu.memory_space<vmem>>, vector<16xf32>,
      %get3A_933 = arith.index_cast %add3A_866 : i32 to index
      %get3A_934 = arith.constant 32 : index
      %get3A_935 = tpu.vector_load %arg19[%get3A_933, %get3A_934] {strides = array<i32>} : memref<128x128xf32, #tpu.memory_space<vmem>>, vector<16xf32>,
      %add3A_936 = arith.addf %get3A_926, %get3A_932 : vector<16xf32>
      %mul3A_937 = arith.mulf %get3A_923, %add3A_936 : vector<16xf32>
      %add3A_938 = arith.addf %add3A_915, %mul3A_937 : vector<16xf32>
      %mul3A_939 = arith.mulf %get3A_926, %get3A_932 : vector<16xf32>
      %add3A_940 = arith.addf %add3A_938, %mul3A_939 : vector<16xf32>
      %add3A_941 = arith.addf %get3A_929, %get3A_935 : vector<16xf32>
      %mul3A_942 = arith.mulf %get3A_923, %add3A_941 : vector<16xf32>
      %add3A_943 = arith.addf %add3A_920, %mul3A_942 : vector<16xf32>
      %mul3A_944 = arith.mulf %get3A_929, %get3A_935 : vector<16xf32>
      %add3A_945 = arith.addf %add3A_943, %mul3A_944 : vector<16xf32>
      %get3A_946 = arith.index_cast %add3A_866 : i32 to index
      %get3A_947 = arith.constant 48 : index
      %get3A_948 = tpu.vector_load %arg15[%get3A_946, %get3A_947] {strides = array<i32>} : memref<128x128xf32, #tpu.memory_space<vmem>>, vector<16xf32>,
      %get3A_949 = arith.index_cast %add3A_866 : i32 to index
      %get3A_950 = arith.constant 48 : index
      %get3A_951 = tpu.vector_load %arg16[%get3A_949, %get3A_950] {strides = array<i32>} : memref<128x128xf32, #tpu.memory_space<vmem>>, vector<16xf32>,
      %get3A_952 = arith.index_cast %add3A_866 : i32 to index
      %get3A_953 = arith.constant 48 : index
      %get3A_954 = tpu.vector_load %arg17[%get3A_952, %get3A_953] {strides = array<i32>} : memref<128x128xf32, #tpu.memory_space<vmem>>, vector<16xf32>,
      %get3A_955 = arith.index_cast %add3A_866 : i32 to index
      %get3A_956 = arith.constant 48 : index
      %get3A_957 = tpu.vector_load %arg18[%get3A_955, %get3A_956] {strides = array<i32>} : memref<128x128xf32, #tpu.memory_space<vmem>>, vector<16xf32>,
      %get3A_958 = arith.index_cast %add3A_866 : i32 to index
      %get3A_959 = arith.constant 48 : index
      %get3A_960 = tpu.vector_load %arg19[%get3A_958, %get3A_959] {strides = array<i32>} : memref<128x128xf32, #tpu.memory_space<vmem>>, vector<16xf32>,
      %add3A_961 = arith.addf %get3A_951, %get3A_957 : vector<16xf32>
      %mul3A_962 = arith.mulf %get3A_948, %add3A_961 : vector<16xf32>
      %add3A_963 = arith.addf %add3A_940, %mul3A_962 : vector<16xf32>
      %mul3A_964 = arith.mulf %get3A_951, %get3A_957 : vector<16xf32>
      %add3A_965 = arith.addf %add3A_963, %mul3A_964 : vector<16xf32>
      %add3A_966 = arith.addf %get3A_954, %get3A_960 : vector<16xf32>
      %mul3A_967 = arith.mulf %get3A_948, %add3A_966 : vector<16xf32>
      %add3A_968 = arith.addf %add3A_945, %mul3A_967 : vector<16xf32>
      %mul3A_969 = arith.mulf %get3A_954, %get3A_960 : vector<16xf32>
      %add3A_970 = arith.addf %add3A_968, %mul3A_969 : vector<16xf32>
      %get3A_971 = arith.index_cast %add3A_866 : i32 to index
      %get3A_972 = arith.constant 64 : index
      %get3A_973 = tpu.vector_load %arg15[%get3A_971, %get3A_972] {strides = array<i32>} : memref<128x128xf32, #tpu.memory_space<vmem>>, vector<16xf32>,
      %get3A_974 = arith.index_cast %add3A_866 : i32 to index
      %get3A_975 = arith.constant 64 : index
      %get3A_976 = tpu.vector_load %arg16[%get3A_974, %get3A_975] {strides = array<i32>} : memref<128x128xf32, #tpu.memory_space<vmem>>, vector<16xf32>,
      %get3A_977 = arith.index_cast %add3A_866 : i32 to index
      %get3A_978 = arith.constant 64 : index
      %get3A_979 = tpu.vector_load %arg17[%get3A_977, %get3A_978] {strides = array<i32>} : memref<128x128xf32, #tpu.memory_space<vmem>>, vector<16xf32>,
      %get3A_980 = arith.index_cast %add3A_866 : i32 to index
      %get3A_981 = arith.constant 64 : index
      %get3A_982 = tpu.vector_load %arg18[%get3A_980, %get3A_981] {strides = array<i32>} : memref<128x128xf32, #tpu.memory_space<vmem>>, vector<16xf32>,
      %get3A_983 = arith.index_cast %add3A_866 : i32 to index
      %get3A_984 = arith.constant 64 : index
      %get3A_985 = tpu.vector_load %arg19[%get3A_983, %get3A_984] {strides = array<i32>} : memref<128x128xf32, #tpu.memory_space<vmem>>, vector<16xf32>,
      %add3A_986 = arith.addf %get3A_976, %get3A_982 : vector<16xf32>
      %mul3A_987 = arith.mulf %get3A_973, %add3A_986 : vector<16xf32>
      %add3A_988 = arith.addf %add3A_965, %mul3A_987 : vector<16xf32>
      %mul3A_989 = arith.mulf %get3A_976, %get3A_982 : vector<16xf32>
      %add3A_990 = arith.addf %add3A_988, %mul3A_989 : vector<16xf32>
      %add3A_991 = arith.addf %get3A_979, %get3A_985 : vector<16xf32>
      %mul3A_992 = arith.mulf %get3A_973, %add3A_991 : vector<16xf32>
      %add3A_993 = arith.addf %add3A_970, %mul3A_992 : vector<16xf32>
      %mul3A_994 = arith.mulf %get3A_979, %get3A_985 : vector<16xf32>
      %add3A_995 = arith.addf %add3A_993, %mul3A_994 : vector<16xf32>
      %get3A_996 = arith.index_cast %add3A_866 : i32 to index
      %get3A_997 = arith.constant 80 : index
      %get3A_998 = tpu.vector_load %arg15[%get3A_996, %get3A_997] {strides = array<i32>} : memref<128x128xf32, #tpu.memory_space<vmem>>, vector<16xf32>,
      %get3A_999 = arith.index_cast %add3A_866 : i32 to index
      %get3A_1000 = arith.constant 80 : index
      %get3A_1001 = tpu.vector_load %arg16[%get3A_999, %get3A_1000] {strides = array<i32>} : memref<128x128xf32, #tpu.memory_space<vmem>>, vector<16xf32>,
      %get3A_1002 = arith.index_cast %add3A_866 : i32 to index
      %get3A_1003 = arith.constant 80 : index
      %get3A_1004 = tpu.vector_load %arg17[%get3A_1002, %get3A_1003] {strides = array<i32>} : memref<128x128xf32, #tpu.memory_space<vmem>>, vector<16xf32>,
      %get3A_1005 = arith.index_cast %add3A_866 : i32 to index
      %get3A_1006 = arith.constant 80 : index
      %get3A_1007 = tpu.vector_load %arg18[%get3A_1005, %get3A_1006] {strides = array<i32>} : memref<128x128xf32, #tpu.memory_space<vmem>>, vector<16xf32>,
      %get3A_1008 = arith.index_cast %add3A_866 : i32 to index
      %get3A_1009 = arith.constant 80 : index
      %get3A_1010 = tpu.vector_load %arg19[%get3A_1008, %get3A_1009] {strides = array<i32>} : memref<128x128xf32, #tpu.memory_space<vmem>>, vector<16xf32>,
      %add3A_1011 = arith.addf %get3A_1001, %get3A_1007 : vector<16xf32>
      %mul3A_1012 = arith.mulf %get3A_998, %add3A_1011 : vector<16xf32>
      %add3A_1013 = arith.addf %add3A_990, %mul3A_1012 : vector<16xf32>
      %mul3A_1014 = arith.mulf %get3A_1001, %get3A_1007 : vector<16xf32>
      %add3A_1015 = arith.addf %add3A_1013, %mul3A_1014 : vector<16xf32>
      %add3A_1016 = arith.addf %get3A_1004, %get3A_1010 : vector<16xf32>
      %mul3A_1017 = arith.mulf %get3A_998, %add3A_1016 : vector<16xf32>
      %add3A_1018 = arith.addf %add3A_995, %mul3A_1017 : vector<16xf32>
      %mul3A_1019 = arith.mulf %get3A_1004, %get3A_1010 : vector<16xf32>
      %add3A_1020 = arith.addf %add3A_1018, %mul3A_1019 : vector<16xf32>
      %get3A_1021 = arith.index_cast %add3A_866 : i32 to index
      %get3A_1022 = arith.constant 96 : index
      %get3A_1023 = tpu.vector_load %arg15[%get3A_1021, %get3A_1022] {strides = array<i32>} : memref<128x128xf32, #tpu.memory_space<vmem>>, vector<16xf32>,
      %get3A_1024 = arith.index_cast %add3A_866 : i32 to index
      %get3A_1025 = arith.constant 96 : index
      %get3A_1026 = tpu.vector_load %arg16[%get3A_1024, %get3A_1025] {strides = array<i32>} : memref<128x128xf32, #tpu.memory_space<vmem>>, vector<16xf32>,
      %get3A_1027 = arith.index_cast %add3A_866 : i32 to index
      %get3A_1028 = arith.constant 96 : index
      %get3A_1029 = tpu.vector_load %arg17[%get3A_1027, %get3A_1028] {strides = array<i32>} : memref<128x128xf32, #tpu.memory_space<vmem>>, vector<16xf32>,
      %get3A_1030 = arith.index_cast %add3A_866 : i32 to index
      %get3A_1031 = arith.constant 96 : index
      %get3A_1032 = tpu.vector_load %arg18[%get3A_1030, %get3A_1031] {strides = array<i32>} : memref<128x128xf32, #tpu.memory_space<vmem>>, vector<16xf32>,
      %get3A_1033 = arith.index_cast %add3A_866 : i32 to index
      %get3A_1034 = arith.constant 96 : index
      %get3A_1035 = tpu.vector_load %arg19[%get3A_1033, %get3A_1034] {strides = array<i32>} : memref<128x128xf32, #tpu.memory_space<vmem>>, vector<16xf32>,
      %add3A_1036 = arith.addf %get3A_1026, %get3A_1032 : vector<16xf32>
      %mul3A_1037 = arith.mulf %get3A_1023, %add3A_1036 : vector<16xf32>
      %add3A_1038 = arith.addf %add3A_1015, %mul3A_1037 : vector<16xf32>
      %mul3A_1039 = arith.mulf %get3A_1026, %get3A_1032 : vector<16xf32>
      %add3A_1040 = arith.addf %add3A_1038, %mul3A_1039 : vector<16xf32>
      %add3A_1041 = arith.addf %get3A_1029, %get3A_1035 : vector<16xf32>
      %mul3A_1042 = arith.mulf %get3A_1023, %add3A_1041 : vector<16xf32>
      %add3A_1043 = arith.addf %add3A_1020, %mul3A_1042 : vector<16xf32>
      %mul3A_1044 = arith.mulf %get3A_1029, %get3A_1035 : vector<16xf32>
      %add3A_1045 = arith.addf %add3A_1043, %mul3A_1044 : vector<16xf32>
      %get3A_1046 = arith.index_cast %add3A_866 : i32 to index
      %get3A_1047 = arith.constant 112 : index
      %get3A_1048 = tpu.vector_load %arg15[%get3A_1046, %get3A_1047] {strides = array<i32>} : memref<128x128xf32, #tpu.memory_space<vmem>>, vector<16xf32>,
      %get3A_1049 = arith.index_cast %add3A_866 : i32 to index
      %get3A_1050 = arith.constant 112 : index
      %get3A_1051 = tpu.vector_load %arg16[%get3A_1049, %get3A_1050] {strides = array<i32>} : memref<128x128xf32, #tpu.memory_space<vmem>>, vector<16xf32>,
      %get3A_1052 = arith.index_cast %add3A_866 : i32 to index
      %get3A_1053 = arith.constant 112 : index
      %get3A_1054 = tpu.vector_load %arg17[%get3A_1052, %get3A_1053] {strides = array<i32>} : memref<128x128xf32, #tpu.memory_space<vmem>>, vector<16xf32>,
      %get3A_1055 = arith.index_cast %add3A_866 : i32 to index
      %get3A_1056 = arith.constant 112 : index
      %get3A_1057 = tpu.vector_load %arg18[%get3A_1055, %get3A_1056] {strides = array<i32>} : memref<128x128xf32, #tpu.memory_space<vmem>>, vector<16xf32>,
      %get3A_1058 = arith.index_cast %add3A_866 : i32 to index
      %get3A_1059 = arith.constant 112 : index
      %get3A_1060 = tpu.vector_load %arg19[%get3A_1058, %get3A_1059] {strides = array<i32>} : memref<128x128xf32, #tpu.memory_space<vmem>>, vector<16xf32>,
      %add3A_1061 = arith.addf %get3A_1051, %get3A_1057 : vector<16xf32>
      %mul3A_1062 = arith.mulf %get3A_1048, %add3A_1061 : vector<16xf32>
      %add3A_1063 = arith.addf %add3A_1040, %mul3A_1062 : vector<16xf32>
      %mul3A_1064 = arith.mulf %get3A_1051, %get3A_1057 : vector<16xf32>
      %add3A_1065 = arith.addf %add3A_1063, %mul3A_1064 : vector<16xf32>
      %add3A_1066 = arith.addf %get3A_1054, %get3A_1060 : vector<16xf32>
      %mul3A_1067 = arith.mulf %get3A_1048, %add3A_1066 : vector<16xf32>
      %add3A_1068 = arith.addf %add3A_1045, %mul3A_1067 : vector<16xf32>
      %mul3A_1069 = arith.mulf %get3A_1054, %get3A_1060 : vector<16xf32>
      %add3A_1070 = arith.addf %add3A_1068, %mul3A_1069 : vector<16xf32>
      %eq3A_1071 = arith.constant 3 : i32
      %eq3A_1072 = vector.broadcast %eq3A_1071 : i32 to vector<16xi32>
      %eq3A_1073 = arith.cmpi eq, %iota3A, %eq3A_1072 : vector<16xi32>
      %reduce_sum3A_1074 = arith.constant true
      %reduce_sum3A_1075 = vector.broadcast %reduce_sum3A_1074 : i1 to vector<16xi1>
      %reduce_sum3A_1076 = tpu.scan <sum>, %add3A_1065 masked %reduce_sum3A_1075 : vector<16xf32>, vector<16xi1> -> vector<16xf32>
      %reduce_sum3A_1077 = vector.extract %reduce_sum3A_1076[15] : f32 from vector<16xf32>
      %broadcast_in_dim3A_1078 = vector.broadcast %reduce_sum3A_1077 : f32 to vector<16xf32>
      %select_n3A_1079 = arith.select %eq3A_1073, %broadcast_in_dim3A_1078, %select_n3A_853 : vector<16xi1>, vector<16xf32>
      %eq3A_1080 = arith.constant 3 : i32
      %eq3A_1081 = vector.broadcast %eq3A_1080 : i32 to vector<16xi32>
      %eq3A_1082 = arith.cmpi eq, %iota3A, %eq3A_1081 : vector<16xi32>
      %reduce_sum3A_1083 = arith.constant true
      %reduce_sum3A_1084 = vector.broadcast %reduce_sum3A_1083 : i1 to vector<16xi1>
      %reduce_sum3A_1085 = tpu.scan <sum>, %add3A_1070 masked %reduce_sum3A_1084 : vector<16xf32>, vector<16xi1> -> vector<16xf32>
      %reduce_sum3A_1086 = vector.extract %reduce_sum3A_1085[15] : f32 from vector<16xf32>
      %broadcast_in_dim3A_1087 = vector.broadcast %reduce_sum3A_1086 : f32 to vector<16xf32>
      %select_n3A_1088 = arith.select %eq3A_1082, %broadcast_in_dim3A_1087, %select_n3A_862 : vector<16xi1>, vector<16xf32>
      %mul3A_1089 = arith.constant 16 : i32
      %mul3A_1090 = arith.muli %scan3A_167, %mul3A_1089 : i32
      %add3A_1091 = arith.constant 4 : i32
      %add3A_1092 = arith.addi %mul3A_1090, %add3A_1091 : i32
      %broadcast_in_dim3A_1093 = arith.constant 0.000000e+00 : f32
      %broadcast_in_dim3A_1094 = vector.broadcast %broadcast_in_dim3A_1093 : f32 to vector<16xf32>
      %broadcast_in_dim3A_1095 = arith.constant 0.000000e+00 : f32
      %broadcast_in_dim3A_1096 = vector.broadcast %broadcast_in_dim3A_1095 : f32 to vector<16xf32>
      %get3A_1097 = arith.index_cast %add3A_1092 : i32 to index
      %get3A_1098 = arith.constant 0 : index
      %get3A_1099 = tpu.vector_load %arg15[%get3A_1097, %get3A_1098] {strides = array<i32>} : memref<128x128xf32, #tpu.memory_space<vmem>>, vector<16xf32>,
      %get3A_1100 = arith.index_cast %add3A_1092 : i32 to index
      %get3A_1101 = arith.constant 0 : index
      %get3A_1102 = tpu.vector_load %arg16[%get3A_1100, %get3A_1101] {strides = array<i32>} : memref<128x128xf32, #tpu.memory_space<vmem>>, vector<16xf32>,
      %get3A_1103 = arith.index_cast %add3A_1092 : i32 to index
      %get3A_1104 = arith.constant 0 : index
      %get3A_1105 = tpu.vector_load %arg17[%get3A_1103, %get3A_1104] {strides = array<i32>} : memref<128x128xf32, #tpu.memory_space<vmem>>, vector<16xf32>,
      %get3A_1106 = arith.index_cast %add3A_1092 : i32 to index
      %get3A_1107 = arith.constant 0 : index
      %get3A_1108 = tpu.vector_load %arg18[%get3A_1106, %get3A_1107] {strides = array<i32>} : memref<128x128xf32, #tpu.memory_space<vmem>>, vector<16xf32>,
      %get3A_1109 = arith.index_cast %add3A_1092 : i32 to index
      %get3A_1110 = arith.constant 0 : index
      %get3A_1111 = tpu.vector_load %arg19[%get3A_1109, %get3A_1110] {strides = array<i32>} : memref<128x128xf32, #tpu.memory_space<vmem>>, vector<16xf32>,
      %add3A_1112 = arith.addf %get3A_1102, %get3A_1108 : vector<16xf32>
      %mul3A_1113 = arith.mulf %get3A_1099, %add3A_1112 : vector<16xf32>
      %add3A_1114 = arith.addf %broadcast_in_dim3A_1094, %mul3A_1113 : vector<16xf32>
      %mul3A_1115 = arith.mulf %get3A_1102, %get3A_1108 : vector<16xf32>
      %add3A_1116 = arith.addf %add3A_1114, %mul3A_1115 : vector<16xf32>
      %add3A_1117 = arith.addf %get3A_1105, %get3A_1111 : vector<16xf32>
      %mul3A_1118 = arith.mulf %get3A_1099, %add3A_1117 : vector<16xf32>
      %add3A_1119 = arith.addf %broadcast_in_dim3A_1096, %mul3A_1118 : vector<16xf32>
      %mul3A_1120 = arith.mulf %get3A_1105, %get3A_1111 : vector<16xf32>
      %add3A_1121 = arith.addf %add3A_1119, %mul3A_1120 : vector<16xf32>
      %get3A_1122 = arith.index_cast %add3A_1092 : i32 to index
      %get3A_1123 = arith.constant 16 : index
      %get3A_1124 = tpu.vector_load %arg15[%get3A_1122, %get3A_1123] {strides = array<i32>} : memref<128x128xf32, #tpu.memory_space<vmem>>, vector<16xf32>,
      %get3A_1125 = arith.index_cast %add3A_1092 : i32 to index
      %get3A_1126 = arith.constant 16 : index
      %get3A_1127 = tpu.vector_load %arg16[%get3A_1125, %get3A_1126] {strides = array<i32>} : memref<128x128xf32, #tpu.memory_space<vmem>>, vector<16xf32>,
      %get3A_1128 = arith.index_cast %add3A_1092 : i32 to index
      %get3A_1129 = arith.constant 16 : index
      %get3A_1130 = tpu.vector_load %arg17[%get3A_1128, %get3A_1129] {strides = array<i32>} : memref<128x128xf32, #tpu.memory_space<vmem>>, vector<16xf32>,
      %get3A_1131 = arith.index_cast %add3A_1092 : i32 to index
      %get3A_1132 = arith.constant 16 : index
      %get3A_1133 = tpu.vector_load %arg18[%get3A_1131, %get3A_1132] {strides = array<i32>} : memref<128x128xf32, #tpu.memory_space<vmem>>, vector<16xf32>,
      %get3A_1134 = arith.index_cast %add3A_1092 : i32 to index
      %get3A_1135 = arith.constant 16 : index
      %get3A_1136 = tpu.vector_load %arg19[%get3A_1134, %get3A_1135] {strides = array<i32>} : memref<128x128xf32, #tpu.memory_space<vmem>>, vector<16xf32>,
      %add3A_1137 = arith.addf %get3A_1127, %get3A_1133 : vector<16xf32>
      %mul3A_1138 = arith.mulf %get3A_1124, %add3A_1137 : vector<16xf32>
      %add3A_1139 = arith.addf %add3A_1116, %mul3A_1138 : vector<16xf32>
      %mul3A_1140 = arith.mulf %get3A_1127, %get3A_1133 : vector<16xf32>
      %add3A_1141 = arith.addf %add3A_1139, %mul3A_1140 : vector<16xf32>
      %add3A_1142 = arith.addf %get3A_1130, %get3A_1136 : vector<16xf32>
      %mul3A_1143 = arith.mulf %get3A_1124, %add3A_1142 : vector<16xf32>
      %add3A_1144 = arith.addf %add3A_1121, %mul3A_1143 : vector<16xf32>
      %mul3A_1145 = arith.mulf %get3A_1130, %get3A_1136 : vector<16xf32>
      %add3A_1146 = arith.addf %add3A_1144, %mul3A_1145 : vector<16xf32>
      %get3A_1147 = arith.index_cast %add3A_1092 : i32 to index
      %get3A_1148 = arith.constant 32 : index
      %get3A_1149 = tpu.vector_load %arg15[%get3A_1147, %get3A_1148] {strides = array<i32>} : memref<128x128xf32, #tpu.memory_space<vmem>>, vector<16xf32>,
      %get3A_1150 = arith.index_cast %add3A_1092 : i32 to index
      %get3A_1151 = arith.constant 32 : index
      %get3A_1152 = tpu.vector_load %arg16[%get3A_1150, %get3A_1151] {strides = array<i32>} : memref<128x128xf32, #tpu.memory_space<vmem>>, vector<16xf32>,
      %get3A_1153 = arith.index_cast %add3A_1092 : i32 to index
      %get3A_1154 = arith.constant 32 : index
      %get3A_1155 = tpu.vector_load %arg17[%get3A_1153, %get3A_1154] {strides = array<i32>} : memref<128x128xf32, #tpu.memory_space<vmem>>, vector<16xf32>,
      %get3A_1156 = arith.index_cast %add3A_1092 : i32 to index
      %get3A_1157 = arith.constant 32 : index
      %get3A_1158 = tpu.vector_load %arg18[%get3A_1156, %get3A_1157] {strides = array<i32>} : memref<128x128xf32, #tpu.memory_space<vmem>>, vector<16xf32>,
      %get3A_1159 = arith.index_cast %add3A_1092 : i32 to index
      %get3A_1160 = arith.constant 32 : index
      %get3A_1161 = tpu.vector_load %arg19[%get3A_1159, %get3A_1160] {strides = array<i32>} : memref<128x128xf32, #tpu.memory_space<vmem>>, vector<16xf32>,
      %add3A_1162 = arith.addf %get3A_1152, %get3A_1158 : vector<16xf32>
      %mul3A_1163 = arith.mulf %get3A_1149, %add3A_1162 : vector<16xf32>
      %add3A_1164 = arith.addf %add3A_1141, %mul3A_1163 : vector<16xf32>
      %mul3A_1165 = arith.mulf %get3A_1152, %get3A_1158 : vector<16xf32>
      %add3A_1166 = arith.addf %add3A_1164, %mul3A_1165 : vector<16xf32>
      %add3A_1167 = arith.addf %get3A_1155, %get3A_1161 : vector<16xf32>
      %mul3A_1168 = arith.mulf %get3A_1149, %add3A_1167 : vector<16xf32>
      %add3A_1169 = arith.addf %add3A_1146, %mul3A_1168 : vector<16xf32>
      %mul3A_1170 = arith.mulf %get3A_1155, %get3A_1161 : vector<16xf32>
      %add3A_1171 = arith.addf %add3A_1169, %mul3A_1170 : vector<16xf32>
      %get3A_1172 = arith.index_cast %add3A_1092 : i32 to index
      %get3A_1173 = arith.constant 48 : index
      %get3A_1174 = tpu.vector_load %arg15[%get3A_1172, %get3A_1173] {strides = array<i32>} : memref<128x128xf32, #tpu.memory_space<vmem>>, vector<16xf32>,
      %get3A_1175 = arith.index_cast %add3A_1092 : i32 to index
      %get3A_1176 = arith.constant 48 : index
      %get3A_1177 = tpu.vector_load %arg16[%get3A_1175, %get3A_1176] {strides = array<i32>} : memref<128x128xf32, #tpu.memory_space<vmem>>, vector<16xf32>,
      %get3A_1178 = arith.index_cast %add3A_1092 : i32 to index
      %get3A_1179 = arith.constant 48 : index
      %get3A_1180 = tpu.vector_load %arg17[%get3A_1178, %get3A_1179] {strides = array<i32>} : memref<128x128xf32, #tpu.memory_space<vmem>>, vector<16xf32>,
      %get3A_1181 = arith.index_cast %add3A_1092 : i32 to index
      %get3A_1182 = arith.constant 48 : index
      %get3A_1183 = tpu.vector_load %arg18[%get3A_1181, %get3A_1182] {strides = array<i32>} : memref<128x128xf32, #tpu.memory_space<vmem>>, vector<16xf32>,
      %get3A_1184 = arith.index_cast %add3A_1092 : i32 to index
      %get3A_1185 = arith.constant 48 : index
      %get3A_1186 = tpu.vector_load %arg19[%get3A_1184, %get3A_1185] {strides = array<i32>} : memref<128x128xf32, #tpu.memory_space<vmem>>, vector<16xf32>,
      %add3A_1187 = arith.addf %get3A_1177, %get3A_1183 : vector<16xf32>
      %mul3A_1188 = arith.mulf %get3A_1174, %add3A_1187 : vector<16xf32>
      %add3A_1189 = arith.addf %add3A_1166, %mul3A_1188 : vector<16xf32>
      %mul3A_1190 = arith.mulf %get3A_1177, %get3A_1183 : vector<16xf32>
      %add3A_1191 = arith.addf %add3A_1189, %mul3A_1190 : vector<16xf32>
      %add3A_1192 = arith.addf %get3A_1180, %get3A_1186 : vector<16xf32>
      %mul3A_1193 = arith.mulf %get3A_1174, %add3A_1192 : vector<16xf32>
      %add3A_1194 = arith.addf %add3A_1171, %mul3A_1193 : vector<16xf32>
      %mul3A_1195 = arith.mulf %get3A_1180, %get3A_1186 : vector<16xf32>
      %add3A_1196 = arith.addf %add3A_1194, %mul3A_1195 : vector<16xf32>
      %get3A_1197 = arith.index_cast %add3A_1092 : i32 to index
      %get3A_1198 = arith.constant 64 : index
      %get3A_1199 = tpu.vector_load %arg15[%get3A_1197, %get3A_1198] {strides = array<i32>} : memref<128x128xf32, #tpu.memory_space<vmem>>, vector<16xf32>,
      %get3A_1200 = arith.index_cast %add3A_1092 : i32 to index
      %get3A_1201 = arith.constant 64 : index
      %get3A_1202 = tpu.vector_load %arg16[%get3A_1200, %get3A_1201] {strides = array<i32>} : memref<128x128xf32, #tpu.memory_space<vmem>>, vector<16xf32>,
      %get3A_1203 = arith.index_cast %add3A_1092 : i32 to index
      %get3A_1204 = arith.constant 64 : index
      %get3A_1205 = tpu.vector_load %arg17[%get3A_1203, %get3A_1204] {strides = array<i32>} : memref<128x128xf32, #tpu.memory_space<vmem>>, vector<16xf32>,
      %get3A_1206 = arith.index_cast %add3A_1092 : i32 to index
      %get3A_1207 = arith.constant 64 : index
      %get3A_1208 = tpu.vector_load %arg18[%get3A_1206, %get3A_1207] {strides = array<i32>} : memref<128x128xf32, #tpu.memory_space<vmem>>, vector<16xf32>,
      %get3A_1209 = arith.index_cast %add3A_1092 : i32 to index
      %get3A_1210 = arith.constant 64 : index
      %get3A_1211 = tpu.vector_load %arg19[%get3A_1209, %get3A_1210] {strides = array<i32>} : memref<128x128xf32, #tpu.memory_space<vmem>>, vector<16xf32>,
      %add3A_1212 = arith.addf %get3A_1202, %get3A_1208 : vector<16xf32>
      %mul3A_1213 = arith.mulf %get3A_1199, %add3A_1212 : vector<16xf32>
      %add3A_1214 = arith.addf %add3A_1191, %mul3A_1213 : vector<16xf32>
      %mul3A_1215 = arith.mulf %get3A_1202, %get3A_1208 : vector<16xf32>
      %add3A_1216 = arith.addf %add3A_1214, %mul3A_1215 : vector<16xf32>
      %add3A_1217 = arith.addf %get3A_1205, %get3A_1211 : vector<16xf32>
      %mul3A_1218 = arith.mulf %get3A_1199, %add3A_1217 : vector<16xf32>
      %add3A_1219 = arith.addf %add3A_1196, %mul3A_1218 : vector<16xf32>
      %mul3A_1220 = arith.mulf %get3A_1205, %get3A_1211 : vector<16xf32>
      %add3A_1221 = arith.addf %add3A_1219, %mul3A_1220 : vector<16xf32>
      %get3A_1222 = arith.index_cast %add3A_1092 : i32 to index
      %get3A_1223 = arith.constant 80 : index
      %get3A_1224 = tpu.vector_load %arg15[%get3A_1222, %get3A_1223] {strides = array<i32>} : memref<128x128xf32, #tpu.memory_space<vmem>>, vector<16xf32>,
      %get3A_1225 = arith.index_cast %add3A_1092 : i32 to index
      %get3A_1226 = arith.constant 80 : index
      %get3A_1227 = tpu.vector_load %arg16[%get3A_1225, %get3A_1226] {strides = array<i32>} : memref<128x128xf32, #tpu.memory_space<vmem>>, vector<16xf32>,
      %get3A_1228 = arith.index_cast %add3A_1092 : i32 to index
      %get3A_1229 = arith.constant 80 : index
      %get3A_1230 = tpu.vector_load %arg17[%get3A_1228, %get3A_1229] {strides = array<i32>} : memref<128x128xf32, #tpu.memory_space<vmem>>, vector<16xf32>,
      %get3A_1231 = arith.index_cast %add3A_1092 : i32 to index
      %get3A_1232 = arith.constant 80 : index
      %get3A_1233 = tpu.vector_load %arg18[%get3A_1231, %get3A_1232] {strides = array<i32>} : memref<128x128xf32, #tpu.memory_space<vmem>>, vector<16xf32>,
      %get3A_1234 = arith.index_cast %add3A_1092 : i32 to index
      %get3A_1235 = arith.constant 80 : index
      %get3A_1236 = tpu.vector_load %arg19[%get3A_1234, %get3A_1235] {strides = array<i32>} : memref<128x128xf32, #tpu.memory_space<vmem>>, vector<16xf32>,
      %add3A_1237 = arith.addf %get3A_1227, %get3A_1233 : vector<16xf32>
      %mul3A_1238 = arith.mulf %get3A_1224, %add3A_1237 : vector<16xf32>
      %add3A_1239 = arith.addf %add3A_1216, %mul3A_1238 : vector<16xf32>
      %mul3A_1240 = arith.mulf %get3A_1227, %get3A_1233 : vector<16xf32>
      %add3A_1241 = arith.addf %add3A_1239, %mul3A_1240 : vector<16xf32>
      %add3A_1242 = arith.addf %get3A_1230, %get3A_1236 : vector<16xf32>
      %mul3A_1243 = arith.mulf %get3A_1224, %add3A_1242 : vector<16xf32>
      %add3A_1244 = arith.addf %add3A_1221, %mul3A_1243 : vector<16xf32>
      %mul3A_1245 = arith.mulf %get3A_1230, %get3A_1236 : vector<16xf32>
      %add3A_1246 = arith.addf %add3A_1244, %mul3A_1245 : vector<16xf32>
      %get3A_1247 = arith.index_cast %add3A_1092 : i32 to index
      %get3A_1248 = arith.constant 96 : index
      %get3A_1249 = tpu.vector_load %arg15[%get3A_1247, %get3A_1248] {strides = array<i32>} : memref<128x128xf32, #tpu.memory_space<vmem>>, vector<16xf32>,
      %get3A_1250 = arith.index_cast %add3A_1092 : i32 to index
      %get3A_1251 = arith.constant 96 : index
      %get3A_1252 = tpu.vector_load %arg16[%get3A_1250, %get3A_1251] {strides = array<i32>} : memref<128x128xf32, #tpu.memory_space<vmem>>, vector<16xf32>,
      %get3A_1253 = arith.index_cast %add3A_1092 : i32 to index
      %get3A_1254 = arith.constant 96 : index
      %get3A_1255 = tpu.vector_load %arg17[%get3A_1253, %get3A_1254] {strides = array<i32>} : memref<128x128xf32, #tpu.memory_space<vmem>>, vector<16xf32>,
      %get3A_1256 = arith.index_cast %add3A_1092 : i32 to index
      %get3A_1257 = arith.constant 96 : index
      %get3A_1258 = tpu.vector_load %arg18[%get3A_1256, %get3A_1257] {strides = array<i32>} : memref<128x128xf32, #tpu.memory_space<vmem>>, vector<16xf32>,
      %get3A_1259 = arith.index_cast %add3A_1092 : i32 to index
      %get3A_1260 = arith.constant 96 : index
      %get3A_1261 = tpu.vector_load %arg19[%get3A_1259, %get3A_1260] {strides = array<i32>} : memref<128x128xf32, #tpu.memory_space<vmem>>, vector<16xf32>,
      %add3A_1262 = arith.addf %get3A_1252, %get3A_1258 : vector<16xf32>
      %mul3A_1263 = arith.mulf %get3A_1249, %add3A_1262 : vector<16xf32>
      %add3A_1264 = arith.addf %add3A_1241, %mul3A_1263 : vector<16xf32>
      %mul3A_1265 = arith.mulf %get3A_1252, %get3A_1258 : vector<16xf32>
      %add3A_1266 = arith.addf %add3A_1264, %mul3A_1265 : vector<16xf32>
      %add3A_1267 = arith.addf %get3A_1255, %get3A_1261 : vector<16xf32>
      %mul3A_1268 = arith.mulf %get3A_1249, %add3A_1267 : vector<16xf32>
      %add3A_1269 = arith.addf %add3A_1246, %mul3A_1268 : vector<16xf32>
      %mul3A_1270 = arith.mulf %get3A_1255, %get3A_1261 : vector<16xf32>
      %add3A_1271 = arith.addf %add3A_1269, %mul3A_1270 : vector<16xf32>
      %get3A_1272 = arith.index_cast %add3A_1092 : i32 to index
      %get3A_1273 = arith.constant 112 : index
      %get3A_1274 = tpu.vector_load %arg15[%get3A_1272, %get3A_1273] {strides = array<i32>} : memref<128x128xf32, #tpu.memory_space<vmem>>, vector<16xf32>,
      %get3A_1275 = arith.index_cast %add3A_1092 : i32 to index
      %get3A_1276 = arith.constant 112 : index
      %get3A_1277 = tpu.vector_load %arg16[%get3A_1275, %get3A_1276] {strides = array<i32>} : memref<128x128xf32, #tpu.memory_space<vmem>>, vector<16xf32>,
      %get3A_1278 = arith.index_cast %add3A_1092 : i32 to index
      %get3A_1279 = arith.constant 112 : index
      %get3A_1280 = tpu.vector_load %arg17[%get3A_1278, %get3A_1279] {strides = array<i32>} : memref<128x128xf32, #tpu.memory_space<vmem>>, vector<16xf32>,
      %get3A_1281 = arith.index_cast %add3A_1092 : i32 to index
      %get3A_1282 = arith.constant 112 : index
      %get3A_1283 = tpu.vector_load %arg18[%get3A_1281, %get3A_1282] {strides = array<i32>} : memref<128x128xf32, #tpu.memory_space<vmem>>, vector<16xf32>,
      %get3A_1284 = arith.index_cast %add3A_1092 : i32 to index
      %get3A_1285 = arith.constant 112 : index
      %get3A_1286 = tpu.vector_load %arg19[%get3A_1284, %get3A_1285] {strides = array<i32>} : memref<128x128xf32, #tpu.memory_space<vmem>>, vector<16xf32>,
      %add3A_1287 = arith.addf %get3A_1277, %get3A_1283 : vector<16xf32>
      %mul3A_1288 = arith.mulf %get3A_1274, %add3A_1287 : vector<16xf32>
      %add3A_1289 = arith.addf %add3A_1266, %mul3A_1288 : vector<16xf32>
      %mul3A_1290 = arith.mulf %get3A_1277, %get3A_1283 : vector<16xf32>
      %add3A_1291 = arith.addf %add3A_1289, %mul3A_1290 : vector<16xf32>
      %add3A_1292 = arith.addf %get3A_1280, %get3A_1286 : vector<16xf32>
      %mul3A_1293 = arith.mulf %get3A_1274, %add3A_1292 : vector<16xf32>
      %add3A_1294 = arith.addf %add3A_1271, %mul3A_1293 : vector<16xf32>
      %mul3A_1295 = arith.mulf %get3A_1280, %get3A_1286 : vector<16xf32>
      %add3A_1296 = arith.addf %add3A_1294, %mul3A_1295 : vector<16xf32>
      %eq3A_1297 = arith.constant 4 : i32
      %eq3A_1298 = vector.broadcast %eq3A_1297 : i32 to vector<16xi32>
      %eq3A_1299 = arith.cmpi eq, %iota3A, %eq3A_1298 : vector<16xi32>
      %reduce_sum3A_1300 = arith.constant true
      %reduce_sum3A_1301 = vector.broadcast %reduce_sum3A_1300 : i1 to vector<16xi1>
      %reduce_sum3A_1302 = tpu.scan <sum>, %add3A_1291 masked %reduce_sum3A_1301 : vector<16xf32>, vector<16xi1> -> vector<16xf32>
      %reduce_sum3A_1303 = vector.extract %reduce_sum3A_1302[15] : f32 from vector<16xf32>
      %broadcast_in_dim3A_1304 = vector.broadcast %reduce_sum3A_1303 : f32 to vector<16xf32>
      %select_n3A_1305 = arith.select %eq3A_1299, %broadcast_in_dim3A_1304, %select_n3A_1079 : vector<16xi1>, vector<16xf32>
      %eq3A_1306 = arith.constant 4 : i32
      %eq3A_1307 = vector.broadcast %eq3A_1306 : i32 to vector<16xi32>
      %eq3A_1308 = arith.cmpi eq, %iota3A, %eq3A_1307 : vector<16xi32>
      %reduce_sum3A_1309 = arith.constant true
      %reduce_sum3A_1310 = vector.broadcast %reduce_sum3A_1309 : i1 to vector<16xi1>
      %reduce_sum3A_1311 = tpu.scan <sum>, %add3A_1296 masked %reduce_sum3A_1310 : vector<16xf32>, vector<16xi1> -> vector<16xf32>
      %reduce_sum3A_1312 = vector.extract %reduce_sum3A_1311[15] : f32 from vector<16xf32>
      %broadcast_in_dim3A_1313 = vector.broadcast %reduce_sum3A_1312 : f32 to vector<16xf32>
      %select_n3A_1314 = arith.select %eq3A_1308, %broadcast_in_dim3A_1313, %select_n3A_1088 : vector<16xi1>, vector<16xf32>
      %mul3A_1315 = arith.constant 16 : i32
      %mul3A_1316 = arith.muli %scan3A_167, %mul3A_1315 : i32
      %add3A_1317 = arith.constant 5 : i32
      %add3A_1318 = arith.addi %mul3A_1316, %add3A_1317 : i32
      %broadcast_in_dim3A_1319 = arith.constant 0.000000e+00 : f32
      %broadcast_in_dim3A_1320 = vector.broadcast %broadcast_in_dim3A_1319 : f32 to vector<16xf32>
      %broadcast_in_dim3A_1321 = arith.constant 0.000000e+00 : f32
      %broadcast_in_dim3A_1322 = vector.broadcast %broadcast_in_dim3A_1321 : f32 to vector<16xf32>
      %get3A_1323 = arith.index_cast %add3A_1318 : i32 to index
      %get3A_1324 = arith.constant 0 : index
      %get3A_1325 = tpu.vector_load %arg15[%get3A_1323, %get3A_1324] {strides = array<i32>} : memref<128x128xf32, #tpu.memory_space<vmem>>, vector<16xf32>,
      %get3A_1326 = arith.index_cast %add3A_1318 : i32 to index
      %get3A_1327 = arith.constant 0 : index
      %get3A_1328 = tpu.vector_load %arg16[%get3A_1326, %get3A_1327] {strides = array<i32>} : memref<128x128xf32, #tpu.memory_space<vmem>>, vector<16xf32>,
      %get3A_1329 = arith.index_cast %add3A_1318 : i32 to index
      %get3A_1330 = arith.constant 0 : index
      %get3A_1331 = tpu.vector_load %arg17[%get3A_1329, %get3A_1330] {strides = array<i32>} : memref<128x128xf32, #tpu.memory_space<vmem>>, vector<16xf32>,
      %get3A_1332 = arith.index_cast %add3A_1318 : i32 to index
      %get3A_1333 = arith.constant 0 : index
      %get3A_1334 = tpu.vector_load %arg18[%get3A_1332, %get3A_1333] {strides = array<i32>} : memref<128x128xf32, #tpu.memory_space<vmem>>, vector<16xf32>,
      %get3A_1335 = arith.index_cast %add3A_1318 : i32 to index
      %get3A_1336 = arith.constant 0 : index
      %get3A_1337 = tpu.vector_load %arg19[%get3A_1335, %get3A_1336] {strides = array<i32>} : memref<128x128xf32, #tpu.memory_space<vmem>>, vector<16xf32>,
      %add3A_1338 = arith.addf %get3A_1328, %get3A_1334 : vector<16xf32>
      %mul3A_1339 = arith.mulf %get3A_1325, %add3A_1338 : vector<16xf32>
      %add3A_1340 = arith.addf %broadcast_in_dim3A_1320, %mul3A_1339 : vector<16xf32>
      %mul3A_1341 = arith.mulf %get3A_1328, %get3A_1334 : vector<16xf32>
      %add3A_1342 = arith.addf %add3A_1340, %mul3A_1341 : vector<16xf32>
      %add3A_1343 = arith.addf %get3A_1331, %get3A_1337 : vector<16xf32>
      %mul3A_1344 = arith.mulf %get3A_1325, %add3A_1343 : vector<16xf32>
      %add3A_1345 = arith.addf %broadcast_in_dim3A_1322, %mul3A_1344 : vector<16xf32>
      %mul3A_1346 = arith.mulf %get3A_1331, %get3A_1337 : vector<16xf32>
      %add3A_1347 = arith.addf %add3A_1345, %mul3A_1346 : vector<16xf32>
      %get3A_1348 = arith.index_cast %add3A_1318 : i32 to index
      %get3A_1349 = arith.constant 16 : index
      %get3A_1350 = tpu.vector_load %arg15[%get3A_1348, %get3A_1349] {strides = array<i32>} : memref<128x128xf32, #tpu.memory_space<vmem>>, vector<16xf32>,
      %get3A_1351 = arith.index_cast %add3A_1318 : i32 to index
      %get3A_1352 = arith.constant 16 : index
      %get3A_1353 = tpu.vector_load %arg16[%get3A_1351, %get3A_1352] {strides = array<i32>} : memref<128x128xf32, #tpu.memory_space<vmem>>, vector<16xf32>,
      %get3A_1354 = arith.index_cast %add3A_1318 : i32 to index
      %get3A_1355 = arith.constant 16 : index
      %get3A_1356 = tpu.vector_load %arg17[%get3A_1354, %get3A_1355] {strides = array<i32>} : memref<128x128xf32, #tpu.memory_space<vmem>>, vector<16xf32>,
      %get3A_1357 = arith.index_cast %add3A_1318 : i32 to index
      %get3A_1358 = arith.constant 16 : index
      %get3A_1359 = tpu.vector_load %arg18[%get3A_1357, %get3A_1358] {strides = array<i32>} : memref<128x128xf32, #tpu.memory_space<vmem>>, vector<16xf32>,
      %get3A_1360 = arith.index_cast %add3A_1318 : i32 to index
      %get3A_1361 = arith.constant 16 : index
      %get3A_1362 = tpu.vector_load %arg19[%get3A_1360, %get3A_1361] {strides = array<i32>} : memref<128x128xf32, #tpu.memory_space<vmem>>, vector<16xf32>,
      %add3A_1363 = arith.addf %get3A_1353, %get3A_1359 : vector<16xf32>
      %mul3A_1364 = arith.mulf %get3A_1350, %add3A_1363 : vector<16xf32>
      %add3A_1365 = arith.addf %add3A_1342, %mul3A_1364 : vector<16xf32>
      %mul3A_1366 = arith.mulf %get3A_1353, %get3A_1359 : vector<16xf32>
      %add3A_1367 = arith.addf %add3A_1365, %mul3A_1366 : vector<16xf32>
      %add3A_1368 = arith.addf %get3A_1356, %get3A_1362 : vector<16xf32>
      %mul3A_1369 = arith.mulf %get3A_1350, %add3A_1368 : vector<16xf32>
      %add3A_1370 = arith.addf %add3A_1347, %mul3A_1369 : vector<16xf32>
      %mul3A_1371 = arith.mulf %get3A_1356, %get3A_1362 : vector<16xf32>
      %add3A_1372 = arith.addf %add3A_1370, %mul3A_1371 : vector<16xf32>
      %get3A_1373 = arith.index_cast %add3A_1318 : i32 to index
      %get3A_1374 = arith.constant 32 : index
      %get3A_1375 = tpu.vector_load %arg15[%get3A_1373, %get3A_1374] {strides = array<i32>} : memref<128x128xf32, #tpu.memory_space<vmem>>, vector<16xf32>,
      %get3A_1376 = arith.index_cast %add3A_1318 : i32 to index
      %get3A_1377 = arith.constant 32 : index
      %get3A_1378 = tpu.vector_load %arg16[%get3A_1376, %get3A_1377] {strides = array<i32>} : memref<128x128xf32, #tpu.memory_space<vmem>>, vector<16xf32>,
      %get3A_1379 = arith.index_cast %add3A_1318 : i32 to index
      %get3A_1380 = arith.constant 32 : index
      %get3A_1381 = tpu.vector_load %arg17[%get3A_1379, %get3A_1380] {strides = array<i32>} : memref<128x128xf32, #tpu.memory_space<vmem>>, vector<16xf32>,
      %get3A_1382 = arith.index_cast %add3A_1318 : i32 to index
      %get3A_1383 = arith.constant 32 : index
      %get3A_1384 = tpu.vector_load %arg18[%get3A_1382, %get3A_1383] {strides = array<i32>} : memref<128x128xf32, #tpu.memory_space<vmem>>, vector<16xf32>,
      %get3A_1385 = arith.index_cast %add3A_1318 : i32 to index
      %get3A_1386 = arith.constant 32 : index
      %get3A_1387 = tpu.vector_load %arg19[%get3A_1385, %get3A_1386] {strides = array<i32>} : memref<128x128xf32, #tpu.memory_space<vmem>>, vector<16xf32>,
      %add3A_1388 = arith.addf %get3A_1378, %get3A_1384 : vector<16xf32>
      %mul3A_1389 = arith.mulf %get3A_1375, %add3A_1388 : vector<16xf32>
      %add3A_1390 = arith.addf %add3A_1367, %mul3A_1389 : vector<16xf32>
      %mul3A_1391 = arith.mulf %get3A_1378, %get3A_1384 : vector<16xf32>
      %add3A_1392 = arith.addf %add3A_1390, %mul3A_1391 : vector<16xf32>
      %add3A_1393 = arith.addf %get3A_1381, %get3A_1387 : vector<16xf32>
      %mul3A_1394 = arith.mulf %get3A_1375, %add3A_1393 : vector<16xf32>
      %add3A_1395 = arith.addf %add3A_1372, %mul3A_1394 : vector<16xf32>
      %mul3A_1396 = arith.mulf %get3A_1381, %get3A_1387 : vector<16xf32>
      %add3A_1397 = arith.addf %add3A_1395, %mul3A_1396 : vector<16xf32>
      %get3A_1398 = arith.index_cast %add3A_1318 : i32 to index
      %get3A_1399 = arith.constant 48 : index
      %get3A_1400 = tpu.vector_load %arg15[%get3A_1398, %get3A_1399] {strides = array<i32>} : memref<128x128xf32, #tpu.memory_space<vmem>>, vector<16xf32>,
      %get3A_1401 = arith.index_cast %add3A_1318 : i32 to index
      %get3A_1402 = arith.constant 48 : index
      %get3A_1403 = tpu.vector_load %arg16[%get3A_1401, %get3A_1402] {strides = array<i32>} : memref<128x128xf32, #tpu.memory_space<vmem>>, vector<16xf32>,
      %get3A_1404 = arith.index_cast %add3A_1318 : i32 to index
      %get3A_1405 = arith.constant 48 : index
      %get3A_1406 = tpu.vector_load %arg17[%get3A_1404, %get3A_1405] {strides = array<i32>} : memref<128x128xf32, #tpu.memory_space<vmem>>, vector<16xf32>,
      %get3A_1407 = arith.index_cast %add3A_1318 : i32 to index
      %get3A_1408 = arith.constant 48 : index
      %get3A_1409 = tpu.vector_load %arg18[%get3A_1407, %get3A_1408] {strides = array<i32>} : memref<128x128xf32, #tpu.memory_space<vmem>>, vector<16xf32>,
      %get3A_1410 = arith.index_cast %add3A_1318 : i32 to index
      %get3A_1411 = arith.constant 48 : index
      %get3A_1412 = tpu.vector_load %arg19[%get3A_1410, %get3A_1411] {strides = array<i32>} : memref<128x128xf32, #tpu.memory_space<vmem>>, vector<16xf32>,
      %add3A_1413 = arith.addf %get3A_1403, %get3A_1409 : vector<16xf32>
      %mul3A_1414 = arith.mulf %get3A_1400, %add3A_1413 : vector<16xf32>
      %add3A_1415 = arith.addf %add3A_1392, %mul3A_1414 : vector<16xf32>
      %mul3A_1416 = arith.mulf %get3A_1403, %get3A_1409 : vector<16xf32>
      %add3A_1417 = arith.addf %add3A_1415, %mul3A_1416 : vector<16xf32>
      %add3A_1418 = arith.addf %get3A_1406, %get3A_1412 : vector<16xf32>
      %mul3A_1419 = arith.mulf %get3A_1400, %add3A_1418 : vector<16xf32>
      %add3A_1420 = arith.addf %add3A_1397, %mul3A_1419 : vector<16xf32>
      %mul3A_1421 = arith.mulf %get3A_1406, %get3A_1412 : vector<16xf32>
      %add3A_1422 = arith.addf %add3A_1420, %mul3A_1421 : vector<16xf32>
      %get3A_1423 = arith.index_cast %add3A_1318 : i32 to index
      %get3A_1424 = arith.constant 64 : index
      %get3A_1425 = tpu.vector_load %arg15[%get3A_1423, %get3A_1424] {strides = array<i32>} : memref<128x128xf32, #tpu.memory_space<vmem>>, vector<16xf32>,
      %get3A_1426 = arith.index_cast %add3A_1318 : i32 to index
      %get3A_1427 = arith.constant 64 : index
      %get3A_1428 = tpu.vector_load %arg16[%get3A_1426, %get3A_1427] {strides = array<i32>} : memref<128x128xf32, #tpu.memory_space<vmem>>, vector<16xf32>,
      %get3A_1429 = arith.index_cast %add3A_1318 : i32 to index
      %get3A_1430 = arith.constant 64 : index
      %get3A_1431 = tpu.vector_load %arg17[%get3A_1429, %get3A_1430] {strides = array<i32>} : memref<128x128xf32, #tpu.memory_space<vmem>>, vector<16xf32>,
      %get3A_1432 = arith.index_cast %add3A_1318 : i32 to index
      %get3A_1433 = arith.constant 64 : index
      %get3A_1434 = tpu.vector_load %arg18[%get3A_1432, %get3A_1433] {strides = array<i32>} : memref<128x128xf32, #tpu.memory_space<vmem>>, vector<16xf32>,
      %get3A_1435 = arith.index_cast %add3A_1318 : i32 to index
      %get3A_1436 = arith.constant 64 : index
      %get3A_1437 = tpu.vector_load %arg19[%get3A_1435, %get3A_1436] {strides = array<i32>} : memref<128x128xf32, #tpu.memory_space<vmem>>, vector<16xf32>,
      %add3A_1438 = arith.addf %get3A_1428, %get3A_1434 : vector<16xf32>
      %mul3A_1439 = arith.mulf %get3A_1425, %add3A_1438 : vector<16xf32>
      %add3A_1440 = arith.addf %add3A_1417, %mul3A_1439 : vector<16xf32>
      %mul3A_1441 = arith.mulf %get3A_1428, %get3A_1434 : vector<16xf32>
      %add3A_1442 = arith.addf %add3A_1440, %mul3A_1441 : vector<16xf32>
      %add3A_1443 = arith.addf %get3A_1431, %get3A_1437 : vector<16xf32>
      %mul3A_1444 = arith.mulf %get3A_1425, %add3A_1443 : vector<16xf32>
      %add3A_1445 = arith.addf %add3A_1422, %mul3A_1444 : vector<16xf32>
      %mul3A_1446 = arith.mulf %get3A_1431, %get3A_1437 : vector<16xf32>
      %add3A_1447 = arith.addf %add3A_1445, %mul3A_1446 : vector<16xf32>
      %get3A_1448 = arith.index_cast %add3A_1318 : i32 to index
      %get3A_1449 = arith.constant 80 : index
      %get3A_1450 = tpu.vector_load %arg15[%get3A_1448, %get3A_1449] {strides = array<i32>} : memref<128x128xf32, #tpu.memory_space<vmem>>, vector<16xf32>,
      %get3A_1451 = arith.index_cast %add3A_1318 : i32 to index
      %get3A_1452 = arith.constant 80 : index
      %get3A_1453 = tpu.vector_load %arg16[%get3A_1451, %get3A_1452] {strides = array<i32>} : memref<128x128xf32, #tpu.memory_space<vmem>>, vector<16xf32>,
      %get3A_1454 = arith.index_cast %add3A_1318 : i32 to index
      %get3A_1455 = arith.constant 80 : index
      %get3A_1456 = tpu.vector_load %arg17[%get3A_1454, %get3A_1455] {strides = array<i32>} : memref<128x128xf32, #tpu.memory_space<vmem>>, vector<16xf32>,
      %get3A_1457 = arith.index_cast %add3A_1318 : i32 to index
      %get3A_1458 = arith.constant 80 : index
      %get3A_1459 = tpu.vector_load %arg18[%get3A_1457, %get3A_1458] {strides = array<i32>} : memref<128x128xf32, #tpu.memory_space<vmem>>, vector<16xf32>,
      %get3A_1460 = arith.index_cast %add3A_1318 : i32 to index
      %get3A_1461 = arith.constant 80 : index
      %get3A_1462 = tpu.vector_load %arg19[%get3A_1460, %get3A_1461] {strides = array<i32>} : memref<128x128xf32, #tpu.memory_space<vmem>>, vector<16xf32>,
      %add3A_1463 = arith.addf %get3A_1453, %get3A_1459 : vector<16xf32>
      %mul3A_1464 = arith.mulf %get3A_1450, %add3A_1463 : vector<16xf32>
      %add3A_1465 = arith.addf %add3A_1442, %mul3A_1464 : vector<16xf32>
      %mul3A_1466 = arith.mulf %get3A_1453, %get3A_1459 : vector<16xf32>
      %add3A_1467 = arith.addf %add3A_1465, %mul3A_1466 : vector<16xf32>
      %add3A_1468 = arith.addf %get3A_1456, %get3A_1462 : vector<16xf32>
      %mul3A_1469 = arith.mulf %get3A_1450, %add3A_1468 : vector<16xf32>
      %add3A_1470 = arith.addf %add3A_1447, %mul3A_1469 : vector<16xf32>
      %mul3A_1471 = arith.mulf %get3A_1456, %get3A_1462 : vector<16xf32>
      %add3A_1472 = arith.addf %add3A_1470, %mul3A_1471 : vector<16xf32>
      %get3A_1473 = arith.index_cast %add3A_1318 : i32 to index
      %get3A_1474 = arith.constant 96 : index
      %get3A_1475 = tpu.vector_load %arg15[%get3A_1473, %get3A_1474] {strides = array<i32>} : memref<128x128xf32, #tpu.memory_space<vmem>>, vector<16xf32>,
      %get3A_1476 = arith.index_cast %add3A_1318 : i32 to index
      %get3A_1477 = arith.constant 96 : index
      %get3A_1478 = tpu.vector_load %arg16[%get3A_1476, %get3A_1477] {strides = array<i32>} : memref<128x128xf32, #tpu.memory_space<vmem>>, vector<16xf32>,
      %get3A_1479 = arith.index_cast %add3A_1318 : i32 to index
      %get3A_1480 = arith.constant 96 : index
      %get3A_1481 = tpu.vector_load %arg17[%get3A_1479, %get3A_1480] {strides = array<i32>} : memref<128x128xf32, #tpu.memory_space<vmem>>, vector<16xf32>,
      %get3A_1482 = arith.index_cast %add3A_1318 : i32 to index
      %get3A_1483 = arith.constant 96 : index
      %get3A_1484 = tpu.vector_load %arg18[%get3A_1482, %get3A_1483] {strides = array<i32>} : memref<128x128xf32, #tpu.memory_space<vmem>>, vector<16xf32>,
      %get3A_1485 = arith.index_cast %add3A_1318 : i32 to index
      %get3A_1486 = arith.constant 96 : index
      %get3A_1487 = tpu.vector_load %arg19[%get3A_1485, %get3A_1486] {strides = array<i32>} : memref<128x128xf32, #tpu.memory_space<vmem>>, vector<16xf32>,
      %add3A_1488 = arith.addf %get3A_1478, %get3A_1484 : vector<16xf32>
      %mul3A_1489 = arith.mulf %get3A_1475, %add3A_1488 : vector<16xf32>
      %add3A_1490 = arith.addf %add3A_1467, %mul3A_1489 : vector<16xf32>
      %mul3A_1491 = arith.mulf %get3A_1478, %get3A_1484 : vector<16xf32>
      %add3A_1492 = arith.addf %add3A_1490, %mul3A_1491 : vector<16xf32>
      %add3A_1493 = arith.addf %get3A_1481, %get3A_1487 : vector<16xf32>
      %mul3A_1494 = arith.mulf %get3A_1475, %add3A_1493 : vector<16xf32>
      %add3A_1495 = arith.addf %add3A_1472, %mul3A_1494 : vector<16xf32>
      %mul3A_1496 = arith.mulf %get3A_1481, %get3A_1487 : vector<16xf32>
      %add3A_1497 = arith.addf %add3A_1495, %mul3A_1496 : vector<16xf32>
      %get3A_1498 = arith.index_cast %add3A_1318 : i32 to index
      %get3A_1499 = arith.constant 112 : index
      %get3A_1500 = tpu.vector_load %arg15[%get3A_1498, %get3A_1499] {strides = array<i32>} : memref<128x128xf32, #tpu.memory_space<vmem>>, vector<16xf32>,
      %get3A_1501 = arith.index_cast %add3A_1318 : i32 to index
      %get3A_1502 = arith.constant 112 : index
      %get3A_1503 = tpu.vector_load %arg16[%get3A_1501, %get3A_1502] {strides = array<i32>} : memref<128x128xf32, #tpu.memory_space<vmem>>, vector<16xf32>,
      %get3A_1504 = arith.index_cast %add3A_1318 : i32 to index
      %get3A_1505 = arith.constant 112 : index
      %get3A_1506 = tpu.vector_load %arg17[%get3A_1504, %get3A_1505] {strides = array<i32>} : memref<128x128xf32, #tpu.memory_space<vmem>>, vector<16xf32>,
      %get3A_1507 = arith.index_cast %add3A_1318 : i32 to index
      %get3A_1508 = arith.constant 112 : index
      %get3A_1509 = tpu.vector_load %arg18[%get3A_1507, %get3A_1508] {strides = array<i32>} : memref<128x128xf32, #tpu.memory_space<vmem>>, vector<16xf32>,
      %get3A_1510 = arith.index_cast %add3A_1318 : i32 to index
      %get3A_1511 = arith.constant 112 : index
      %get3A_1512 = tpu.vector_load %arg19[%get3A_1510, %get3A_1511] {strides = array<i32>} : memref<128x128xf32, #tpu.memory_space<vmem>>, vector<16xf32>,
      %add3A_1513 = arith.addf %get3A_1503, %get3A_1509 : vector<16xf32>
      %mul3A_1514 = arith.mulf %get3A_1500, %add3A_1513 : vector<16xf32>
      %add3A_1515 = arith.addf %add3A_1492, %mul3A_1514 : vector<16xf32>
      %mul3A_1516 = arith.mulf %get3A_1503, %get3A_1509 : vector<16xf32>
      %add3A_1517 = arith.addf %add3A_1515, %mul3A_1516 : vector<16xf32>
      %add3A_1518 = arith.addf %get3A_1506, %get3A_1512 : vector<16xf32>
      %mul3A_1519 = arith.mulf %get3A_1500, %add3A_1518 : vector<16xf32>
      %add3A_1520 = arith.addf %add3A_1497, %mul3A_1519 : vector<16xf32>
      %mul3A_1521 = arith.mulf %get3A_1506, %get3A_1512 : vector<16xf32>
      %add3A_1522 = arith.addf %add3A_1520, %mul3A_1521 : vector<16xf32>
      %eq3A_1523 = arith.constant 5 : i32
      %eq3A_1524 = vector.broadcast %eq3A_1523 : i32 to vector<16xi32>
      %eq3A_1525 = arith.cmpi eq, %iota3A, %eq3A_1524 : vector<16xi32>
      %reduce_sum3A_1526 = arith.constant true
      %reduce_sum3A_1527 = vector.broadcast %reduce_sum3A_1526 : i1 to vector<16xi1>
      %reduce_sum3A_1528 = tpu.scan <sum>, %add3A_1517 masked %reduce_sum3A_1527 : vector<16xf32>, vector<16xi1> -> vector<16xf32>
      %reduce_sum3A_1529 = vector.extract %reduce_sum3A_1528[15] : f32 from vector<16xf32>
      %broadcast_in_dim3A_1530 = vector.broadcast %reduce_sum3A_1529 : f32 to vector<16xf32>
      %select_n3A_1531 = arith.select %eq3A_1525, %broadcast_in_dim3A_1530, %select_n3A_1305 : vector<16xi1>, vector<16xf32>
      %eq3A_1532 = arith.constant 5 : i32
      %eq3A_1533 = vector.broadcast %eq3A_1532 : i32 to vector<16xi32>
      %eq3A_1534 = arith.cmpi eq, %iota3A, %eq3A_1533 : vector<16xi32>
      %reduce_sum3A_1535 = arith.constant true
      %reduce_sum3A_1536 = vector.broadcast %reduce_sum3A_1535 : i1 to vector<16xi1>
      %reduce_sum3A_1537 = tpu.scan <sum>, %add3A_1522 masked %reduce_sum3A_1536 : vector<16xf32>, vector<16xi1> -> vector<16xf32>
      %reduce_sum3A_1538 = vector.extract %reduce_sum3A_1537[15] : f32 from vector<16xf32>
      %broadcast_in_dim3A_1539 = vector.broadcast %reduce_sum3A_1538 : f32 to vector<16xf32>
      %select_n3A_1540 = arith.select %eq3A_1534, %broadcast_in_dim3A_1539, %select_n3A_1314 : vector<16xi1>, vector<16xf32>
      %mul3A_1541 = arith.constant 16 : i32
      %mul3A_1542 = arith.muli %scan3A_167, %mul3A_1541 : i32
      %add3A_1543 = arith.constant 6 : i32
      %add3A_1544 = arith.addi %mul3A_1542, %add3A_1543 : i32
      %broadcast_in_dim3A_1545 = arith.constant 0.000000e+00 : f32
      %broadcast_in_dim3A_1546 = vector.broadcast %broadcast_in_dim3A_1545 : f32 to vector<16xf32>
      %broadcast_in_dim3A_1547 = arith.constant 0.000000e+00 : f32
      %broadcast_in_dim3A_1548 = vector.broadcast %broadcast_in_dim3A_1547 : f32 to vector<16xf32>
      %get3A_1549 = arith.index_cast %add3A_1544 : i32 to index
      %get3A_1550 = arith.constant 0 : index
      %get3A_1551 = tpu.vector_load %arg15[%get3A_1549, %get3A_1550] {strides = array<i32>} : memref<128x128xf32, #tpu.memory_space<vmem>>, vector<16xf32>,
      %get3A_1552 = arith.index_cast %add3A_1544 : i32 to index
      %get3A_1553 = arith.constant 0 : index
      %get3A_1554 = tpu.vector_load %arg16[%get3A_1552, %get3A_1553] {strides = array<i32>} : memref<128x128xf32, #tpu.memory_space<vmem>>, vector<16xf32>,
      %get3A_1555 = arith.index_cast %add3A_1544 : i32 to index
      %get3A_1556 = arith.constant 0 : index
      %get3A_1557 = tpu.vector_load %arg17[%get3A_1555, %get3A_1556] {strides = array<i32>} : memref<128x128xf32, #tpu.memory_space<vmem>>, vector<16xf32>,
      %get3A_1558 = arith.index_cast %add3A_1544 : i32 to index
      %get3A_1559 = arith.constant 0 : index
      %get3A_1560 = tpu.vector_load %arg18[%get3A_1558, %get3A_1559] {strides = array<i32>} : memref<128x128xf32, #tpu.memory_space<vmem>>, vector<16xf32>,
      %get3A_1561 = arith.index_cast %add3A_1544 : i32 to index
      %get3A_1562 = arith.constant 0 : index
      %get3A_1563 = tpu.vector_load %arg19[%get3A_1561, %get3A_1562] {strides = array<i32>} : memref<128x128xf32, #tpu.memory_space<vmem>>, vector<16xf32>,
      %add3A_1564 = arith.addf %get3A_1554, %get3A_1560 : vector<16xf32>
      %mul3A_1565 = arith.mulf %get3A_1551, %add3A_1564 : vector<16xf32>
      %add3A_1566 = arith.addf %broadcast_in_dim3A_1546, %mul3A_1565 : vector<16xf32>
      %mul3A_1567 = arith.mulf %get3A_1554, %get3A_1560 : vector<16xf32>
      %add3A_1568 = arith.addf %add3A_1566, %mul3A_1567 : vector<16xf32>
      %add3A_1569 = arith.addf %get3A_1557, %get3A_1563 : vector<16xf32>
      %mul3A_1570 = arith.mulf %get3A_1551, %add3A_1569 : vector<16xf32>
      %add3A_1571 = arith.addf %broadcast_in_dim3A_1548, %mul3A_1570 : vector<16xf32>
      %mul3A_1572 = arith.mulf %get3A_1557, %get3A_1563 : vector<16xf32>
      %add3A_1573 = arith.addf %add3A_1571, %mul3A_1572 : vector<16xf32>
      %get3A_1574 = arith.index_cast %add3A_1544 : i32 to index
      %get3A_1575 = arith.constant 16 : index
      %get3A_1576 = tpu.vector_load %arg15[%get3A_1574, %get3A_1575] {strides = array<i32>} : memref<128x128xf32, #tpu.memory_space<vmem>>, vector<16xf32>,
      %get3A_1577 = arith.index_cast %add3A_1544 : i32 to index
      %get3A_1578 = arith.constant 16 : index
      %get3A_1579 = tpu.vector_load %arg16[%get3A_1577, %get3A_1578] {strides = array<i32>} : memref<128x128xf32, #tpu.memory_space<vmem>>, vector<16xf32>,
      %get3A_1580 = arith.index_cast %add3A_1544 : i32 to index
      %get3A_1581 = arith.constant 16 : index
      %get3A_1582 = tpu.vector_load %arg17[%get3A_1580, %get3A_1581] {strides = array<i32>} : memref<128x128xf32, #tpu.memory_space<vmem>>, vector<16xf32>,
      %get3A_1583 = arith.index_cast %add3A_1544 : i32 to index
      %get3A_1584 = arith.constant 16 : index
      %get3A_1585 = tpu.vector_load %arg18[%get3A_1583, %get3A_1584] {strides = array<i32>} : memref<128x128xf32, #tpu.memory_space<vmem>>, vector<16xf32>,
      %get3A_1586 = arith.index_cast %add3A_1544 : i32 to index
      %get3A_1587 = arith.constant 16 : index
      %get3A_1588 = tpu.vector_load %arg19[%get3A_1586, %get3A_1587] {strides = array<i32>} : memref<128x128xf32, #tpu.memory_space<vmem>>, vector<16xf32>,
      %add3A_1589 = arith.addf %get3A_1579, %get3A_1585 : vector<16xf32>
      %mul3A_1590 = arith.mulf %get3A_1576, %add3A_1589 : vector<16xf32>
      %add3A_1591 = arith.addf %add3A_1568, %mul3A_1590 : vector<16xf32>
      %mul3A_1592 = arith.mulf %get3A_1579, %get3A_1585 : vector<16xf32>
      %add3A_1593 = arith.addf %add3A_1591, %mul3A_1592 : vector<16xf32>
      %add3A_1594 = arith.addf %get3A_1582, %get3A_1588 : vector<16xf32>
      %mul3A_1595 = arith.mulf %get3A_1576, %add3A_1594 : vector<16xf32>
      %add3A_1596 = arith.addf %add3A_1573, %mul3A_1595 : vector<16xf32>
      %mul3A_1597 = arith.mulf %get3A_1582, %get3A_1588 : vector<16xf32>
      %add3A_1598 = arith.addf %add3A_1596, %mul3A_1597 : vector<16xf32>
      %get3A_1599 = arith.index_cast %add3A_1544 : i32 to index
      %get3A_1600 = arith.constant 32 : index
      %get3A_1601 = tpu.vector_load %arg15[%get3A_1599, %get3A_1600] {strides = array<i32>} : memref<128x128xf32, #tpu.memory_space<vmem>>, vector<16xf32>,
      %get3A_1602 = arith.index_cast %add3A_1544 : i32 to index
      %get3A_1603 = arith.constant 32 : index
      %get3A_1604 = tpu.vector_load %arg16[%get3A_1602, %get3A_1603] {strides = array<i32>} : memref<128x128xf32, #tpu.memory_space<vmem>>, vector<16xf32>,
      %get3A_1605 = arith.index_cast %add3A_1544 : i32 to index
      %get3A_1606 = arith.constant 32 : index
      %get3A_1607 = tpu.vector_load %arg17[%get3A_1605, %get3A_1606] {strides = array<i32>} : memref<128x128xf32, #tpu.memory_space<vmem>>, vector<16xf32>,
      %get3A_1608 = arith.index_cast %add3A_1544 : i32 to index
      %get3A_1609 = arith.constant 32 : index
      %get3A_1610 = tpu.vector_load %arg18[%get3A_1608, %get3A_1609] {strides = array<i32>} : memref<128x128xf32, #tpu.memory_space<vmem>>, vector<16xf32>,
      %get3A_1611 = arith.index_cast %add3A_1544 : i32 to index
      %get3A_1612 = arith.constant 32 : index
      %get3A_1613 = tpu.vector_load %arg19[%get3A_1611, %get3A_1612] {strides = array<i32>} : memref<128x128xf32, #tpu.memory_space<vmem>>, vector<16xf32>,
      %add3A_1614 = arith.addf %get3A_1604, %get3A_1610 : vector<16xf32>
      %mul3A_1615 = arith.mulf %get3A_1601, %add3A_1614 : vector<16xf32>
      %add3A_1616 = arith.addf %add3A_1593, %mul3A_1615 : vector<16xf32>
      %mul3A_1617 = arith.mulf %get3A_1604, %get3A_1610 : vector<16xf32>
      %add3A_1618 = arith.addf %add3A_1616, %mul3A_1617 : vector<16xf32>
      %add3A_1619 = arith.addf %get3A_1607, %get3A_1613 : vector<16xf32>
      %mul3A_1620 = arith.mulf %get3A_1601, %add3A_1619 : vector<16xf32>
      %add3A_1621 = arith.addf %add3A_1598, %mul3A_1620 : vector<16xf32>
      %mul3A_1622 = arith.mulf %get3A_1607, %get3A_1613 : vector<16xf32>
      %add3A_1623 = arith.addf %add3A_1621, %mul3A_1622 : vector<16xf32>
      %get3A_1624 = arith.index_cast %add3A_1544 : i32 to index
      %get3A_1625 = arith.constant 48 : index
      %get3A_1626 = tpu.vector_load %arg15[%get3A_1624, %get3A_1625] {strides = array<i32>} : memref<128x128xf32, #tpu.memory_space<vmem>>, vector<16xf32>,
      %get3A_1627 = arith.index_cast %add3A_1544 : i32 to index
      %get3A_1628 = arith.constant 48 : index
      %get3A_1629 = tpu.vector_load %arg16[%get3A_1627, %get3A_1628] {strides = array<i32>} : memref<128x128xf32, #tpu.memory_space<vmem>>, vector<16xf32>,
      %get3A_1630 = arith.index_cast %add3A_1544 : i32 to index
      %get3A_1631 = arith.constant 48 : index
      %get3A_1632 = tpu.vector_load %arg17[%get3A_1630, %get3A_1631] {strides = array<i32>} : memref<128x128xf32, #tpu.memory_space<vmem>>, vector<16xf32>,
      %get3A_1633 = arith.index_cast %add3A_1544 : i32 to index
      %get3A_1634 = arith.constant 48 : index
      %get3A_1635 = tpu.vector_load %arg18[%get3A_1633, %get3A_1634] {strides = array<i32>} : memref<128x128xf32, #tpu.memory_space<vmem>>, vector<16xf32>,
      %get3A_1636 = arith.index_cast %add3A_1544 : i32 to index
      %get3A_1637 = arith.constant 48 : index
      %get3A_1638 = tpu.vector_load %arg19[%get3A_1636, %get3A_1637] {strides = array<i32>} : memref<128x128xf32, #tpu.memory_space<vmem>>, vector<16xf32>,
      %add3A_1639 = arith.addf %get3A_1629, %get3A_1635 : vector<16xf32>
      %mul3A_1640 = arith.mulf %get3A_1626, %add3A_1639 : vector<16xf32>
      %add3A_1641 = arith.addf %add3A_1618, %mul3A_1640 : vector<16xf32>
      %mul3A_1642 = arith.mulf %get3A_1629, %get3A_1635 : vector<16xf32>
      %add3A_1643 = arith.addf %add3A_1641, %mul3A_1642 : vector<16xf32>
      %add3A_1644 = arith.addf %get3A_1632, %get3A_1638 : vector<16xf32>
      %mul3A_1645 = arith.mulf %get3A_1626, %add3A_1644 : vector<16xf32>
      %add3A_1646 = arith.addf %add3A_1623, %mul3A_1645 : vector<16xf32>
      %mul3A_1647 = arith.mulf %get3A_1632, %get3A_1638 : vector<16xf32>
      %add3A_1648 = arith.addf %add3A_1646, %mul3A_1647 : vector<16xf32>
      %get3A_1649 = arith.index_cast %add3A_1544 : i32 to index
      %get3A_1650 = arith.constant 64 : index
      %get3A_1651 = tpu.vector_load %arg15[%get3A_1649, %get3A_1650] {strides = array<i32>} : memref<128x128xf32, #tpu.memory_space<vmem>>, vector<16xf32>,
      %get3A_1652 = arith.index_cast %add3A_1544 : i32 to index
      %get3A_1653 = arith.constant 64 : index
      %get3A_1654 = tpu.vector_load %arg16[%get3A_1652, %get3A_1653] {strides = array<i32>} : memref<128x128xf32, #tpu.memory_space<vmem>>, vector<16xf32>,
      %get3A_1655 = arith.index_cast %add3A_1544 : i32 to index
      %get3A_1656 = arith.constant 64 : index
      %get3A_1657 = tpu.vector_load %arg17[%get3A_1655, %get3A_1656] {strides = array<i32>} : memref<128x128xf32, #tpu.memory_space<vmem>>, vector<16xf32>,
      %get3A_1658 = arith.index_cast %add3A_1544 : i32 to index
      %get3A_1659 = arith.constant 64 : index
      %get3A_1660 = tpu.vector_load %arg18[%get3A_1658, %get3A_1659] {strides = array<i32>} : memref<128x128xf32, #tpu.memory_space<vmem>>, vector<16xf32>,
      %get3A_1661 = arith.index_cast %add3A_1544 : i32 to index
      %get3A_1662 = arith.constant 64 : index
      %get3A_1663 = tpu.vector_load %arg19[%get3A_1661, %get3A_1662] {strides = array<i32>} : memref<128x128xf32, #tpu.memory_space<vmem>>, vector<16xf32>,
      %add3A_1664 = arith.addf %get3A_1654, %get3A_1660 : vector<16xf32>
      %mul3A_1665 = arith.mulf %get3A_1651, %add3A_1664 : vector<16xf32>
      %add3A_1666 = arith.addf %add3A_1643, %mul3A_1665 : vector<16xf32>
      %mul3A_1667 = arith.mulf %get3A_1654, %get3A_1660 : vector<16xf32>
      %add3A_1668 = arith.addf %add3A_1666, %mul3A_1667 : vector<16xf32>
      %add3A_1669 = arith.addf %get3A_1657, %get3A_1663 : vector<16xf32>
      %mul3A_1670 = arith.mulf %get3A_1651, %add3A_1669 : vector<16xf32>
      %add3A_1671 = arith.addf %add3A_1648, %mul3A_1670 : vector<16xf32>
      %mul3A_1672 = arith.mulf %get3A_1657, %get3A_1663 : vector<16xf32>
      %add3A_1673 = arith.addf %add3A_1671, %mul3A_1672 : vector<16xf32>
      %get3A_1674 = arith.index_cast %add3A_1544 : i32 to index
      %get3A_1675 = arith.constant 80 : index
      %get3A_1676 = tpu.vector_load %arg15[%get3A_1674, %get3A_1675] {strides = array<i32>} : memref<128x128xf32, #tpu.memory_space<vmem>>, vector<16xf32>,
      %get3A_1677 = arith.index_cast %add3A_1544 : i32 to index
      %get3A_1678 = arith.constant 80 : index
      %get3A_1679 = tpu.vector_load %arg16[%get3A_1677, %get3A_1678] {strides = array<i32>} : memref<128x128xf32, #tpu.memory_space<vmem>>, vector<16xf32>,
      %get3A_1680 = arith.index_cast %add3A_1544 : i32 to index
      %get3A_1681 = arith.constant 80 : index
      %get3A_1682 = tpu.vector_load %arg17[%get3A_1680, %get3A_1681] {strides = array<i32>} : memref<128x128xf32, #tpu.memory_space<vmem>>, vector<16xf32>,
      %get3A_1683 = arith.index_cast %add3A_1544 : i32 to index
      %get3A_1684 = arith.constant 80 : index
      %get3A_1685 = tpu.vector_load %arg18[%get3A_1683, %get3A_1684] {strides = array<i32>} : memref<128x128xf32, #tpu.memory_space<vmem>>, vector<16xf32>,
      %get3A_1686 = arith.index_cast %add3A_1544 : i32 to index
      %get3A_1687 = arith.constant 80 : index
      %get3A_1688 = tpu.vector_load %arg19[%get3A_1686, %get3A_1687] {strides = array<i32>} : memref<128x128xf32, #tpu.memory_space<vmem>>, vector<16xf32>,
      %add3A_1689 = arith.addf %get3A_1679, %get3A_1685 : vector<16xf32>
      %mul3A_1690 = arith.mulf %get3A_1676, %add3A_1689 : vector<16xf32>
      %add3A_1691 = arith.addf %add3A_1668, %mul3A_1690 : vector<16xf32>
      %mul3A_1692 = arith.mulf %get3A_1679, %get3A_1685 : vector<16xf32>
      %add3A_1693 = arith.addf %add3A_1691, %mul3A_1692 : vector<16xf32>
      %add3A_1694 = arith.addf %get3A_1682, %get3A_1688 : vector<16xf32>
      %mul3A_1695 = arith.mulf %get3A_1676, %add3A_1694 : vector<16xf32>
      %add3A_1696 = arith.addf %add3A_1673, %mul3A_1695 : vector<16xf32>
      %mul3A_1697 = arith.mulf %get3A_1682, %get3A_1688 : vector<16xf32>
      %add3A_1698 = arith.addf %add3A_1696, %mul3A_1697 : vector<16xf32>
      %get3A_1699 = arith.index_cast %add3A_1544 : i32 to index
      %get3A_1700 = arith.constant 96 : index
      %get3A_1701 = tpu.vector_load %arg15[%get3A_1699, %get3A_1700] {strides = array<i32>} : memref<128x128xf32, #tpu.memory_space<vmem>>, vector<16xf32>,
      %get3A_1702 = arith.index_cast %add3A_1544 : i32 to index
      %get3A_1703 = arith.constant 96 : index
      %get3A_1704 = tpu.vector_load %arg16[%get3A_1702, %get3A_1703] {strides = array<i32>} : memref<128x128xf32, #tpu.memory_space<vmem>>, vector<16xf32>,
      %get3A_1705 = arith.index_cast %add3A_1544 : i32 to index
      %get3A_1706 = arith.constant 96 : index
      %get3A_1707 = tpu.vector_load %arg17[%get3A_1705, %get3A_1706] {strides = array<i32>} : memref<128x128xf32, #tpu.memory_space<vmem>>, vector<16xf32>,
      %get3A_1708 = arith.index_cast %add3A_1544 : i32 to index
      %get3A_1709 = arith.constant 96 : index
      %get3A_1710 = tpu.vector_load %arg18[%get3A_1708, %get3A_1709] {strides = array<i32>} : memref<128x128xf32, #tpu.memory_space<vmem>>, vector<16xf32>,
      %get3A_1711 = arith.index_cast %add3A_1544 : i32 to index
      %get3A_1712 = arith.constant 96 : index
      %get3A_1713 = tpu.vector_load %arg19[%get3A_1711, %get3A_1712] {strides = array<i32>} : memref<128x128xf32, #tpu.memory_space<vmem>>, vector<16xf32>,
      %add3A_1714 = arith.addf %get3A_1704, %get3A_1710 : vector<16xf32>
      %mul3A_1715 = arith.mulf %get3A_1701, %add3A_1714 : vector<16xf32>
      %add3A_1716 = arith.addf %add3A_1693, %mul3A_1715 : vector<16xf32>
      %mul3A_1717 = arith.mulf %get3A_1704, %get3A_1710 : vector<16xf32>
      %add3A_1718 = arith.addf %add3A_1716, %mul3A_1717 : vector<16xf32>
      %add3A_1719 = arith.addf %get3A_1707, %get3A_1713 : vector<16xf32>
      %mul3A_1720 = arith.mulf %get3A_1701, %add3A_1719 : vector<16xf32>
      %add3A_1721 = arith.addf %add3A_1698, %mul3A_1720 : vector<16xf32>
      %mul3A_1722 = arith.mulf %get3A_1707, %get3A_1713 : vector<16xf32>
      %add3A_1723 = arith.addf %add3A_1721, %mul3A_1722 : vector<16xf32>
      %get3A_1724 = arith.index_cast %add3A_1544 : i32 to index
      %get3A_1725 = arith.constant 112 : index
      %get3A_1726 = tpu.vector_load %arg15[%get3A_1724, %get3A_1725] {strides = array<i32>} : memref<128x128xf32, #tpu.memory_space<vmem>>, vector<16xf32>,
      %get3A_1727 = arith.index_cast %add3A_1544 : i32 to index
      %get3A_1728 = arith.constant 112 : index
      %get3A_1729 = tpu.vector_load %arg16[%get3A_1727, %get3A_1728] {strides = array<i32>} : memref<128x128xf32, #tpu.memory_space<vmem>>, vector<16xf32>,
      %get3A_1730 = arith.index_cast %add3A_1544 : i32 to index
      %get3A_1731 = arith.constant 112 : index
      %get3A_1732 = tpu.vector_load %arg17[%get3A_1730, %get3A_1731] {strides = array<i32>} : memref<128x128xf32, #tpu.memory_space<vmem>>, vector<16xf32>,
      %get3A_1733 = arith.index_cast %add3A_1544 : i32 to index
      %get3A_1734 = arith.constant 112 : index
      %get3A_1735 = tpu.vector_load %arg18[%get3A_1733, %get3A_1734] {strides = array<i32>} : memref<128x128xf32, #tpu.memory_space<vmem>>, vector<16xf32>,
      %get3A_1736 = arith.index_cast %add3A_1544 : i32 to index
      %get3A_1737 = arith.constant 112 : index
      %get3A_1738 = tpu.vector_load %arg19[%get3A_1736, %get3A_1737] {strides = array<i32>} : memref<128x128xf32, #tpu.memory_space<vmem>>, vector<16xf32>,
      %add3A_1739 = arith.addf %get3A_1729, %get3A_1735 : vector<16xf32>
      %mul3A_1740 = arith.mulf %get3A_1726, %add3A_1739 : vector<16xf32>
      %add3A_1741 = arith.addf %add3A_1718, %mul3A_1740 : vector<16xf32>
      %mul3A_1742 = arith.mulf %get3A_1729, %get3A_1735 : vector<16xf32>
      %add3A_1743 = arith.addf %add3A_1741, %mul3A_1742 : vector<16xf32>
      %add3A_1744 = arith.addf %get3A_1732, %get3A_1738 : vector<16xf32>
      %mul3A_1745 = arith.mulf %get3A_1726, %add3A_1744 : vector<16xf32>
      %add3A_1746 = arith.addf %add3A_1723, %mul3A_1745 : vector<16xf32>
      %mul3A_1747 = arith.mulf %get3A_1732, %get3A_1738 : vector<16xf32>
      %add3A_1748 = arith.addf %add3A_1746, %mul3A_1747 : vector<16xf32>
      %eq3A_1749 = arith.constant 6 : i32
      %eq3A_1750 = vector.broadcast %eq3A_1749 : i32 to vector<16xi32>
      %eq3A_1751 = arith.cmpi eq, %iota3A, %eq3A_1750 : vector<16xi32>
      %reduce_sum3A_1752 = arith.constant true
      %reduce_sum3A_1753 = vector.broadcast %reduce_sum3A_1752 : i1 to vector<16xi1>
      %reduce_sum3A_1754 = tpu.scan <sum>, %add3A_1743 masked %reduce_sum3A_1753 : vector<16xf32>, vector<16xi1> -> vector<16xf32>
      %reduce_sum3A_1755 = vector.extract %reduce_sum3A_1754[15] : f32 from vector<16xf32>
      %broadcast_in_dim3A_1756 = vector.broadcast %reduce_sum3A_1755 : f32 to vector<16xf32>
      %select_n3A_1757 = arith.select %eq3A_1751, %broadcast_in_dim3A_1756, %select_n3A_1531 : vector<16xi1>, vector<16xf32>
      %eq3A_1758 = arith.constant 6 : i32
      %eq3A_1759 = vector.broadcast %eq3A_1758 : i32 to vector<16xi32>
      %eq3A_1760 = arith.cmpi eq, %iota3A, %eq3A_1759 : vector<16xi32>
      %reduce_sum3A_1761 = arith.constant true
      %reduce_sum3A_1762 = vector.broadcast %reduce_sum3A_1761 : i1 to vector<16xi1>
      %reduce_sum3A_1763 = tpu.scan <sum>, %add3A_1748 masked %reduce_sum3A_1762 : vector<16xf32>, vector<16xi1> -> vector<16xf32>
      %reduce_sum3A_1764 = vector.extract %reduce_sum3A_1763[15] : f32 from vector<16xf32>
      %broadcast_in_dim3A_1765 = vector.broadcast %reduce_sum3A_1764 : f32 to vector<16xf32>
      %select_n3A_1766 = arith.select %eq3A_1760, %broadcast_in_dim3A_1765, %select_n3A_1540 : vector<16xi1>, vector<16xf32>
      %mul3A_1767 = arith.constant 16 : i32
      %mul3A_1768 = arith.muli %scan3A_167, %mul3A_1767 : i32
      %add3A_1769 = arith.constant 7 : i32
      %add3A_1770 = arith.addi %mul3A_1768, %add3A_1769 : i32
      %broadcast_in_dim3A_1771 = arith.constant 0.000000e+00 : f32
      %broadcast_in_dim3A_1772 = vector.broadcast %broadcast_in_dim3A_1771 : f32 to vector<16xf32>
      %broadcast_in_dim3A_1773 = arith.constant 0.000000e+00 : f32
      %broadcast_in_dim3A_1774 = vector.broadcast %broadcast_in_dim3A_1773 : f32 to vector<16xf32>
      %get3A_1775 = arith.index_cast %add3A_1770 : i32 to index
      %get3A_1776 = arith.constant 0 : index
      %get3A_1777 = tpu.vector_load %arg15[%get3A_1775, %get3A_1776] {strides = array<i32>} : memref<128x128xf32, #tpu.memory_space<vmem>>, vector<16xf32>,
      %get3A_1778 = arith.index_cast %add3A_1770 : i32 to index
      %get3A_1779 = arith.constant 0 : index
      %get3A_1780 = tpu.vector_load %arg16[%get3A_1778, %get3A_1779] {strides = array<i32>} : memref<128x128xf32, #tpu.memory_space<vmem>>, vector<16xf32>,
      %get3A_1781 = arith.index_cast %add3A_1770 : i32 to index
      %get3A_1782 = arith.constant 0 : index
      %get3A_1783 = tpu.vector_load %arg17[%get3A_1781, %get3A_1782] {strides = array<i32>} : memref<128x128xf32, #tpu.memory_space<vmem>>, vector<16xf32>,
      %get3A_1784 = arith.index_cast %add3A_1770 : i32 to index
      %get3A_1785 = arith.constant 0 : index
      %get3A_1786 = tpu.vector_load %arg18[%get3A_1784, %get3A_1785] {strides = array<i32>} : memref<128x128xf32, #tpu.memory_space<vmem>>, vector<16xf32>,
      %get3A_1787 = arith.index_cast %add3A_1770 : i32 to index
      %get3A_1788 = arith.constant 0 : index
      %get3A_1789 = tpu.vector_load %arg19[%get3A_1787, %get3A_1788] {strides = array<i32>} : memref<128x128xf32, #tpu.memory_space<vmem>>, vector<16xf32>,
      %add3A_1790 = arith.addf %get3A_1780, %get3A_1786 : vector<16xf32>
      %mul3A_1791 = arith.mulf %get3A_1777, %add3A_1790 : vector<16xf32>
      %add3A_1792 = arith.addf %broadcast_in_dim3A_1772, %mul3A_1791 : vector<16xf32>
      %mul3A_1793 = arith.mulf %get3A_1780, %get3A_1786 : vector<16xf32>
      %add3A_1794 = arith.addf %add3A_1792, %mul3A_1793 : vector<16xf32>
      %add3A_1795 = arith.addf %get3A_1783, %get3A_1789 : vector<16xf32>
      %mul3A_1796 = arith.mulf %get3A_1777, %add3A_1795 : vector<16xf32>
      %add3A_1797 = arith.addf %broadcast_in_dim3A_1774, %mul3A_1796 : vector<16xf32>
      %mul3A_1798 = arith.mulf %get3A_1783, %get3A_1789 : vector<16xf32>
      %add3A_1799 = arith.addf %add3A_1797, %mul3A_1798 : vector<16xf32>
      %get3A_1800 = arith.index_cast %add3A_1770 : i32 to index
      %get3A_1801 = arith.constant 16 : index
      %get3A_1802 = tpu.vector_load %arg15[%get3A_1800, %get3A_1801] {strides = array<i32>} : memref<128x128xf32, #tpu.memory_space<vmem>>, vector<16xf32>,
      %get3A_1803 = arith.index_cast %add3A_1770 : i32 to index
      %get3A_1804 = arith.constant 16 : index
      %get3A_1805 = tpu.vector_load %arg16[%get3A_1803, %get3A_1804] {strides = array<i32>} : memref<128x128xf32, #tpu.memory_space<vmem>>, vector<16xf32>,
      %get3A_1806 = arith.index_cast %add3A_1770 : i32 to index
      %get3A_1807 = arith.constant 16 : index
      %get3A_1808 = tpu.vector_load %arg17[%get3A_1806, %get3A_1807] {strides = array<i32>} : memref<128x128xf32, #tpu.memory_space<vmem>>, vector<16xf32>,
      %get3A_1809 = arith.index_cast %add3A_1770 : i32 to index
      %get3A_1810 = arith.constant 16 : index
      %get3A_1811 = tpu.vector_load %arg18[%get3A_1809, %get3A_1810] {strides = array<i32>} : memref<128x128xf32, #tpu.memory_space<vmem>>, vector<16xf32>,
      %get3A_1812 = arith.index_cast %add3A_1770 : i32 to index
      %get3A_1813 = arith.constant 16 : index
      %get3A_1814 = tpu.vector_load %arg19[%get3A_1812, %get3A_1813] {strides = array<i32>} : memref<128x128xf32, #tpu.memory_space<vmem>>, vector<16xf32>,
      %add3A_1815 = arith.addf %get3A_1805, %get3A_1811 : vector<16xf32>
      %mul3A_1816 = arith.mulf %get3A_1802, %add3A_1815 : vector<16xf32>
      %add3A_1817 = arith.addf %add3A_1794, %mul3A_1816 : vector<16xf32>
      %mul3A_1818 = arith.mulf %get3A_1805, %get3A_1811 : vector<16xf32>
      %add3A_1819 = arith.addf %add3A_1817, %mul3A_1818 : vector<16xf32>
      %add3A_1820 = arith.addf %get3A_1808, %get3A_1814 : vector<16xf32>
      %mul3A_1821 = arith.mulf %get3A_1802, %add3A_1820 : vector<16xf32>
      %add3A_1822 = arith.addf %add3A_1799, %mul3A_1821 : vector<16xf32>
      %mul3A_1823 = arith.mulf %get3A_1808, %get3A_1814 : vector<16xf32>
      %add3A_1824 = arith.addf %add3A_1822, %mul3A_1823 : vector<16xf32>
      %get3A_1825 = arith.index_cast %add3A_1770 : i32 to index
      %get3A_1826 = arith.constant 32 : index
      %get3A_1827 = tpu.vector_load %arg15[%get3A_1825, %get3A_1826] {strides = array<i32>} : memref<128x128xf32, #tpu.memory_space<vmem>>, vector<16xf32>,
      %get3A_1828 = arith.index_cast %add3A_1770 : i32 to index
      %get3A_1829 = arith.constant 32 : index
      %get3A_1830 = tpu.vector_load %arg16[%get3A_1828, %get3A_1829] {strides = array<i32>} : memref<128x128xf32, #tpu.memory_space<vmem>>, vector<16xf32>,
      %get3A_1831 = arith.index_cast %add3A_1770 : i32 to index
      %get3A_1832 = arith.constant 32 : index
      %get3A_1833 = tpu.vector_load %arg17[%get3A_1831, %get3A_1832] {strides = array<i32>} : memref<128x128xf32, #tpu.memory_space<vmem>>, vector<16xf32>,
      %get3A_1834 = arith.index_cast %add3A_1770 : i32 to index
      %get3A_1835 = arith.constant 32 : index
      %get3A_1836 = tpu.vector_load %arg18[%get3A_1834, %get3A_1835] {strides = array<i32>} : memref<128x128xf32, #tpu.memory_space<vmem>>, vector<16xf32>,
      %get3A_1837 = arith.index_cast %add3A_1770 : i32 to index
      %get3A_1838 = arith.constant 32 : index
      %get3A_1839 = tpu.vector_load %arg19[%get3A_1837, %get3A_1838] {strides = array<i32>} : memref<128x128xf32, #tpu.memory_space<vmem>>, vector<16xf32>,
      %add3A_1840 = arith.addf %get3A_1830, %get3A_1836 : vector<16xf32>
      %mul3A_1841 = arith.mulf %get3A_1827, %add3A_1840 : vector<16xf32>
      %add3A_1842 = arith.addf %add3A_1819, %mul3A_1841 : vector<16xf32>
      %mul3A_1843 = arith.mulf %get3A_1830, %get3A_1836 : vector<16xf32>
      %add3A_1844 = arith.addf %add3A_1842, %mul3A_1843 : vector<16xf32>
      %add3A_1845 = arith.addf %get3A_1833, %get3A_1839 : vector<16xf32>
      %mul3A_1846 = arith.mulf %get3A_1827, %add3A_1845 : vector<16xf32>
      %add3A_1847 = arith.addf %add3A_1824, %mul3A_1846 : vector<16xf32>
      %mul3A_1848 = arith.mulf %get3A_1833, %get3A_1839 : vector<16xf32>
      %add3A_1849 = arith.addf %add3A_1847, %mul3A_1848 : vector<16xf32>
      %get3A_1850 = arith.index_cast %add3A_1770 : i32 to index
      %get3A_1851 = arith.constant 48 : index
      %get3A_1852 = tpu.vector_load %arg15[%get3A_1850, %get3A_1851] {strides = array<i32>} : memref<128x128xf32, #tpu.memory_space<vmem>>, vector<16xf32>,
      %get3A_1853 = arith.index_cast %add3A_1770 : i32 to index
      %get3A_1854 = arith.constant 48 : index
      %get3A_1855 = tpu.vector_load %arg16[%get3A_1853, %get3A_1854] {strides = array<i32>} : memref<128x128xf32, #tpu.memory_space<vmem>>, vector<16xf32>,
      %get3A_1856 = arith.index_cast %add3A_1770 : i32 to index
      %get3A_1857 = arith.constant 48 : index
      %get3A_1858 = tpu.vector_load %arg17[%get3A_1856, %get3A_1857] {strides = array<i32>} : memref<128x128xf32, #tpu.memory_space<vmem>>, vector<16xf32>,
      %get3A_1859 = arith.index_cast %add3A_1770 : i32 to index
      %get3A_1860 = arith.constant 48 : index
      %get3A_1861 = tpu.vector_load %arg18[%get3A_1859, %get3A_1860] {strides = array<i32>} : memref<128x128xf32, #tpu.memory_space<vmem>>, vector<16xf32>,
      %get3A_1862 = arith.index_cast %add3A_1770 : i32 to index
      %get3A_1863 = arith.constant 48 : index
      %get3A_1864 = tpu.vector_load %arg19[%get3A_1862, %get3A_1863] {strides = array<i32>} : memref<128x128xf32, #tpu.memory_space<vmem>>, vector<16xf32>,
      %add3A_1865 = arith.addf %get3A_1855, %get3A_1861 : vector<16xf32>
      %mul3A_1866 = arith.mulf %get3A_1852, %add3A_1865 : vector<16xf32>
      %add3A_1867 = arith.addf %add3A_1844, %mul3A_1866 : vector<16xf32>
      %mul3A_1868 = arith.mulf %get3A_1855, %get3A_1861 : vector<16xf32>
      %add3A_1869 = arith.addf %add3A_1867, %mul3A_1868 : vector<16xf32>
      %add3A_1870 = arith.addf %get3A_1858, %get3A_1864 : vector<16xf32>
      %mul3A_1871 = arith.mulf %get3A_1852, %add3A_1870 : vector<16xf32>
      %add3A_1872 = arith.addf %add3A_1849, %mul3A_1871 : vector<16xf32>
      %mul3A_1873 = arith.mulf %get3A_1858, %get3A_1864 : vector<16xf32>
      %add3A_1874 = arith.addf %add3A_1872, %mul3A_1873 : vector<16xf32>
      %get3A_1875 = arith.index_cast %add3A_1770 : i32 to index
      %get3A_1876 = arith.constant 64 : index
      %get3A_1877 = tpu.vector_load %arg15[%get3A_1875, %get3A_1876] {strides = array<i32>} : memref<128x128xf32, #tpu.memory_space<vmem>>, vector<16xf32>,
      %get3A_1878 = arith.index_cast %add3A_1770 : i32 to index
      %get3A_1879 = arith.constant 64 : index
      %get3A_1880 = tpu.vector_load %arg16[%get3A_1878, %get3A_1879] {strides = array<i32>} : memref<128x128xf32, #tpu.memory_space<vmem>>, vector<16xf32>,
      %get3A_1881 = arith.index_cast %add3A_1770 : i32 to index
      %get3A_1882 = arith.constant 64 : index
      %get3A_1883 = tpu.vector_load %arg17[%get3A_1881, %get3A_1882] {strides = array<i32>} : memref<128x128xf32, #tpu.memory_space<vmem>>, vector<16xf32>,
      %get3A_1884 = arith.index_cast %add3A_1770 : i32 to index
      %get3A_1885 = arith.constant 64 : index
      %get3A_1886 = tpu.vector_load %arg18[%get3A_1884, %get3A_1885] {strides = array<i32>} : memref<128x128xf32, #tpu.memory_space<vmem>>, vector<16xf32>,
      %get3A_1887 = arith.index_cast %add3A_1770 : i32 to index
      %get3A_1888 = arith.constant 64 : index
      %get3A_1889 = tpu.vector_load %arg19[%get3A_1887, %get3A_1888] {strides = array<i32>} : memref<128x128xf32, #tpu.memory_space<vmem>>, vector<16xf32>,
      %add3A_1890 = arith.addf %get3A_1880, %get3A_1886 : vector<16xf32>
      %mul3A_1891 = arith.mulf %get3A_1877, %add3A_1890 : vector<16xf32>
      %add3A_1892 = arith.addf %add3A_1869, %mul3A_1891 : vector<16xf32>
      %mul3A_1893 = arith.mulf %get3A_1880, %get3A_1886 : vector<16xf32>
      %add3A_1894 = arith.addf %add3A_1892, %mul3A_1893 : vector<16xf32>
      %add3A_1895 = arith.addf %get3A_1883, %get3A_1889 : vector<16xf32>
      %mul3A_1896 = arith.mulf %get3A_1877, %add3A_1895 : vector<16xf32>
      %add3A_1897 = arith.addf %add3A_1874, %mul3A_1896 : vector<16xf32>
      %mul3A_1898 = arith.mulf %get3A_1883, %get3A_1889 : vector<16xf32>
      %add3A_1899 = arith.addf %add3A_1897, %mul3A_1898 : vector<16xf32>
      %get3A_1900 = arith.index_cast %add3A_1770 : i32 to index
      %get3A_1901 = arith.constant 80 : index
      %get3A_1902 = tpu.vector_load %arg15[%get3A_1900, %get3A_1901] {strides = array<i32>} : memref<128x128xf32, #tpu.memory_space<vmem>>, vector<16xf32>,
      %get3A_1903 = arith.index_cast %add3A_1770 : i32 to index
      %get3A_1904 = arith.constant 80 : index
      %get3A_1905 = tpu.vector_load %arg16[%get3A_1903, %get3A_1904] {strides = array<i32>} : memref<128x128xf32, #tpu.memory_space<vmem>>, vector<16xf32>,
      %get3A_1906 = arith.index_cast %add3A_1770 : i32 to index
      %get3A_1907 = arith.constant 80 : index
      %get3A_1908 = tpu.vector_load %arg17[%get3A_1906, %get3A_1907] {strides = array<i32>} : memref<128x128xf32, #tpu.memory_space<vmem>>, vector<16xf32>,
      %get3A_1909 = arith.index_cast %add3A_1770 : i32 to index
      %get3A_1910 = arith.constant 80 : index
      %get3A_1911 = tpu.vector_load %arg18[%get3A_1909, %get3A_1910] {strides = array<i32>} : memref<128x128xf32, #tpu.memory_space<vmem>>, vector<16xf32>,
      %get3A_1912 = arith.index_cast %add3A_1770 : i32 to index
      %get3A_1913 = arith.constant 80 : index
      %get3A_1914 = tpu.vector_load %arg19[%get3A_1912, %get3A_1913] {strides = array<i32>} : memref<128x128xf32, #tpu.memory_space<vmem>>, vector<16xf32>,
      %add3A_1915 = arith.addf %get3A_1905, %get3A_1911 : vector<16xf32>
      %mul3A_1916 = arith.mulf %get3A_1902, %add3A_1915 : vector<16xf32>
      %add3A_1917 = arith.addf %add3A_1894, %mul3A_1916 : vector<16xf32>
      %mul3A_1918 = arith.mulf %get3A_1905, %get3A_1911 : vector<16xf32>
      %add3A_1919 = arith.addf %add3A_1917, %mul3A_1918 : vector<16xf32>
      %add3A_1920 = arith.addf %get3A_1908, %get3A_1914 : vector<16xf32>
      %mul3A_1921 = arith.mulf %get3A_1902, %add3A_1920 : vector<16xf32>
      %add3A_1922 = arith.addf %add3A_1899, %mul3A_1921 : vector<16xf32>
      %mul3A_1923 = arith.mulf %get3A_1908, %get3A_1914 : vector<16xf32>
      %add3A_1924 = arith.addf %add3A_1922, %mul3A_1923 : vector<16xf32>
      %get3A_1925 = arith.index_cast %add3A_1770 : i32 to index
      %get3A_1926 = arith.constant 96 : index
      %get3A_1927 = tpu.vector_load %arg15[%get3A_1925, %get3A_1926] {strides = array<i32>} : memref<128x128xf32, #tpu.memory_space<vmem>>, vector<16xf32>,
      %get3A_1928 = arith.index_cast %add3A_1770 : i32 to index
      %get3A_1929 = arith.constant 96 : index
      %get3A_1930 = tpu.vector_load %arg16[%get3A_1928, %get3A_1929] {strides = array<i32>} : memref<128x128xf32, #tpu.memory_space<vmem>>, vector<16xf32>,
      %get3A_1931 = arith.index_cast %add3A_1770 : i32 to index
      %get3A_1932 = arith.constant 96 : index
      %get3A_1933 = tpu.vector_load %arg17[%get3A_1931, %get3A_1932] {strides = array<i32>} : memref<128x128xf32, #tpu.memory_space<vmem>>, vector<16xf32>,
      %get3A_1934 = arith.index_cast %add3A_1770 : i32 to index
      %get3A_1935 = arith.constant 96 : index
      %get3A_1936 = tpu.vector_load %arg18[%get3A_1934, %get3A_1935] {strides = array<i32>} : memref<128x128xf32, #tpu.memory_space<vmem>>, vector<16xf32>,
      %get3A_1937 = arith.index_cast %add3A_1770 : i32 to index
      %get3A_1938 = arith.constant 96 : index
      %get3A_1939 = tpu.vector_load %arg19[%get3A_1937, %get3A_1938] {strides = array<i32>} : memref<128x128xf32, #tpu.memory_space<vmem>>, vector<16xf32>,
      %add3A_1940 = arith.addf %get3A_1930, %get3A_1936 : vector<16xf32>
      %mul3A_1941 = arith.mulf %get3A_1927, %add3A_1940 : vector<16xf32>
      %add3A_1942 = arith.addf %add3A_1919, %mul3A_1941 : vector<16xf32>
      %mul3A_1943 = arith.mulf %get3A_1930, %get3A_1936 : vector<16xf32>
      %add3A_1944 = arith.addf %add3A_1942, %mul3A_1943 : vector<16xf32>
      %add3A_1945 = arith.addf %get3A_1933, %get3A_1939 : vector<16xf32>
      %mul3A_1946 = arith.mulf %get3A_1927, %add3A_1945 : vector<16xf32>
      %add3A_1947 = arith.addf %add3A_1924, %mul3A_1946 : vector<16xf32>
      %mul3A_1948 = arith.mulf %get3A_1933, %get3A_1939 : vector<16xf32>
      %add3A_1949 = arith.addf %add3A_1947, %mul3A_1948 : vector<16xf32>
      %get3A_1950 = arith.index_cast %add3A_1770 : i32 to index
      %get3A_1951 = arith.constant 112 : index
      %get3A_1952 = tpu.vector_load %arg15[%get3A_1950, %get3A_1951] {strides = array<i32>} : memref<128x128xf32, #tpu.memory_space<vmem>>, vector<16xf32>,
      %get3A_1953 = arith.index_cast %add3A_1770 : i32 to index
      %get3A_1954 = arith.constant 112 : index
      %get3A_1955 = tpu.vector_load %arg16[%get3A_1953, %get3A_1954] {strides = array<i32>} : memref<128x128xf32, #tpu.memory_space<vmem>>, vector<16xf32>,
      %get3A_1956 = arith.index_cast %add3A_1770 : i32 to index
      %get3A_1957 = arith.constant 112 : index
      %get3A_1958 = tpu.vector_load %arg17[%get3A_1956, %get3A_1957] {strides = array<i32>} : memref<128x128xf32, #tpu.memory_space<vmem>>, vector<16xf32>,
      %get3A_1959 = arith.index_cast %add3A_1770 : i32 to index
      %get3A_1960 = arith.constant 112 : index
      %get3A_1961 = tpu.vector_load %arg18[%get3A_1959, %get3A_1960] {strides = array<i32>} : memref<128x128xf32, #tpu.memory_space<vmem>>, vector<16xf32>,
      %get3A_1962 = arith.index_cast %add3A_1770 : i32 to index
      %get3A_1963 = arith.constant 112 : index
      %get3A_1964 = tpu.vector_load %arg19[%get3A_1962, %get3A_1963] {strides = array<i32>} : memref<128x128xf32, #tpu.memory_space<vmem>>, vector<16xf32>,
      %add3A_1965 = arith.addf %get3A_1955, %get3A_1961 : vector<16xf32>
      %mul3A_1966 = arith.mulf %get3A_1952, %add3A_1965 : vector<16xf32>
      %add3A_1967 = arith.addf %add3A_1944, %mul3A_1966 : vector<16xf32>
      %mul3A_1968 = arith.mulf %get3A_1955, %get3A_1961 : vector<16xf32>
      %add3A_1969 = arith.addf %add3A_1967, %mul3A_1968 : vector<16xf32>
      %add3A_1970 = arith.addf %get3A_1958, %get3A_1964 : vector<16xf32>
      %mul3A_1971 = arith.mulf %get3A_1952, %add3A_1970 : vector<16xf32>
      %add3A_1972 = arith.addf %add3A_1949, %mul3A_1971 : vector<16xf32>
      %mul3A_1973 = arith.mulf %get3A_1958, %get3A_1964 : vector<16xf32>
      %add3A_1974 = arith.addf %add3A_1972, %mul3A_1973 : vector<16xf32>
      %eq3A_1975 = arith.constant 7 : i32
      %eq3A_1976 = vector.broadcast %eq3A_1975 : i32 to vector<16xi32>
      %eq3A_1977 = arith.cmpi eq, %iota3A, %eq3A_1976 : vector<16xi32>
      %reduce_sum3A_1978 = arith.constant true
      %reduce_sum3A_1979 = vector.broadcast %reduce_sum3A_1978 : i1 to vector<16xi1>
      %reduce_sum3A_1980 = tpu.scan <sum>, %add3A_1969 masked %reduce_sum3A_1979 : vector<16xf32>, vector<16xi1> -> vector<16xf32>
      %reduce_sum3A_1981 = vector.extract %reduce_sum3A_1980[15] : f32 from vector<16xf32>
      %broadcast_in_dim3A_1982 = vector.broadcast %reduce_sum3A_1981 : f32 to vector<16xf32>
      %select_n3A_1983 = arith.select %eq3A_1977, %broadcast_in_dim3A_1982, %select_n3A_1757 : vector<16xi1>, vector<16xf32>
      %eq3A_1984 = arith.constant 7 : i32
      %eq3A_1985 = vector.broadcast %eq3A_1984 : i32 to vector<16xi32>
      %eq3A_1986 = arith.cmpi eq, %iota3A, %eq3A_1985 : vector<16xi32>
      %reduce_sum3A_1987 = arith.constant true
      %reduce_sum3A_1988 = vector.broadcast %reduce_sum3A_1987 : i1 to vector<16xi1>
      %reduce_sum3A_1989 = tpu.scan <sum>, %add3A_1974 masked %reduce_sum3A_1988 : vector<16xf32>, vector<16xi1> -> vector<16xf32>
      %reduce_sum3A_1990 = vector.extract %reduce_sum3A_1989[15] : f32 from vector<16xf32>
      %broadcast_in_dim3A_1991 = vector.broadcast %reduce_sum3A_1990 : f32 to vector<16xf32>
      %select_n3A_1992 = arith.select %eq3A_1986, %broadcast_in_dim3A_1991, %select_n3A_1766 : vector<16xi1>, vector<16xf32>
      %mul3A_1993 = arith.constant 16 : i32
      %mul3A_1994 = arith.muli %scan3A_167, %mul3A_1993 : i32
      %add3A_1995 = arith.constant 8 : i32
      %add3A_1996 = arith.addi %mul3A_1994, %add3A_1995 : i32
      %broadcast_in_dim3A_1997 = arith.constant 0.000000e+00 : f32
      %broadcast_in_dim3A_1998 = vector.broadcast %broadcast_in_dim3A_1997 : f32 to vector<16xf32>
      %broadcast_in_dim3A_1999 = arith.constant 0.000000e+00 : f32
      %broadcast_in_dim3A_2000 = vector.broadcast %broadcast_in_dim3A_1999 : f32 to vector<16xf32>
      %get3A_2001 = arith.index_cast %add3A_1996 : i32 to index
      %get3A_2002 = arith.constant 0 : index
      %get3A_2003 = tpu.vector_load %arg15[%get3A_2001, %get3A_2002] {strides = array<i32>} : memref<128x128xf32, #tpu.memory_space<vmem>>, vector<16xf32>,
      %get3A_2004 = arith.index_cast %add3A_1996 : i32 to index
      %get3A_2005 = arith.constant 0 : index
      %get3A_2006 = tpu.vector_load %arg16[%get3A_2004, %get3A_2005] {strides = array<i32>} : memref<128x128xf32, #tpu.memory_space<vmem>>, vector<16xf32>,
      %get3A_2007 = arith.index_cast %add3A_1996 : i32 to index
      %get3A_2008 = arith.constant 0 : index
      %get3A_2009 = tpu.vector_load %arg17[%get3A_2007, %get3A_2008] {strides = array<i32>} : memref<128x128xf32, #tpu.memory_space<vmem>>, vector<16xf32>,
      %get3A_2010 = arith.index_cast %add3A_1996 : i32 to index
      %get3A_2011 = arith.constant 0 : index
      %get3A_2012 = tpu.vector_load %arg18[%get3A_2010, %get3A_2011] {strides = array<i32>} : memref<128x128xf32, #tpu.memory_space<vmem>>, vector<16xf32>,
      %get3A_2013 = arith.index_cast %add3A_1996 : i32 to index
      %get3A_2014 = arith.constant 0 : index
      %get3A_2015 = tpu.vector_load %arg19[%get3A_2013, %get3A_2014] {strides = array<i32>} : memref<128x128xf32, #tpu.memory_space<vmem>>, vector<16xf32>,
      %add3A_2016 = arith.addf %get3A_2006, %get3A_2012 : vector<16xf32>
      %mul3A_2017 = arith.mulf %get3A_2003, %add3A_2016 : vector<16xf32>
      %add3A_2018 = arith.addf %broadcast_in_dim3A_1998, %mul3A_2017 : vector<16xf32>
      %mul3A_2019 = arith.mulf %get3A_2006, %get3A_2012 : vector<16xf32>
      %add3A_2020 = arith.addf %add3A_2018, %mul3A_2019 : vector<16xf32>
      %add3A_2021 = arith.addf %get3A_2009, %get3A_2015 : vector<16xf32>
      %mul3A_2022 = arith.mulf %get3A_2003, %add3A_2021 : vector<16xf32>
      %add3A_2023 = arith.addf %broadcast_in_dim3A_2000, %mul3A_2022 : vector<16xf32>
      %mul3A_2024 = arith.mulf %get3A_2009, %get3A_2015 : vector<16xf32>
      %add3A_2025 = arith.addf %add3A_2023, %mul3A_2024 : vector<16xf32>
      %get3A_2026 = arith.index_cast %add3A_1996 : i32 to index
      %get3A_2027 = arith.constant 16 : index
      %get3A_2028 = tpu.vector_load %arg15[%get3A_2026, %get3A_2027] {strides = array<i32>} : memref<128x128xf32, #tpu.memory_space<vmem>>, vector<16xf32>,
      %get3A_2029 = arith.index_cast %add3A_1996 : i32 to index
      %get3A_2030 = arith.constant 16 : index
      %get3A_2031 = tpu.vector_load %arg16[%get3A_2029, %get3A_2030] {strides = array<i32>} : memref<128x128xf32, #tpu.memory_space<vmem>>, vector<16xf32>,
      %get3A_2032 = arith.index_cast %add3A_1996 : i32 to index
      %get3A_2033 = arith.constant 16 : index
      %get3A_2034 = tpu.vector_load %arg17[%get3A_2032, %get3A_2033] {strides = array<i32>} : memref<128x128xf32, #tpu.memory_space<vmem>>, vector<16xf32>,
      %get3A_2035 = arith.index_cast %add3A_1996 : i32 to index
      %get3A_2036 = arith.constant 16 : index
      %get3A_2037 = tpu.vector_load %arg18[%get3A_2035, %get3A_2036] {strides = array<i32>} : memref<128x128xf32, #tpu.memory_space<vmem>>, vector<16xf32>,
      %get3A_2038 = arith.index_cast %add3A_1996 : i32 to index
      %get3A_2039 = arith.constant 16 : index
      %get3A_2040 = tpu.vector_load %arg19[%get3A_2038, %get3A_2039] {strides = array<i32>} : memref<128x128xf32, #tpu.memory_space<vmem>>, vector<16xf32>,
      %add3A_2041 = arith.addf %get3A_2031, %get3A_2037 : vector<16xf32>
      %mul3A_2042 = arith.mulf %get3A_2028, %add3A_2041 : vector<16xf32>
      %add3A_2043 = arith.addf %add3A_2020, %mul3A_2042 : vector<16xf32>
      %mul3A_2044 = arith.mulf %get3A_2031, %get3A_2037 : vector<16xf32>
      %add3A_2045 = arith.addf %add3A_2043, %mul3A_2044 : vector<16xf32>
      %add3A_2046 = arith.addf %get3A_2034, %get3A_2040 : vector<16xf32>
      %mul3A_2047 = arith.mulf %get3A_2028, %add3A_2046 : vector<16xf32>
      %add3A_2048 = arith.addf %add3A_2025, %mul3A_2047 : vector<16xf32>
      %mul3A_2049 = arith.mulf %get3A_2034, %get3A_2040 : vector<16xf32>
      %add3A_2050 = arith.addf %add3A_2048, %mul3A_2049 : vector<16xf32>
      %get3A_2051 = arith.index_cast %add3A_1996 : i32 to index
      %get3A_2052 = arith.constant 32 : index
      %get3A_2053 = tpu.vector_load %arg15[%get3A_2051, %get3A_2052] {strides = array<i32>} : memref<128x128xf32, #tpu.memory_space<vmem>>, vector<16xf32>,
      %get3A_2054 = arith.index_cast %add3A_1996 : i32 to index
      %get3A_2055 = arith.constant 32 : index
      %get3A_2056 = tpu.vector_load %arg16[%get3A_2054, %get3A_2055] {strides = array<i32>} : memref<128x128xf32, #tpu.memory_space<vmem>>, vector<16xf32>,
      %get3A_2057 = arith.index_cast %add3A_1996 : i32 to index
      %get3A_2058 = arith.constant 32 : index
      %get3A_2059 = tpu.vector_load %arg17[%get3A_2057, %get3A_2058] {strides = array<i32>} : memref<128x128xf32, #tpu.memory_space<vmem>>, vector<16xf32>,
      %get3A_2060 = arith.index_cast %add3A_1996 : i32 to index
      %get3A_2061 = arith.constant 32 : index
      %get3A_2062 = tpu.vector_load %arg18[%get3A_2060, %get3A_2061] {strides = array<i32>} : memref<128x128xf32, #tpu.memory_space<vmem>>, vector<16xf32>,
      %get3A_2063 = arith.index_cast %add3A_1996 : i32 to index
      %get3A_2064 = arith.constant 32 : index
      %get3A_2065 = tpu.vector_load %arg19[%get3A_2063, %get3A_2064] {strides = array<i32>} : memref<128x128xf32, #tpu.memory_space<vmem>>, vector<16xf32>,
      %add3A_2066 = arith.addf %get3A_2056, %get3A_2062 : vector<16xf32>
      %mul3A_2067 = arith.mulf %get3A_2053, %add3A_2066 : vector<16xf32>
      %add3A_2068 = arith.addf %add3A_2045, %mul3A_2067 : vector<16xf32>
      %mul3A_2069 = arith.mulf %get3A_2056, %get3A_2062 : vector<16xf32>
      %add3A_2070 = arith.addf %add3A_2068, %mul3A_2069 : vector<16xf32>
      %add3A_2071 = arith.addf %get3A_2059, %get3A_2065 : vector<16xf32>
      %mul3A_2072 = arith.mulf %get3A_2053, %add3A_2071 : vector<16xf32>
      %add3A_2073 = arith.addf %add3A_2050, %mul3A_2072 : vector<16xf32>
      %mul3A_2074 = arith.mulf %get3A_2059, %get3A_2065 : vector<16xf32>
      %add3A_2075 = arith.addf %add3A_2073, %mul3A_2074 : vector<16xf32>
      %get3A_2076 = arith.index_cast %add3A_1996 : i32 to index
      %get3A_2077 = arith.constant 48 : index
      %get3A_2078 = tpu.vector_load %arg15[%get3A_2076, %get3A_2077] {strides = array<i32>} : memref<128x128xf32, #tpu.memory_space<vmem>>, vector<16xf32>,
      %get3A_2079 = arith.index_cast %add3A_1996 : i32 to index
      %get3A_2080 = arith.constant 48 : index
      %get3A_2081 = tpu.vector_load %arg16[%get3A_2079, %get3A_2080] {strides = array<i32>} : memref<128x128xf32, #tpu.memory_space<vmem>>, vector<16xf32>,
      %get3A_2082 = arith.index_cast %add3A_1996 : i32 to index
      %get3A_2083 = arith.constant 48 : index
      %get3A_2084 = tpu.vector_load %arg17[%get3A_2082, %get3A_2083] {strides = array<i32>} : memref<128x128xf32, #tpu.memory_space<vmem>>, vector<16xf32>,
      %get3A_2085 = arith.index_cast %add3A_1996 : i32 to index
      %get3A_2086 = arith.constant 48 : index
      %get3A_2087 = tpu.vector_load %arg18[%get3A_2085, %get3A_2086] {strides = array<i32>} : memref<128x128xf32, #tpu.memory_space<vmem>>, vector<16xf32>,
      %get3A_2088 = arith.index_cast %add3A_1996 : i32 to index
      %get3A_2089 = arith.constant 48 : index
      %get3A_2090 = tpu.vector_load %arg19[%get3A_2088, %get3A_2089] {strides = array<i32>} : memref<128x128xf32, #tpu.memory_space<vmem>>, vector<16xf32>,
      %add3A_2091 = arith.addf %get3A_2081, %get3A_2087 : vector<16xf32>
      %mul3A_2092 = arith.mulf %get3A_2078, %add3A_2091 : vector<16xf32>
      %add3A_2093 = arith.addf %add3A_2070, %mul3A_2092 : vector<16xf32>
      %mul3A_2094 = arith.mulf %get3A_2081, %get3A_2087 : vector<16xf32>
      %add3A_2095 = arith.addf %add3A_2093, %mul3A_2094 : vector<16xf32>
      %add3A_2096 = arith.addf %get3A_2084, %get3A_2090 : vector<16xf32>
      %mul3A_2097 = arith.mulf %get3A_2078, %add3A_2096 : vector<16xf32>
      %add3A_2098 = arith.addf %add3A_2075, %mul3A_2097 : vector<16xf32>
      %mul3A_2099 = arith.mulf %get3A_2084, %get3A_2090 : vector<16xf32>
      %add3A_2100 = arith.addf %add3A_2098, %mul3A_2099 : vector<16xf32>
      %get3A_2101 = arith.index_cast %add3A_1996 : i32 to index
      %get3A_2102 = arith.constant 64 : index
      %get3A_2103 = tpu.vector_load %arg15[%get3A_2101, %get3A_2102] {strides = array<i32>} : memref<128x128xf32, #tpu.memory_space<vmem>>, vector<16xf32>,
      %get3A_2104 = arith.index_cast %add3A_1996 : i32 to index
      %get3A_2105 = arith.constant 64 : index
      %get3A_2106 = tpu.vector_load %arg16[%get3A_2104, %get3A_2105] {strides = array<i32>} : memref<128x128xf32, #tpu.memory_space<vmem>>, vector<16xf32>,
      %get3A_2107 = arith.index_cast %add3A_1996 : i32 to index
      %get3A_2108 = arith.constant 64 : index
      %get3A_2109 = tpu.vector_load %arg17[%get3A_2107, %get3A_2108] {strides = array<i32>} : memref<128x128xf32, #tpu.memory_space<vmem>>, vector<16xf32>,
      %get3A_2110 = arith.index_cast %add3A_1996 : i32 to index
      %get3A_2111 = arith.constant 64 : index
      %get3A_2112 = tpu.vector_load %arg18[%get3A_2110, %get3A_2111] {strides = array<i32>} : memref<128x128xf32, #tpu.memory_space<vmem>>, vector<16xf32>,
      %get3A_2113 = arith.index_cast %add3A_1996 : i32 to index
      %get3A_2114 = arith.constant 64 : index
      %get3A_2115 = tpu.vector_load %arg19[%get3A_2113, %get3A_2114] {strides = array<i32>} : memref<128x128xf32, #tpu.memory_space<vmem>>, vector<16xf32>,
      %add3A_2116 = arith.addf %get3A_2106, %get3A_2112 : vector<16xf32>
      %mul3A_2117 = arith.mulf %get3A_2103, %add3A_2116 : vector<16xf32>
      %add3A_2118 = arith.addf %add3A_2095, %mul3A_2117 : vector<16xf32>
      %mul3A_2119 = arith.mulf %get3A_2106, %get3A_2112 : vector<16xf32>
      %add3A_2120 = arith.addf %add3A_2118, %mul3A_2119 : vector<16xf32>
      %add3A_2121 = arith.addf %get3A_2109, %get3A_2115 : vector<16xf32>
      %mul3A_2122 = arith.mulf %get3A_2103, %add3A_2121 : vector<16xf32>
      %add3A_2123 = arith.addf %add3A_2100, %mul3A_2122 : vector<16xf32>
      %mul3A_2124 = arith.mulf %get3A_2109, %get3A_2115 : vector<16xf32>
      %add3A_2125 = arith.addf %add3A_2123, %mul3A_2124 : vector<16xf32>
      %get3A_2126 = arith.index_cast %add3A_1996 : i32 to index
      %get3A_2127 = arith.constant 80 : index
      %get3A_2128 = tpu.vector_load %arg15[%get3A_2126, %get3A_2127] {strides = array<i32>} : memref<128x128xf32, #tpu.memory_space<vmem>>, vector<16xf32>,
      %get3A_2129 = arith.index_cast %add3A_1996 : i32 to index
      %get3A_2130 = arith.constant 80 : index
      %get3A_2131 = tpu.vector_load %arg16[%get3A_2129, %get3A_2130] {strides = array<i32>} : memref<128x128xf32, #tpu.memory_space<vmem>>, vector<16xf32>,
      %get3A_2132 = arith.index_cast %add3A_1996 : i32 to index
      %get3A_2133 = arith.constant 80 : index
      %get3A_2134 = tpu.vector_load %arg17[%get3A_2132, %get3A_2133] {strides = array<i32>} : memref<128x128xf32, #tpu.memory_space<vmem>>, vector<16xf32>,
      %get3A_2135 = arith.index_cast %add3A_1996 : i32 to index
      %get3A_2136 = arith.constant 80 : index
      %get3A_2137 = tpu.vector_load %arg18[%get3A_2135, %get3A_2136] {strides = array<i32>} : memref<128x128xf32, #tpu.memory_space<vmem>>, vector<16xf32>,
      %get3A_2138 = arith.index_cast %add3A_1996 : i32 to index
      %get3A_2139 = arith.constant 80 : index
      %get3A_2140 = tpu.vector_load %arg19[%get3A_2138, %get3A_2139] {strides = array<i32>} : memref<128x128xf32, #tpu.memory_space<vmem>>, vector<16xf32>,
      %add3A_2141 = arith.addf %get3A_2131, %get3A_2137 : vector<16xf32>
      %mul3A_2142 = arith.mulf %get3A_2128, %add3A_2141 : vector<16xf32>
      %add3A_2143 = arith.addf %add3A_2120, %mul3A_2142 : vector<16xf32>
      %mul3A_2144 = arith.mulf %get3A_2131, %get3A_2137 : vector<16xf32>
      %add3A_2145 = arith.addf %add3A_2143, %mul3A_2144 : vector<16xf32>
      %add3A_2146 = arith.addf %get3A_2134, %get3A_2140 : vector<16xf32>
      %mul3A_2147 = arith.mulf %get3A_2128, %add3A_2146 : vector<16xf32>
      %add3A_2148 = arith.addf %add3A_2125, %mul3A_2147 : vector<16xf32>
      %mul3A_2149 = arith.mulf %get3A_2134, %get3A_2140 : vector<16xf32>
      %add3A_2150 = arith.addf %add3A_2148, %mul3A_2149 : vector<16xf32>
      %get3A_2151 = arith.index_cast %add3A_1996 : i32 to index
      %get3A_2152 = arith.constant 96 : index
      %get3A_2153 = tpu.vector_load %arg15[%get3A_2151, %get3A_2152] {strides = array<i32>} : memref<128x128xf32, #tpu.memory_space<vmem>>, vector<16xf32>,
      %get3A_2154 = arith.index_cast %add3A_1996 : i32 to index
      %get3A_2155 = arith.constant 96 : index
      %get3A_2156 = tpu.vector_load %arg16[%get3A_2154, %get3A_2155] {strides = array<i32>} : memref<128x128xf32, #tpu.memory_space<vmem>>, vector<16xf32>,
      %get3A_2157 = arith.index_cast %add3A_1996 : i32 to index
      %get3A_2158 = arith.constant 96 : index
      %get3A_2159 = tpu.vector_load %arg17[%get3A_2157, %get3A_2158] {strides = array<i32>} : memref<128x128xf32, #tpu.memory_space<vmem>>, vector<16xf32>,
      %get3A_2160 = arith.index_cast %add3A_1996 : i32 to index
      %get3A_2161 = arith.constant 96 : index
      %get3A_2162 = tpu.vector_load %arg18[%get3A_2160, %get3A_2161] {strides = array<i32>} : memref<128x128xf32, #tpu.memory_space<vmem>>, vector<16xf32>,
      %get3A_2163 = arith.index_cast %add3A_1996 : i32 to index
      %get3A_2164 = arith.constant 96 : index
      %get3A_2165 = tpu.vector_load %arg19[%get3A_2163, %get3A_2164] {strides = array<i32>} : memref<128x128xf32, #tpu.memory_space<vmem>>, vector<16xf32>,
      %add3A_2166 = arith.addf %get3A_2156, %get3A_2162 : vector<16xf32>
      %mul3A_2167 = arith.mulf %get3A_2153, %add3A_2166 : vector<16xf32>
      %add3A_2168 = arith.addf %add3A_2145, %mul3A_2167 : vector<16xf32>
      %mul3A_2169 = arith.mulf %get3A_2156, %get3A_2162 : vector<16xf32>
      %add3A_2170 = arith.addf %add3A_2168, %mul3A_2169 : vector<16xf32>
      %add3A_2171 = arith.addf %get3A_2159, %get3A_2165 : vector<16xf32>
      %mul3A_2172 = arith.mulf %get3A_2153, %add3A_2171 : vector<16xf32>
      %add3A_2173 = arith.addf %add3A_2150, %mul3A_2172 : vector<16xf32>
      %mul3A_2174 = arith.mulf %get3A_2159, %get3A_2165 : vector<16xf32>
      %add3A_2175 = arith.addf %add3A_2173, %mul3A_2174 : vector<16xf32>
      %get3A_2176 = arith.index_cast %add3A_1996 : i32 to index
      %get3A_2177 = arith.constant 112 : index
      %get3A_2178 = tpu.vector_load %arg15[%get3A_2176, %get3A_2177] {strides = array<i32>} : memref<128x128xf32, #tpu.memory_space<vmem>>, vector<16xf32>,
      %get3A_2179 = arith.index_cast %add3A_1996 : i32 to index
      %get3A_2180 = arith.constant 112 : index
      %get3A_2181 = tpu.vector_load %arg16[%get3A_2179, %get3A_2180] {strides = array<i32>} : memref<128x128xf32, #tpu.memory_space<vmem>>, vector<16xf32>,
      %get3A_2182 = arith.index_cast %add3A_1996 : i32 to index
      %get3A_2183 = arith.constant 112 : index
      %get3A_2184 = tpu.vector_load %arg17[%get3A_2182, %get3A_2183] {strides = array<i32>} : memref<128x128xf32, #tpu.memory_space<vmem>>, vector<16xf32>,
      %get3A_2185 = arith.index_cast %add3A_1996 : i32 to index
      %get3A_2186 = arith.constant 112 : index
      %get3A_2187 = tpu.vector_load %arg18[%get3A_2185, %get3A_2186] {strides = array<i32>} : memref<128x128xf32, #tpu.memory_space<vmem>>, vector<16xf32>,
      %get3A_2188 = arith.index_cast %add3A_1996 : i32 to index
      %get3A_2189 = arith.constant 112 : index
      %get3A_2190 = tpu.vector_load %arg19[%get3A_2188, %get3A_2189] {strides = array<i32>} : memref<128x128xf32, #tpu.memory_space<vmem>>, vector<16xf32>,
      %add3A_2191 = arith.addf %get3A_2181, %get3A_2187 : vector<16xf32>
      %mul3A_2192 = arith.mulf %get3A_2178, %add3A_2191 : vector<16xf32>
      %add3A_2193 = arith.addf %add3A_2170, %mul3A_2192 : vector<16xf32>
      %mul3A_2194 = arith.mulf %get3A_2181, %get3A_2187 : vector<16xf32>
      %add3A_2195 = arith.addf %add3A_2193, %mul3A_2194 : vector<16xf32>
      %add3A_2196 = arith.addf %get3A_2184, %get3A_2190 : vector<16xf32>
      %mul3A_2197 = arith.mulf %get3A_2178, %add3A_2196 : vector<16xf32>
      %add3A_2198 = arith.addf %add3A_2175, %mul3A_2197 : vector<16xf32>
      %mul3A_2199 = arith.mulf %get3A_2184, %get3A_2190 : vector<16xf32>
      %add3A_2200 = arith.addf %add3A_2198, %mul3A_2199 : vector<16xf32>
      %eq3A_2201 = arith.constant 8 : i32
      %eq3A_2202 = vector.broadcast %eq3A_2201 : i32 to vector<16xi32>
      %eq3A_2203 = arith.cmpi eq, %iota3A, %eq3A_2202 : vector<16xi32>
      %reduce_sum3A_2204 = arith.constant true
      %reduce_sum3A_2205 = vector.broadcast %reduce_sum3A_2204 : i1 to vector<16xi1>
      %reduce_sum3A_2206 = tpu.scan <sum>, %add3A_2195 masked %reduce_sum3A_2205 : vector<16xf32>, vector<16xi1> -> vector<16xf32>
      %reduce_sum3A_2207 = vector.extract %reduce_sum3A_2206[15] : f32 from vector<16xf32>
      %broadcast_in_dim3A_2208 = vector.broadcast %reduce_sum3A_2207 : f32 to vector<16xf32>
      %select_n3A_2209 = arith.select %eq3A_2203, %broadcast_in_dim3A_2208, %select_n3A_1983 : vector<16xi1>, vector<16xf32>
      %eq3A_2210 = arith.constant 8 : i32
      %eq3A_2211 = vector.broadcast %eq3A_2210 : i32 to vector<16xi32>
      %eq3A_2212 = arith.cmpi eq, %iota3A, %eq3A_2211 : vector<16xi32>
      %reduce_sum3A_2213 = arith.constant true
      %reduce_sum3A_2214 = vector.broadcast %reduce_sum3A_2213 : i1 to vector<16xi1>
      %reduce_sum3A_2215 = tpu.scan <sum>, %add3A_2200 masked %reduce_sum3A_2214 : vector<16xf32>, vector<16xi1> -> vector<16xf32>
      %reduce_sum3A_2216 = vector.extract %reduce_sum3A_2215[15] : f32 from vector<16xf32>
      %broadcast_in_dim3A_2217 = vector.broadcast %reduce_sum3A_2216 : f32 to vector<16xf32>
      %select_n3A_2218 = arith.select %eq3A_2212, %broadcast_in_dim3A_2217, %select_n3A_1992 : vector<16xi1>, vector<16xf32>
      %mul3A_2219 = arith.constant 16 : i32
      %mul3A_2220 = arith.muli %scan3A_167, %mul3A_2219 : i32
      %add3A_2221 = arith.constant 9 : i32
      %add3A_2222 = arith.addi %mul3A_2220, %add3A_2221 : i32
      %broadcast_in_dim3A_2223 = arith.constant 0.000000e+00 : f32
      %broadcast_in_dim3A_2224 = vector.broadcast %broadcast_in_dim3A_2223 : f32 to vector<16xf32>
      %broadcast_in_dim3A_2225 = arith.constant 0.000000e+00 : f32
      %broadcast_in_dim3A_2226 = vector.broadcast %broadcast_in_dim3A_2225 : f32 to vector<16xf32>
      %get3A_2227 = arith.index_cast %add3A_2222 : i32 to index
      %get3A_2228 = arith.constant 0 : index
      %get3A_2229 = tpu.vector_load %arg15[%get3A_2227, %get3A_2228] {strides = array<i32>} : memref<128x128xf32, #tpu.memory_space<vmem>>, vector<16xf32>,
      %get3A_2230 = arith.index_cast %add3A_2222 : i32 to index
      %get3A_2231 = arith.constant 0 : index
      %get3A_2232 = tpu.vector_load %arg16[%get3A_2230, %get3A_2231] {strides = array<i32>} : memref<128x128xf32, #tpu.memory_space<vmem>>, vector<16xf32>,
      %get3A_2233 = arith.index_cast %add3A_2222 : i32 to index
      %get3A_2234 = arith.constant 0 : index
      %get3A_2235 = tpu.vector_load %arg17[%get3A_2233, %get3A_2234] {strides = array<i32>} : memref<128x128xf32, #tpu.memory_space<vmem>>, vector<16xf32>,
      %get3A_2236 = arith.index_cast %add3A_2222 : i32 to index
      %get3A_2237 = arith.constant 0 : index
      %get3A_2238 = tpu.vector_load %arg18[%get3A_2236, %get3A_2237] {strides = array<i32>} : memref<128x128xf32, #tpu.memory_space<vmem>>, vector<16xf32>,
      %get3A_2239 = arith.index_cast %add3A_2222 : i32 to index
      %get3A_2240 = arith.constant 0 : index
      %get3A_2241 = tpu.vector_load %arg19[%get3A_2239, %get3A_2240] {strides = array<i32>} : memref<128x128xf32, #tpu.memory_space<vmem>>, vector<16xf32>,
      %add3A_2242 = arith.addf %get3A_2232, %get3A_2238 : vector<16xf32>
      %mul3A_2243 = arith.mulf %get3A_2229, %add3A_2242 : vector<16xf32>
      %add3A_2244 = arith.addf %broadcast_in_dim3A_2224, %mul3A_2243 : vector<16xf32>
      %mul3A_2245 = arith.mulf %get3A_2232, %get3A_2238 : vector<16xf32>
      %add3A_2246 = arith.addf %add3A_2244, %mul3A_2245 : vector<16xf32>
      %add3A_2247 = arith.addf %get3A_2235, %get3A_2241 : vector<16xf32>
      %mul3A_2248 = arith.mulf %get3A_2229, %add3A_2247 : vector<16xf32>
      %add3A_2249 = arith.addf %broadcast_in_dim3A_2226, %mul3A_2248 : vector<16xf32>
      %mul3A_2250 = arith.mulf %get3A_2235, %get3A_2241 : vector<16xf32>
      %add3A_2251 = arith.addf %add3A_2249, %mul3A_2250 : vector<16xf32>
      %get3A_2252 = arith.index_cast %add3A_2222 : i32 to index
      %get3A_2253 = arith.constant 16 : index
      %get3A_2254 = tpu.vector_load %arg15[%get3A_2252, %get3A_2253] {strides = array<i32>} : memref<128x128xf32, #tpu.memory_space<vmem>>, vector<16xf32>,
      %get3A_2255 = arith.index_cast %add3A_2222 : i32 to index
      %get3A_2256 = arith.constant 16 : index
      %get3A_2257 = tpu.vector_load %arg16[%get3A_2255, %get3A_2256] {strides = array<i32>} : memref<128x128xf32, #tpu.memory_space<vmem>>, vector<16xf32>,
      %get3A_2258 = arith.index_cast %add3A_2222 : i32 to index
      %get3A_2259 = arith.constant 16 : index
      %get3A_2260 = tpu.vector_load %arg17[%get3A_2258, %get3A_2259] {strides = array<i32>} : memref<128x128xf32, #tpu.memory_space<vmem>>, vector<16xf32>,
      %get3A_2261 = arith.index_cast %add3A_2222 : i32 to index
      %get3A_2262 = arith.constant 16 : index
      %get3A_2263 = tpu.vector_load %arg18[%get3A_2261, %get3A_2262] {strides = array<i32>} : memref<128x128xf32, #tpu.memory_space<vmem>>, vector<16xf32>,
      %get3A_2264 = arith.index_cast %add3A_2222 : i32 to index
      %get3A_2265 = arith.constant 16 : index
      %get3A_2266 = tpu.vector_load %arg19[%get3A_2264, %get3A_2265] {strides = array<i32>} : memref<128x128xf32, #tpu.memory_space<vmem>>, vector<16xf32>,
      %add3A_2267 = arith.addf %get3A_2257, %get3A_2263 : vector<16xf32>
      %mul3A_2268 = arith.mulf %get3A_2254, %add3A_2267 : vector<16xf32>
      %add3A_2269 = arith.addf %add3A_2246, %mul3A_2268 : vector<16xf32>
      %mul3A_2270 = arith.mulf %get3A_2257, %get3A_2263 : vector<16xf32>
      %add3A_2271 = arith.addf %add3A_2269, %mul3A_2270 : vector<16xf32>
      %add3A_2272 = arith.addf %get3A_2260, %get3A_2266 : vector<16xf32>
      %mul3A_2273 = arith.mulf %get3A_2254, %add3A_2272 : vector<16xf32>
      %add3A_2274 = arith.addf %add3A_2251, %mul3A_2273 : vector<16xf32>
      %mul3A_2275 = arith.mulf %get3A_2260, %get3A_2266 : vector<16xf32>
      %add3A_2276 = arith.addf %add3A_2274, %mul3A_2275 : vector<16xf32>
      %get3A_2277 = arith.index_cast %add3A_2222 : i32 to index
      %get3A_2278 = arith.constant 32 : index
      %get3A_2279 = tpu.vector_load %arg15[%get3A_2277, %get3A_2278] {strides = array<i32>} : memref<128x128xf32, #tpu.memory_space<vmem>>, vector<16xf32>,
      %get3A_2280 = arith.index_cast %add3A_2222 : i32 to index
      %get3A_2281 = arith.constant 32 : index
      %get3A_2282 = tpu.vector_load %arg16[%get3A_2280, %get3A_2281] {strides = array<i32>} : memref<128x128xf32, #tpu.memory_space<vmem>>, vector<16xf32>,
      %get3A_2283 = arith.index_cast %add3A_2222 : i32 to index
      %get3A_2284 = arith.constant 32 : index
      %get3A_2285 = tpu.vector_load %arg17[%get3A_2283, %get3A_2284] {strides = array<i32>} : memref<128x128xf32, #tpu.memory_space<vmem>>, vector<16xf32>,
      %get3A_2286 = arith.index_cast %add3A_2222 : i32 to index
      %get3A_2287 = arith.constant 32 : index
      %get3A_2288 = tpu.vector_load %arg18[%get3A_2286, %get3A_2287] {strides = array<i32>} : memref<128x128xf32, #tpu.memory_space<vmem>>, vector<16xf32>,
      %get3A_2289 = arith.index_cast %add3A_2222 : i32 to index
      %get3A_2290 = arith.constant 32 : index
      %get3A_2291 = tpu.vector_load %arg19[%get3A_2289, %get3A_2290] {strides = array<i32>} : memref<128x128xf32, #tpu.memory_space<vmem>>, vector<16xf32>,
      %add3A_2292 = arith.addf %get3A_2282, %get3A_2288 : vector<16xf32>
      %mul3A_2293 = arith.mulf %get3A_2279, %add3A_2292 : vector<16xf32>
      %add3A_2294 = arith.addf %add3A_2271, %mul3A_2293 : vector<16xf32>
      %mul3A_2295 = arith.mulf %get3A_2282, %get3A_2288 : vector<16xf32>
      %add3A_2296 = arith.addf %add3A_2294, %mul3A_2295 : vector<16xf32>
      %add3A_2297 = arith.addf %get3A_2285, %get3A_2291 : vector<16xf32>
      %mul3A_2298 = arith.mulf %get3A_2279, %add3A_2297 : vector<16xf32>
      %add3A_2299 = arith.addf %add3A_2276, %mul3A_2298 : vector<16xf32>
      %mul3A_2300 = arith.mulf %get3A_2285, %get3A_2291 : vector<16xf32>
      %add3A_2301 = arith.addf %add3A_2299, %mul3A_2300 : vector<16xf32>
      %get3A_2302 = arith.index_cast %add3A_2222 : i32 to index
      %get3A_2303 = arith.constant 48 : index
      %get3A_2304 = tpu.vector_load %arg15[%get3A_2302, %get3A_2303] {strides = array<i32>} : memref<128x128xf32, #tpu.memory_space<vmem>>, vector<16xf32>,
      %get3A_2305 = arith.index_cast %add3A_2222 : i32 to index
      %get3A_2306 = arith.constant 48 : index
      %get3A_2307 = tpu.vector_load %arg16[%get3A_2305, %get3A_2306] {strides = array<i32>} : memref<128x128xf32, #tpu.memory_space<vmem>>, vector<16xf32>,
      %get3A_2308 = arith.index_cast %add3A_2222 : i32 to index
      %get3A_2309 = arith.constant 48 : index
      %get3A_2310 = tpu.vector_load %arg17[%get3A_2308, %get3A_2309] {strides = array<i32>} : memref<128x128xf32, #tpu.memory_space<vmem>>, vector<16xf32>,
      %get3A_2311 = arith.index_cast %add3A_2222 : i32 to index
      %get3A_2312 = arith.constant 48 : index
      %get3A_2313 = tpu.vector_load %arg18[%get3A_2311, %get3A_2312] {strides = array<i32>} : memref<128x128xf32, #tpu.memory_space<vmem>>, vector<16xf32>,
      %get3A_2314 = arith.index_cast %add3A_2222 : i32 to index
      %get3A_2315 = arith.constant 48 : index
      %get3A_2316 = tpu.vector_load %arg19[%get3A_2314, %get3A_2315] {strides = array<i32>} : memref<128x128xf32, #tpu.memory_space<vmem>>, vector<16xf32>,
      %add3A_2317 = arith.addf %get3A_2307, %get3A_2313 : vector<16xf32>
      %mul3A_2318 = arith.mulf %get3A_2304, %add3A_2317 : vector<16xf32>
      %add3A_2319 = arith.addf %add3A_2296, %mul3A_2318 : vector<16xf32>
      %mul3A_2320 = arith.mulf %get3A_2307, %get3A_2313 : vector<16xf32>
      %add3A_2321 = arith.addf %add3A_2319, %mul3A_2320 : vector<16xf32>
      %add3A_2322 = arith.addf %get3A_2310, %get3A_2316 : vector<16xf32>
      %mul3A_2323 = arith.mulf %get3A_2304, %add3A_2322 : vector<16xf32>
      %add3A_2324 = arith.addf %add3A_2301, %mul3A_2323 : vector<16xf32>
      %mul3A_2325 = arith.mulf %get3A_2310, %get3A_2316 : vector<16xf32>
      %add3A_2326 = arith.addf %add3A_2324, %mul3A_2325 : vector<16xf32>
      %get3A_2327 = arith.index_cast %add3A_2222 : i32 to index
      %get3A_2328 = arith.constant 64 : index
      %get3A_2329 = tpu.vector_load %arg15[%get3A_2327, %get3A_2328] {strides = array<i32>} : memref<128x128xf32, #tpu.memory_space<vmem>>, vector<16xf32>,
      %get3A_2330 = arith.index_cast %add3A_2222 : i32 to index
      %get3A_2331 = arith.constant 64 : index
      %get3A_2332 = tpu.vector_load %arg16[%get3A_2330, %get3A_2331] {strides = array<i32>} : memref<128x128xf32, #tpu.memory_space<vmem>>, vector<16xf32>,
      %get3A_2333 = arith.index_cast %add3A_2222 : i32 to index
      %get3A_2334 = arith.constant 64 : index
      %get3A_2335 = tpu.vector_load %arg17[%get3A_2333, %get3A_2334] {strides = array<i32>} : memref<128x128xf32, #tpu.memory_space<vmem>>, vector<16xf32>,
      %get3A_2336 = arith.index_cast %add3A_2222 : i32 to index
      %get3A_2337 = arith.constant 64 : index
      %get3A_2338 = tpu.vector_load %arg18[%get3A_2336, %get3A_2337] {strides = array<i32>} : memref<128x128xf32, #tpu.memory_space<vmem>>, vector<16xf32>,
      %get3A_2339 = arith.index_cast %add3A_2222 : i32 to index
      %get3A_2340 = arith.constant 64 : index
      %get3A_2341 = tpu.vector_load %arg19[%get3A_2339, %get3A_2340] {strides = array<i32>} : memref<128x128xf32, #tpu.memory_space<vmem>>, vector<16xf32>,
      %add3A_2342 = arith.addf %get3A_2332, %get3A_2338 : vector<16xf32>
      %mul3A_2343 = arith.mulf %get3A_2329, %add3A_2342 : vector<16xf32>
      %add3A_2344 = arith.addf %add3A_2321, %mul3A_2343 : vector<16xf32>
      %mul3A_2345 = arith.mulf %get3A_2332, %get3A_2338 : vector<16xf32>
      %add3A_2346 = arith.addf %add3A_2344, %mul3A_2345 : vector<16xf32>
      %add3A_2347 = arith.addf %get3A_2335, %get3A_2341 : vector<16xf32>
      %mul3A_2348 = arith.mulf %get3A_2329, %add3A_2347 : vector<16xf32>
      %add3A_2349 = arith.addf %add3A_2326, %mul3A_2348 : vector<16xf32>
      %mul3A_2350 = arith.mulf %get3A_2335, %get3A_2341 : vector<16xf32>
      %add3A_2351 = arith.addf %add3A_2349, %mul3A_2350 : vector<16xf32>
      %get3A_2352 = arith.index_cast %add3A_2222 : i32 to index
      %get3A_2353 = arith.constant 80 : index
      %get3A_2354 = tpu.vector_load %arg15[%get3A_2352, %get3A_2353] {strides = array<i32>} : memref<128x128xf32, #tpu.memory_space<vmem>>, vector<16xf32>,
      %get3A_2355 = arith.index_cast %add3A_2222 : i32 to index
      %get3A_2356 = arith.constant 80 : index
      %get3A_2357 = tpu.vector_load %arg16[%get3A_2355, %get3A_2356] {strides = array<i32>} : memref<128x128xf32, #tpu.memory_space<vmem>>, vector<16xf32>,
      %get3A_2358 = arith.index_cast %add3A_2222 : i32 to index
      %get3A_2359 = arith.constant 80 : index
      %get3A_2360 = tpu.vector_load %arg17[%get3A_2358, %get3A_2359] {strides = array<i32>} : memref<128x128xf32, #tpu.memory_space<vmem>>, vector<16xf32>,
      %get3A_2361 = arith.index_cast %add3A_2222 : i32 to index
      %get3A_2362 = arith.constant 80 : index
      %get3A_2363 = tpu.vector_load %arg18[%get3A_2361, %get3A_2362] {strides = array<i32>} : memref<128x128xf32, #tpu.memory_space<vmem>>, vector<16xf32>,
      %get3A_2364 = arith.index_cast %add3A_2222 : i32 to index
      %get3A_2365 = arith.constant 80 : index
      %get3A_2366 = tpu.vector_load %arg19[%get3A_2364, %get3A_2365] {strides = array<i32>} : memref<128x128xf32, #tpu.memory_space<vmem>>, vector<16xf32>,
      %add3A_2367 = arith.addf %get3A_2357, %get3A_2363 : vector<16xf32>
      %mul3A_2368 = arith.mulf %get3A_2354, %add3A_2367 : vector<16xf32>
      %add3A_2369 = arith.addf %add3A_2346, %mul3A_2368 : vector<16xf32>
      %mul3A_2370 = arith.mulf %get3A_2357, %get3A_2363 : vector<16xf32>
      %add3A_2371 = arith.addf %add3A_2369, %mul3A_2370 : vector<16xf32>
      %add3A_2372 = arith.addf %get3A_2360, %get3A_2366 : vector<16xf32>
      %mul3A_2373 = arith.mulf %get3A_2354, %add3A_2372 : vector<16xf32>
      %add3A_2374 = arith.addf %add3A_2351, %mul3A_2373 : vector<16xf32>
      %mul3A_2375 = arith.mulf %get3A_2360, %get3A_2366 : vector<16xf32>
      %add3A_2376 = arith.addf %add3A_2374, %mul3A_2375 : vector<16xf32>
      %get3A_2377 = arith.index_cast %add3A_2222 : i32 to index
      %get3A_2378 = arith.constant 96 : index
      %get3A_2379 = tpu.vector_load %arg15[%get3A_2377, %get3A_2378] {strides = array<i32>} : memref<128x128xf32, #tpu.memory_space<vmem>>, vector<16xf32>,
      %get3A_2380 = arith.index_cast %add3A_2222 : i32 to index
      %get3A_2381 = arith.constant 96 : index
      %get3A_2382 = tpu.vector_load %arg16[%get3A_2380, %get3A_2381] {strides = array<i32>} : memref<128x128xf32, #tpu.memory_space<vmem>>, vector<16xf32>,
      %get3A_2383 = arith.index_cast %add3A_2222 : i32 to index
      %get3A_2384 = arith.constant 96 : index
      %get3A_2385 = tpu.vector_load %arg17[%get3A_2383, %get3A_2384] {strides = array<i32>} : memref<128x128xf32, #tpu.memory_space<vmem>>, vector<16xf32>,
      %get3A_2386 = arith.index_cast %add3A_2222 : i32 to index
      %get3A_2387 = arith.constant 96 : index
      %get3A_2388 = tpu.vector_load %arg18[%get3A_2386, %get3A_2387] {strides = array<i32>} : memref<128x128xf32, #tpu.memory_space<vmem>>, vector<16xf32>,
      %get3A_2389 = arith.index_cast %add3A_2222 : i32 to index
      %get3A_2390 = arith.constant 96 : index
      %get3A_2391 = tpu.vector_load %arg19[%get3A_2389, %get3A_2390] {strides = array<i32>} : memref<128x128xf32, #tpu.memory_space<vmem>>, vector<16xf32>,
      %add3A_2392 = arith.addf %get3A_2382, %get3A_2388 : vector<16xf32>
      %mul3A_2393 = arith.mulf %get3A_2379, %add3A_2392 : vector<16xf32>
      %add3A_2394 = arith.addf %add3A_2371, %mul3A_2393 : vector<16xf32>
      %mul3A_2395 = arith.mulf %get3A_2382, %get3A_2388 : vector<16xf32>
      %add3A_2396 = arith.addf %add3A_2394, %mul3A_2395 : vector<16xf32>
      %add3A_2397 = arith.addf %get3A_2385, %get3A_2391 : vector<16xf32>
      %mul3A_2398 = arith.mulf %get3A_2379, %add3A_2397 : vector<16xf32>
      %add3A_2399 = arith.addf %add3A_2376, %mul3A_2398 : vector<16xf32>
      %mul3A_2400 = arith.mulf %get3A_2385, %get3A_2391 : vector<16xf32>
      %add3A_2401 = arith.addf %add3A_2399, %mul3A_2400 : vector<16xf32>
      %get3A_2402 = arith.index_cast %add3A_2222 : i32 to index
      %get3A_2403 = arith.constant 112 : index
      %get3A_2404 = tpu.vector_load %arg15[%get3A_2402, %get3A_2403] {strides = array<i32>} : memref<128x128xf32, #tpu.memory_space<vmem>>, vector<16xf32>,
      %get3A_2405 = arith.index_cast %add3A_2222 : i32 to index
      %get3A_2406 = arith.constant 112 : index
      %get3A_2407 = tpu.vector_load %arg16[%get3A_2405, %get3A_2406] {strides = array<i32>} : memref<128x128xf32, #tpu.memory_space<vmem>>, vector<16xf32>,
      %get3A_2408 = arith.index_cast %add3A_2222 : i32 to index
      %get3A_2409 = arith.constant 112 : index
      %get3A_2410 = tpu.vector_load %arg17[%get3A_2408, %get3A_2409] {strides = array<i32>} : memref<128x128xf32, #tpu.memory_space<vmem>>, vector<16xf32>,
      %get3A_2411 = arith.index_cast %add3A_2222 : i32 to index
      %get3A_2412 = arith.constant 112 : index
      %get3A_2413 = tpu.vector_load %arg18[%get3A_2411, %get3A_2412] {strides = array<i32>} : memref<128x128xf32, #tpu.memory_space<vmem>>, vector<16xf32>,
      %get3A_2414 = arith.index_cast %add3A_2222 : i32 to index
      %get3A_2415 = arith.constant 112 : index
      %get3A_2416 = tpu.vector_load %arg19[%get3A_2414, %get3A_2415] {strides = array<i32>} : memref<128x128xf32, #tpu.memory_space<vmem>>, vector<16xf32>,
      %add3A_2417 = arith.addf %get3A_2407, %get3A_2413 : vector<16xf32>
      %mul3A_2418 = arith.mulf %get3A_2404, %add3A_2417 : vector<16xf32>
      %add3A_2419 = arith.addf %add3A_2396, %mul3A_2418 : vector<16xf32>
      %mul3A_2420 = arith.mulf %get3A_2407, %get3A_2413 : vector<16xf32>
      %add3A_2421 = arith.addf %add3A_2419, %mul3A_2420 : vector<16xf32>
      %add3A_2422 = arith.addf %get3A_2410, %get3A_2416 : vector<16xf32>
      %mul3A_2423 = arith.mulf %get3A_2404, %add3A_2422 : vector<16xf32>
      %add3A_2424 = arith.addf %add3A_2401, %mul3A_2423 : vector<16xf32>
      %mul3A_2425 = arith.mulf %get3A_2410, %get3A_2416 : vector<16xf32>
      %add3A_2426 = arith.addf %add3A_2424, %mul3A_2425 : vector<16xf32>
      %eq3A_2427 = arith.constant 9 : i32
      %eq3A_2428 = vector.broadcast %eq3A_2427 : i32 to vector<16xi32>
      %eq3A_2429 = arith.cmpi eq, %iota3A, %eq3A_2428 : vector<16xi32>
      %reduce_sum3A_2430 = arith.constant true
      %reduce_sum3A_2431 = vector.broadcast %reduce_sum3A_2430 : i1 to vector<16xi1>
      %reduce_sum3A_2432 = tpu.scan <sum>, %add3A_2421 masked %reduce_sum3A_2431 : vector<16xf32>, vector<16xi1> -> vector<16xf32>
      %reduce_sum3A_2433 = vector.extract %reduce_sum3A_2432[15] : f32 from vector<16xf32>
      %broadcast_in_dim3A_2434 = vector.broadcast %reduce_sum3A_2433 : f32 to vector<16xf32>
      %select_n3A_2435 = arith.select %eq3A_2429, %broadcast_in_dim3A_2434, %select_n3A_2209 : vector<16xi1>, vector<16xf32>
      %eq3A_2436 = arith.constant 9 : i32
      %eq3A_2437 = vector.broadcast %eq3A_2436 : i32 to vector<16xi32>
      %eq3A_2438 = arith.cmpi eq, %iota3A, %eq3A_2437 : vector<16xi32>
      %reduce_sum3A_2439 = arith.constant true
      %reduce_sum3A_2440 = vector.broadcast %reduce_sum3A_2439 : i1 to vector<16xi1>
      %reduce_sum3A_2441 = tpu.scan <sum>, %add3A_2426 masked %reduce_sum3A_2440 : vector<16xf32>, vector<16xi1> -> vector<16xf32>
      %reduce_sum3A_2442 = vector.extract %reduce_sum3A_2441[15] : f32 from vector<16xf32>
      %broadcast_in_dim3A_2443 = vector.broadcast %reduce_sum3A_2442 : f32 to vector<16xf32>
      %select_n3A_2444 = arith.select %eq3A_2438, %broadcast_in_dim3A_2443, %select_n3A_2218 : vector<16xi1>, vector<16xf32>
      %mul3A_2445 = arith.constant 16 : i32
      %mul3A_2446 = arith.muli %scan3A_167, %mul3A_2445 : i32
      %add3A_2447 = arith.constant 10 : i32
      %add3A_2448 = arith.addi %mul3A_2446, %add3A_2447 : i32
      %broadcast_in_dim3A_2449 = arith.constant 0.000000e+00 : f32
      %broadcast_in_dim3A_2450 = vector.broadcast %broadcast_in_dim3A_2449 : f32 to vector<16xf32>
      %broadcast_in_dim3A_2451 = arith.constant 0.000000e+00 : f32
      %broadcast_in_dim3A_2452 = vector.broadcast %broadcast_in_dim3A_2451 : f32 to vector<16xf32>
      %get3A_2453 = arith.index_cast %add3A_2448 : i32 to index
      %get3A_2454 = arith.constant 0 : index
      %get3A_2455 = tpu.vector_load %arg15[%get3A_2453, %get3A_2454] {strides = array<i32>} : memref<128x128xf32, #tpu.memory_space<vmem>>, vector<16xf32>,
      %get3A_2456 = arith.index_cast %add3A_2448 : i32 to index
      %get3A_2457 = arith.constant 0 : index
      %get3A_2458 = tpu.vector_load %arg16[%get3A_2456, %get3A_2457] {strides = array<i32>} : memref<128x128xf32, #tpu.memory_space<vmem>>, vector<16xf32>,
      %get3A_2459 = arith.index_cast %add3A_2448 : i32 to index
      %get3A_2460 = arith.constant 0 : index
      %get3A_2461 = tpu.vector_load %arg17[%get3A_2459, %get3A_2460] {strides = array<i32>} : memref<128x128xf32, #tpu.memory_space<vmem>>, vector<16xf32>,
      %get3A_2462 = arith.index_cast %add3A_2448 : i32 to index
      %get3A_2463 = arith.constant 0 : index
      %get3A_2464 = tpu.vector_load %arg18[%get3A_2462, %get3A_2463] {strides = array<i32>} : memref<128x128xf32, #tpu.memory_space<vmem>>, vector<16xf32>,
      %get3A_2465 = arith.index_cast %add3A_2448 : i32 to index
      %get3A_2466 = arith.constant 0 : index
      %get3A_2467 = tpu.vector_load %arg19[%get3A_2465, %get3A_2466] {strides = array<i32>} : memref<128x128xf32, #tpu.memory_space<vmem>>, vector<16xf32>,
      %add3A_2468 = arith.addf %get3A_2458, %get3A_2464 : vector<16xf32>
      %mul3A_2469 = arith.mulf %get3A_2455, %add3A_2468 : vector<16xf32>
      %add3A_2470 = arith.addf %broadcast_in_dim3A_2450, %mul3A_2469 : vector<16xf32>
      %mul3A_2471 = arith.mulf %get3A_2458, %get3A_2464 : vector<16xf32>
      %add3A_2472 = arith.addf %add3A_2470, %mul3A_2471 : vector<16xf32>
      %add3A_2473 = arith.addf %get3A_2461, %get3A_2467 : vector<16xf32>
      %mul3A_2474 = arith.mulf %get3A_2455, %add3A_2473 : vector<16xf32>
      %add3A_2475 = arith.addf %broadcast_in_dim3A_2452, %mul3A_2474 : vector<16xf32>
      %mul3A_2476 = arith.mulf %get3A_2461, %get3A_2467 : vector<16xf32>
      %add3A_2477 = arith.addf %add3A_2475, %mul3A_2476 : vector<16xf32>
      %get3A_2478 = arith.index_cast %add3A_2448 : i32 to index
      %get3A_2479 = arith.constant 16 : index
      %get3A_2480 = tpu.vector_load %arg15[%get3A_2478, %get3A_2479] {strides = array<i32>} : memref<128x128xf32, #tpu.memory_space<vmem>>, vector<16xf32>,
      %get3A_2481 = arith.index_cast %add3A_2448 : i32 to index
      %get3A_2482 = arith.constant 16 : index
      %get3A_2483 = tpu.vector_load %arg16[%get3A_2481, %get3A_2482] {strides = array<i32>} : memref<128x128xf32, #tpu.memory_space<vmem>>, vector<16xf32>,
      %get3A_2484 = arith.index_cast %add3A_2448 : i32 to index
      %get3A_2485 = arith.constant 16 : index
      %get3A_2486 = tpu.vector_load %arg17[%get3A_2484, %get3A_2485] {strides = array<i32>} : memref<128x128xf32, #tpu.memory_space<vmem>>, vector<16xf32>,
      %get3A_2487 = arith.index_cast %add3A_2448 : i32 to index
      %get3A_2488 = arith.constant 16 : index
      %get3A_2489 = tpu.vector_load %arg18[%get3A_2487, %get3A_2488] {strides = array<i32>} : memref<128x128xf32, #tpu.memory_space<vmem>>, vector<16xf32>,
      %get3A_2490 = arith.index_cast %add3A_2448 : i32 to index
      %get3A_2491 = arith.constant 16 : index
      %get3A_2492 = tpu.vector_load %arg19[%get3A_2490, %get3A_2491] {strides = array<i32>} : memref<128x128xf32, #tpu.memory_space<vmem>>, vector<16xf32>,
      %add3A_2493 = arith.addf %get3A_2483, %get3A_2489 : vector<16xf32>
      %mul3A_2494 = arith.mulf %get3A_2480, %add3A_2493 : vector<16xf32>
      %add3A_2495 = arith.addf %add3A_2472, %mul3A_2494 : vector<16xf32>
      %mul3A_2496 = arith.mulf %get3A_2483, %get3A_2489 : vector<16xf32>
      %add3A_2497 = arith.addf %add3A_2495, %mul3A_2496 : vector<16xf32>
      %add3A_2498 = arith.addf %get3A_2486, %get3A_2492 : vector<16xf32>
      %mul3A_2499 = arith.mulf %get3A_2480, %add3A_2498 : vector<16xf32>
      %add3A_2500 = arith.addf %add3A_2477, %mul3A_2499 : vector<16xf32>
      %mul3A_2501 = arith.mulf %get3A_2486, %get3A_2492 : vector<16xf32>
      %add3A_2502 = arith.addf %add3A_2500, %mul3A_2501 : vector<16xf32>
      %get3A_2503 = arith.index_cast %add3A_2448 : i32 to index
      %get3A_2504 = arith.constant 32 : index
      %get3A_2505 = tpu.vector_load %arg15[%get3A_2503, %get3A_2504] {strides = array<i32>} : memref<128x128xf32, #tpu.memory_space<vmem>>, vector<16xf32>,
      %get3A_2506 = arith.index_cast %add3A_2448 : i32 to index
      %get3A_2507 = arith.constant 32 : index
      %get3A_2508 = tpu.vector_load %arg16[%get3A_2506, %get3A_2507] {strides = array<i32>} : memref<128x128xf32, #tpu.memory_space<vmem>>, vector<16xf32>,
      %get3A_2509 = arith.index_cast %add3A_2448 : i32 to index
      %get3A_2510 = arith.constant 32 : index
      %get3A_2511 = tpu.vector_load %arg17[%get3A_2509, %get3A_2510] {strides = array<i32>} : memref<128x128xf32, #tpu.memory_space<vmem>>, vector<16xf32>,
      %get3A_2512 = arith.index_cast %add3A_2448 : i32 to index
      %get3A_2513 = arith.constant 32 : index
      %get3A_2514 = tpu.vector_load %arg18[%get3A_2512, %get3A_2513] {strides = array<i32>} : memref<128x128xf32, #tpu.memory_space<vmem>>, vector<16xf32>,
      %get3A_2515 = arith.index_cast %add3A_2448 : i32 to index
      %get3A_2516 = arith.constant 32 : index
      %get3A_2517 = tpu.vector_load %arg19[%get3A_2515, %get3A_2516] {strides = array<i32>} : memref<128x128xf32, #tpu.memory_space<vmem>>, vector<16xf32>,
      %add3A_2518 = arith.addf %get3A_2508, %get3A_2514 : vector<16xf32>
      %mul3A_2519 = arith.mulf %get3A_2505, %add3A_2518 : vector<16xf32>
      %add3A_2520 = arith.addf %add3A_2497, %mul3A_2519 : vector<16xf32>
      %mul3A_2521 = arith.mulf %get3A_2508, %get3A_2514 : vector<16xf32>
      %add3A_2522 = arith.addf %add3A_2520, %mul3A_2521 : vector<16xf32>
      %add3A_2523 = arith.addf %get3A_2511, %get3A_2517 : vector<16xf32>
      %mul3A_2524 = arith.mulf %get3A_2505, %add3A_2523 : vector<16xf32>
      %add3A_2525 = arith.addf %add3A_2502, %mul3A_2524 : vector<16xf32>
      %mul3A_2526 = arith.mulf %get3A_2511, %get3A_2517 : vector<16xf32>
      %add3A_2527 = arith.addf %add3A_2525, %mul3A_2526 : vector<16xf32>
      %get3A_2528 = arith.index_cast %add3A_2448 : i32 to index
      %get3A_2529 = arith.constant 48 : index
      %get3A_2530 = tpu.vector_load %arg15[%get3A_2528, %get3A_2529] {strides = array<i32>} : memref<128x128xf32, #tpu.memory_space<vmem>>, vector<16xf32>,
      %get3A_2531 = arith.index_cast %add3A_2448 : i32 to index
      %get3A_2532 = arith.constant 48 : index
      %get3A_2533 = tpu.vector_load %arg16[%get3A_2531, %get3A_2532] {strides = array<i32>} : memref<128x128xf32, #tpu.memory_space<vmem>>, vector<16xf32>,
      %get3A_2534 = arith.index_cast %add3A_2448 : i32 to index
      %get3A_2535 = arith.constant 48 : index
      %get3A_2536 = tpu.vector_load %arg17[%get3A_2534, %get3A_2535] {strides = array<i32>} : memref<128x128xf32, #tpu.memory_space<vmem>>, vector<16xf32>,
      %get3A_2537 = arith.index_cast %add3A_2448 : i32 to index
      %get3A_2538 = arith.constant 48 : index
      %get3A_2539 = tpu.vector_load %arg18[%get3A_2537, %get3A_2538] {strides = array<i32>} : memref<128x128xf32, #tpu.memory_space<vmem>>, vector<16xf32>,
      %get3A_2540 = arith.index_cast %add3A_2448 : i32 to index
      %get3A_2541 = arith.constant 48 : index
      %get3A_2542 = tpu.vector_load %arg19[%get3A_2540, %get3A_2541] {strides = array<i32>} : memref<128x128xf32, #tpu.memory_space<vmem>>, vector<16xf32>,
      %add3A_2543 = arith.addf %get3A_2533, %get3A_2539 : vector<16xf32>
      %mul3A_2544 = arith.mulf %get3A_2530, %add3A_2543 : vector<16xf32>
      %add3A_2545 = arith.addf %add3A_2522, %mul3A_2544 : vector<16xf32>
      %mul3A_2546 = arith.mulf %get3A_2533, %get3A_2539 : vector<16xf32>
      %add3A_2547 = arith.addf %add3A_2545, %mul3A_2546 : vector<16xf32>
      %add3A_2548 = arith.addf %get3A_2536, %get3A_2542 : vector<16xf32>
      %mul3A_2549 = arith.mulf %get3A_2530, %add3A_2548 : vector<16xf32>
      %add3A_2550 = arith.addf %add3A_2527, %mul3A_2549 : vector<16xf32>
      %mul3A_2551 = arith.mulf %get3A_2536, %get3A_2542 : vector<16xf32>
      %add3A_2552 = arith.addf %add3A_2550, %mul3A_2551 : vector<16xf32>
      %get3A_2553 = arith.index_cast %add3A_2448 : i32 to index
      %get3A_2554 = arith.constant 64 : index
      %get3A_2555 = tpu.vector_load %arg15[%get3A_2553, %get3A_2554] {strides = array<i32>} : memref<128x128xf32, #tpu.memory_space<vmem>>, vector<16xf32>,
      %get3A_2556 = arith.index_cast %add3A_2448 : i32 to index
      %get3A_2557 = arith.constant 64 : index
      %get3A_2558 = tpu.vector_load %arg16[%get3A_2556, %get3A_2557] {strides = array<i32>} : memref<128x128xf32, #tpu.memory_space<vmem>>, vector<16xf32>,
      %get3A_2559 = arith.index_cast %add3A_2448 : i32 to index
      %get3A_2560 = arith.constant 64 : index
      %get3A_2561 = tpu.vector_load %arg17[%get3A_2559, %get3A_2560] {strides = array<i32>} : memref<128x128xf32, #tpu.memory_space<vmem>>, vector<16xf32>,
      %get3A_2562 = arith.index_cast %add3A_2448 : i32 to index
      %get3A_2563 = arith.constant 64 : index
      %get3A_2564 = tpu.vector_load %arg18[%get3A_2562, %get3A_2563] {strides = array<i32>} : memref<128x128xf32, #tpu.memory_space<vmem>>, vector<16xf32>,
      %get3A_2565 = arith.index_cast %add3A_2448 : i32 to index
      %get3A_2566 = arith.constant 64 : index
      %get3A_2567 = tpu.vector_load %arg19[%get3A_2565, %get3A_2566] {strides = array<i32>} : memref<128x128xf32, #tpu.memory_space<vmem>>, vector<16xf32>,
      %add3A_2568 = arith.addf %get3A_2558, %get3A_2564 : vector<16xf32>
      %mul3A_2569 = arith.mulf %get3A_2555, %add3A_2568 : vector<16xf32>
      %add3A_2570 = arith.addf %add3A_2547, %mul3A_2569 : vector<16xf32>
      %mul3A_2571 = arith.mulf %get3A_2558, %get3A_2564 : vector<16xf32>
      %add3A_2572 = arith.addf %add3A_2570, %mul3A_2571 : vector<16xf32>
      %add3A_2573 = arith.addf %get3A_2561, %get3A_2567 : vector<16xf32>
      %mul3A_2574 = arith.mulf %get3A_2555, %add3A_2573 : vector<16xf32>
      %add3A_2575 = arith.addf %add3A_2552, %mul3A_2574 : vector<16xf32>
      %mul3A_2576 = arith.mulf %get3A_2561, %get3A_2567 : vector<16xf32>
      %add3A_2577 = arith.addf %add3A_2575, %mul3A_2576 : vector<16xf32>
      %get3A_2578 = arith.index_cast %add3A_2448 : i32 to index
      %get3A_2579 = arith.constant 80 : index
      %get3A_2580 = tpu.vector_load %arg15[%get3A_2578, %get3A_2579] {strides = array<i32>} : memref<128x128xf32, #tpu.memory_space<vmem>>, vector<16xf32>,
      %get3A_2581 = arith.index_cast %add3A_2448 : i32 to index
      %get3A_2582 = arith.constant 80 : index
      %get3A_2583 = tpu.vector_load %arg16[%get3A_2581, %get3A_2582] {strides = array<i32>} : memref<128x128xf32, #tpu.memory_space<vmem>>, vector<16xf32>,
      %get3A_2584 = arith.index_cast %add3A_2448 : i32 to index
      %get3A_2585 = arith.constant 80 : index
      %get3A_2586 = tpu.vector_load %arg17[%get3A_2584, %get3A_2585] {strides = array<i32>} : memref<128x128xf32, #tpu.memory_space<vmem>>, vector<16xf32>,
      %get3A_2587 = arith.index_cast %add3A_2448 : i32 to index
      %get3A_2588 = arith.constant 80 : index
      %get3A_2589 = tpu.vector_load %arg18[%get3A_2587, %get3A_2588] {strides = array<i32>} : memref<128x128xf32, #tpu.memory_space<vmem>>, vector<16xf32>,
      %get3A_2590 = arith.index_cast %add3A_2448 : i32 to index
      %get3A_2591 = arith.constant 80 : index
      %get3A_2592 = tpu.vector_load %arg19[%get3A_2590, %get3A_2591] {strides = array<i32>} : memref<128x128xf32, #tpu.memory_space<vmem>>, vector<16xf32>,
      %add3A_2593 = arith.addf %get3A_2583, %get3A_2589 : vector<16xf32>
      %mul3A_2594 = arith.mulf %get3A_2580, %add3A_2593 : vector<16xf32>
      %add3A_2595 = arith.addf %add3A_2572, %mul3A_2594 : vector<16xf32>
      %mul3A_2596 = arith.mulf %get3A_2583, %get3A_2589 : vector<16xf32>
      %add3A_2597 = arith.addf %add3A_2595, %mul3A_2596 : vector<16xf32>
      %add3A_2598 = arith.addf %get3A_2586, %get3A_2592 : vector<16xf32>
      %mul3A_2599 = arith.mulf %get3A_2580, %add3A_2598 : vector<16xf32>
      %add3A_2600 = arith.addf %add3A_2577, %mul3A_2599 : vector<16xf32>
      %mul3A_2601 = arith.mulf %get3A_2586, %get3A_2592 : vector<16xf32>
      %add3A_2602 = arith.addf %add3A_2600, %mul3A_2601 : vector<16xf32>
      %get3A_2603 = arith.index_cast %add3A_2448 : i32 to index
      %get3A_2604 = arith.constant 96 : index
      %get3A_2605 = tpu.vector_load %arg15[%get3A_2603, %get3A_2604] {strides = array<i32>} : memref<128x128xf32, #tpu.memory_space<vmem>>, vector<16xf32>,
      %get3A_2606 = arith.index_cast %add3A_2448 : i32 to index
      %get3A_2607 = arith.constant 96 : index
      %get3A_2608 = tpu.vector_load %arg16[%get3A_2606, %get3A_2607] {strides = array<i32>} : memref<128x128xf32, #tpu.memory_space<vmem>>, vector<16xf32>,
      %get3A_2609 = arith.index_cast %add3A_2448 : i32 to index
      %get3A_2610 = arith.constant 96 : index
      %get3A_2611 = tpu.vector_load %arg17[%get3A_2609, %get3A_2610] {strides = array<i32>} : memref<128x128xf32, #tpu.memory_space<vmem>>, vector<16xf32>,
      %get3A_2612 = arith.index_cast %add3A_2448 : i32 to index
      %get3A_2613 = arith.constant 96 : index
      %get3A_2614 = tpu.vector_load %arg18[%get3A_2612, %get3A_2613] {strides = array<i32>} : memref<128x128xf32, #tpu.memory_space<vmem>>, vector<16xf32>,
      %get3A_2615 = arith.index_cast %add3A_2448 : i32 to index
      %get3A_2616 = arith.constant 96 : index
      %get3A_2617 = tpu.vector_load %arg19[%get3A_2615, %get3A_2616] {strides = array<i32>} : memref<128x128xf32, #tpu.memory_space<vmem>>, vector<16xf32>,
      %add3A_2618 = arith.addf %get3A_2608, %get3A_2614 : vector<16xf32>
      %mul3A_2619 = arith.mulf %get3A_2605, %add3A_2618 : vector<16xf32>
      %add3A_2620 = arith.addf %add3A_2597, %mul3A_2619 : vector<16xf32>
      %mul3A_2621 = arith.mulf %get3A_2608, %get3A_2614 : vector<16xf32>
      %add3A_2622 = arith.addf %add3A_2620, %mul3A_2621 : vector<16xf32>
      %add3A_2623 = arith.addf %get3A_2611, %get3A_2617 : vector<16xf32>
      %mul3A_2624 = arith.mulf %get3A_2605, %add3A_2623 : vector<16xf32>
      %add3A_2625 = arith.addf %add3A_2602, %mul3A_2624 : vector<16xf32>
      %mul3A_2626 = arith.mulf %get3A_2611, %get3A_2617 : vector<16xf32>
      %add3A_2627 = arith.addf %add3A_2625, %mul3A_2626 : vector<16xf32>
      %get3A_2628 = arith.index_cast %add3A_2448 : i32 to index
      %get3A_2629 = arith.constant 112 : index
      %get3A_2630 = tpu.vector_load %arg15[%get3A_2628, %get3A_2629] {strides = array<i32>} : memref<128x128xf32, #tpu.memory_space<vmem>>, vector<16xf32>,
      %get3A_2631 = arith.index_cast %add3A_2448 : i32 to index
      %get3A_2632 = arith.constant 112 : index
      %get3A_2633 = tpu.vector_load %arg16[%get3A_2631, %get3A_2632] {strides = array<i32>} : memref<128x128xf32, #tpu.memory_space<vmem>>, vector<16xf32>,
      %get3A_2634 = arith.index_cast %add3A_2448 : i32 to index
      %get3A_2635 = arith.constant 112 : index
      %get3A_2636 = tpu.vector_load %arg17[%get3A_2634, %get3A_2635] {strides = array<i32>} : memref<128x128xf32, #tpu.memory_space<vmem>>, vector<16xf32>,
      %get3A_2637 = arith.index_cast %add3A_2448 : i32 to index
      %get3A_2638 = arith.constant 112 : index
      %get3A_2639 = tpu.vector_load %arg18[%get3A_2637, %get3A_2638] {strides = array<i32>} : memref<128x128xf32, #tpu.memory_space<vmem>>, vector<16xf32>,
      %get3A_2640 = arith.index_cast %add3A_2448 : i32 to index
      %get3A_2641 = arith.constant 112 : index
      %get3A_2642 = tpu.vector_load %arg19[%get3A_2640, %get3A_2641] {strides = array<i32>} : memref<128x128xf32, #tpu.memory_space<vmem>>, vector<16xf32>,
      %add3A_2643 = arith.addf %get3A_2633, %get3A_2639 : vector<16xf32>
      %mul3A_2644 = arith.mulf %get3A_2630, %add3A_2643 : vector<16xf32>
      %add3A_2645 = arith.addf %add3A_2622, %mul3A_2644 : vector<16xf32>
      %mul3A_2646 = arith.mulf %get3A_2633, %get3A_2639 : vector<16xf32>
      %add3A_2647 = arith.addf %add3A_2645, %mul3A_2646 : vector<16xf32>
      %add3A_2648 = arith.addf %get3A_2636, %get3A_2642 : vector<16xf32>
      %mul3A_2649 = arith.mulf %get3A_2630, %add3A_2648 : vector<16xf32>
      %add3A_2650 = arith.addf %add3A_2627, %mul3A_2649 : vector<16xf32>
      %mul3A_2651 = arith.mulf %get3A_2636, %get3A_2642 : vector<16xf32>
      %add3A_2652 = arith.addf %add3A_2650, %mul3A_2651 : vector<16xf32>
      %eq3A_2653 = arith.constant 10 : i32
      %eq3A_2654 = vector.broadcast %eq3A_2653 : i32 to vector<16xi32>
      %eq3A_2655 = arith.cmpi eq, %iota3A, %eq3A_2654 : vector<16xi32>
      %reduce_sum3A_2656 = arith.constant true
      %reduce_sum3A_2657 = vector.broadcast %reduce_sum3A_2656 : i1 to vector<16xi1>
      %reduce_sum3A_2658 = tpu.scan <sum>, %add3A_2647 masked %reduce_sum3A_2657 : vector<16xf32>, vector<16xi1> -> vector<16xf32>
      %reduce_sum3A_2659 = vector.extract %reduce_sum3A_2658[15] : f32 from vector<16xf32>
      %broadcast_in_dim3A_2660 = vector.broadcast %reduce_sum3A_2659 : f32 to vector<16xf32>
      %select_n3A_2661 = arith.select %eq3A_2655, %broadcast_in_dim3A_2660, %select_n3A_2435 : vector<16xi1>, vector<16xf32>
      %eq3A_2662 = arith.constant 10 : i32
      %eq3A_2663 = vector.broadcast %eq3A_2662 : i32 to vector<16xi32>
      %eq3A_2664 = arith.cmpi eq, %iota3A, %eq3A_2663 : vector<16xi32>
      %reduce_sum3A_2665 = arith.constant true
      %reduce_sum3A_2666 = vector.broadcast %reduce_sum3A_2665 : i1 to vector<16xi1>
      %reduce_sum3A_2667 = tpu.scan <sum>, %add3A_2652 masked %reduce_sum3A_2666 : vector<16xf32>, vector<16xi1> -> vector<16xf32>
      %reduce_sum3A_2668 = vector.extract %reduce_sum3A_2667[15] : f32 from vector<16xf32>
      %broadcast_in_dim3A_2669 = vector.broadcast %reduce_sum3A_2668 : f32 to vector<16xf32>
      %select_n3A_2670 = arith.select %eq3A_2664, %broadcast_in_dim3A_2669, %select_n3A_2444 : vector<16xi1>, vector<16xf32>
      %mul3A_2671 = arith.constant 16 : i32
      %mul3A_2672 = arith.muli %scan3A_167, %mul3A_2671 : i32
      %add3A_2673 = arith.constant 11 : i32
      %add3A_2674 = arith.addi %mul3A_2672, %add3A_2673 : i32
      %broadcast_in_dim3A_2675 = arith.constant 0.000000e+00 : f32
      %broadcast_in_dim3A_2676 = vector.broadcast %broadcast_in_dim3A_2675 : f32 to vector<16xf32>
      %broadcast_in_dim3A_2677 = arith.constant 0.000000e+00 : f32
      %broadcast_in_dim3A_2678 = vector.broadcast %broadcast_in_dim3A_2677 : f32 to vector<16xf32>
      %get3A_2679 = arith.index_cast %add3A_2674 : i32 to index
      %get3A_2680 = arith.constant 0 : index
      %get3A_2681 = tpu.vector_load %arg15[%get3A_2679, %get3A_2680] {strides = array<i32>} : memref<128x128xf32, #tpu.memory_space<vmem>>, vector<16xf32>,
      %get3A_2682 = arith.index_cast %add3A_2674 : i32 to index
      %get3A_2683 = arith.constant 0 : index
      %get3A_2684 = tpu.vector_load %arg16[%get3A_2682, %get3A_2683] {strides = array<i32>} : memref<128x128xf32, #tpu.memory_space<vmem>>, vector<16xf32>,
      %get3A_2685 = arith.index_cast %add3A_2674 : i32 to index
      %get3A_2686 = arith.constant 0 : index
      %get3A_2687 = tpu.vector_load %arg17[%get3A_2685, %get3A_2686] {strides = array<i32>} : memref<128x128xf32, #tpu.memory_space<vmem>>, vector<16xf32>,
      %get3A_2688 = arith.index_cast %add3A_2674 : i32 to index
      %get3A_2689 = arith.constant 0 : index
      %get3A_2690 = tpu.vector_load %arg18[%get3A_2688, %get3A_2689] {strides = array<i32>} : memref<128x128xf32, #tpu.memory_space<vmem>>, vector<16xf32>,
      %get3A_2691 = arith.index_cast %add3A_2674 : i32 to index
      %get3A_2692 = arith.constant 0 : index
      %get3A_2693 = tpu.vector_load %arg19[%get3A_2691, %get3A_2692] {strides = array<i32>} : memref<128x128xf32, #tpu.memory_space<vmem>>, vector<16xf32>,
      %add3A_2694 = arith.addf %get3A_2684, %get3A_2690 : vector<16xf32>
      %mul3A_2695 = arith.mulf %get3A_2681, %add3A_2694 : vector<16xf32>
      %add3A_2696 = arith.addf %broadcast_in_dim3A_2676, %mul3A_2695 : vector<16xf32>
      %mul3A_2697 = arith.mulf %get3A_2684, %get3A_2690 : vector<16xf32>
      %add3A_2698 = arith.addf %add3A_2696, %mul3A_2697 : vector<16xf32>
      %add3A_2699 = arith.addf %get3A_2687, %get3A_2693 : vector<16xf32>
      %mul3A_2700 = arith.mulf %get3A_2681, %add3A_2699 : vector<16xf32>
      %add3A_2701 = arith.addf %broadcast_in_dim3A_2678, %mul3A_2700 : vector<16xf32>
      %mul3A_2702 = arith.mulf %get3A_2687, %get3A_2693 : vector<16xf32>
      %add3A_2703 = arith.addf %add3A_2701, %mul3A_2702 : vector<16xf32>
      %get3A_2704 = arith.index_cast %add3A_2674 : i32 to index
      %get3A_2705 = arith.constant 16 : index
      %get3A_2706 = tpu.vector_load %arg15[%get3A_2704, %get3A_2705] {strides = array<i32>} : memref<128x128xf32, #tpu.memory_space<vmem>>, vector<16xf32>,
      %get3A_2707 = arith.index_cast %add3A_2674 : i32 to index
      %get3A_2708 = arith.constant 16 : index
      %get3A_2709 = tpu.vector_load %arg16[%get3A_2707, %get3A_2708] {strides = array<i32>} : memref<128x128xf32, #tpu.memory_space<vmem>>, vector<16xf32>,
      %get3A_2710 = arith.index_cast %add3A_2674 : i32 to index
      %get3A_2711 = arith.constant 16 : index
      %get3A_2712 = tpu.vector_load %arg17[%get3A_2710, %get3A_2711] {strides = array<i32>} : memref<128x128xf32, #tpu.memory_space<vmem>>, vector<16xf32>,
      %get3A_2713 = arith.index_cast %add3A_2674 : i32 to index
      %get3A_2714 = arith.constant 16 : index
      %get3A_2715 = tpu.vector_load %arg18[%get3A_2713, %get3A_2714] {strides = array<i32>} : memref<128x128xf32, #tpu.memory_space<vmem>>, vector<16xf32>,
      %get3A_2716 = arith.index_cast %add3A_2674 : i32 to index
      %get3A_2717 = arith.constant 16 : index
      %get3A_2718 = tpu.vector_load %arg19[%get3A_2716, %get3A_2717] {strides = array<i32>} : memref<128x128xf32, #tpu.memory_space<vmem>>, vector<16xf32>,
      %add3A_2719 = arith.addf %get3A_2709, %get3A_2715 : vector<16xf32>
      %mul3A_2720 = arith.mulf %get3A_2706, %add3A_2719 : vector<16xf32>
      %add3A_2721 = arith.addf %add3A_2698, %mul3A_2720 : vector<16xf32>
      %mul3A_2722 = arith.mulf %get3A_2709, %get3A_2715 : vector<16xf32>
      %add3A_2723 = arith.addf %add3A_2721, %mul3A_2722 : vector<16xf32>
      %add3A_2724 = arith.addf %get3A_2712, %get3A_2718 : vector<16xf32>
      %mul3A_2725 = arith.mulf %get3A_2706, %add3A_2724 : vector<16xf32>
      %add3A_2726 = arith.addf %add3A_2703, %mul3A_2725 : vector<16xf32>
      %mul3A_2727 = arith.mulf %get3A_2712, %get3A_2718 : vector<16xf32>
      %add3A_2728 = arith.addf %add3A_2726, %mul3A_2727 : vector<16xf32>
      %get3A_2729 = arith.index_cast %add3A_2674 : i32 to index
      %get3A_2730 = arith.constant 32 : index
      %get3A_2731 = tpu.vector_load %arg15[%get3A_2729, %get3A_2730] {strides = array<i32>} : memref<128x128xf32, #tpu.memory_space<vmem>>, vector<16xf32>,
      %get3A_2732 = arith.index_cast %add3A_2674 : i32 to index
      %get3A_2733 = arith.constant 32 : index
      %get3A_2734 = tpu.vector_load %arg16[%get3A_2732, %get3A_2733] {strides = array<i32>} : memref<128x128xf32, #tpu.memory_space<vmem>>, vector<16xf32>,
      %get3A_2735 = arith.index_cast %add3A_2674 : i32 to index
      %get3A_2736 = arith.constant 32 : index
      %get3A_2737 = tpu.vector_load %arg17[%get3A_2735, %get3A_2736] {strides = array<i32>} : memref<128x128xf32, #tpu.memory_space<vmem>>, vector<16xf32>,
      %get3A_2738 = arith.index_cast %add3A_2674 : i32 to index
      %get3A_2739 = arith.constant 32 : index
      %get3A_2740 = tpu.vector_load %arg18[%get3A_2738, %get3A_2739] {strides = array<i32>} : memref<128x128xf32, #tpu.memory_space<vmem>>, vector<16xf32>,
      %get3A_2741 = arith.index_cast %add3A_2674 : i32 to index
      %get3A_2742 = arith.constant 32 : index
      %get3A_2743 = tpu.vector_load %arg19[%get3A_2741, %get3A_2742] {strides = array<i32>} : memref<128x128xf32, #tpu.memory_space<vmem>>, vector<16xf32>,
      %add3A_2744 = arith.addf %get3A_2734, %get3A_2740 : vector<16xf32>
      %mul3A_2745 = arith.mulf %get3A_2731, %add3A_2744 : vector<16xf32>
      %add3A_2746 = arith.addf %add3A_2723, %mul3A_2745 : vector<16xf32>
      %mul3A_2747 = arith.mulf %get3A_2734, %get3A_2740 : vector<16xf32>
      %add3A_2748 = arith.addf %add3A_2746, %mul3A_2747 : vector<16xf32>
      %add3A_2749 = arith.addf %get3A_2737, %get3A_2743 : vector<16xf32>
      %mul3A_2750 = arith.mulf %get3A_2731, %add3A_2749 : vector<16xf32>
      %add3A_2751 = arith.addf %add3A_2728, %mul3A_2750 : vector<16xf32>
      %mul3A_2752 = arith.mulf %get3A_2737, %get3A_2743 : vector<16xf32>
      %add3A_2753 = arith.addf %add3A_2751, %mul3A_2752 : vector<16xf32>
      %get3A_2754 = arith.index_cast %add3A_2674 : i32 to index
      %get3A_2755 = arith.constant 48 : index
      %get3A_2756 = tpu.vector_load %arg15[%get3A_2754, %get3A_2755] {strides = array<i32>} : memref<128x128xf32, #tpu.memory_space<vmem>>, vector<16xf32>,
      %get3A_2757 = arith.index_cast %add3A_2674 : i32 to index
      %get3A_2758 = arith.constant 48 : index
      %get3A_2759 = tpu.vector_load %arg16[%get3A_2757, %get3A_2758] {strides = array<i32>} : memref<128x128xf32, #tpu.memory_space<vmem>>, vector<16xf32>,
      %get3A_2760 = arith.index_cast %add3A_2674 : i32 to index
      %get3A_2761 = arith.constant 48 : index
      %get3A_2762 = tpu.vector_load %arg17[%get3A_2760, %get3A_2761] {strides = array<i32>} : memref<128x128xf32, #tpu.memory_space<vmem>>, vector<16xf32>,
      %get3A_2763 = arith.index_cast %add3A_2674 : i32 to index
      %get3A_2764 = arith.constant 48 : index
      %get3A_2765 = tpu.vector_load %arg18[%get3A_2763, %get3A_2764] {strides = array<i32>} : memref<128x128xf32, #tpu.memory_space<vmem>>, vector<16xf32>,
      %get3A_2766 = arith.index_cast %add3A_2674 : i32 to index
      %get3A_2767 = arith.constant 48 : index
      %get3A_2768 = tpu.vector_load %arg19[%get3A_2766, %get3A_2767] {strides = array<i32>} : memref<128x128xf32, #tpu.memory_space<vmem>>, vector<16xf32>,
      %add3A_2769 = arith.addf %get3A_2759, %get3A_2765 : vector<16xf32>
      %mul3A_2770 = arith.mulf %get3A_2756, %add3A_2769 : vector<16xf32>
      %add3A_2771 = arith.addf %add3A_2748, %mul3A_2770 : vector<16xf32>
      %mul3A_2772 = arith.mulf %get3A_2759, %get3A_2765 : vector<16xf32>
      %add3A_2773 = arith.addf %add3A_2771, %mul3A_2772 : vector<16xf32>
      %add3A_2774 = arith.addf %get3A_2762, %get3A_2768 : vector<16xf32>
      %mul3A_2775 = arith.mulf %get3A_2756, %add3A_2774 : vector<16xf32>
      %add3A_2776 = arith.addf %add3A_2753, %mul3A_2775 : vector<16xf32>
      %mul3A_2777 = arith.mulf %get3A_2762, %get3A_2768 : vector<16xf32>
      %add3A_2778 = arith.addf %add3A_2776, %mul3A_2777 : vector<16xf32>
      %get3A_2779 = arith.index_cast %add3A_2674 : i32 to index
      %get3A_2780 = arith.constant 64 : index
      %get3A_2781 = tpu.vector_load %arg15[%get3A_2779, %get3A_2780] {strides = array<i32>} : memref<128x128xf32, #tpu.memory_space<vmem>>, vector<16xf32>,
      %get3A_2782 = arith.index_cast %add3A_2674 : i32 to index
      %get3A_2783 = arith.constant 64 : index
      %get3A_2784 = tpu.vector_load %arg16[%get3A_2782, %get3A_2783] {strides = array<i32>} : memref<128x128xf32, #tpu.memory_space<vmem>>, vector<16xf32>,
      %get3A_2785 = arith.index_cast %add3A_2674 : i32 to index
      %get3A_2786 = arith.constant 64 : index
      %get3A_2787 = tpu.vector_load %arg17[%get3A_2785, %get3A_2786] {strides = array<i32>} : memref<128x128xf32, #tpu.memory_space<vmem>>, vector<16xf32>,
      %get3A_2788 = arith.index_cast %add3A_2674 : i32 to index
      %get3A_2789 = arith.constant 64 : index
      %get3A_2790 = tpu.vector_load %arg18[%get3A_2788, %get3A_2789] {strides = array<i32>} : memref<128x128xf32, #tpu.memory_space<vmem>>, vector<16xf32>,
      %get3A_2791 = arith.index_cast %add3A_2674 : i32 to index
      %get3A_2792 = arith.constant 64 : index
      %get3A_2793 = tpu.vector_load %arg19[%get3A_2791, %get3A_2792] {strides = array<i32>} : memref<128x128xf32, #tpu.memory_space<vmem>>, vector<16xf32>,
      %add3A_2794 = arith.addf %get3A_2784, %get3A_2790 : vector<16xf32>
      %mul3A_2795 = arith.mulf %get3A_2781, %add3A_2794 : vector<16xf32>
      %add3A_2796 = arith.addf %add3A_2773, %mul3A_2795 : vector<16xf32>
      %mul3A_2797 = arith.mulf %get3A_2784, %get3A_2790 : vector<16xf32>
      %add3A_2798 = arith.addf %add3A_2796, %mul3A_2797 : vector<16xf32>
      %add3A_2799 = arith.addf %get3A_2787, %get3A_2793 : vector<16xf32>
      %mul3A_2800 = arith.mulf %get3A_2781, %add3A_2799 : vector<16xf32>
      %add3A_2801 = arith.addf %add3A_2778, %mul3A_2800 : vector<16xf32>
      %mul3A_2802 = arith.mulf %get3A_2787, %get3A_2793 : vector<16xf32>
      %add3A_2803 = arith.addf %add3A_2801, %mul3A_2802 : vector<16xf32>
      %get3A_2804 = arith.index_cast %add3A_2674 : i32 to index
      %get3A_2805 = arith.constant 80 : index
      %get3A_2806 = tpu.vector_load %arg15[%get3A_2804, %get3A_2805] {strides = array<i32>} : memref<128x128xf32, #tpu.memory_space<vmem>>, vector<16xf32>,
      %get3A_2807 = arith.index_cast %add3A_2674 : i32 to index
      %get3A_2808 = arith.constant 80 : index
      %get3A_2809 = tpu.vector_load %arg16[%get3A_2807, %get3A_2808] {strides = array<i32>} : memref<128x128xf32, #tpu.memory_space<vmem>>, vector<16xf32>,
      %get3A_2810 = arith.index_cast %add3A_2674 : i32 to index
      %get3A_2811 = arith.constant 80 : index
      %get3A_2812 = tpu.vector_load %arg17[%get3A_2810, %get3A_2811] {strides = array<i32>} : memref<128x128xf32, #tpu.memory_space<vmem>>, vector<16xf32>,
      %get3A_2813 = arith.index_cast %add3A_2674 : i32 to index
      %get3A_2814 = arith.constant 80 : index
      %get3A_2815 = tpu.vector_load %arg18[%get3A_2813, %get3A_2814] {strides = array<i32>} : memref<128x128xf32, #tpu.memory_space<vmem>>, vector<16xf32>,
      %get3A_2816 = arith.index_cast %add3A_2674 : i32 to index
      %get3A_2817 = arith.constant 80 : index
      %get3A_2818 = tpu.vector_load %arg19[%get3A_2816, %get3A_2817] {strides = array<i32>} : memref<128x128xf32, #tpu.memory_space<vmem>>, vector<16xf32>,
      %add3A_2819 = arith.addf %get3A_2809, %get3A_2815 : vector<16xf32>
      %mul3A_2820 = arith.mulf %get3A_2806, %add3A_2819 : vector<16xf32>
      %add3A_2821 = arith.addf %add3A_2798, %mul3A_2820 : vector<16xf32>
      %mul3A_2822 = arith.mulf %get3A_2809, %get3A_2815 : vector<16xf32>
      %add3A_2823 = arith.addf %add3A_2821, %mul3A_2822 : vector<16xf32>
      %add3A_2824 = arith.addf %get3A_2812, %get3A_2818 : vector<16xf32>
      %mul3A_2825 = arith.mulf %get3A_2806, %add3A_2824 : vector<16xf32>
      %add3A_2826 = arith.addf %add3A_2803, %mul3A_2825 : vector<16xf32>
      %mul3A_2827 = arith.mulf %get3A_2812, %get3A_2818 : vector<16xf32>
      %add3A_2828 = arith.addf %add3A_2826, %mul3A_2827 : vector<16xf32>
      %get3A_2829 = arith.index_cast %add3A_2674 : i32 to index
      %get3A_2830 = arith.constant 96 : index
      %get3A_2831 = tpu.vector_load %arg15[%get3A_2829, %get3A_2830] {strides = array<i32>} : memref<128x128xf32, #tpu.memory_space<vmem>>, vector<16xf32>,
      %get3A_2832 = arith.index_cast %add3A_2674 : i32 to index
      %get3A_2833 = arith.constant 96 : index
      %get3A_2834 = tpu.vector_load %arg16[%get3A_2832, %get3A_2833] {strides = array<i32>} : memref<128x128xf32, #tpu.memory_space<vmem>>, vector<16xf32>,
      %get3A_2835 = arith.index_cast %add3A_2674 : i32 to index
      %get3A_2836 = arith.constant 96 : index
      %get3A_2837 = tpu.vector_load %arg17[%get3A_2835, %get3A_2836] {strides = array<i32>} : memref<128x128xf32, #tpu.memory_space<vmem>>, vector<16xf32>,
      %get3A_2838 = arith.index_cast %add3A_2674 : i32 to index
      %get3A_2839 = arith.constant 96 : index
      %get3A_2840 = tpu.vector_load %arg18[%get3A_2838, %get3A_2839] {strides = array<i32>} : memref<128x128xf32, #tpu.memory_space<vmem>>, vector<16xf32>,
      %get3A_2841 = arith.index_cast %add3A_2674 : i32 to index
      %get3A_2842 = arith.constant 96 : index
      %get3A_2843 = tpu.vector_load %arg19[%get3A_2841, %get3A_2842] {strides = array<i32>} : memref<128x128xf32, #tpu.memory_space<vmem>>, vector<16xf32>,
      %add3A_2844 = arith.addf %get3A_2834, %get3A_2840 : vector<16xf32>
      %mul3A_2845 = arith.mulf %get3A_2831, %add3A_2844 : vector<16xf32>
      %add3A_2846 = arith.addf %add3A_2823, %mul3A_2845 : vector<16xf32>
      %mul3A_2847 = arith.mulf %get3A_2834, %get3A_2840 : vector<16xf32>
      %add3A_2848 = arith.addf %add3A_2846, %mul3A_2847 : vector<16xf32>
      %add3A_2849 = arith.addf %get3A_2837, %get3A_2843 : vector<16xf32>
      %mul3A_2850 = arith.mulf %get3A_2831, %add3A_2849 : vector<16xf32>
      %add3A_2851 = arith.addf %add3A_2828, %mul3A_2850 : vector<16xf32>
      %mul3A_2852 = arith.mulf %get3A_2837, %get3A_2843 : vector<16xf32>
      %add3A_2853 = arith.addf %add3A_2851, %mul3A_2852 : vector<16xf32>
      %get3A_2854 = arith.index_cast %add3A_2674 : i32 to index
      %get3A_2855 = arith.constant 112 : index
      %get3A_2856 = tpu.vector_load %arg15[%get3A_2854, %get3A_2855] {strides = array<i32>} : memref<128x128xf32, #tpu.memory_space<vmem>>, vector<16xf32>,
      %get3A_2857 = arith.index_cast %add3A_2674 : i32 to index
      %get3A_2858 = arith.constant 112 : index
      %get3A_2859 = tpu.vector_load %arg16[%get3A_2857, %get3A_2858] {strides = array<i32>} : memref<128x128xf32, #tpu.memory_space<vmem>>, vector<16xf32>,
      %get3A_2860 = arith.index_cast %add3A_2674 : i32 to index
      %get3A_2861 = arith.constant 112 : index
      %get3A_2862 = tpu.vector_load %arg17[%get3A_2860, %get3A_2861] {strides = array<i32>} : memref<128x128xf32, #tpu.memory_space<vmem>>, vector<16xf32>,
      %get3A_2863 = arith.index_cast %add3A_2674 : i32 to index
      %get3A_2864 = arith.constant 112 : index
      %get3A_2865 = tpu.vector_load %arg18[%get3A_2863, %get3A_2864] {strides = array<i32>} : memref<128x128xf32, #tpu.memory_space<vmem>>, vector<16xf32>,
      %get3A_2866 = arith.index_cast %add3A_2674 : i32 to index
      %get3A_2867 = arith.constant 112 : index
      %get3A_2868 = tpu.vector_load %arg19[%get3A_2866, %get3A_2867] {strides = array<i32>} : memref<128x128xf32, #tpu.memory_space<vmem>>, vector<16xf32>,
      %add3A_2869 = arith.addf %get3A_2859, %get3A_2865 : vector<16xf32>
      %mul3A_2870 = arith.mulf %get3A_2856, %add3A_2869 : vector<16xf32>
      %add3A_2871 = arith.addf %add3A_2848, %mul3A_2870 : vector<16xf32>
      %mul3A_2872 = arith.mulf %get3A_2859, %get3A_2865 : vector<16xf32>
      %add3A_2873 = arith.addf %add3A_2871, %mul3A_2872 : vector<16xf32>
      %add3A_2874 = arith.addf %get3A_2862, %get3A_2868 : vector<16xf32>
      %mul3A_2875 = arith.mulf %get3A_2856, %add3A_2874 : vector<16xf32>
      %add3A_2876 = arith.addf %add3A_2853, %mul3A_2875 : vector<16xf32>
      %mul3A_2877 = arith.mulf %get3A_2862, %get3A_2868 : vector<16xf32>
      %add3A_2878 = arith.addf %add3A_2876, %mul3A_2877 : vector<16xf32>
      %eq3A_2879 = arith.constant 11 : i32
      %eq3A_2880 = vector.broadcast %eq3A_2879 : i32 to vector<16xi32>
      %eq3A_2881 = arith.cmpi eq, %iota3A, %eq3A_2880 : vector<16xi32>
      %reduce_sum3A_2882 = arith.constant true
      %reduce_sum3A_2883 = vector.broadcast %reduce_sum3A_2882 : i1 to vector<16xi1>
      %reduce_sum3A_2884 = tpu.scan <sum>, %add3A_2873 masked %reduce_sum3A_2883 : vector<16xf32>, vector<16xi1> -> vector<16xf32>
      %reduce_sum3A_2885 = vector.extract %reduce_sum3A_2884[15] : f32 from vector<16xf32>
      %broadcast_in_dim3A_2886 = vector.broadcast %reduce_sum3A_2885 : f32 to vector<16xf32>
      %select_n3A_2887 = arith.select %eq3A_2881, %broadcast_in_dim3A_2886, %select_n3A_2661 : vector<16xi1>, vector<16xf32>
      %eq3A_2888 = arith.constant 11 : i32
      %eq3A_2889 = vector.broadcast %eq3A_2888 : i32 to vector<16xi32>
      %eq3A_2890 = arith.cmpi eq, %iota3A, %eq3A_2889 : vector<16xi32>
      %reduce_sum3A_2891 = arith.constant true
      %reduce_sum3A_2892 = vector.broadcast %reduce_sum3A_2891 : i1 to vector<16xi1>
      %reduce_sum3A_2893 = tpu.scan <sum>, %add3A_2878 masked %reduce_sum3A_2892 : vector<16xf32>, vector<16xi1> -> vector<16xf32>
      %reduce_sum3A_2894 = vector.extract %reduce_sum3A_2893[15] : f32 from vector<16xf32>
      %broadcast_in_dim3A_2895 = vector.broadcast %reduce_sum3A_2894 : f32 to vector<16xf32>
      %select_n3A_2896 = arith.select %eq3A_2890, %broadcast_in_dim3A_2895, %select_n3A_2670 : vector<16xi1>, vector<16xf32>
      %mul3A_2897 = arith.constant 16 : i32
      %mul3A_2898 = arith.muli %scan3A_167, %mul3A_2897 : i32
      %add3A_2899 = arith.constant 12 : i32
      %add3A_2900 = arith.addi %mul3A_2898, %add3A_2899 : i32
      %broadcast_in_dim3A_2901 = arith.constant 0.000000e+00 : f32
      %broadcast_in_dim3A_2902 = vector.broadcast %broadcast_in_dim3A_2901 : f32 to vector<16xf32>
      %broadcast_in_dim3A_2903 = arith.constant 0.000000e+00 : f32
      %broadcast_in_dim3A_2904 = vector.broadcast %broadcast_in_dim3A_2903 : f32 to vector<16xf32>
      %get3A_2905 = arith.index_cast %add3A_2900 : i32 to index
      %get3A_2906 = arith.constant 0 : index
      %get3A_2907 = tpu.vector_load %arg15[%get3A_2905, %get3A_2906] {strides = array<i32>} : memref<128x128xf32, #tpu.memory_space<vmem>>, vector<16xf32>,
      %get3A_2908 = arith.index_cast %add3A_2900 : i32 to index
      %get3A_2909 = arith.constant 0 : index
      %get3A_2910 = tpu.vector_load %arg16[%get3A_2908, %get3A_2909] {strides = array<i32>} : memref<128x128xf32, #tpu.memory_space<vmem>>, vector<16xf32>,
      %get3A_2911 = arith.index_cast %add3A_2900 : i32 to index
      %get3A_2912 = arith.constant 0 : index
      %get3A_2913 = tpu.vector_load %arg17[%get3A_2911, %get3A_2912] {strides = array<i32>} : memref<128x128xf32, #tpu.memory_space<vmem>>, vector<16xf32>,
      %get3A_2914 = arith.index_cast %add3A_2900 : i32 to index
      %get3A_2915 = arith.constant 0 : index
      %get3A_2916 = tpu.vector_load %arg18[%get3A_2914, %get3A_2915] {strides = array<i32>} : memref<128x128xf32, #tpu.memory_space<vmem>>, vector<16xf32>,
      %get3A_2917 = arith.index_cast %add3A_2900 : i32 to index
      %get3A_2918 = arith.constant 0 : index
      %get3A_2919 = tpu.vector_load %arg19[%get3A_2917, %get3A_2918] {strides = array<i32>} : memref<128x128xf32, #tpu.memory_space<vmem>>, vector<16xf32>,
      %add3A_2920 = arith.addf %get3A_2910, %get3A_2916 : vector<16xf32>
      %mul3A_2921 = arith.mulf %get3A_2907, %add3A_2920 : vector<16xf32>
      %add3A_2922 = arith.addf %broadcast_in_dim3A_2902, %mul3A_2921 : vector<16xf32>
      %mul3A_2923 = arith.mulf %get3A_2910, %get3A_2916 : vector<16xf32>
      %add3A_2924 = arith.addf %add3A_2922, %mul3A_2923 : vector<16xf32>
      %add3A_2925 = arith.addf %get3A_2913, %get3A_2919 : vector<16xf32>
      %mul3A_2926 = arith.mulf %get3A_2907, %add3A_2925 : vector<16xf32>
      %add3A_2927 = arith.addf %broadcast_in_dim3A_2904, %mul3A_2926 : vector<16xf32>
      %mul3A_2928 = arith.mulf %get3A_2913, %get3A_2919 : vector<16xf32>
      %add3A_2929 = arith.addf %add3A_2927, %mul3A_2928 : vector<16xf32>
      %get3A_2930 = arith.index_cast %add3A_2900 : i32 to index
      %get3A_2931 = arith.constant 16 : index
      %get3A_2932 = tpu.vector_load %arg15[%get3A_2930, %get3A_2931] {strides = array<i32>} : memref<128x128xf32, #tpu.memory_space<vmem>>, vector<16xf32>,
      %get3A_2933 = arith.index_cast %add3A_2900 : i32 to index
      %get3A_2934 = arith.constant 16 : index
      %get3A_2935 = tpu.vector_load %arg16[%get3A_2933, %get3A_2934] {strides = array<i32>} : memref<128x128xf32, #tpu.memory_space<vmem>>, vector<16xf32>,
      %get3A_2936 = arith.index_cast %add3A_2900 : i32 to index
      %get3A_2937 = arith.constant 16 : index
      %get3A_2938 = tpu.vector_load %arg17[%get3A_2936, %get3A_2937] {strides = array<i32>} : memref<128x128xf32, #tpu.memory_space<vmem>>, vector<16xf32>,
      %get3A_2939 = arith.index_cast %add3A_2900 : i32 to index
      %get3A_2940 = arith.constant 16 : index
      %get3A_2941 = tpu.vector_load %arg18[%get3A_2939, %get3A_2940] {strides = array<i32>} : memref<128x128xf32, #tpu.memory_space<vmem>>, vector<16xf32>,
      %get3A_2942 = arith.index_cast %add3A_2900 : i32 to index
      %get3A_2943 = arith.constant 16 : index
      %get3A_2944 = tpu.vector_load %arg19[%get3A_2942, %get3A_2943] {strides = array<i32>} : memref<128x128xf32, #tpu.memory_space<vmem>>, vector<16xf32>,
      %add3A_2945 = arith.addf %get3A_2935, %get3A_2941 : vector<16xf32>
      %mul3A_2946 = arith.mulf %get3A_2932, %add3A_2945 : vector<16xf32>
      %add3A_2947 = arith.addf %add3A_2924, %mul3A_2946 : vector<16xf32>
      %mul3A_2948 = arith.mulf %get3A_2935, %get3A_2941 : vector<16xf32>
      %add3A_2949 = arith.addf %add3A_2947, %mul3A_2948 : vector<16xf32>
      %add3A_2950 = arith.addf %get3A_2938, %get3A_2944 : vector<16xf32>
      %mul3A_2951 = arith.mulf %get3A_2932, %add3A_2950 : vector<16xf32>
      %add3A_2952 = arith.addf %add3A_2929, %mul3A_2951 : vector<16xf32>
      %mul3A_2953 = arith.mulf %get3A_2938, %get3A_2944 : vector<16xf32>
      %add3A_2954 = arith.addf %add3A_2952, %mul3A_2953 : vector<16xf32>
      %get3A_2955 = arith.index_cast %add3A_2900 : i32 to index
      %get3A_2956 = arith.constant 32 : index
      %get3A_2957 = tpu.vector_load %arg15[%get3A_2955, %get3A_2956] {strides = array<i32>} : memref<128x128xf32, #tpu.memory_space<vmem>>, vector<16xf32>,
      %get3A_2958 = arith.index_cast %add3A_2900 : i32 to index
      %get3A_2959 = arith.constant 32 : index
      %get3A_2960 = tpu.vector_load %arg16[%get3A_2958, %get3A_2959] {strides = array<i32>} : memref<128x128xf32, #tpu.memory_space<vmem>>, vector<16xf32>,
      %get3A_2961 = arith.index_cast %add3A_2900 : i32 to index
      %get3A_2962 = arith.constant 32 : index
      %get3A_2963 = tpu.vector_load %arg17[%get3A_2961, %get3A_2962] {strides = array<i32>} : memref<128x128xf32, #tpu.memory_space<vmem>>, vector<16xf32>,
      %get3A_2964 = arith.index_cast %add3A_2900 : i32 to index
      %get3A_2965 = arith.constant 32 : index
      %get3A_2966 = tpu.vector_load %arg18[%get3A_2964, %get3A_2965] {strides = array<i32>} : memref<128x128xf32, #tpu.memory_space<vmem>>, vector<16xf32>,
      %get3A_2967 = arith.index_cast %add3A_2900 : i32 to index
      %get3A_2968 = arith.constant 32 : index
      %get3A_2969 = tpu.vector_load %arg19[%get3A_2967, %get3A_2968] {strides = array<i32>} : memref<128x128xf32, #tpu.memory_space<vmem>>, vector<16xf32>,
      %add3A_2970 = arith.addf %get3A_2960, %get3A_2966 : vector<16xf32>
      %mul3A_2971 = arith.mulf %get3A_2957, %add3A_2970 : vector<16xf32>
      %add3A_2972 = arith.addf %add3A_2949, %mul3A_2971 : vector<16xf32>
      %mul3A_2973 = arith.mulf %get3A_2960, %get3A_2966 : vector<16xf32>
      %add3A_2974 = arith.addf %add3A_2972, %mul3A_2973 : vector<16xf32>
      %add3A_2975 = arith.addf %get3A_2963, %get3A_2969 : vector<16xf32>
      %mul3A_2976 = arith.mulf %get3A_2957, %add3A_2975 : vector<16xf32>
      %add3A_2977 = arith.addf %add3A_2954, %mul3A_2976 : vector<16xf32>
      %mul3A_2978 = arith.mulf %get3A_2963, %get3A_2969 : vector<16xf32>
      %add3A_2979 = arith.addf %add3A_2977, %mul3A_2978 : vector<16xf32>
      %get3A_2980 = arith.index_cast %add3A_2900 : i32 to index
      %get3A_2981 = arith.constant 48 : index
      %get3A_2982 = tpu.vector_load %arg15[%get3A_2980, %get3A_2981] {strides = array<i32>} : memref<128x128xf32, #tpu.memory_space<vmem>>, vector<16xf32>,
      %get3A_2983 = arith.index_cast %add3A_2900 : i32 to index
      %get3A_2984 = arith.constant 48 : index
      %get3A_2985 = tpu.vector_load %arg16[%get3A_2983, %get3A_2984] {strides = array<i32>} : memref<128x128xf32, #tpu.memory_space<vmem>>, vector<16xf32>,
      %get3A_2986 = arith.index_cast %add3A_2900 : i32 to index
      %get3A_2987 = arith.constant 48 : index
      %get3A_2988 = tpu.vector_load %arg17[%get3A_2986, %get3A_2987] {strides = array<i32>} : memref<128x128xf32, #tpu.memory_space<vmem>>, vector<16xf32>,
      %get3A_2989 = arith.index_cast %add3A_2900 : i32 to index
      %get3A_2990 = arith.constant 48 : index
      %get3A_2991 = tpu.vector_load %arg18[%get3A_2989, %get3A_2990] {strides = array<i32>} : memref<128x128xf32, #tpu.memory_space<vmem>>, vector<16xf32>,
      %get3A_2992 = arith.index_cast %add3A_2900 : i32 to index
      %get3A_2993 = arith.constant 48 : index
      %get3A_2994 = tpu.vector_load %arg19[%get3A_2992, %get3A_2993] {strides = array<i32>} : memref<128x128xf32, #tpu.memory_space<vmem>>, vector<16xf32>,
      %add3A_2995 = arith.addf %get3A_2985, %get3A_2991 : vector<16xf32>
      %mul3A_2996 = arith.mulf %get3A_2982, %add3A_2995 : vector<16xf32>
      %add3A_2997 = arith.addf %add3A_2974, %mul3A_2996 : vector<16xf32>
      %mul3A_2998 = arith.mulf %get3A_2985, %get3A_2991 : vector<16xf32>
      %add3A_2999 = arith.addf %add3A_2997, %mul3A_2998 : vector<16xf32>
      %add3A_3000 = arith.addf %get3A_2988, %get3A_2994 : vector<16xf32>
      %mul3A_3001 = arith.mulf %get3A_2982, %add3A_3000 : vector<16xf32>
      %add3A_3002 = arith.addf %add3A_2979, %mul3A_3001 : vector<16xf32>
      %mul3A_3003 = arith.mulf %get3A_2988, %get3A_2994 : vector<16xf32>
      %add3A_3004 = arith.addf %add3A_3002, %mul3A_3003 : vector<16xf32>
      %get3A_3005 = arith.index_cast %add3A_2900 : i32 to index
      %get3A_3006 = arith.constant 64 : index
      %get3A_3007 = tpu.vector_load %arg15[%get3A_3005, %get3A_3006] {strides = array<i32>} : memref<128x128xf32, #tpu.memory_space<vmem>>, vector<16xf32>,
      %get3A_3008 = arith.index_cast %add3A_2900 : i32 to index
      %get3A_3009 = arith.constant 64 : index
      %get3A_3010 = tpu.vector_load %arg16[%get3A_3008, %get3A_3009] {strides = array<i32>} : memref<128x128xf32, #tpu.memory_space<vmem>>, vector<16xf32>,
      %get3A_3011 = arith.index_cast %add3A_2900 : i32 to index
      %get3A_3012 = arith.constant 64 : index
      %get3A_3013 = tpu.vector_load %arg17[%get3A_3011, %get3A_3012] {strides = array<i32>} : memref<128x128xf32, #tpu.memory_space<vmem>>, vector<16xf32>,
      %get3A_3014 = arith.index_cast %add3A_2900 : i32 to index
      %get3A_3015 = arith.constant 64 : index
      %get3A_3016 = tpu.vector_load %arg18[%get3A_3014, %get3A_3015] {strides = array<i32>} : memref<128x128xf32, #tpu.memory_space<vmem>>, vector<16xf32>,
      %get3A_3017 = arith.index_cast %add3A_2900 : i32 to index
      %get3A_3018 = arith.constant 64 : index
      %get3A_3019 = tpu.vector_load %arg19[%get3A_3017, %get3A_3018] {strides = array<i32>} : memref<128x128xf32, #tpu.memory_space<vmem>>, vector<16xf32>,
      %add3A_3020 = arith.addf %get3A_3010, %get3A_3016 : vector<16xf32>
      %mul3A_3021 = arith.mulf %get3A_3007, %add3A_3020 : vector<16xf32>
      %add3A_3022 = arith.addf %add3A_2999, %mul3A_3021 : vector<16xf32>
      %mul3A_3023 = arith.mulf %get3A_3010, %get3A_3016 : vector<16xf32>
      %add3A_3024 = arith.addf %add3A_3022, %mul3A_3023 : vector<16xf32>
      %add3A_3025 = arith.addf %get3A_3013, %get3A_3019 : vector<16xf32>
      %mul3A_3026 = arith.mulf %get3A_3007, %add3A_3025 : vector<16xf32>
      %add3A_3027 = arith.addf %add3A_3004, %mul3A_3026 : vector<16xf32>
      %mul3A_3028 = arith.mulf %get3A_3013, %get3A_3019 : vector<16xf32>
      %add3A_3029 = arith.addf %add3A_3027, %mul3A_3028 : vector<16xf32>
      %get3A_3030 = arith.index_cast %add3A_2900 : i32 to index
      %get3A_3031 = arith.constant 80 : index
      %get3A_3032 = tpu.vector_load %arg15[%get3A_3030, %get3A_3031] {strides = array<i32>} : memref<128x128xf32, #tpu.memory_space<vmem>>, vector<16xf32>,
      %get3A_3033 = arith.index_cast %add3A_2900 : i32 to index
      %get3A_3034 = arith.constant 80 : index
      %get3A_3035 = tpu.vector_load %arg16[%get3A_3033, %get3A_3034] {strides = array<i32>} : memref<128x128xf32, #tpu.memory_space<vmem>>, vector<16xf32>,
      %get3A_3036 = arith.index_cast %add3A_2900 : i32 to index
      %get3A_3037 = arith.constant 80 : index
      %get3A_3038 = tpu.vector_load %arg17[%get3A_3036, %get3A_3037] {strides = array<i32>} : memref<128x128xf32, #tpu.memory_space<vmem>>, vector<16xf32>,
      %get3A_3039 = arith.index_cast %add3A_2900 : i32 to index
      %get3A_3040 = arith.constant 80 : index
      %get3A_3041 = tpu.vector_load %arg18[%get3A_3039, %get3A_3040] {strides = array<i32>} : memref<128x128xf32, #tpu.memory_space<vmem>>, vector<16xf32>,
      %get3A_3042 = arith.index_cast %add3A_2900 : i32 to index
      %get3A_3043 = arith.constant 80 : index
      %get3A_3044 = tpu.vector_load %arg19[%get3A_3042, %get3A_3043] {strides = array<i32>} : memref<128x128xf32, #tpu.memory_space<vmem>>, vector<16xf32>,
      %add3A_3045 = arith.addf %get3A_3035, %get3A_3041 : vector<16xf32>
      %mul3A_3046 = arith.mulf %get3A_3032, %add3A_3045 : vector<16xf32>
      %add3A_3047 = arith.addf %add3A_3024, %mul3A_3046 : vector<16xf32>
      %mul3A_3048 = arith.mulf %get3A_3035, %get3A_3041 : vector<16xf32>
      %add3A_3049 = arith.addf %add3A_3047, %mul3A_3048 : vector<16xf32>
      %add3A_3050 = arith.addf %get3A_3038, %get3A_3044 : vector<16xf32>
      %mul3A_3051 = arith.mulf %get3A_3032, %add3A_3050 : vector<16xf32>
      %add3A_3052 = arith.addf %add3A_3029, %mul3A_3051 : vector<16xf32>
      %mul3A_3053 = arith.mulf %get3A_3038, %get3A_3044 : vector<16xf32>
      %add3A_3054 = arith.addf %add3A_3052, %mul3A_3053 : vector<16xf32>
      %get3A_3055 = arith.index_cast %add3A_2900 : i32 to index
      %get3A_3056 = arith.constant 96 : index
      %get3A_3057 = tpu.vector_load %arg15[%get3A_3055, %get3A_3056] {strides = array<i32>} : memref<128x128xf32, #tpu.memory_space<vmem>>, vector<16xf32>,
      %get3A_3058 = arith.index_cast %add3A_2900 : i32 to index
      %get3A_3059 = arith.constant 96 : index
      %get3A_3060 = tpu.vector_load %arg16[%get3A_3058, %get3A_3059] {strides = array<i32>} : memref<128x128xf32, #tpu.memory_space<vmem>>, vector<16xf32>,
      %get3A_3061 = arith.index_cast %add3A_2900 : i32 to index
      %get3A_3062 = arith.constant 96 : index
      %get3A_3063 = tpu.vector_load %arg17[%get3A_3061, %get3A_3062] {strides = array<i32>} : memref<128x128xf32, #tpu.memory_space<vmem>>, vector<16xf32>,
      %get3A_3064 = arith.index_cast %add3A_2900 : i32 to index
      %get3A_3065 = arith.constant 96 : index
      %get3A_3066 = tpu.vector_load %arg18[%get3A_3064, %get3A_3065] {strides = array<i32>} : memref<128x128xf32, #tpu.memory_space<vmem>>, vector<16xf32>,
      %get3A_3067 = arith.index_cast %add3A_2900 : i32 to index
      %get3A_3068 = arith.constant 96 : index
      %get3A_3069 = tpu.vector_load %arg19[%get3A_3067, %get3A_3068] {strides = array<i32>} : memref<128x128xf32, #tpu.memory_space<vmem>>, vector<16xf32>,
      %add3A_3070 = arith.addf %get3A_3060, %get3A_3066 : vector<16xf32>
      %mul3A_3071 = arith.mulf %get3A_3057, %add3A_3070 : vector<16xf32>
      %add3A_3072 = arith.addf %add3A_3049, %mul3A_3071 : vector<16xf32>
      %mul3A_3073 = arith.mulf %get3A_3060, %get3A_3066 : vector<16xf32>
      %add3A_3074 = arith.addf %add3A_3072, %mul3A_3073 : vector<16xf32>
      %add3A_3075 = arith.addf %get3A_3063, %get3A_3069 : vector<16xf32>
      %mul3A_3076 = arith.mulf %get3A_3057, %add3A_3075 : vector<16xf32>
      %add3A_3077 = arith.addf %add3A_3054, %mul3A_3076 : vector<16xf32>
      %mul3A_3078 = arith.mulf %get3A_3063, %get3A_3069 : vector<16xf32>
      %add3A_3079 = arith.addf %add3A_3077, %mul3A_3078 : vector<16xf32>
      %get3A_3080 = arith.index_cast %add3A_2900 : i32 to index
      %get3A_3081 = arith.constant 112 : index
      %get3A_3082 = tpu.vector_load %arg15[%get3A_3080, %get3A_3081] {strides = array<i32>} : memref<128x128xf32, #tpu.memory_space<vmem>>, vector<16xf32>,
      %get3A_3083 = arith.index_cast %add3A_2900 : i32 to index
      %get3A_3084 = arith.constant 112 : index
      %get3A_3085 = tpu.vector_load %arg16[%get3A_3083, %get3A_3084] {strides = array<i32>} : memref<128x128xf32, #tpu.memory_space<vmem>>, vector<16xf32>,
      %get3A_3086 = arith.index_cast %add3A_2900 : i32 to index
      %get3A_3087 = arith.constant 112 : index
      %get3A_3088 = tpu.vector_load %arg17[%get3A_3086, %get3A_3087] {strides = array<i32>} : memref<128x128xf32, #tpu.memory_space<vmem>>, vector<16xf32>,
      %get3A_3089 = arith.index_cast %add3A_2900 : i32 to index
      %get3A_3090 = arith.constant 112 : index
      %get3A_3091 = tpu.vector_load %arg18[%get3A_3089, %get3A_3090] {strides = array<i32>} : memref<128x128xf32, #tpu.memory_space<vmem>>, vector<16xf32>,
      %get3A_3092 = arith.index_cast %add3A_2900 : i32 to index
      %get3A_3093 = arith.constant 112 : index
      %get3A_3094 = tpu.vector_load %arg19[%get3A_3092, %get3A_3093] {strides = array<i32>} : memref<128x128xf32, #tpu.memory_space<vmem>>, vector<16xf32>,
      %add3A_3095 = arith.addf %get3A_3085, %get3A_3091 : vector<16xf32>
      %mul3A_3096 = arith.mulf %get3A_3082, %add3A_3095 : vector<16xf32>
      %add3A_3097 = arith.addf %add3A_3074, %mul3A_3096 : vector<16xf32>
      %mul3A_3098 = arith.mulf %get3A_3085, %get3A_3091 : vector<16xf32>
      %add3A_3099 = arith.addf %add3A_3097, %mul3A_3098 : vector<16xf32>
      %add3A_3100 = arith.addf %get3A_3088, %get3A_3094 : vector<16xf32>
      %mul3A_3101 = arith.mulf %get3A_3082, %add3A_3100 : vector<16xf32>
      %add3A_3102 = arith.addf %add3A_3079, %mul3A_3101 : vector<16xf32>
      %mul3A_3103 = arith.mulf %get3A_3088, %get3A_3094 : vector<16xf32>
      %add3A_3104 = arith.addf %add3A_3102, %mul3A_3103 : vector<16xf32>
      %eq3A_3105 = arith.constant 12 : i32
      %eq3A_3106 = vector.broadcast %eq3A_3105 : i32 to vector<16xi32>
      %eq3A_3107 = arith.cmpi eq, %iota3A, %eq3A_3106 : vector<16xi32>
      %reduce_sum3A_3108 = arith.constant true
      %reduce_sum3A_3109 = vector.broadcast %reduce_sum3A_3108 : i1 to vector<16xi1>
      %reduce_sum3A_3110 = tpu.scan <sum>, %add3A_3099 masked %reduce_sum3A_3109 : vector<16xf32>, vector<16xi1> -> vector<16xf32>
      %reduce_sum3A_3111 = vector.extract %reduce_sum3A_3110[15] : f32 from vector<16xf32>
      %broadcast_in_dim3A_3112 = vector.broadcast %reduce_sum3A_3111 : f32 to vector<16xf32>
      %select_n3A_3113 = arith.select %eq3A_3107, %broadcast_in_dim3A_3112, %select_n3A_2887 : vector<16xi1>, vector<16xf32>
      %eq3A_3114 = arith.constant 12 : i32
      %eq3A_3115 = vector.broadcast %eq3A_3114 : i32 to vector<16xi32>
      %eq3A_3116 = arith.cmpi eq, %iota3A, %eq3A_3115 : vector<16xi32>
      %reduce_sum3A_3117 = arith.constant true
      %reduce_sum3A_3118 = vector.broadcast %reduce_sum3A_3117 : i1 to vector<16xi1>
      %reduce_sum3A_3119 = tpu.scan <sum>, %add3A_3104 masked %reduce_sum3A_3118 : vector<16xf32>, vector<16xi1> -> vector<16xf32>
      %reduce_sum3A_3120 = vector.extract %reduce_sum3A_3119[15] : f32 from vector<16xf32>
      %broadcast_in_dim3A_3121 = vector.broadcast %reduce_sum3A_3120 : f32 to vector<16xf32>
      %select_n3A_3122 = arith.select %eq3A_3116, %broadcast_in_dim3A_3121, %select_n3A_2896 : vector<16xi1>, vector<16xf32>
      %mul3A_3123 = arith.constant 16 : i32
      %mul3A_3124 = arith.muli %scan3A_167, %mul3A_3123 : i32
      %add3A_3125 = arith.constant 13 : i32
      %add3A_3126 = arith.addi %mul3A_3124, %add3A_3125 : i32
      %broadcast_in_dim3A_3127 = arith.constant 0.000000e+00 : f32
      %broadcast_in_dim3A_3128 = vector.broadcast %broadcast_in_dim3A_3127 : f32 to vector<16xf32>
      %broadcast_in_dim3A_3129 = arith.constant 0.000000e+00 : f32
      %broadcast_in_dim3A_3130 = vector.broadcast %broadcast_in_dim3A_3129 : f32 to vector<16xf32>
      %get3A_3131 = arith.index_cast %add3A_3126 : i32 to index
      %get3A_3132 = arith.constant 0 : index
      %get3A_3133 = tpu.vector_load %arg15[%get3A_3131, %get3A_3132] {strides = array<i32>} : memref<128x128xf32, #tpu.memory_space<vmem>>, vector<16xf32>,
      %get3A_3134 = arith.index_cast %add3A_3126 : i32 to index
      %get3A_3135 = arith.constant 0 : index
      %get3A_3136 = tpu.vector_load %arg16[%get3A_3134, %get3A_3135] {strides = array<i32>} : memref<128x128xf32, #tpu.memory_space<vmem>>, vector<16xf32>,
      %get3A_3137 = arith.index_cast %add3A_3126 : i32 to index
      %get3A_3138 = arith.constant 0 : index
      %get3A_3139 = tpu.vector_load %arg17[%get3A_3137, %get3A_3138] {strides = array<i32>} : memref<128x128xf32, #tpu.memory_space<vmem>>, vector<16xf32>,
      %get3A_3140 = arith.index_cast %add3A_3126 : i32 to index
      %get3A_3141 = arith.constant 0 : index
      %get3A_3142 = tpu.vector_load %arg18[%get3A_3140, %get3A_3141] {strides = array<i32>} : memref<128x128xf32, #tpu.memory_space<vmem>>, vector<16xf32>,
      %get3A_3143 = arith.index_cast %add3A_3126 : i32 to index
      %get3A_3144 = arith.constant 0 : index
      %get3A_3145 = tpu.vector_load %arg19[%get3A_3143, %get3A_3144] {strides = array<i32>} : memref<128x128xf32, #tpu.memory_space<vmem>>, vector<16xf32>,
      %add3A_3146 = arith.addf %get3A_3136, %get3A_3142 : vector<16xf32>
      %mul3A_3147 = arith.mulf %get3A_3133, %add3A_3146 : vector<16xf32>
      %add3A_3148 = arith.addf %broadcast_in_dim3A_3128, %mul3A_3147 : vector<16xf32>
      %mul3A_3149 = arith.mulf %get3A_3136, %get3A_3142 : vector<16xf32>
      %add3A_3150 = arith.addf %add3A_3148, %mul3A_3149 : vector<16xf32>
      %add3A_3151 = arith.addf %get3A_3139, %get3A_3145 : vector<16xf32>
      %mul3A_3152 = arith.mulf %get3A_3133, %add3A_3151 : vector<16xf32>
      %add3A_3153 = arith.addf %broadcast_in_dim3A_3130, %mul3A_3152 : vector<16xf32>
      %mul3A_3154 = arith.mulf %get3A_3139, %get3A_3145 : vector<16xf32>
      %add3A_3155 = arith.addf %add3A_3153, %mul3A_3154 : vector<16xf32>
      %get3A_3156 = arith.index_cast %add3A_3126 : i32 to index
      %get3A_3157 = arith.constant 16 : index
      %get3A_3158 = tpu.vector_load %arg15[%get3A_3156, %get3A_3157] {strides = array<i32>} : memref<128x128xf32, #tpu.memory_space<vmem>>, vector<16xf32>,
      %get3A_3159 = arith.index_cast %add3A_3126 : i32 to index
      %get3A_3160 = arith.constant 16 : index
      %get3A_3161 = tpu.vector_load %arg16[%get3A_3159, %get3A_3160] {strides = array<i32>} : memref<128x128xf32, #tpu.memory_space<vmem>>, vector<16xf32>,
      %get3A_3162 = arith.index_cast %add3A_3126 : i32 to index
      %get3A_3163 = arith.constant 16 : index
      %get3A_3164 = tpu.vector_load %arg17[%get3A_3162, %get3A_3163] {strides = array<i32>} : memref<128x128xf32, #tpu.memory_space<vmem>>, vector<16xf32>,
      %get3A_3165 = arith.index_cast %add3A_3126 : i32 to index
      %get3A_3166 = arith.constant 16 : index
      %get3A_3167 = tpu.vector_load %arg18[%get3A_3165, %get3A_3166] {strides = array<i32>} : memref<128x128xf32, #tpu.memory_space<vmem>>, vector<16xf32>,
      %get3A_3168 = arith.index_cast %add3A_3126 : i32 to index
      %get3A_3169 = arith.constant 16 : index
      %get3A_3170 = tpu.vector_load %arg19[%get3A_3168, %get3A_3169] {strides = array<i32>} : memref<128x128xf32, #tpu.memory_space<vmem>>, vector<16xf32>,
      %add3A_3171 = arith.addf %get3A_3161, %get3A_3167 : vector<16xf32>
      %mul3A_3172 = arith.mulf %get3A_3158, %add3A_3171 : vector<16xf32>
      %add3A_3173 = arith.addf %add3A_3150, %mul3A_3172 : vector<16xf32>
      %mul3A_3174 = arith.mulf %get3A_3161, %get3A_3167 : vector<16xf32>
      %add3A_3175 = arith.addf %add3A_3173, %mul3A_3174 : vector<16xf32>
      %add3A_3176 = arith.addf %get3A_3164, %get3A_3170 : vector<16xf32>
      %mul3A_3177 = arith.mulf %get3A_3158, %add3A_3176 : vector<16xf32>
      %add3A_3178 = arith.addf %add3A_3155, %mul3A_3177 : vector<16xf32>
      %mul3A_3179 = arith.mulf %get3A_3164, %get3A_3170 : vector<16xf32>
      %add3A_3180 = arith.addf %add3A_3178, %mul3A_3179 : vector<16xf32>
      %get3A_3181 = arith.index_cast %add3A_3126 : i32 to index
      %get3A_3182 = arith.constant 32 : index
      %get3A_3183 = tpu.vector_load %arg15[%get3A_3181, %get3A_3182] {strides = array<i32>} : memref<128x128xf32, #tpu.memory_space<vmem>>, vector<16xf32>,
      %get3A_3184 = arith.index_cast %add3A_3126 : i32 to index
      %get3A_3185 = arith.constant 32 : index
      %get3A_3186 = tpu.vector_load %arg16[%get3A_3184, %get3A_3185] {strides = array<i32>} : memref<128x128xf32, #tpu.memory_space<vmem>>, vector<16xf32>,
      %get3A_3187 = arith.index_cast %add3A_3126 : i32 to index
      %get3A_3188 = arith.constant 32 : index
      %get3A_3189 = tpu.vector_load %arg17[%get3A_3187, %get3A_3188] {strides = array<i32>} : memref<128x128xf32, #tpu.memory_space<vmem>>, vector<16xf32>,
      %get3A_3190 = arith.index_cast %add3A_3126 : i32 to index
      %get3A_3191 = arith.constant 32 : index
      %get3A_3192 = tpu.vector_load %arg18[%get3A_3190, %get3A_3191] {strides = array<i32>} : memref<128x128xf32, #tpu.memory_space<vmem>>, vector<16xf32>,
      %get3A_3193 = arith.index_cast %add3A_3126 : i32 to index
      %get3A_3194 = arith.constant 32 : index
      %get3A_3195 = tpu.vector_load %arg19[%get3A_3193, %get3A_3194] {strides = array<i32>} : memref<128x128xf32, #tpu.memory_space<vmem>>, vector<16xf32>,
      %add3A_3196 = arith.addf %get3A_3186, %get3A_3192 : vector<16xf32>
      %mul3A_3197 = arith.mulf %get3A_3183, %add3A_3196 : vector<16xf32>
      %add3A_3198 = arith.addf %add3A_3175, %mul3A_3197 : vector<16xf32>
      %mul3A_3199 = arith.mulf %get3A_3186, %get3A_3192 : vector<16xf32>
      %add3A_3200 = arith.addf %add3A_3198, %mul3A_3199 : vector<16xf32>
      %add3A_3201 = arith.addf %get3A_3189, %get3A_3195 : vector<16xf32>
      %mul3A_3202 = arith.mulf %get3A_3183, %add3A_3201 : vector<16xf32>
      %add3A_3203 = arith.addf %add3A_3180, %mul3A_3202 : vector<16xf32>
      %mul3A_3204 = arith.mulf %get3A_3189, %get3A_3195 : vector<16xf32>
      %add3A_3205 = arith.addf %add3A_3203, %mul3A_3204 : vector<16xf32>
      %get3A_3206 = arith.index_cast %add3A_3126 : i32 to index
      %get3A_3207 = arith.constant 48 : index
      %get3A_3208 = tpu.vector_load %arg15[%get3A_3206, %get3A_3207] {strides = array<i32>} : memref<128x128xf32, #tpu.memory_space<vmem>>, vector<16xf32>,
      %get3A_3209 = arith.index_cast %add3A_3126 : i32 to index
      %get3A_3210 = arith.constant 48 : index
      %get3A_3211 = tpu.vector_load %arg16[%get3A_3209, %get3A_3210] {strides = array<i32>} : memref<128x128xf32, #tpu.memory_space<vmem>>, vector<16xf32>,
      %get3A_3212 = arith.index_cast %add3A_3126 : i32 to index
      %get3A_3213 = arith.constant 48 : index
      %get3A_3214 = tpu.vector_load %arg17[%get3A_3212, %get3A_3213] {strides = array<i32>} : memref<128x128xf32, #tpu.memory_space<vmem>>, vector<16xf32>,
      %get3A_3215 = arith.index_cast %add3A_3126 : i32 to index
      %get3A_3216 = arith.constant 48 : index
      %get3A_3217 = tpu.vector_load %arg18[%get3A_3215, %get3A_3216] {strides = array<i32>} : memref<128x128xf32, #tpu.memory_space<vmem>>, vector<16xf32>,
      %get3A_3218 = arith.index_cast %add3A_3126 : i32 to index
      %get3A_3219 = arith.constant 48 : index
      %get3A_3220 = tpu.vector_load %arg19[%get3A_3218, %get3A_3219] {strides = array<i32>} : memref<128x128xf32, #tpu.memory_space<vmem>>, vector<16xf32>,
      %add3A_3221 = arith.addf %get3A_3211, %get3A_3217 : vector<16xf32>
      %mul3A_3222 = arith.mulf %get3A_3208, %add3A_3221 : vector<16xf32>
      %add3A_3223 = arith.addf %add3A_3200, %mul3A_3222 : vector<16xf32>
      %mul3A_3224 = arith.mulf %get3A_3211, %get3A_3217 : vector<16xf32>
      %add3A_3225 = arith.addf %add3A_3223, %mul3A_3224 : vector<16xf32>
      %add3A_3226 = arith.addf %get3A_3214, %get3A_3220 : vector<16xf32>
      %mul3A_3227 = arith.mulf %get3A_3208, %add3A_3226 : vector<16xf32>
      %add3A_3228 = arith.addf %add3A_3205, %mul3A_3227 : vector<16xf32>
      %mul3A_3229 = arith.mulf %get3A_3214, %get3A_3220 : vector<16xf32>
      %add3A_3230 = arith.addf %add3A_3228, %mul3A_3229 : vector<16xf32>
      %get3A_3231 = arith.index_cast %add3A_3126 : i32 to index
      %get3A_3232 = arith.constant 64 : index
      %get3A_3233 = tpu.vector_load %arg15[%get3A_3231, %get3A_3232] {strides = array<i32>} : memref<128x128xf32, #tpu.memory_space<vmem>>, vector<16xf32>,
      %get3A_3234 = arith.index_cast %add3A_3126 : i32 to index
      %get3A_3235 = arith.constant 64 : index
      %get3A_3236 = tpu.vector_load %arg16[%get3A_3234, %get3A_3235] {strides = array<i32>} : memref<128x128xf32, #tpu.memory_space<vmem>>, vector<16xf32>,
      %get3A_3237 = arith.index_cast %add3A_3126 : i32 to index
      %get3A_3238 = arith.constant 64 : index
      %get3A_3239 = tpu.vector_load %arg17[%get3A_3237, %get3A_3238] {strides = array<i32>} : memref<128x128xf32, #tpu.memory_space<vmem>>, vector<16xf32>,
      %get3A_3240 = arith.index_cast %add3A_3126 : i32 to index
      %get3A_3241 = arith.constant 64 : index
      %get3A_3242 = tpu.vector_load %arg18[%get3A_3240, %get3A_3241] {strides = array<i32>} : memref<128x128xf32, #tpu.memory_space<vmem>>, vector<16xf32>,
      %get3A_3243 = arith.index_cast %add3A_3126 : i32 to index
      %get3A_3244 = arith.constant 64 : index
      %get3A_3245 = tpu.vector_load %arg19[%get3A_3243, %get3A_3244] {strides = array<i32>} : memref<128x128xf32, #tpu.memory_space<vmem>>, vector<16xf32>,
      %add3A_3246 = arith.addf %get3A_3236, %get3A_3242 : vector<16xf32>
      %mul3A_3247 = arith.mulf %get3A_3233, %add3A_3246 : vector<16xf32>
      %add3A_3248 = arith.addf %add3A_3225, %mul3A_3247 : vector<16xf32>
      %mul3A_3249 = arith.mulf %get3A_3236, %get3A_3242 : vector<16xf32>
      %add3A_3250 = arith.addf %add3A_3248, %mul3A_3249 : vector<16xf32>
      %add3A_3251 = arith.addf %get3A_3239, %get3A_3245 : vector<16xf32>
      %mul3A_3252 = arith.mulf %get3A_3233, %add3A_3251 : vector<16xf32>
      %add3A_3253 = arith.addf %add3A_3230, %mul3A_3252 : vector<16xf32>
      %mul3A_3254 = arith.mulf %get3A_3239, %get3A_3245 : vector<16xf32>
      %add3A_3255 = arith.addf %add3A_3253, %mul3A_3254 : vector<16xf32>
      %get3A_3256 = arith.index_cast %add3A_3126 : i32 to index
      %get3A_3257 = arith.constant 80 : index
      %get3A_3258 = tpu.vector_load %arg15[%get3A_3256, %get3A_3257] {strides = array<i32>} : memref<128x128xf32, #tpu.memory_space<vmem>>, vector<16xf32>,
      %get3A_3259 = arith.index_cast %add3A_3126 : i32 to index
      %get3A_3260 = arith.constant 80 : index
      %get3A_3261 = tpu.vector_load %arg16[%get3A_3259, %get3A_3260] {strides = array<i32>} : memref<128x128xf32, #tpu.memory_space<vmem>>, vector<16xf32>,
      %get3A_3262 = arith.index_cast %add3A_3126 : i32 to index
      %get3A_3263 = arith.constant 80 : index
      %get3A_3264 = tpu.vector_load %arg17[%get3A_3262, %get3A_3263] {strides = array<i32>} : memref<128x128xf32, #tpu.memory_space<vmem>>, vector<16xf32>,
      %get3A_3265 = arith.index_cast %add3A_3126 : i32 to index
      %get3A_3266 = arith.constant 80 : index
      %get3A_3267 = tpu.vector_load %arg18[%get3A_3265, %get3A_3266] {strides = array<i32>} : memref<128x128xf32, #tpu.memory_space<vmem>>, vector<16xf32>,
      %get3A_3268 = arith.index_cast %add3A_3126 : i32 to index
      %get3A_3269 = arith.constant 80 : index
      %get3A_3270 = tpu.vector_load %arg19[%get3A_3268, %get3A_3269] {strides = array<i32>} : memref<128x128xf32, #tpu.memory_space<vmem>>, vector<16xf32>,
      %add3A_3271 = arith.addf %get3A_3261, %get3A_3267 : vector<16xf32>
      %mul3A_3272 = arith.mulf %get3A_3258, %add3A_3271 : vector<16xf32>
      %add3A_3273 = arith.addf %add3A_3250, %mul3A_3272 : vector<16xf32>
      %mul3A_3274 = arith.mulf %get3A_3261, %get3A_3267 : vector<16xf32>
      %add3A_3275 = arith.addf %add3A_3273, %mul3A_3274 : vector<16xf32>
      %add3A_3276 = arith.addf %get3A_3264, %get3A_3270 : vector<16xf32>
      %mul3A_3277 = arith.mulf %get3A_3258, %add3A_3276 : vector<16xf32>
      %add3A_3278 = arith.addf %add3A_3255, %mul3A_3277 : vector<16xf32>
      %mul3A_3279 = arith.mulf %get3A_3264, %get3A_3270 : vector<16xf32>
      %add3A_3280 = arith.addf %add3A_3278, %mul3A_3279 : vector<16xf32>
      %get3A_3281 = arith.index_cast %add3A_3126 : i32 to index
      %get3A_3282 = arith.constant 96 : index
      %get3A_3283 = tpu.vector_load %arg15[%get3A_3281, %get3A_3282] {strides = array<i32>} : memref<128x128xf32, #tpu.memory_space<vmem>>, vector<16xf32>,
      %get3A_3284 = arith.index_cast %add3A_3126 : i32 to index
      %get3A_3285 = arith.constant 96 : index
      %get3A_3286 = tpu.vector_load %arg16[%get3A_3284, %get3A_3285] {strides = array<i32>} : memref<128x128xf32, #tpu.memory_space<vmem>>, vector<16xf32>,
      %get3A_3287 = arith.index_cast %add3A_3126 : i32 to index
      %get3A_3288 = arith.constant 96 : index
      %get3A_3289 = tpu.vector_load %arg17[%get3A_3287, %get3A_3288] {strides = array<i32>} : memref<128x128xf32, #tpu.memory_space<vmem>>, vector<16xf32>,
      %get3A_3290 = arith.index_cast %add3A_3126 : i32 to index
      %get3A_3291 = arith.constant 96 : index
      %get3A_3292 = tpu.vector_load %arg18[%get3A_3290, %get3A_3291] {strides = array<i32>} : memref<128x128xf32, #tpu.memory_space<vmem>>, vector<16xf32>,
      %get3A_3293 = arith.index_cast %add3A_3126 : i32 to index
      %get3A_3294 = arith.constant 96 : index
      %get3A_3295 = tpu.vector_load %arg19[%get3A_3293, %get3A_3294] {strides = array<i32>} : memref<128x128xf32, #tpu.memory_space<vmem>>, vector<16xf32>,
      %add3A_3296 = arith.addf %get3A_3286, %get3A_3292 : vector<16xf32>
      %mul3A_3297 = arith.mulf %get3A_3283, %add3A_3296 : vector<16xf32>
      %add3A_3298 = arith.addf %add3A_3275, %mul3A_3297 : vector<16xf32>
      %mul3A_3299 = arith.mulf %get3A_3286, %get3A_3292 : vector<16xf32>
      %add3A_3300 = arith.addf %add3A_3298, %mul3A_3299 : vector<16xf32>
      %add3A_3301 = arith.addf %get3A_3289, %get3A_3295 : vector<16xf32>
      %mul3A_3302 = arith.mulf %get3A_3283, %add3A_3301 : vector<16xf32>
      %add3A_3303 = arith.addf %add3A_3280, %mul3A_3302 : vector<16xf32>
      %mul3A_3304 = arith.mulf %get3A_3289, %get3A_3295 : vector<16xf32>
      %add3A_3305 = arith.addf %add3A_3303, %mul3A_3304 : vector<16xf32>
      %get3A_3306 = arith.index_cast %add3A_3126 : i32 to index
      %get3A_3307 = arith.constant 112 : index
      %get3A_3308 = tpu.vector_load %arg15[%get3A_3306, %get3A_3307] {strides = array<i32>} : memref<128x128xf32, #tpu.memory_space<vmem>>, vector<16xf32>,
      %get3A_3309 = arith.index_cast %add3A_3126 : i32 to index
      %get3A_3310 = arith.constant 112 : index
      %get3A_3311 = tpu.vector_load %arg16[%get3A_3309, %get3A_3310] {strides = array<i32>} : memref<128x128xf32, #tpu.memory_space<vmem>>, vector<16xf32>,
      %get3A_3312 = arith.index_cast %add3A_3126 : i32 to index
      %get3A_3313 = arith.constant 112 : index
      %get3A_3314 = tpu.vector_load %arg17[%get3A_3312, %get3A_3313] {strides = array<i32>} : memref<128x128xf32, #tpu.memory_space<vmem>>, vector<16xf32>,
      %get3A_3315 = arith.index_cast %add3A_3126 : i32 to index
      %get3A_3316 = arith.constant 112 : index
      %get3A_3317 = tpu.vector_load %arg18[%get3A_3315, %get3A_3316] {strides = array<i32>} : memref<128x128xf32, #tpu.memory_space<vmem>>, vector<16xf32>,
      %get3A_3318 = arith.index_cast %add3A_3126 : i32 to index
      %get3A_3319 = arith.constant 112 : index
      %get3A_3320 = tpu.vector_load %arg19[%get3A_3318, %get3A_3319] {strides = array<i32>} : memref<128x128xf32, #tpu.memory_space<vmem>>, vector<16xf32>,
      %add3A_3321 = arith.addf %get3A_3311, %get3A_3317 : vector<16xf32>
      %mul3A_3322 = arith.mulf %get3A_3308, %add3A_3321 : vector<16xf32>
      %add3A_3323 = arith.addf %add3A_3300, %mul3A_3322 : vector<16xf32>
      %mul3A_3324 = arith.mulf %get3A_3311, %get3A_3317 : vector<16xf32>
      %add3A_3325 = arith.addf %add3A_3323, %mul3A_3324 : vector<16xf32>
      %add3A_3326 = arith.addf %get3A_3314, %get3A_3320 : vector<16xf32>
      %mul3A_3327 = arith.mulf %get3A_3308, %add3A_3326 : vector<16xf32>
      %add3A_3328 = arith.addf %add3A_3305, %mul3A_3327 : vector<16xf32>
      %mul3A_3329 = arith.mulf %get3A_3314, %get3A_3320 : vector<16xf32>
      %add3A_3330 = arith.addf %add3A_3328, %mul3A_3329 : vector<16xf32>
      %eq3A_3331 = arith.constant 13 : i32
      %eq3A_3332 = vector.broadcast %eq3A_3331 : i32 to vector<16xi32>
      %eq3A_3333 = arith.cmpi eq, %iota3A, %eq3A_3332 : vector<16xi32>
      %reduce_sum3A_3334 = arith.constant true
      %reduce_sum3A_3335 = vector.broadcast %reduce_sum3A_3334 : i1 to vector<16xi1>
      %reduce_sum3A_3336 = tpu.scan <sum>, %add3A_3325 masked %reduce_sum3A_3335 : vector<16xf32>, vector<16xi1> -> vector<16xf32>
      %reduce_sum3A_3337 = vector.extract %reduce_sum3A_3336[15] : f32 from vector<16xf32>
      %broadcast_in_dim3A_3338 = vector.broadcast %reduce_sum3A_3337 : f32 to vector<16xf32>
      %select_n3A_3339 = arith.select %eq3A_3333, %broadcast_in_dim3A_3338, %select_n3A_3113 : vector<16xi1>, vector<16xf32>
      %eq3A_3340 = arith.constant 13 : i32
      %eq3A_3341 = vector.broadcast %eq3A_3340 : i32 to vector<16xi32>
      %eq3A_3342 = arith.cmpi eq, %iota3A, %eq3A_3341 : vector<16xi32>
      %reduce_sum3A_3343 = arith.constant true
      %reduce_sum3A_3344 = vector.broadcast %reduce_sum3A_3343 : i1 to vector<16xi1>
      %reduce_sum3A_3345 = tpu.scan <sum>, %add3A_3330 masked %reduce_sum3A_3344 : vector<16xf32>, vector<16xi1> -> vector<16xf32>
      %reduce_sum3A_3346 = vector.extract %reduce_sum3A_3345[15] : f32 from vector<16xf32>
      %broadcast_in_dim3A_3347 = vector.broadcast %reduce_sum3A_3346 : f32 to vector<16xf32>
      %select_n3A_3348 = arith.select %eq3A_3342, %broadcast_in_dim3A_3347, %select_n3A_3122 : vector<16xi1>, vector<16xf32>
      %mul3A_3349 = arith.constant 16 : i32
      %mul3A_3350 = arith.muli %scan3A_167, %mul3A_3349 : i32
      %add3A_3351 = arith.constant 14 : i32
      %add3A_3352 = arith.addi %mul3A_3350, %add3A_3351 : i32
      %broadcast_in_dim3A_3353 = arith.constant 0.000000e+00 : f32
      %broadcast_in_dim3A_3354 = vector.broadcast %broadcast_in_dim3A_3353 : f32 to vector<16xf32>
      %broadcast_in_dim3A_3355 = arith.constant 0.000000e+00 : f32
      %broadcast_in_dim3A_3356 = vector.broadcast %broadcast_in_dim3A_3355 : f32 to vector<16xf32>
      %get3A_3357 = arith.index_cast %add3A_3352 : i32 to index
      %get3A_3358 = arith.constant 0 : index
      %get3A_3359 = tpu.vector_load %arg15[%get3A_3357, %get3A_3358] {strides = array<i32>} : memref<128x128xf32, #tpu.memory_space<vmem>>, vector<16xf32>,
      %get3A_3360 = arith.index_cast %add3A_3352 : i32 to index
      %get3A_3361 = arith.constant 0 : index
      %get3A_3362 = tpu.vector_load %arg16[%get3A_3360, %get3A_3361] {strides = array<i32>} : memref<128x128xf32, #tpu.memory_space<vmem>>, vector<16xf32>,
      %get3A_3363 = arith.index_cast %add3A_3352 : i32 to index
      %get3A_3364 = arith.constant 0 : index
      %get3A_3365 = tpu.vector_load %arg17[%get3A_3363, %get3A_3364] {strides = array<i32>} : memref<128x128xf32, #tpu.memory_space<vmem>>, vector<16xf32>,
      %get3A_3366 = arith.index_cast %add3A_3352 : i32 to index
      %get3A_3367 = arith.constant 0 : index
      %get3A_3368 = tpu.vector_load %arg18[%get3A_3366, %get3A_3367] {strides = array<i32>} : memref<128x128xf32, #tpu.memory_space<vmem>>, vector<16xf32>,
      %get3A_3369 = arith.index_cast %add3A_3352 : i32 to index
      %get3A_3370 = arith.constant 0 : index
      %get3A_3371 = tpu.vector_load %arg19[%get3A_3369, %get3A_3370] {strides = array<i32>} : memref<128x128xf32, #tpu.memory_space<vmem>>, vector<16xf32>,
      %add3A_3372 = arith.addf %get3A_3362, %get3A_3368 : vector<16xf32>
      %mul3A_3373 = arith.mulf %get3A_3359, %add3A_3372 : vector<16xf32>
      %add3A_3374 = arith.addf %broadcast_in_dim3A_3354, %mul3A_3373 : vector<16xf32>
      %mul3A_3375 = arith.mulf %get3A_3362, %get3A_3368 : vector<16xf32>
      %add3A_3376 = arith.addf %add3A_3374, %mul3A_3375 : vector<16xf32>
      %add3A_3377 = arith.addf %get3A_3365, %get3A_3371 : vector<16xf32>
      %mul3A_3378 = arith.mulf %get3A_3359, %add3A_3377 : vector<16xf32>
      %add3A_3379 = arith.addf %broadcast_in_dim3A_3356, %mul3A_3378 : vector<16xf32>
      %mul3A_3380 = arith.mulf %get3A_3365, %get3A_3371 : vector<16xf32>
      %add3A_3381 = arith.addf %add3A_3379, %mul3A_3380 : vector<16xf32>
      %get3A_3382 = arith.index_cast %add3A_3352 : i32 to index
      %get3A_3383 = arith.constant 16 : index
      %get3A_3384 = tpu.vector_load %arg15[%get3A_3382, %get3A_3383] {strides = array<i32>} : memref<128x128xf32, #tpu.memory_space<vmem>>, vector<16xf32>,
      %get3A_3385 = arith.index_cast %add3A_3352 : i32 to index
      %get3A_3386 = arith.constant 16 : index
      %get3A_3387 = tpu.vector_load %arg16[%get3A_3385, %get3A_3386] {strides = array<i32>} : memref<128x128xf32, #tpu.memory_space<vmem>>, vector<16xf32>,
      %get3A_3388 = arith.index_cast %add3A_3352 : i32 to index
      %get3A_3389 = arith.constant 16 : index
      %get3A_3390 = tpu.vector_load %arg17[%get3A_3388, %get3A_3389] {strides = array<i32>} : memref<128x128xf32, #tpu.memory_space<vmem>>, vector<16xf32>,
      %get3A_3391 = arith.index_cast %add3A_3352 : i32 to index
      %get3A_3392 = arith.constant 16 : index
      %get3A_3393 = tpu.vector_load %arg18[%get3A_3391, %get3A_3392] {strides = array<i32>} : memref<128x128xf32, #tpu.memory_space<vmem>>, vector<16xf32>,
      %get3A_3394 = arith.index_cast %add3A_3352 : i32 to index
      %get3A_3395 = arith.constant 16 : index
      %get3A_3396 = tpu.vector_load %arg19[%get3A_3394, %get3A_3395] {strides = array<i32>} : memref<128x128xf32, #tpu.memory_space<vmem>>, vector<16xf32>,
      %add3A_3397 = arith.addf %get3A_3387, %get3A_3393 : vector<16xf32>
      %mul3A_3398 = arith.mulf %get3A_3384, %add3A_3397 : vector<16xf32>
      %add3A_3399 = arith.addf %add3A_3376, %mul3A_3398 : vector<16xf32>
      %mul3A_3400 = arith.mulf %get3A_3387, %get3A_3393 : vector<16xf32>
      %add3A_3401 = arith.addf %add3A_3399, %mul3A_3400 : vector<16xf32>
      %add3A_3402 = arith.addf %get3A_3390, %get3A_3396 : vector<16xf32>
      %mul3A_3403 = arith.mulf %get3A_3384, %add3A_3402 : vector<16xf32>
      %add3A_3404 = arith.addf %add3A_3381, %mul3A_3403 : vector<16xf32>
      %mul3A_3405 = arith.mulf %get3A_3390, %get3A_3396 : vector<16xf32>
      %add3A_3406 = arith.addf %add3A_3404, %mul3A_3405 : vector<16xf32>
      %get3A_3407 = arith.index_cast %add3A_3352 : i32 to index
      %get3A_3408 = arith.constant 32 : index
      %get3A_3409 = tpu.vector_load %arg15[%get3A_3407, %get3A_3408] {strides = array<i32>} : memref<128x128xf32, #tpu.memory_space<vmem>>, vector<16xf32>,
      %get3A_3410 = arith.index_cast %add3A_3352 : i32 to index
      %get3A_3411 = arith.constant 32 : index
      %get3A_3412 = tpu.vector_load %arg16[%get3A_3410, %get3A_3411] {strides = array<i32>} : memref<128x128xf32, #tpu.memory_space<vmem>>, vector<16xf32>,
      %get3A_3413 = arith.index_cast %add3A_3352 : i32 to index
      %get3A_3414 = arith.constant 32 : index
      %get3A_3415 = tpu.vector_load %arg17[%get3A_3413, %get3A_3414] {strides = array<i32>} : memref<128x128xf32, #tpu.memory_space<vmem>>, vector<16xf32>,
      %get3A_3416 = arith.index_cast %add3A_3352 : i32 to index
      %get3A_3417 = arith.constant 32 : index
      %get3A_3418 = tpu.vector_load %arg18[%get3A_3416, %get3A_3417] {strides = array<i32>} : memref<128x128xf32, #tpu.memory_space<vmem>>, vector<16xf32>,
      %get3A_3419 = arith.index_cast %add3A_3352 : i32 to index
      %get3A_3420 = arith.constant 32 : index
      %get3A_3421 = tpu.vector_load %arg19[%get3A_3419, %get3A_3420] {strides = array<i32>} : memref<128x128xf32, #tpu.memory_space<vmem>>, vector<16xf32>,
      %add3A_3422 = arith.addf %get3A_3412, %get3A_3418 : vector<16xf32>
      %mul3A_3423 = arith.mulf %get3A_3409, %add3A_3422 : vector<16xf32>
      %add3A_3424 = arith.addf %add3A_3401, %mul3A_3423 : vector<16xf32>
      %mul3A_3425 = arith.mulf %get3A_3412, %get3A_3418 : vector<16xf32>
      %add3A_3426 = arith.addf %add3A_3424, %mul3A_3425 : vector<16xf32>
      %add3A_3427 = arith.addf %get3A_3415, %get3A_3421 : vector<16xf32>
      %mul3A_3428 = arith.mulf %get3A_3409, %add3A_3427 : vector<16xf32>
      %add3A_3429 = arith.addf %add3A_3406, %mul3A_3428 : vector<16xf32>
      %mul3A_3430 = arith.mulf %get3A_3415, %get3A_3421 : vector<16xf32>
      %add3A_3431 = arith.addf %add3A_3429, %mul3A_3430 : vector<16xf32>
      %get3A_3432 = arith.index_cast %add3A_3352 : i32 to index
      %get3A_3433 = arith.constant 48 : index
      %get3A_3434 = tpu.vector_load %arg15[%get3A_3432, %get3A_3433] {strides = array<i32>} : memref<128x128xf32, #tpu.memory_space<vmem>>, vector<16xf32>,
      %get3A_3435 = arith.index_cast %add3A_3352 : i32 to index
      %get3A_3436 = arith.constant 48 : index
      %get3A_3437 = tpu.vector_load %arg16[%get3A_3435, %get3A_3436] {strides = array<i32>} : memref<128x128xf32, #tpu.memory_space<vmem>>, vector<16xf32>,
      %get3A_3438 = arith.index_cast %add3A_3352 : i32 to index
      %get3A_3439 = arith.constant 48 : index
      %get3A_3440 = tpu.vector_load %arg17[%get3A_3438, %get3A_3439] {strides = array<i32>} : memref<128x128xf32, #tpu.memory_space<vmem>>, vector<16xf32>,
      %get3A_3441 = arith.index_cast %add3A_3352 : i32 to index
      %get3A_3442 = arith.constant 48 : index
      %get3A_3443 = tpu.vector_load %arg18[%get3A_3441, %get3A_3442] {strides = array<i32>} : memref<128x128xf32, #tpu.memory_space<vmem>>, vector<16xf32>,
      %get3A_3444 = arith.index_cast %add3A_3352 : i32 to index
      %get3A_3445 = arith.constant 48 : index
      %get3A_3446 = tpu.vector_load %arg19[%get3A_3444, %get3A_3445] {strides = array<i32>} : memref<128x128xf32, #tpu.memory_space<vmem>>, vector<16xf32>,
      %add3A_3447 = arith.addf %get3A_3437, %get3A_3443 : vector<16xf32>
      %mul3A_3448 = arith.mulf %get3A_3434, %add3A_3447 : vector<16xf32>
      %add3A_3449 = arith.addf %add3A_3426, %mul3A_3448 : vector<16xf32>
      %mul3A_3450 = arith.mulf %get3A_3437, %get3A_3443 : vector<16xf32>
      %add3A_3451 = arith.addf %add3A_3449, %mul3A_3450 : vector<16xf32>
      %add3A_3452 = arith.addf %get3A_3440, %get3A_3446 : vector<16xf32>
      %mul3A_3453 = arith.mulf %get3A_3434, %add3A_3452 : vector<16xf32>
      %add3A_3454 = arith.addf %add3A_3431, %mul3A_3453 : vector<16xf32>
      %mul3A_3455 = arith.mulf %get3A_3440, %get3A_3446 : vector<16xf32>
      %add3A_3456 = arith.addf %add3A_3454, %mul3A_3455 : vector<16xf32>
      %get3A_3457 = arith.index_cast %add3A_3352 : i32 to index
      %get3A_3458 = arith.constant 64 : index
      %get3A_3459 = tpu.vector_load %arg15[%get3A_3457, %get3A_3458] {strides = array<i32>} : memref<128x128xf32, #tpu.memory_space<vmem>>, vector<16xf32>,
      %get3A_3460 = arith.index_cast %add3A_3352 : i32 to index
      %get3A_3461 = arith.constant 64 : index
      %get3A_3462 = tpu.vector_load %arg16[%get3A_3460, %get3A_3461] {strides = array<i32>} : memref<128x128xf32, #tpu.memory_space<vmem>>, vector<16xf32>,
      %get3A_3463 = arith.index_cast %add3A_3352 : i32 to index
      %get3A_3464 = arith.constant 64 : index
      %get3A_3465 = tpu.vector_load %arg17[%get3A_3463, %get3A_3464] {strides = array<i32>} : memref<128x128xf32, #tpu.memory_space<vmem>>, vector<16xf32>,
      %get3A_3466 = arith.index_cast %add3A_3352 : i32 to index
      %get3A_3467 = arith.constant 64 : index
      %get3A_3468 = tpu.vector_load %arg18[%get3A_3466, %get3A_3467] {strides = array<i32>} : memref<128x128xf32, #tpu.memory_space<vmem>>, vector<16xf32>,
      %get3A_3469 = arith.index_cast %add3A_3352 : i32 to index
      %get3A_3470 = arith.constant 64 : index
      %get3A_3471 = tpu.vector_load %arg19[%get3A_3469, %get3A_3470] {strides = array<i32>} : memref<128x128xf32, #tpu.memory_space<vmem>>, vector<16xf32>,
      %add3A_3472 = arith.addf %get3A_3462, %get3A_3468 : vector<16xf32>
      %mul3A_3473 = arith.mulf %get3A_3459, %add3A_3472 : vector<16xf32>
      %add3A_3474 = arith.addf %add3A_3451, %mul3A_3473 : vector<16xf32>
      %mul3A_3475 = arith.mulf %get3A_3462, %get3A_3468 : vector<16xf32>
      %add3A_3476 = arith.addf %add3A_3474, %mul3A_3475 : vector<16xf32>
      %add3A_3477 = arith.addf %get3A_3465, %get3A_3471 : vector<16xf32>
      %mul3A_3478 = arith.mulf %get3A_3459, %add3A_3477 : vector<16xf32>
      %add3A_3479 = arith.addf %add3A_3456, %mul3A_3478 : vector<16xf32>
      %mul3A_3480 = arith.mulf %get3A_3465, %get3A_3471 : vector<16xf32>
      %add3A_3481 = arith.addf %add3A_3479, %mul3A_3480 : vector<16xf32>
      %get3A_3482 = arith.index_cast %add3A_3352 : i32 to index
      %get3A_3483 = arith.constant 80 : index
      %get3A_3484 = tpu.vector_load %arg15[%get3A_3482, %get3A_3483] {strides = array<i32>} : memref<128x128xf32, #tpu.memory_space<vmem>>, vector<16xf32>,
      %get3A_3485 = arith.index_cast %add3A_3352 : i32 to index
      %get3A_3486 = arith.constant 80 : index
      %get3A_3487 = tpu.vector_load %arg16[%get3A_3485, %get3A_3486] {strides = array<i32>} : memref<128x128xf32, #tpu.memory_space<vmem>>, vector<16xf32>,
      %get3A_3488 = arith.index_cast %add3A_3352 : i32 to index
      %get3A_3489 = arith.constant 80 : index
      %get3A_3490 = tpu.vector_load %arg17[%get3A_3488, %get3A_3489] {strides = array<i32>} : memref<128x128xf32, #tpu.memory_space<vmem>>, vector<16xf32>,
      %get3A_3491 = arith.index_cast %add3A_3352 : i32 to index
      %get3A_3492 = arith.constant 80 : index
      %get3A_3493 = tpu.vector_load %arg18[%get3A_3491, %get3A_3492] {strides = array<i32>} : memref<128x128xf32, #tpu.memory_space<vmem>>, vector<16xf32>,
      %get3A_3494 = arith.index_cast %add3A_3352 : i32 to index
      %get3A_3495 = arith.constant 80 : index
      %get3A_3496 = tpu.vector_load %arg19[%get3A_3494, %get3A_3495] {strides = array<i32>} : memref<128x128xf32, #tpu.memory_space<vmem>>, vector<16xf32>,
      %add3A_3497 = arith.addf %get3A_3487, %get3A_3493 : vector<16xf32>
      %mul3A_3498 = arith.mulf %get3A_3484, %add3A_3497 : vector<16xf32>
      %add3A_3499 = arith.addf %add3A_3476, %mul3A_3498 : vector<16xf32>
      %mul3A_3500 = arith.mulf %get3A_3487, %get3A_3493 : vector<16xf32>
      %add3A_3501 = arith.addf %add3A_3499, %mul3A_3500 : vector<16xf32>
      %add3A_3502 = arith.addf %get3A_3490, %get3A_3496 : vector<16xf32>
      %mul3A_3503 = arith.mulf %get3A_3484, %add3A_3502 : vector<16xf32>
      %add3A_3504 = arith.addf %add3A_3481, %mul3A_3503 : vector<16xf32>
      %mul3A_3505 = arith.mulf %get3A_3490, %get3A_3496 : vector<16xf32>
      %add3A_3506 = arith.addf %add3A_3504, %mul3A_3505 : vector<16xf32>
      %get3A_3507 = arith.index_cast %add3A_3352 : i32 to index
      %get3A_3508 = arith.constant 96 : index
      %get3A_3509 = tpu.vector_load %arg15[%get3A_3507, %get3A_3508] {strides = array<i32>} : memref<128x128xf32, #tpu.memory_space<vmem>>, vector<16xf32>,
      %get3A_3510 = arith.index_cast %add3A_3352 : i32 to index
      %get3A_3511 = arith.constant 96 : index
      %get3A_3512 = tpu.vector_load %arg16[%get3A_3510, %get3A_3511] {strides = array<i32>} : memref<128x128xf32, #tpu.memory_space<vmem>>, vector<16xf32>,
      %get3A_3513 = arith.index_cast %add3A_3352 : i32 to index
      %get3A_3514 = arith.constant 96 : index
      %get3A_3515 = tpu.vector_load %arg17[%get3A_3513, %get3A_3514] {strides = array<i32>} : memref<128x128xf32, #tpu.memory_space<vmem>>, vector<16xf32>,
      %get3A_3516 = arith.index_cast %add3A_3352 : i32 to index
      %get3A_3517 = arith.constant 96 : index
      %get3A_3518 = tpu.vector_load %arg18[%get3A_3516, %get3A_3517] {strides = array<i32>} : memref<128x128xf32, #tpu.memory_space<vmem>>, vector<16xf32>,
      %get3A_3519 = arith.index_cast %add3A_3352 : i32 to index
      %get3A_3520 = arith.constant 96 : index
      %get3A_3521 = tpu.vector_load %arg19[%get3A_3519, %get3A_3520] {strides = array<i32>} : memref<128x128xf32, #tpu.memory_space<vmem>>, vector<16xf32>,
      %add3A_3522 = arith.addf %get3A_3512, %get3A_3518 : vector<16xf32>
      %mul3A_3523 = arith.mulf %get3A_3509, %add3A_3522 : vector<16xf32>
      %add3A_3524 = arith.addf %add3A_3501, %mul3A_3523 : vector<16xf32>
      %mul3A_3525 = arith.mulf %get3A_3512, %get3A_3518 : vector<16xf32>
      %add3A_3526 = arith.addf %add3A_3524, %mul3A_3525 : vector<16xf32>
      %add3A_3527 = arith.addf %get3A_3515, %get3A_3521 : vector<16xf32>
      %mul3A_3528 = arith.mulf %get3A_3509, %add3A_3527 : vector<16xf32>
      %add3A_3529 = arith.addf %add3A_3506, %mul3A_3528 : vector<16xf32>
      %mul3A_3530 = arith.mulf %get3A_3515, %get3A_3521 : vector<16xf32>
      %add3A_3531 = arith.addf %add3A_3529, %mul3A_3530 : vector<16xf32>
      %get3A_3532 = arith.index_cast %add3A_3352 : i32 to index
      %get3A_3533 = arith.constant 112 : index
      %get3A_3534 = tpu.vector_load %arg15[%get3A_3532, %get3A_3533] {strides = array<i32>} : memref<128x128xf32, #tpu.memory_space<vmem>>, vector<16xf32>,
      %get3A_3535 = arith.index_cast %add3A_3352 : i32 to index
      %get3A_3536 = arith.constant 112 : index
      %get3A_3537 = tpu.vector_load %arg16[%get3A_3535, %get3A_3536] {strides = array<i32>} : memref<128x128xf32, #tpu.memory_space<vmem>>, vector<16xf32>,
      %get3A_3538 = arith.index_cast %add3A_3352 : i32 to index
      %get3A_3539 = arith.constant 112 : index
      %get3A_3540 = tpu.vector_load %arg17[%get3A_3538, %get3A_3539] {strides = array<i32>} : memref<128x128xf32, #tpu.memory_space<vmem>>, vector<16xf32>,
      %get3A_3541 = arith.index_cast %add3A_3352 : i32 to index
      %get3A_3542 = arith.constant 112 : index
      %get3A_3543 = tpu.vector_load %arg18[%get3A_3541, %get3A_3542] {strides = array<i32>} : memref<128x128xf32, #tpu.memory_space<vmem>>, vector<16xf32>,
      %get3A_3544 = arith.index_cast %add3A_3352 : i32 to index
      %get3A_3545 = arith.constant 112 : index
      %get3A_3546 = tpu.vector_load %arg19[%get3A_3544, %get3A_3545] {strides = array<i32>} : memref<128x128xf32, #tpu.memory_space<vmem>>, vector<16xf32>,
      %add3A_3547 = arith.addf %get3A_3537, %get3A_3543 : vector<16xf32>
      %mul3A_3548 = arith.mulf %get3A_3534, %add3A_3547 : vector<16xf32>
      %add3A_3549 = arith.addf %add3A_3526, %mul3A_3548 : vector<16xf32>
      %mul3A_3550 = arith.mulf %get3A_3537, %get3A_3543 : vector<16xf32>
      %add3A_3551 = arith.addf %add3A_3549, %mul3A_3550 : vector<16xf32>
      %add3A_3552 = arith.addf %get3A_3540, %get3A_3546 : vector<16xf32>
      %mul3A_3553 = arith.mulf %get3A_3534, %add3A_3552 : vector<16xf32>
      %add3A_3554 = arith.addf %add3A_3531, %mul3A_3553 : vector<16xf32>
      %mul3A_3555 = arith.mulf %get3A_3540, %get3A_3546 : vector<16xf32>
      %add3A_3556 = arith.addf %add3A_3554, %mul3A_3555 : vector<16xf32>
      %eq3A_3557 = arith.constant 14 : i32
      %eq3A_3558 = vector.broadcast %eq3A_3557 : i32 to vector<16xi32>
      %eq3A_3559 = arith.cmpi eq, %iota3A, %eq3A_3558 : vector<16xi32>
      %reduce_sum3A_3560 = arith.constant true
      %reduce_sum3A_3561 = vector.broadcast %reduce_sum3A_3560 : i1 to vector<16xi1>
      %reduce_sum3A_3562 = tpu.scan <sum>, %add3A_3551 masked %reduce_sum3A_3561 : vector<16xf32>, vector<16xi1> -> vector<16xf32>
      %reduce_sum3A_3563 = vector.extract %reduce_sum3A_3562[15] : f32 from vector<16xf32>
      %broadcast_in_dim3A_3564 = vector.broadcast %reduce_sum3A_3563 : f32 to vector<16xf32>
      %select_n3A_3565 = arith.select %eq3A_3559, %broadcast_in_dim3A_3564, %select_n3A_3339 : vector<16xi1>, vector<16xf32>
      %eq3A_3566 = arith.constant 14 : i32
      %eq3A_3567 = vector.broadcast %eq3A_3566 : i32 to vector<16xi32>
      %eq3A_3568 = arith.cmpi eq, %iota3A, %eq3A_3567 : vector<16xi32>
      %reduce_sum3A_3569 = arith.constant true
      %reduce_sum3A_3570 = vector.broadcast %reduce_sum3A_3569 : i1 to vector<16xi1>
      %reduce_sum3A_3571 = tpu.scan <sum>, %add3A_3556 masked %reduce_sum3A_3570 : vector<16xf32>, vector<16xi1> -> vector<16xf32>
      %reduce_sum3A_3572 = vector.extract %reduce_sum3A_3571[15] : f32 from vector<16xf32>
      %broadcast_in_dim3A_3573 = vector.broadcast %reduce_sum3A_3572 : f32 to vector<16xf32>
      %select_n3A_3574 = arith.select %eq3A_3568, %broadcast_in_dim3A_3573, %select_n3A_3348 : vector<16xi1>, vector<16xf32>
      %mul3A_3575 = arith.constant 16 : i32
      %mul3A_3576 = arith.muli %scan3A_167, %mul3A_3575 : i32
      %add3A_3577 = arith.constant 15 : i32
      %add3A_3578 = arith.addi %mul3A_3576, %add3A_3577 : i32
      %broadcast_in_dim3A_3579 = arith.constant 0.000000e+00 : f32
      %broadcast_in_dim3A_3580 = vector.broadcast %broadcast_in_dim3A_3579 : f32 to vector<16xf32>
      %broadcast_in_dim3A_3581 = arith.constant 0.000000e+00 : f32
      %broadcast_in_dim3A_3582 = vector.broadcast %broadcast_in_dim3A_3581 : f32 to vector<16xf32>
      %get3A_3583 = arith.index_cast %add3A_3578 : i32 to index
      %get3A_3584 = arith.constant 0 : index
      %get3A_3585 = tpu.vector_load %arg15[%get3A_3583, %get3A_3584] {strides = array<i32>} : memref<128x128xf32, #tpu.memory_space<vmem>>, vector<16xf32>,
      %get3A_3586 = arith.index_cast %add3A_3578 : i32 to index
      %get3A_3587 = arith.constant 0 : index
      %get3A_3588 = tpu.vector_load %arg16[%get3A_3586, %get3A_3587] {strides = array<i32>} : memref<128x128xf32, #tpu.memory_space<vmem>>, vector<16xf32>,
      %get3A_3589 = arith.index_cast %add3A_3578 : i32 to index
      %get3A_3590 = arith.constant 0 : index
      %get3A_3591 = tpu.vector_load %arg17[%get3A_3589, %get3A_3590] {strides = array<i32>} : memref<128x128xf32, #tpu.memory_space<vmem>>, vector<16xf32>,
      %get3A_3592 = arith.index_cast %add3A_3578 : i32 to index
      %get3A_3593 = arith.constant 0 : index
      %get3A_3594 = tpu.vector_load %arg18[%get3A_3592, %get3A_3593] {strides = array<i32>} : memref<128x128xf32, #tpu.memory_space<vmem>>, vector<16xf32>,
      %get3A_3595 = arith.index_cast %add3A_3578 : i32 to index
      %get3A_3596 = arith.constant 0 : index
      %get3A_3597 = tpu.vector_load %arg19[%get3A_3595, %get3A_3596] {strides = array<i32>} : memref<128x128xf32, #tpu.memory_space<vmem>>, vector<16xf32>,
      %add3A_3598 = arith.addf %get3A_3588, %get3A_3594 : vector<16xf32>
      %mul3A_3599 = arith.mulf %get3A_3585, %add3A_3598 : vector<16xf32>
      %add3A_3600 = arith.addf %broadcast_in_dim3A_3580, %mul3A_3599 : vector<16xf32>
      %mul3A_3601 = arith.mulf %get3A_3588, %get3A_3594 : vector<16xf32>
      %add3A_3602 = arith.addf %add3A_3600, %mul3A_3601 : vector<16xf32>
      %add3A_3603 = arith.addf %get3A_3591, %get3A_3597 : vector<16xf32>
      %mul3A_3604 = arith.mulf %get3A_3585, %add3A_3603 : vector<16xf32>
      %add3A_3605 = arith.addf %broadcast_in_dim3A_3582, %mul3A_3604 : vector<16xf32>
      %mul3A_3606 = arith.mulf %get3A_3591, %get3A_3597 : vector<16xf32>
      %add3A_3607 = arith.addf %add3A_3605, %mul3A_3606 : vector<16xf32>
      %get3A_3608 = arith.index_cast %add3A_3578 : i32 to index
      %get3A_3609 = arith.constant 16 : index
      %get3A_3610 = tpu.vector_load %arg15[%get3A_3608, %get3A_3609] {strides = array<i32>} : memref<128x128xf32, #tpu.memory_space<vmem>>, vector<16xf32>,
      %get3A_3611 = arith.index_cast %add3A_3578 : i32 to index
      %get3A_3612 = arith.constant 16 : index
      %get3A_3613 = tpu.vector_load %arg16[%get3A_3611, %get3A_3612] {strides = array<i32>} : memref<128x128xf32, #tpu.memory_space<vmem>>, vector<16xf32>,
      %get3A_3614 = arith.index_cast %add3A_3578 : i32 to index
      %get3A_3615 = arith.constant 16 : index
      %get3A_3616 = tpu.vector_load %arg17[%get3A_3614, %get3A_3615] {strides = array<i32>} : memref<128x128xf32, #tpu.memory_space<vmem>>, vector<16xf32>,
      %get3A_3617 = arith.index_cast %add3A_3578 : i32 to index
      %get3A_3618 = arith.constant 16 : index
      %get3A_3619 = tpu.vector_load %arg18[%get3A_3617, %get3A_3618] {strides = array<i32>} : memref<128x128xf32, #tpu.memory_space<vmem>>, vector<16xf32>,
      %get3A_3620 = arith.index_cast %add3A_3578 : i32 to index
      %get3A_3621 = arith.constant 16 : index
      %get3A_3622 = tpu.vector_load %arg19[%get3A_3620, %get3A_3621] {strides = array<i32>} : memref<128x128xf32, #tpu.memory_space<vmem>>, vector<16xf32>,
      %add3A_3623 = arith.addf %get3A_3613, %get3A_3619 : vector<16xf32>
      %mul3A_3624 = arith.mulf %get3A_3610, %add3A_3623 : vector<16xf32>
      %add3A_3625 = arith.addf %add3A_3602, %mul3A_3624 : vector<16xf32>
      %mul3A_3626 = arith.mulf %get3A_3613, %get3A_3619 : vector<16xf32>
      %add3A_3627 = arith.addf %add3A_3625, %mul3A_3626 : vector<16xf32>
      %add3A_3628 = arith.addf %get3A_3616, %get3A_3622 : vector<16xf32>
      %mul3A_3629 = arith.mulf %get3A_3610, %add3A_3628 : vector<16xf32>
      %add3A_3630 = arith.addf %add3A_3607, %mul3A_3629 : vector<16xf32>
      %mul3A_3631 = arith.mulf %get3A_3616, %get3A_3622 : vector<16xf32>
      %add3A_3632 = arith.addf %add3A_3630, %mul3A_3631 : vector<16xf32>
      %get3A_3633 = arith.index_cast %add3A_3578 : i32 to index
      %get3A_3634 = arith.constant 32 : index
      %get3A_3635 = tpu.vector_load %arg15[%get3A_3633, %get3A_3634] {strides = array<i32>} : memref<128x128xf32, #tpu.memory_space<vmem>>, vector<16xf32>,
      %get3A_3636 = arith.index_cast %add3A_3578 : i32 to index
      %get3A_3637 = arith.constant 32 : index
      %get3A_3638 = tpu.vector_load %arg16[%get3A_3636, %get3A_3637] {strides = array<i32>} : memref<128x128xf32, #tpu.memory_space<vmem>>, vector<16xf32>,
      %get3A_3639 = arith.index_cast %add3A_3578 : i32 to index
      %get3A_3640 = arith.constant 32 : index
      %get3A_3641 = tpu.vector_load %arg17[%get3A_3639, %get3A_3640] {strides = array<i32>} : memref<128x128xf32, #tpu.memory_space<vmem>>, vector<16xf32>,
      %get3A_3642 = arith.index_cast %add3A_3578 : i32 to index
      %get3A_3643 = arith.constant 32 : index
      %get3A_3644 = tpu.vector_load %arg18[%get3A_3642, %get3A_3643] {strides = array<i32>} : memref<128x128xf32, #tpu.memory_space<vmem>>, vector<16xf32>,
      %get3A_3645 = arith.index_cast %add3A_3578 : i32 to index
      %get3A_3646 = arith.constant 32 : index
      %get3A_3647 = tpu.vector_load %arg19[%get3A_3645, %get3A_3646] {strides = array<i32>} : memref<128x128xf32, #tpu.memory_space<vmem>>, vector<16xf32>,
      %add3A_3648 = arith.addf %get3A_3638, %get3A_3644 : vector<16xf32>
      %mul3A_3649 = arith.mulf %get3A_3635, %add3A_3648 : vector<16xf32>
      %add3A_3650 = arith.addf %add3A_3627, %mul3A_3649 : vector<16xf32>
      %mul3A_3651 = arith.mulf %get3A_3638, %get3A_3644 : vector<16xf32>
      %add3A_3652 = arith.addf %add3A_3650, %mul3A_3651 : vector<16xf32>
      %add3A_3653 = arith.addf %get3A_3641, %get3A_3647 : vector<16xf32>
      %mul3A_3654 = arith.mulf %get3A_3635, %add3A_3653 : vector<16xf32>
      %add3A_3655 = arith.addf %add3A_3632, %mul3A_3654 : vector<16xf32>
      %mul3A_3656 = arith.mulf %get3A_3641, %get3A_3647 : vector<16xf32>
      %add3A_3657 = arith.addf %add3A_3655, %mul3A_3656 : vector<16xf32>
      %get3A_3658 = arith.index_cast %add3A_3578 : i32 to index
      %get3A_3659 = arith.constant 48 : index
      %get3A_3660 = tpu.vector_load %arg15[%get3A_3658, %get3A_3659] {strides = array<i32>} : memref<128x128xf32, #tpu.memory_space<vmem>>, vector<16xf32>,
      %get3A_3661 = arith.index_cast %add3A_3578 : i32 to index
      %get3A_3662 = arith.constant 48 : index
      %get3A_3663 = tpu.vector_load %arg16[%get3A_3661, %get3A_3662] {strides = array<i32>} : memref<128x128xf32, #tpu.memory_space<vmem>>, vector<16xf32>,
      %get3A_3664 = arith.index_cast %add3A_3578 : i32 to index
      %get3A_3665 = arith.constant 48 : index
      %get3A_3666 = tpu.vector_load %arg17[%get3A_3664, %get3A_3665] {strides = array<i32>} : memref<128x128xf32, #tpu.memory_space<vmem>>, vector<16xf32>,
      %get3A_3667 = arith.index_cast %add3A_3578 : i32 to index
      %get3A_3668 = arith.constant 48 : index
      %get3A_3669 = tpu.vector_load %arg18[%get3A_3667, %get3A_3668] {strides = array<i32>} : memref<128x128xf32, #tpu.memory_space<vmem>>, vector<16xf32>,
      %get3A_3670 = arith.index_cast %add3A_3578 : i32 to index
      %get3A_3671 = arith.constant 48 : index
      %get3A_3672 = tpu.vector_load %arg19[%get3A_3670, %get3A_3671] {strides = array<i32>} : memref<128x128xf32, #tpu.memory_space<vmem>>, vector<16xf32>,
      %add3A_3673 = arith.addf %get3A_3663, %get3A_3669 : vector<16xf32>
      %mul3A_3674 = arith.mulf %get3A_3660, %add3A_3673 : vector<16xf32>
      %add3A_3675 = arith.addf %add3A_3652, %mul3A_3674 : vector<16xf32>
      %mul3A_3676 = arith.mulf %get3A_3663, %get3A_3669 : vector<16xf32>
      %add3A_3677 = arith.addf %add3A_3675, %mul3A_3676 : vector<16xf32>
      %add3A_3678 = arith.addf %get3A_3666, %get3A_3672 : vector<16xf32>
      %mul3A_3679 = arith.mulf %get3A_3660, %add3A_3678 : vector<16xf32>
      %add3A_3680 = arith.addf %add3A_3657, %mul3A_3679 : vector<16xf32>
      %mul3A_3681 = arith.mulf %get3A_3666, %get3A_3672 : vector<16xf32>
      %add3A_3682 = arith.addf %add3A_3680, %mul3A_3681 : vector<16xf32>
      %get3A_3683 = arith.index_cast %add3A_3578 : i32 to index
      %get3A_3684 = arith.constant 64 : index
      %get3A_3685 = tpu.vector_load %arg15[%get3A_3683, %get3A_3684] {strides = array<i32>} : memref<128x128xf32, #tpu.memory_space<vmem>>, vector<16xf32>,
      %get3A_3686 = arith.index_cast %add3A_3578 : i32 to index
      %get3A_3687 = arith.constant 64 : index
      %get3A_3688 = tpu.vector_load %arg16[%get3A_3686, %get3A_3687] {strides = array<i32>} : memref<128x128xf32, #tpu.memory_space<vmem>>, vector<16xf32>,
      %get3A_3689 = arith.index_cast %add3A_3578 : i32 to index
      %get3A_3690 = arith.constant 64 : index
      %get3A_3691 = tpu.vector_load %arg17[%get3A_3689, %get3A_3690] {strides = array<i32>} : memref<128x128xf32, #tpu.memory_space<vmem>>, vector<16xf32>,
      %get3A_3692 = arith.index_cast %add3A_3578 : i32 to index
      %get3A_3693 = arith.constant 64 : index
      %get3A_3694 = tpu.vector_load %arg18[%get3A_3692, %get3A_3693] {strides = array<i32>} : memref<128x128xf32, #tpu.memory_space<vmem>>, vector<16xf32>,
      %get3A_3695 = arith.index_cast %add3A_3578 : i32 to index
      %get3A_3696 = arith.constant 64 : index
      %get3A_3697 = tpu.vector_load %arg19[%get3A_3695, %get3A_3696] {strides = array<i32>} : memref<128x128xf32, #tpu.memory_space<vmem>>, vector<16xf32>,
      %add3A_3698 = arith.addf %get3A_3688, %get3A_3694 : vector<16xf32>
      %mul3A_3699 = arith.mulf %get3A_3685, %add3A_3698 : vector<16xf32>
      %add3A_3700 = arith.addf %add3A_3677, %mul3A_3699 : vector<16xf32>
      %mul3A_3701 = arith.mulf %get3A_3688, %get3A_3694 : vector<16xf32>
      %add3A_3702 = arith.addf %add3A_3700, %mul3A_3701 : vector<16xf32>
      %add3A_3703 = arith.addf %get3A_3691, %get3A_3697 : vector<16xf32>
      %mul3A_3704 = arith.mulf %get3A_3685, %add3A_3703 : vector<16xf32>
      %add3A_3705 = arith.addf %add3A_3682, %mul3A_3704 : vector<16xf32>
      %mul3A_3706 = arith.mulf %get3A_3691, %get3A_3697 : vector<16xf32>
      %add3A_3707 = arith.addf %add3A_3705, %mul3A_3706 : vector<16xf32>
      %get3A_3708 = arith.index_cast %add3A_3578 : i32 to index
      %get3A_3709 = arith.constant 80 : index
      %get3A_3710 = tpu.vector_load %arg15[%get3A_3708, %get3A_3709] {strides = array<i32>} : memref<128x128xf32, #tpu.memory_space<vmem>>, vector<16xf32>,
      %get3A_3711 = arith.index_cast %add3A_3578 : i32 to index
      %get3A_3712 = arith.constant 80 : index
      %get3A_3713 = tpu.vector_load %arg16[%get3A_3711, %get3A_3712] {strides = array<i32>} : memref<128x128xf32, #tpu.memory_space<vmem>>, vector<16xf32>,
      %get3A_3714 = arith.index_cast %add3A_3578 : i32 to index
      %get3A_3715 = arith.constant 80 : index
      %get3A_3716 = tpu.vector_load %arg17[%get3A_3714, %get3A_3715] {strides = array<i32>} : memref<128x128xf32, #tpu.memory_space<vmem>>, vector<16xf32>,
      %get3A_3717 = arith.index_cast %add3A_3578 : i32 to index
      %get3A_3718 = arith.constant 80 : index
      %get3A_3719 = tpu.vector_load %arg18[%get3A_3717, %get3A_3718] {strides = array<i32>} : memref<128x128xf32, #tpu.memory_space<vmem>>, vector<16xf32>,
      %get3A_3720 = arith.index_cast %add3A_3578 : i32 to index
      %get3A_3721 = arith.constant 80 : index
      %get3A_3722 = tpu.vector_load %arg19[%get3A_3720, %get3A_3721] {strides = array<i32>} : memref<128x128xf32, #tpu.memory_space<vmem>>, vector<16xf32>,
      %add3A_3723 = arith.addf %get3A_3713, %get3A_3719 : vector<16xf32>
      %mul3A_3724 = arith.mulf %get3A_3710, %add3A_3723 : vector<16xf32>
      %add3A_3725 = arith.addf %add3A_3702, %mul3A_3724 : vector<16xf32>
      %mul3A_3726 = arith.mulf %get3A_3713, %get3A_3719 : vector<16xf32>
      %add3A_3727 = arith.addf %add3A_3725, %mul3A_3726 : vector<16xf32>
      %add3A_3728 = arith.addf %get3A_3716, %get3A_3722 : vector<16xf32>
      %mul3A_3729 = arith.mulf %get3A_3710, %add3A_3728 : vector<16xf32>
      %add3A_3730 = arith.addf %add3A_3707, %mul3A_3729 : vector<16xf32>
      %mul3A_3731 = arith.mulf %get3A_3716, %get3A_3722 : vector<16xf32>
      %add3A_3732 = arith.addf %add3A_3730, %mul3A_3731 : vector<16xf32>
      %get3A_3733 = arith.index_cast %add3A_3578 : i32 to index
      %get3A_3734 = arith.constant 96 : index
      %get3A_3735 = tpu.vector_load %arg15[%get3A_3733, %get3A_3734] {strides = array<i32>} : memref<128x128xf32, #tpu.memory_space<vmem>>, vector<16xf32>,
      %get3A_3736 = arith.index_cast %add3A_3578 : i32 to index
      %get3A_3737 = arith.constant 96 : index
      %get3A_3738 = tpu.vector_load %arg16[%get3A_3736, %get3A_3737] {strides = array<i32>} : memref<128x128xf32, #tpu.memory_space<vmem>>, vector<16xf32>,
      %get3A_3739 = arith.index_cast %add3A_3578 : i32 to index
      %get3A_3740 = arith.constant 96 : index
      %get3A_3741 = tpu.vector_load %arg17[%get3A_3739, %get3A_3740] {strides = array<i32>} : memref<128x128xf32, #tpu.memory_space<vmem>>, vector<16xf32>,
      %get3A_3742 = arith.index_cast %add3A_3578 : i32 to index
      %get3A_3743 = arith.constant 96 : index
      %get3A_3744 = tpu.vector_load %arg18[%get3A_3742, %get3A_3743] {strides = array<i32>} : memref<128x128xf32, #tpu.memory_space<vmem>>, vector<16xf32>,
      %get3A_3745 = arith.index_cast %add3A_3578 : i32 to index
      %get3A_3746 = arith.constant 96 : index
      %get3A_3747 = tpu.vector_load %arg19[%get3A_3745, %get3A_3746] {strides = array<i32>} : memref<128x128xf32, #tpu.memory_space<vmem>>, vector<16xf32>,
      %add3A_3748 = arith.addf %get3A_3738, %get3A_3744 : vector<16xf32>
      %mul3A_3749 = arith.mulf %get3A_3735, %add3A_3748 : vector<16xf32>
      %add3A_3750 = arith.addf %add3A_3727, %mul3A_3749 : vector<16xf32>
      %mul3A_3751 = arith.mulf %get3A_3738, %get3A_3744 : vector<16xf32>
      %add3A_3752 = arith.addf %add3A_3750, %mul3A_3751 : vector<16xf32>
      %add3A_3753 = arith.addf %get3A_3741, %get3A_3747 : vector<16xf32>
      %mul3A_3754 = arith.mulf %get3A_3735, %add3A_3753 : vector<16xf32>
      %add3A_3755 = arith.addf %add3A_3732, %mul3A_3754 : vector<16xf32>
      %mul3A_3756 = arith.mulf %get3A_3741, %get3A_3747 : vector<16xf32>
      %add3A_3757 = arith.addf %add3A_3755, %mul3A_3756 : vector<16xf32>
      %get3A_3758 = arith.index_cast %add3A_3578 : i32 to index
      %get3A_3759 = arith.constant 112 : index
      %get3A_3760 = tpu.vector_load %arg15[%get3A_3758, %get3A_3759] {strides = array<i32>} : memref<128x128xf32, #tpu.memory_space<vmem>>, vector<16xf32>,
      %get3A_3761 = arith.index_cast %add3A_3578 : i32 to index
      %get3A_3762 = arith.constant 112 : index
      %get3A_3763 = tpu.vector_load %arg16[%get3A_3761, %get3A_3762] {strides = array<i32>} : memref<128x128xf32, #tpu.memory_space<vmem>>, vector<16xf32>,
      %get3A_3764 = arith.index_cast %add3A_3578 : i32 to index
      %get3A_3765 = arith.constant 112 : index
      %get3A_3766 = tpu.vector_load %arg17[%get3A_3764, %get3A_3765] {strides = array<i32>} : memref<128x128xf32, #tpu.memory_space<vmem>>, vector<16xf32>,
      %get3A_3767 = arith.index_cast %add3A_3578 : i32 to index
      %get3A_3768 = arith.constant 112 : index
      %get3A_3769 = tpu.vector_load %arg18[%get3A_3767, %get3A_3768] {strides = array<i32>} : memref<128x128xf32, #tpu.memory_space<vmem>>, vector<16xf32>,
      %get3A_3770 = arith.index_cast %add3A_3578 : i32 to index
      %get3A_3771 = arith.constant 112 : index
      %get3A_3772 = tpu.vector_load %arg19[%get3A_3770, %get3A_3771] {strides = array<i32>} : memref<128x128xf32, #tpu.memory_space<vmem>>, vector<16xf32>,
      %add3A_3773 = arith.addf %get3A_3763, %get3A_3769 : vector<16xf32>
      %mul3A_3774 = arith.mulf %get3A_3760, %add3A_3773 : vector<16xf32>
      %add3A_3775 = arith.addf %add3A_3752, %mul3A_3774 : vector<16xf32>
      %mul3A_3776 = arith.mulf %get3A_3763, %get3A_3769 : vector<16xf32>
      %add3A_3777 = arith.addf %add3A_3775, %mul3A_3776 : vector<16xf32>
      %add3A_3778 = arith.addf %get3A_3766, %get3A_3772 : vector<16xf32>
      %mul3A_3779 = arith.mulf %get3A_3760, %add3A_3778 : vector<16xf32>
      %add3A_3780 = arith.addf %add3A_3757, %mul3A_3779 : vector<16xf32>
      %mul3A_3781 = arith.mulf %get3A_3766, %get3A_3772 : vector<16xf32>
      %add3A_3782 = arith.addf %add3A_3780, %mul3A_3781 : vector<16xf32>
      %eq3A_3783 = arith.constant 15 : i32
      %eq3A_3784 = vector.broadcast %eq3A_3783 : i32 to vector<16xi32>
      %eq3A_3785 = arith.cmpi eq, %iota3A, %eq3A_3784 : vector<16xi32>
      %reduce_sum3A_3786 = arith.constant true
      %reduce_sum3A_3787 = vector.broadcast %reduce_sum3A_3786 : i1 to vector<16xi1>
      %reduce_sum3A_3788 = tpu.scan <sum>, %add3A_3777 masked %reduce_sum3A_3787 : vector<16xf32>, vector<16xi1> -> vector<16xf32>
      %reduce_sum3A_3789 = vector.extract %reduce_sum3A_3788[15] : f32 from vector<16xf32>
      %broadcast_in_dim3A_3790 = vector.broadcast %reduce_sum3A_3789 : f32 to vector<16xf32>
      %select_n3A_3791 = arith.select %eq3A_3785, %broadcast_in_dim3A_3790, %select_n3A_3565 : vector<16xi1>, vector<16xf32>
      %eq3A_3792 = arith.constant 15 : i32
      %eq3A_3793 = vector.broadcast %eq3A_3792 : i32 to vector<16xi32>
      %eq3A_3794 = arith.cmpi eq, %iota3A, %eq3A_3793 : vector<16xi32>
      %reduce_sum3A_3795 = arith.constant true
      %reduce_sum3A_3796 = vector.broadcast %reduce_sum3A_3795 : i1 to vector<16xi1>
      %reduce_sum3A_3797 = tpu.scan <sum>, %add3A_3782 masked %reduce_sum3A_3796 : vector<16xf32>, vector<16xi1> -> vector<16xf32>
      %reduce_sum3A_3798 = vector.extract %reduce_sum3A_3797[15] : f32 from vector<16xf32>
      %broadcast_in_dim3A_3799 = vector.broadcast %reduce_sum3A_3798 : f32 to vector<16xf32>
      %select_n3A_3800 = arith.select %eq3A_3794, %broadcast_in_dim3A_3799, %select_n3A_3574 : vector<16xi1>, vector<16xf32>
      %mul3A_3801 = arith.constant 16 : i32
      %mul3A_3802 = arith.muli %scan3A_167, %mul3A_3801 : i32
      %swap3A = arith.index_cast %mul3A_3802 : i32 to index
      %swap3A_3803 = tpu.vector_load %arg20[%swap3A] {strides = array<i32>} : memref<128xf32, #tpu.memory_space<vmem>>, vector<16xf32>,
      tpu.vector_store %arg20[%swap3A], %select_n3A_3791 {strides = array<i32>} : memref<128xf32, #tpu.memory_space<vmem>>, vector<16xf32>,
      %mul3A_3804 = arith.constant 16 : i32
      %mul3A_3805 = arith.muli %scan3A_167, %mul3A_3804 : i32
      %swap3A_3806 = arith.index_cast %mul3A_3805 : i32 to index
      %swap3A_3807 = tpu.vector_load %arg21[%swap3A_3806] {strides = array<i32>} : memref<128xf32, #tpu.memory_space<vmem>>, vector<16xf32>,
      tpu.vector_store %arg21[%swap3A_3806], %select_n3A_3800 {strides = array<i32>} : memref<128xf32, #tpu.memory_space<vmem>>, vector<16xf32>,
    }
    %scan3A_166 = arith.constant 8 : i32
    "tpu.region"() ({
      %run_scoped3A = tpu.sem_alloc : memref<!tpu.dma_semaphore, #tpu.memory_space<semaphore_mem>>
      %dma_start3A_167 = tpu.memref_slice %arg8[%mul3A_2] : memref<4096xf32, #tpu.memory_space<hbm>> -> memref<128xf32, #tpu.memory_space<hbm>>
      %dma_start3A_168 = tpu.memref_slice %arg8[%mul3A_2] : memref<4096xf32, #tpu.memory_space<hbm>> -> memref<128xf32, #tpu.memory_space<hbm>>
      tpu.enqueue_dma source(%arg20 : memref<128xf32, #tpu.memory_space<vmem>>) target(%dma_start3A_168 : memref<128xf32, #tpu.memory_space<hbm>>) target_semaphore(%run_scoped3A : memref<!tpu.dma_semaphore, #tpu.memory_space<semaphore_mem>>)
      %dma_wait3A = tpu.memref_slice %arg8[%mul3A_2] : memref<4096xf32, #tpu.memory_space<hbm>> -> memref<128xf32, #tpu.memory_space<hbm>>
      %dma_wait3A_169 = tpu.memref_slice %arg8[%mul3A_2] : memref<4096xf32, #tpu.memory_space<hbm>> -> memref<128xf32, #tpu.memory_space<hbm>>
      tpu.wait_dma2 semaphore(%run_scoped3A : memref<!tpu.dma_semaphore, #tpu.memory_space<semaphore_mem>>) src(%arg20 : memref<128xf32, #tpu.memory_space<vmem>>) dst(%dma_wait3A_169 : memref<128xf32, #tpu.memory_space<hbm>>)
      tpu.yield
    }) : () -> ()
    "tpu.region"() ({
      %run_scoped3A = tpu.sem_alloc : memref<!tpu.dma_semaphore, #tpu.memory_space<semaphore_mem>>
      %dma_start3A_167 = tpu.memref_slice %arg9[%mul3A_2] : memref<4096xf32, #tpu.memory_space<hbm>> -> memref<128xf32, #tpu.memory_space<hbm>>
      %dma_start3A_168 = tpu.memref_slice %arg9[%mul3A_2] : memref<4096xf32, #tpu.memory_space<hbm>> -> memref<128xf32, #tpu.memory_space<hbm>>
      tpu.enqueue_dma source(%arg21 : memref<128xf32, #tpu.memory_space<vmem>>) target(%dma_start3A_168 : memref<128xf32, #tpu.memory_space<hbm>>) target_semaphore(%run_scoped3A : memref<!tpu.dma_semaphore, #tpu.memory_space<semaphore_mem>>)
      %dma_wait3A = tpu.memref_slice %arg9[%mul3A_2] : memref<4096xf32, #tpu.memory_space<hbm>> -> memref<128xf32, #tpu.memory_space<hbm>>
      %dma_wait3A_169 = tpu.memref_slice %arg9[%mul3A_2] : memref<4096xf32, #tpu.memory_space<hbm>> -> memref<128xf32, #tpu.memory_space<hbm>>
      tpu.wait_dma2 semaphore(%run_scoped3A : memref<!tpu.dma_semaphore, #tpu.memory_space<semaphore_mem>>) src(%arg21 : memref<128xf32, #tpu.memory_space<vmem>>) dst(%dma_wait3A_169 : memref<128xf32, #tpu.memory_space<hbm>>)
      tpu.yield
    }) : () -> ()
    return
  }
}

module attributes {stable_mosaic.version = 14 : i64} {
  func.func @_encode_body(%arg0: i32, %arg1: memref<10000x128xf32, #tpu.memory_space<vmem>>, %arg2: memref<400x10000xf32, #tpu.memory_space<vmem>>, %arg3: memref<128x128xf32, #tpu.memory_space<vmem>>, %arg4: memref<1x128xf32, #tpu.memory_space<vmem>>, %arg5: memref<400x128xf32, #tpu.memory_space<vmem>>, %arg6: memref<10000x128xbf16, #tpu.memory_space<vmem>>) attributes {dimension_semantics = [#tpu.dimension_semantics<arbitrary>], iteration_bounds = array<i64: 25>, scalar_prefetch = 0 : i64, scratch_operands = 1 : i64, tpu.core_type = #tpu.core_type<tc>, window_params = [{pipeline_mode = #tpu.pipeline_mode<synchronous>, transform_indices = @transform_0, window_bounds = array<i64: 10000, 128>}, {transform_indices = @transform_1, window_bounds = array<i64: 400, 10000>}, {pipeline_mode = #tpu.pipeline_mode<synchronous>, transform_indices = @transform_2, window_bounds = array<i64: 128, 128>}, {pipeline_mode = #tpu.pipeline_mode<synchronous>, transform_indices = @transform_3, window_bounds = array<i64: 1, 128>}, {transform_indices = @transform_4, window_bounds = array<i64: 400, 128>}]} {
    %eq3A = arith.constant 0 : i32
    %eq3A_0 = arith.cmpi eq, %arg0, %eq3A : i32
    %convert_element_type3A = arith.extui %eq3A_0 : i1 to i32
    %cond3A = arith.constant 0 : i32
    %cond3A_1 = arith.cmpi ne, %convert_element_type3A, %cond3A : i32
    scf.if %cond3A_1 {
      %get3A_15 = arith.constant 0 : index
      %get3A_16 = arith.constant 0 : index
      %get3A_17 = vector.load %arg1[%get3A_15, %get3A_16] : memref<10000x128xf32, #tpu.memory_space<vmem>>, vector<10000x128xf32>
      %convert_element_type3A_18 = arith.truncf %get3A_17 : vector<10000x128xf32> to vector<10000x128xbf16>
      %get3A_19 = arith.constant 0 : index
      %get3A_20 = arith.constant 0 : index
      %get3A_21 = vector.load %arg3[%get3A_19, %get3A_20] : memref<128x128xf32, #tpu.memory_space<vmem>>, vector<128x128xf32>
      %convert_element_type3A_22 = arith.truncf %get3A_21 : vector<128x128xf32> to vector<128x128xbf16>
      %dot_general3A_23 = arith.constant dense<0.000000e+00> : vector<10000x128xf32>
      %dot_general3A_24 = tpu.matmul %convert_element_type3A_18, %convert_element_type3A_22, %dot_general3A_23 {dimension_numbers = #tpu.dot_dimension_numbers<[1], [0], [0], [1], [0, 0, 1, 1], [], []>, transpose_lhs_hint = false} : vector<10000x128xbf16>, vector<128x128xbf16>, vector<10000x128xf32> -> vector<10000x128xf32>
      %convert_element_type3A_25 = arith.truncf %dot_general3A_24 : vector<10000x128xf32> to vector<10000x128xbf16>
      %swap3A_26 = arith.constant 0 : index
      %swap3A_27 = arith.constant 0 : index
      %swap3A_28 = vector.load %arg6[%swap3A_26, %swap3A_27] : memref<10000x128xbf16, #tpu.memory_space<vmem>>, vector<10000x128xbf16>
      tpu.vector_store %arg6[%swap3A_26, %swap3A_27], %convert_element_type3A_25 {strides = array<i32>} : memref<10000x128xbf16, #tpu.memory_space<vmem>>, vector<10000x128xbf16>,
    } else {
    }
    %get3A = arith.constant 0 : index
    %get3A_2 = arith.constant 0 : index
    %get3A_3 = vector.load %arg2[%get3A, %get3A_2] : memref<400x10000xf32, #tpu.memory_space<vmem>>, vector<400x10000xf32>
    %convert_element_type3A_4 = arith.truncf %get3A_3 : vector<400x10000xf32> to vector<400x10000xbf16>
    %get3A_5 = arith.constant 0 : index
    %get3A_6 = arith.constant 0 : index
    %get3A_7 = vector.load %arg6[%get3A_5, %get3A_6] : memref<10000x128xbf16, #tpu.memory_space<vmem>>, vector<10000x128xbf16>
    %dot_general3A = arith.constant dense<0.000000e+00> : vector<400x128xf32>
    %dot_general3A_8 = tpu.matmul %convert_element_type3A_4, %get3A_7, %dot_general3A {dimension_numbers = #tpu.dot_dimension_numbers<[1], [0], [0], [1], [0, 0, 1, 1], [], []>, transpose_lhs_hint = false} : vector<400x10000xbf16>, vector<10000x128xbf16>, vector<400x128xf32> -> vector<400x128xf32>
    %get3A_9 = arith.constant 0 : index
    %get3A_10 = arith.constant 0 : index
    %get3A_11 = vector.load %arg4[%get3A_9, %get3A_10] : memref<1x128xf32, #tpu.memory_space<vmem>>, vector<1x128xf32>
    %add3A = vector.broadcast %get3A_11 : vector<1x128xf32> to vector<400x128xf32>
    %add3A_12 = arith.addf %dot_general3A_8, %add3A : vector<400x128xf32>
    %tanh3A = math.tanh %add3A_12 : vector<400x128xf32>
    %swap3A = arith.constant 0 : index
    %swap3A_13 = arith.constant 0 : index
    %swap3A_14 = vector.load %arg5[%swap3A, %swap3A_13] : memref<400x128xf32, #tpu.memory_space<vmem>>, vector<400x128xf32>
    tpu.vector_store %arg5[%swap3A, %swap3A_13], %tanh3A {strides = array<i32>} : memref<400x128xf32, #tpu.memory_space<vmem>>, vector<400x128xf32>,
    return
  }
  func.func @transform_0(%arg0: i32) -> (i32, i32) {
    %c0_i32 = arith.constant 0 : i32
    %c0_i32_0 = arith.constant 0 : i32
    %c0_i32_1 = arith.constant 0 : i32
    return %c0_i32, %c0_i32_0 : i32, i32
  }
  func.func @transform_1(%arg0: i32) -> (i32, i32) {
    %c0_i32 = arith.constant 0 : i32
    %c0_i32_0 = arith.constant 0 : i32
    return %arg0, %c0_i32 : i32, i32
  }
  func.func @transform_2(%arg0: i32) -> (i32, i32) {
    %c0_i32 = arith.constant 0 : i32
    %c0_i32_0 = arith.constant 0 : i32
    %c0_i32_1 = arith.constant 0 : i32
    return %c0_i32, %c0_i32_0 : i32, i32
  }
  func.func @transform_3(%arg0: i32) -> (i32, i32) {
    %c0_i32 = arith.constant 0 : i32
    %c0_i32_0 = arith.constant 0 : i32
    %c0_i32_1 = arith.constant 0 : i32
    return %c0_i32, %c0_i32_0 : i32, i32
  }
  func.func @transform_4(%arg0: i32) -> (i32, i32) {
    %c0_i32 = arith.constant 0 : i32
    %c0_i32_0 = arith.constant 0 : i32
    return %arg0, %c0_i32 : i32, i32
  }
}

</mosaic_0001>

<sc_bundles>
// kernel: kernel.4.cloned.1.call-start
scs
__scs_entry_jumppad:
0x0: {  	(pc) =	sbr.rel $0x88, $3  }
0x1: {  	(tag) =	ssettag $0x0;
	lr =	simm.s32 $0x1  }
0x2: {  	[smem:$0x3F98] =	sst lr;
	_ =	strace $0xD0000000  }
0x3: {  	_ = 	snop  }
0x4: {  	_ = 	snop  }
0x5: {  	_ = 	snop  }
0x6: {  	_ = 	snop  }
0x7: {  	_ = 	snop  }
__scs_overlays_trampoline_lowered:
0x8: {  	[smem:$0x3FA7] =	sst s0  }
0x9: {  	[smem:$0x3FA8] =	sst s1  }
0xa: {  	[smem:$0x3FA9] =	sst s2  }
0xb: {  	[smem:$0x3FAA] =	sst s3  }
0xc: {  	[smem:$0x3FAB] =	sst s4  }
0xd: {  	[smem:$0x3FAC] =	sst s5  }
0xe: {  	[smem:$0x3FAD] =	sst s6  }
0xf: {  	[smem:$0x3FAE] =	sst s7  }
0x10: {  	[smem:$0x3FAF] =	sst s8  }
0x11: {  	[smem:$0x3FB0] =	sst s9;
	s0 =	simm.s32 @!p0 $0x0  }
0x12: {  	s1 =	sld [smem:$0x3F96];
	s0 =	simm.s32 @p0 $0x1  }
0x13: {  	[smem:$0x3FB1] =	sst s0;
	s0 =	simm.s32 @!p1 $0x0  }
0x14: {  	s2 =	sld [smem:$0x3F95];
	s0 =	simm.s32 @p1 $0x1  }
0x15: {  	[smem:$0x3FB2] =	sst s0;
	s0 =	simm.s32 @!p2 $0x0  }
0x16: {  	s3 =	sld [smem:$0x3FDB];
	s0 =	simm.s32 @p2 $0x1  }
0x17: {  	s4 =	simm.s32 $0x1BF5;
	[smem:$0x3FB4] =	sst s0  }
0x18: {  	s0 =	sld [smem:$0x3F97];
	_ =	swait.ge [sflag:s4], $0x0  }
0x19: {  	s7 =	sld [smem:$0x3F98]  }
0x1a: {  	s8 =	sadd.s32 $0xFFFFE003, lr  }
0x1b: {  	s9 =	sadd.s32 $0xFFFFFEF7, lr;
	s5 =	simm.s32 $0xFFFFFFFF;
	p2 =	slt.u32 s8, $0xFFFFF086  }
0x1c: {  	p1 =	slt.u32 s9, $0xF7A;
	s5 =	simm.s32 @!p2 $0x0  }
0x1d: {  	s5 =	simm.s32 @p1 $0x1;
	p0 =	seq.s32 s7, s2  }
0x1e: {  	s7 =	smul.u32 @!p0 $0xF7A, s2;
	p2 =	seq.s32 @!p0 s5, $0x0  }
0x1f: {  	s9 =	smul.u32 $0xF7A, s1;
	s8 =	simm.s32 @!p0 $0x1BF5;
	p2 =	por !p2, p0  }
0x20: {  	[sflag:s8] =	ssyncset.s32 @!p0 $0xFFFFF086;
	s6 =	sadd.s32 @!p0 s3, s7;
	s7 =	simm.s32 @!p0 $0x108  }
0x21: {  	s3 =	sadd.s32 s3, s9;
	s6 =	sadd.s32 @!p0 $0x88, s6;
	s7 =	simm.s32 @p2 $0x1082  }
0x22: {  	[simem:s7], [sflag:s8] =	dma.local @!p0 [hbm:s6], $0xF7A  }
0x23: {  	s9 =	sor.u32 $0xD0000000, s2;
	s6 =	simm.s32 $0x108;
	_ =	swait.ge @!p0 [sflag:s8], $0x0  }
0x24: {  	s3 =	sadd.s32 $0x88, s3;
	s6 =	simm.s32 @!p1 $0x1082;
	[sflag:s4] =	ssyncset.s32 $0xFFFFF086  }
0x25: {  	[simem:s6], [sflag:s4] =	dma.local [hbm:s3], $0xF7A  }
0x26: {  	[smem:$0x3F98] =	sst s1;
	(tag) =	ssettag s2;
	_ =	strace s9  }
0x27: {  	s1 =	sld [smem:$0x3FA8]  }
0x28: {  	s2 =	sld [smem:$0x3FA9]  }
0x29: {  	s4 =	sld [smem:$0x3FAB]  }
0x2a: {  	p0 =	seq.s32 s5, $0x0;
	s5 =	sld [smem:$0x3FAC]  }
0x2b: {  	s6 =	sld [smem:$0x3FAD]  }
0x2c: {  	s7 =	sld [smem:$0x3FAE]  }
0x2d: {  	s3 =	simm.s32 $0x108;
	s8 =	sld [smem:$0x3FAF]  }
0x2e: {  	s3 =	simm.s32 @!p0 $0x1082;
	s9 =	sld [smem:$0x3FB0]  }
0x2f: {  	lr =	sadd.s32 s0, s3;
	s0 =	sld [smem:$0x3FA7]  }
0x30: {  	s3 =	sld [smem:$0x3FAA]  }
0x31: {  	[smem:$0x3FB3] =	sst s10  }
0x32: {  	s10 =	sld [smem:$0x3FB1];
	_ =	sdelay $0x3  }
0x33: {  	p0 =	seq.s32 s10, $0x1;
	s10 =	sld [smem:$0x3FB3];
	_ =	sdelay $0x3  }
0x34: {  	[smem:$0x3FB3] =	sst s10  }
0x35: {  	s10 =	sld [smem:$0x3FB2];
	_ =	sdelay $0x3  }
0x36: {  	p1 =	seq.s32 s10, $0x1;
	s10 =	sld [smem:$0x3FB3];
	_ =	sdelay $0x3  }
0x37: {  	[smem:$0x3FB3] =	sst s10  }
0x38: {  	s10 =	sld [smem:$0x3FB4]  }
0x39: {  	_ = 	snop;
	(pc) =	sbr.ind lr, $3  }
0x3a: {  	_ = 	snop  }
0x3b: {  	_ = 	snop  }
0x3c: {  	p2 =	seq.s32 s10, $0x1;
	s10 =	sld [smem:$0x3FB3]  }
0x3d: {  	_ =	shalt  }
0x3e: {  	_ =	shalt  }
0x3f: {  	_ =	shalt  }
0x40: {  	_ =	shalt  }
0x41: {  	_ =	shalt  }
0x42: {  	_ =	shalt  }
0x43: {  	_ =	shalt  }
0x44: {  	_ =	shalt  }
0x45: {  	_ =	shalt  }
0x46: {  	_ =	shalt  }
0x47: {  	_ =	shalt  }
0x48: {  	_ =	shalt  }
0x49: {  	_ =	shalt  }
0x4a: {  	_ =	shalt  }
0x4b: {  	_ =	shalt  }
0x4c: {  	_ =	shalt  }
0x4d: {  	_ =	shalt  }
0x4e: {  	_ =	shalt  }
0x4f: {  	_ =	shalt  }
0x50: {  	_ =	shalt  }
0x51: {  	_ =	shalt  }
0x52: {  	_ =	shalt  }
0x53: {  	_ =	shalt  }
0x54: {  	_ =	shalt  }
0x55: {  	_ =	shalt  }
0x56: {  	_ =	shalt  }
0x57: {  	_ =	shalt  }
0x58: {  	_ =	shalt  }
0x59: {  	_ =	shalt  }
0x5a: {  	_ =	shalt  }
0x5b: {  	_ =	shalt  }
0x5c: {  	_ =	shalt  }
0x5d: {  	_ =	shalt  }
0x5e: {  	_ =	shalt  }
0x5f: {  	_ =	shalt  }
0x60: {  	_ =	shalt  }
0x61: {  	_ =	shalt  }
0x62: {  	_ =	shalt  }
0x63: {  	_ =	shalt  }
0x64: {  	_ =	shalt  }
0x65: {  	_ =	shalt  }
0x66: {  	_ =	shalt  }
0x67: {  	_ =	shalt  }
0x68: {  	_ =	shalt  }
0x69: {  	_ =	shalt  }
0x6a: {  	_ =	shalt  }
0x6b: {  	_ =	shalt  }
0x6c: {  	_ =	shalt  }
0x6d: {  	_ =	shalt  }
0x6e: {  	_ =	shalt  }
0x6f: {  	_ =	shalt  }
0x70: {  	_ =	shalt  }
0x71: {  	_ =	shalt  }
0x72: {  	_ =	shalt  }
0x73: {  	_ =	shalt  }
0x74: {  	_ =	shalt  }
0x75: {  	_ =	shalt  }
0x76: {  	_ =	shalt  }
0x77: {  	_ =	shalt  }
0x78: {  	_ =	shalt  }
0x79: {  	_ =	shalt  }
0x7a: {  	_ =	shalt  }
0x7b: {  	_ =	shalt  }
0x7c: {  	_ =	shalt  }
0x7d: {  	_ =	shalt  }
0x7e: {  	_ =	shalt  }
0x7f: {  	_ =	shalt  }
0x80: {  	_ =	shalt  }
0x81: {  	_ =	shalt  }
0x82: {  	_ =	shalt  }
0x83: {  	_ =	shalt  }
0x84: {  	_ =	shalt  }
0x85: {  	_ =	shalt  }
0x86: {  	_ =	shalt  }
0x87: {  	_ =	shalt  }
.Lfunc_end0:
.L_simem_size_0:
called_computation_lowered:
.L_overlay_start_0:
0x88: {  	s2 =	sld [smem:$0x3FD9]  }
0x89: {  	s3 =	sld [smem:$0x3FFE];
	_ =	sdelay $0x1  }
0x8a: {  	s1 =	srdreg.scid  }
0x8b: {  	s0 =	sand.u32 $0x1, s1  }
0x8c: {  	s14 =	sshll.u32 s0, $0xA;
	s2 =	sadd.s32 s3, s2  }
0x8d: {  	s2 =	sadd.s32 s2, s14  }
0x8e: {  	[smem:$0x3FBF] =	sst s2  }
0x8f: {  	_ = 	snop  }
0x90: {  	s2 =	sld [smem:$0x3FC7]  }
0x91: {  	s15 =	sld [smem:$0x3FC6]  }
0x92: {  	s4 =	sld [smem:$0x3FD0]  }
0x93: {  	s5 =	sld [smem:$0x3FC5]  }
0x94: {  	s6 =	sld [smem:$0x3FC4]  }
0x95: {  	s8 =	simm.s32 $0xA;
	s9 =	simm.s32 $0x10;
	s7 =	sld [smem:$0x3FC3]  }
0x96: {  	[smem:s9], [sflag:s8] =	dma.local [hbm:s4], $0x1  }
0x97: {  	_ =	swait.eq [sflag:s8], $0x1  }
0x98: {  	[sflag:s8] =	ssyncset.done $0x0  }
0x99: {  	s16 =	sld [smem:$0x10];
	[sflag:s8] =	ssyncadd.s32 $0xFFFFFFFF  }
0x9a: {  	s17 =	sld [smem:$0x11];
	(tm) =	ssettm $0x1  }
0x9b: {  	s18 =	sld [smem:$0x3FFB];
	_ =	sdelay $0x3  }
0x9c: {  	_ =	strace s18  }
0x9d: {  	s9 =	sld [smem:$0x3FFC];
	_ =	sdelay $0x3  }
0x9e: {  	_ =	strace s9  }
0x9f: {  	s9 =	sld [smem:$0x3FFD];
	_ =	sdelay $0x3  }
0xa0: {  	_ =	strace s9  }
0xa1: {  	_ =	strace $0x8FFFFFFF  }
0xa2: {  	s19 =	sld [smem:$0x3FDB];
	_ =	sdelay $0x1  }
0xa3: {  	s10 =	simm.s32 $_scs_section_size  }
0xa4: {  	s11 =	simm.s32 $_size__tile_overlayer_lowered;
	s12 =	simm.s32 $_tile_overlayer_lowered  }
0xa5: {  	s22 =	simm.s32 $0x1BFF;
	s21 =	sshll.u32 s12, $0x1;
	s9 =	sadd.s32 s10, s19  }
0xa6: {  	s13 =	simm.s32 $0x0;
	s20 =	sshll.u32 s11, $0x1;
	s11 =	sadd.s32 s21, s9  }
0xa7: {  	[timem:s13], [sflag:s22] =	dma.local [hbm:s11], s20  }
0xa8: {  	_ =	swait.ge [sflag:s22], s20  }
0xa9: {  	s10 =	ssub.s32 $0x0, s20;
	[sflag:s22] =	ssyncset.done $0x0  }
0xaa: {  	[sflag:s22] =	ssyncadd.s32 s10;
	_ =	sdelay $0x1  }
0xab: {  	s23 =	simm.s32 $0x1B8B  }
0xac: {  	_ =	swait.ge [sflag:s23], $0x1  }
0xad: {  	[sflag:s23] =	ssyncset.done $0x0  }
0xae: {  	s25 =	simm.s32 $0x1B8E;
	s24 =	sld [smem:$0x3FFE];
	[sflag:s23] =	ssyncadd.s32 $0xFFFFFFFF  }
0xaf: {  	s26 =	simm.s32 $execute0_lowered;
	[smem:$0x3FD2] =	sst s25  }
0xb0: {  	s11 =	sshll.u32 s26, $0x1;
	_ =	strace $0x80000046;
	[dreg:$0x1] =	wrdreg $0xFFFFFFFF  }
0xb1: {  	s28 =	simm.s32 $_size_execute0_lowered;
	s9 =	sadd.s32 s9, s11;
	[dreg:$0x0] =	wrdreg $0x0  }
0xb2: {  	s11 =	sshll.u32 s28, $0x1;
	[dreg:$0x2] =	wrdreg s9  }
0xb3: {  	[dreg:$0x3] =	wrdreg s11  }
0xb4: {  	[dreg:$0x4] =	wrdreg $0xC0  }
0xb5: {  	_ =	task [dreg:s13], $0x5FFFF  }
0xb6: {  	[dreg:$0x1] =	wrdreg $0xFFFFFFFF  }
0xb7: {  	[dreg:$0x0] =	wrdreg $0x60  }
0xb8: {  	[dreg:$0x2] =	wrdreg s24  }
0xb9: {  	[dreg:$0x3] =	wrdreg s2  }
0xba: {  	[dreg:$0x4] =	wrdreg s15  }
0xbb: {  	[dreg:$0x5] =	wrdreg s5  }
0xbc: {  	[dreg:$0x6] =	wrdreg s6  }
0xbd: {  	[dreg:$0x7] =	wrdreg s7  }
0xbe: {  	[dreg:$0x8] =	wrdreg s16  }
0xbf: {  	[dreg:$0x9] =	wrdreg s17  }
0xc0: {  	[dreg:$0xa] =	wrdreg $0x9  }
0xc1: {  	_ =	task.clear_ibuf [dreg:s13], $0xBFFFF;
	_ =	strace $0x90000046  }
0xc2: {  	s29 =	simm.s32 $0x9;
	_ =	strace $0x80000048  }
0xc3: {  	_ =	swait.ge [sflag:s29], $0x1  }
0xc4: {  	[sflag:s29] =	ssyncadd.s32 $0xFFFFFFFF  }
0xc5: {  	_ =	strace $0x90000048  }
0xc6: {  	_ =	sfence  }
0xc7: {  	s30 =	sld [smem:$0x0];
	_ =	sdelay $0x2  }
0xc8: {  	s31 =	sshll.u32 s1, $0xD;
	s1 =	sshrl.u32 s1, $0x2  }
0xc9: {  	s3 =	sand.u32 $0x4000, s31;
	s1 =	sadd.s32 s1, s30  }
0xca: {  	s0 =	sor.u32 s3, s0;
	s1 =	sshll.u32 s1, $0x11  }
0xcb: {  	s0 =	sor.u32 s1, s0  }
0xcc: {  	s0 =	sadd.s32 $0x8F2B, s0  }
0xcd: {  	[sflag:s0] =	ssyncadd.remote.s32 $0x1  }
0xce: {  	_ =	sfence.sel $0xFFFF  }
0xcf: {  	[dreg:$0x0] =	wrdreg $0xFFFFFFFF;
	(pc) =	sbr.abs _section_cstart, $3  }
0xd0: {  	[dreg:$0x1] =	wrdreg $0xFFFFFFFF  }
0xd1: {  	_ =	task.clear_ibuf [dreg:s13], $0x2FFFF;
	_ =	strace $0x9FFFFFFF  }
0xd2: {  	(tm) =	ssettm $0x7FFFFFFF  }
0xd3: {  	_ =	shalt  }
tec
execute0_lowered:
.L_overlay_start_1:
0x0: {  	(tag) =	ssettag $0x1  }
0x1: {  	s0 =	rddreg [dreg:$0x0]  }
0x2: {  	s2 =	rddreg [dreg:$0x1]  }
0x3: {  	s5 =	rddreg [dreg:$0x2]  }
0x4: {  	s6 =	rddreg [dreg:$0x3]  }
0x5: {  	s7 =	rddreg [dreg:$0x4]  }
0x6: {  	s8 =	rddreg [dreg:$0x5]  }
0x7: {  	s9 =	rddreg [dreg:$0x6]  }
0x8: {  	s10 =	rddreg [dreg:$0x7];
	s1 =	simm.s32 $0x0;
	s3 =	srdreg.scid  }
0x9: {  	s12 =	stileid.u32;
	s14 =	simm.s32 $0x100;
	s15 =	simm.s32 $0x180  }
0xa: {  	s16 =	simm.s32 $0x200;
	s17 =	simm.s32 $0x20;
	s28 =	simm.s32 $0x60  }
0xb: {  	s29 =	simm.s32 $0x3280;
	s30 =	simm.s32 $0xE0;
	s31 =	simm.s32 $0x7280  }
0xc: {  	s18 =	simm.s32 $0x1E0;
	s19 =	simm.s32 $0xF280;
	s20 =	simm.s32 $0x260  }
0xd: {  	s21 =	simm.s32 $0x13280;
	s22 =	simm.s32 $0x14280;
	s23 =	simm.s32 $0x14300  }
0xe: {  	s24 =	simm.s32 $0x0;
	[smem:$0x7FF] =	sst s1;
	s3 =	sand.u32 $0x1, s3  }
0xf: {  	s12 =	sshll.u32 s12, $0x5;
	_ =	strace $0x80000047;
	s4 =	ssub.s32 $0x2, s3  }
0x10: {  	s13 =	sshll.u32 s3, $0x4;
	s3 =	sadd.s32 $0x600, s0;
	s0 =	simm.s32 $0x160  }
.Ltmp0:
0x11: {  	vm0 =	vmmov $0x1;
	vm1 =	vmmov $0x3;
	vm2 =	vmmov $0x7;
	s11 =	sshrl.u32 s4, $0x1;
	s26 =	sor.u32 s13, s12;
	(pc) =	sbr.rel .LBB2_1-.Ltmp0, $4  }
0x12: {  	vm3 =	vmmov $0xf;
	vm4 =	vmmov $0x1f;
	vm5 =	vmmov $0x3f;
	s12 =	simm.s32 $0x5;
	s13 =	simm.s32 $0x80;
	s25 =	ssub.s32 s4, s11  }
0x13: {  	vm6 =	vmmov $0x7f;
	vm7 =	vmmov $0xff;
	vm8 =	vmmov $0x1ff;
	s4 =	sadd.s32 s2, s26;
	s5 =	sadd.s32 s5, s26;
	s6 =	sadd.s32 s6, s26  }
0x14: {  	vm9 =	vmmov $0x3ff;
	vm10 =	vmmov $0x7ff;
	vm11 =	vmmov $0xfff;
	s7 =	sadd.s32 s7, s26;
	s8 =	sadd.s32 s8, s26;
	s9 =	sadd.s32 s9, s26  }
0x15: {  	vm12 =	vmmov $0x1fff;
	vm13 =	vmmov $0x3fff;
	vm14 =	vmmov $0x7fff;
	s10 =	sadd.s32 s10, s26;
	s2 =	simm.s32 $0xB280;
	s11 =	smax.u32 s25, $0x1  }
.LBB2_13:
0x16: {  	[hbm4b:s9+s1] =	stream.linear.scatter [tilespmem:s22], [sflag:$0x5], $0x80, $0x38;
	[tilespmem:$0x14380] =	vst v63  }
0x17: {  	s24 =	sadd.s32 $0x1, s24;
	_ =	swait.ge [sflag:s12], $0x80  }
0x18: {  	p0 =	sne.s32 s24, s11;
	[sflag:s12] =	ssyncset.done $0x0  }
.Ltmp1:
0x19: {  	[sflag:s12] =	ssyncadd.s32 $0xFFFFFF80;
	(pc) =	sbr.rel @!p0 .LBB2_14-.Ltmp1, $4  }
0x1a: {  	[hbm4b:s10+s1] =	stream.linear.scatter [tilespmem:s23], [sflag:$0x5], $0x80, $0x38;
	[tilespmem:$0x14380] =	vst v63  }
0x1b: {  	_ =	swait.ge [sflag:s12], $0x80  }
0x1c: {  	[sflag:s12] =	ssyncset.done $0x0  }
0x1d: {  	[sflag:s12] =	ssyncadd.s32 $0xFFFFFF80  }
.LBB2_1:
0x1e: {  	[tilespmem:s1], [sflag:$0x5] =	stream.linear.gather [hbm4b:s4+s1], $0x80, $0x38;
	[tilespmem:$0x14380] =	vst v63  }
0x1f: {  	_ =	swait.ge [sflag:s12], $0x80  }
0x20: {  	[sflag:s12] =	ssyncset.done $0x0  }
0x21: {  	[sflag:s12] =	ssyncadd.s32 $0xFFFFFF80  }
0x22: {  	[tilespmem:s13], [sflag:$0x5] =	stream.linear.gather [hbm4b:s5+s1], $0x80, $0x38;
	[tilespmem:$0x14380] =	vst v63  }
0x23: {  	_ =	swait.ge [sflag:s12], $0x80  }
0x24: {  	[sflag:s12] =	ssyncset.done $0x0  }
0x25: {  	[sflag:s12] =	ssyncadd.s32 $0xFFFFFF80  }
0x26: {  	[tilespmem:s14], [sflag:$0x5] =	stream.linear.gather [hbm4b:s6+s1], $0x80, $0x38;
	[tilespmem:$0x14380] =	vst v63  }
0x27: {  	_ =	swait.ge [sflag:s12], $0x80  }
0x28: {  	[sflag:s12] =	ssyncset.done $0x0  }
0x29: {  	[sflag:s12] =	ssyncadd.s32 $0xFFFFFF80  }
0x2a: {  	[tilespmem:s15], [sflag:$0x5] =	stream.linear.gather [hbm4b:s7+s1], $0x80, $0x38;
	[tilespmem:$0x14380] =	vst v63  }
0x2b: {  	_ =	swait.ge [sflag:s12], $0x80  }
0x2c: {  	[sflag:s12] =	ssyncset.done $0x0  }
0x2d: {  	[sflag:s12] =	ssyncadd.s32 $0xFFFFFF80  }
0x2e: {  	[tilespmem:s16], [sflag:$0x5] =	stream.linear.gather [hbm4b:s8+s1], $0x80, $0x38;
	[tilespmem:$0x14380] =	vst v63  }
0x2f: {  	_ =	swait.ge [sflag:s12], $0x80  }
0x30: {  	[sflag:s12] =	ssyncset.done $0x0  }
0x31: {  	s25 =	simm.s32 $0x280;
	[sflag:s12] =	ssyncadd.s32 $0xFFFFFF80  }
0x32: {  	[tilespmem:s25], [sflag:$0x1] =	stream.indirect.gather [hbm4b:s3+s17], $0x80, s1, s17, $0xb8;
	[tilespmem:$0x14380] =	vst v63  }
0x33: {  	s26 =	simm.s32 $0x4280  }
0x34: {  	[tilespmem:s26], [sflag:$0x1] =	stream.indirect.gather [hbm4b:s3+s17], $0x80, s13, s17, $0xb8;
	[tilespmem:$0x14380] =	vst v63  }
0x35: {  	s26 =	simm.s32 $0x8280  }
0x36: {  	[tilespmem:s26], [sflag:$0x1] =	stream.indirect.gather [hbm4b:s3+s17], $0x80, s14, s17, $0xb8;
	[tilespmem:$0x14380] =	vst v63  }
0x37: {  	s26 =	simm.s32 $0xC280  }
0x38: {  	[tilespmem:s26], [sflag:$0x1] =	stream.indirect.gather [hbm4b:s3+s17], $0x80, s15, s17, $0xb8;
	[tilespmem:$0x14380] =	vst v63  }
0x39: {  	s26 =	simm.s32 $0x10280  }
0x3a: {  	[tilespmem:s26], [sflag:$0x1] =	stream.indirect.gather [hbm4b:s3+s17], $0x80, s16, s17, $0xb8;
	[tilespmem:$0x14380] =	vst v63  }
0x3b: {  	s26 =	simm.s32 $0x1280  }
0x3c: {  	[tilespmem:s26], [sflag:$0x2] =	stream.indirect.gather [hbm4b:s3+s17], $0x80, s17, s17, $0xb8;
	[tilespmem:$0x14380] =	vst v63  }
0x3d: {  	s25 =	simm.s32 $0xA0;
	s26 =	simm.s32 $0x5280  }
0x3e: {  	[tilespmem:s26], [sflag:$0x2] =	stream.indirect.gather [hbm4b:s3+s17], $0x80, s25, s17, $0xb8;
	[tilespmem:$0x14380] =	vst v63  }
0x3f: {  	s25 =	simm.s32 $0x120;
	s26 =	simm.s32 $0x9280  }
0x40: {  	[tilespmem:s26], [sflag:$0x2] =	stream.indirect.gather [hbm4b:s3+s17], $0x80, s25, s17, $0xb8;
	[tilespmem:$0x14380] =	vst v63  }
0x41: {  	s25 =	simm.s32 $0x1A0;
	s26 =	simm.s32 $0xD280  }
0x42: {  	[tilespmem:s26], [sflag:$0x2] =	stream.indirect.gather [hbm4b:s3+s17], $0x80, s25, s17, $0xb8;
	[tilespmem:$0x14380] =	vst v63  }
0x43: {  	s25 =	simm.s32 $0x220;
	s26 =	simm.s32 $0x11280  }
0x44: {  	[tilespmem:s26], [sflag:$0x2] =	stream.indirect.gather [hbm4b:s3+s17], $0x80, s25, s17, $0xb8;
	[tilespmem:$0x14380] =	vst v63  }
0x45: {  	s25 =	simm.s32 $0x40;
	s26 =	simm.s32 $0x2280  }
0x46: {  	[tilespmem:s26], [sflag:$0x3] =	stream.indirect.gather [hbm4b:s3+s17], $0x80, s25, s17, $0xb8;
	[tilespmem:$0x14380] =	vst v63  }
0x47: {  	s25 =	simm.s32 $0xC0;
	s26 =	simm.s32 $0x6280  }
0x48: {  	[tilespmem:s26], [sflag:$0x3] =	stream.indirect.gather [hbm4b:s3+s17], $0x80, s25, s17, $0xb8;
	[tilespmem:$0x14380] =	vst v63  }
0x49: {  	s25 =	simm.s32 $0x140;
	s26 =	simm.s32 $0xA280  }
0x4a: {  	[tilespmem:s26], [sflag:$0x3] =	stream.indirect.gather [hbm4b:s3+s17], $0x80, s25, s17, $0xb8;
	[tilespmem:$0x14380] =	vst v63  }
0x4b: {  	s25 =	simm.s32 $0x1C0;
	s26 =	simm.s32 $0xE280  }
0x4c: {  	[tilespmem:s26], [sflag:$0x3] =	stream.indirect.gather [hbm4b:s3+s17], $0x80, s25, s17, $0xb8;
	[tilespmem:$0x14380] =	vst v63  }
0x4d: {  	s25 =	simm.s32 $0x240;
	s26 =	simm.s32 $0x12280  }
0x4e: {  	[tilespmem:s26], [sflag:$0x3] =	stream.indirect.gather [hbm4b:s3+s17], $0x80, s25, s17, $0xb8;
	[tilespmem:$0x14380] =	vst v63  }
0x4f: {  	_ = 	snop  }
0x50: {  	[tilespmem:s29], [sflag:$0x4] =	stream.indirect.gather [hbm4b:s3+s17], $0x80, s28, s17, $0xb8;
	[tilespmem:$0x14380] =	vst v63  }
0x51: {  	_ = 	snop  }
0x52: {  	[tilespmem:s31], [sflag:$0x4] =	stream.indirect.gather [hbm4b:s3+s17], $0x80, s30, s17, $0xb8;
	[tilespmem:$0x14380] =	vst v63  }
0x53: {  	_ = 	snop  }
0x54: {  	[tilespmem:s2], [sflag:$0x4] =	stream.indirect.gather [hbm4b:s3+s17], $0x80, s0, s17, $0xb8;
	[tilespmem:$0x14380] =	vst v63  }
.Ltmp2:
0x55: {  	_ = 	snop;
	(pc) =	sbr.rel .LBB2_2-.Ltmp2, $4  }
0x56: {  	_ = 	snop  }
0x57: {  	[tilespmem:s19], [sflag:$0x4] =	stream.indirect.gather [hbm4b:s3+s17], $0x80, s18, s17, $0xb8;
	[tilespmem:$0x14380] =	vst v63  }
0x58: {  	s25 =	simm.s32 $0x0  }
0x59: {  	[tilespmem:s21], [sflag:$0x4] =	stream.indirect.gather [hbm4b:s3+s17], $0x80, s20, s17, $0xb8;
	[tilespmem:$0x14380] =	vst v63  }
.LBB2_10:
0x5a: {  	s26 =	simm.s32 $0x3  }
.LBB2_11:
0x5b: {  	_ =	swait.ge [sflag:s26], $0x1000  }
0x5c: {  	[sflag:s26] =	ssyncset.done $0x0  }
0x5d: {  	[sflag:s26] =	ssyncadd.s32 $0xFFFFF000  }
0x5e: {  	_ =	swait.ge [sflag:s26], $0x1000  }
0x5f: {  	[sflag:s26] =	ssyncset.done $0x0  }
0x60: {  	[sflag:s26] =	ssyncadd.s32 $0xFFFFF000  }
0x61: {  	_ =	swait.ge [sflag:s26], $0x1000  }
0x62: {  	[sflag:s26] =	ssyncset.done $0x0  }
0x63: {  	[sflag:s26] =	ssyncadd.s32 $0xFFFFF000  }
0x64: {  	_ =	swait.ge [sflag:s26], $0x1000  }
0x65: {  	[sflag:s26] =	ssyncset.done $0x0  }
0x66: {  	[sflag:s26] =	ssyncadd.s32 $0xFFFFF000  }
0x67: {  	_ =	swait.ge [sflag:s26], $0x1000  }
0x68: {  	[sflag:s26] =	ssyncset.done $0x0  }
0x69: {  	[sflag:s26] =	ssyncadd.s32 $0xFFFFF000  }
.LBB2_12:
0x6a: {  	s26 =	sshll.u32 s25, $0xB  }
0x6b: {  	v1 =	vld [tilespmem:s26+$0x280]  }
0x6c: {  	v2 =	vld [tilespmem:s26+$0x4280]  }
0x6d: {  	v3 =	vld [tilespmem:s26+$0x8280]  }
0x6e: {  	v5 =	vld [tilespmem:s26+$0xC280]  }
0x6f: {  	v8 =	vld [tilespmem:s26+$0x10280]  }
0x70: {  	v9 =	vld [tilespmem:s26+$0x290]  }
0x71: {  	v12 =	vld [tilespmem:s26+$0x4290]  }
0x72: {  	v25 =	vld [tilespmem:s26+$0x8290]  }
0x73: {  	v20 =	vld [tilespmem:s26+$0xC290]  }
0x74: {  	v33 =	vld [tilespmem:s26+$0x10290]  }
0x75: {  	v35 =	vld [tilespmem:s26+$0x2A0]  }
0x76: {  	v36 =	vld [tilespmem:s26+$0x42A0]  }
0x77: {  	v37 =	vld [tilespmem:s26+$0x82A0]  }
0x78: {  	v38 =	vld [tilespmem:s26+$0xC2A0]  }
0x79: {  	v39 =	vld [tilespmem:s26+$0x102A0]  }
0x7a: {  	v40 =	vld [tilespmem:s26+$0x2B0]  }
0x7b: {  	v42 =	vld [tilespmem:s26+$0x42B0]  }
0x7c: {  	v43 =	vld [tilespmem:s26+$0x82B0]  }
0x7d: {  	v47 =	vld [tilespmem:s26+$0xC2B0]  }
0x7e: {  	v48 =	vld [tilespmem:s26+$0x102B0]  }
0x7f: {  	v49 =	vld [tilespmem:s26+$0x2C0]  }
0x80: {  	v51 =	vld [tilespmem:s26+$0x42C0]  }
0x81: {  	v55 =	vld [tilespmem:s26+$0x82C0]  }
0x82: {  	v58 =	vld [tilespmem:s26+$0xC2C0]  }
0x83: {  	v59 =	vld [tilespmem:s26+$0x102C0]  }
0x84: {  	v60 =	vld [tilespmem:s26+$0x2D0]  }
0x85: {  	v61 =	vld [tilespmem:s26+$0x42D0]  }
0x86: {  	v62 =	vld [tilespmem:s26+$0x82D0]  }
0x87: {  	v63 =	vld [tilespmem:s26+$0xC2D0]  }
0x88: {  	v6 =	vld [tilespmem:s26+$0x102D0]  }
0x89: {  	v44 =	vld [tilespmem:s26+$0x2E0]  }
0x8a: {  	v45 =	vld [tilespmem:s26+$0x42E0]  }
0x8b: {  	v30 =	vld [tilespmem:s26+$0x82E0]  }
0x8c: {  	v54 =	vld [tilespmem:s26+$0xC2E0]  }
0x8d: {  	v34 =	vld [tilespmem:s26+$0x102E0]  }
0x8e: {  	v0 =	vld [tilespmem:s26+$0x2F0]  }
0x8f: {  	v15 =	vld [tilespmem:s26+$0x42F0]  }
0x90: {  	v16 =	vld [tilespmem:s26+$0x82F0]  }
0x91: {  	v17 =	vld [tilespmem:s26+$0x102F0]  }
0x92: {  	v10 =	vld [tilespmem:s26+$0x300]  }
0x93: {  	v7 =	vld [tilespmem:s26+$0x4300]  }
0x94: {  	v14 =	vld [tilespmem:s26+$0x8300]  }
0x95: {  	v4 =	vld [tilespmem:s26+$0xC300]  }
0x96: {  	v11 =	vld [tilespmem:s26+$0x10300]  }
0x97: {  	v46 =	vld [tilespmem:s26+$0x310]  }
0x98: {  	v57 =	vld [tilespmem:s26+$0x4310]  }
0x99: {  	v52 =	vld [tilespmem:s26+$0x8310]  }
0x9a: {  	v13 =	vld [tilespmem:s26+$0xC310]  }
0x9b: {  	v56 =	vld [tilespmem:s26+$0x10310]  }
0x9c: {  	v41 =	vld [tilespmem:s26+$0x320]  }
0x9d: {  	v50 =	vld [tilespmem:s26+$0x4320]  }
0x9e: {  	v28 =	vld [tilespmem:s26+$0x8320]  }
0x9f: {  	v53 =	vld [tilespmem:s26+$0xC320]  }
0xa0: {  	v31 =	vld [tilespmem:s26+$0x10320]  }
0xa1: {  	v27 =	vld [tilespmem:s26+$0x330]  }
0xa2: {  	v29 =	vld [tilespmem:s26+$0x4330]  }
0xa3: {  	v21 =	vld [tilespmem:s26+$0x8330]  }
0xa4: {  	v32 =	vld [tilespmem:s26+$0xC330]  }
0xa5: {  	v24 =	vld [tilespmem:s26+$0x10330]  }
0xa6: {  	v18 =	vld [tilespmem:s26+$0x8340]  }
0xa7: {  	v19 =	vld [tilespmem:s26+$0x340]  }
0xa8: {  	v22 =	vld [tilespmem:s26+$0x4340]  }
0xa9: {  	v23 =	vld [tilespmem:s26+$0x350];
	[tilespmem:$0x1F190] =	vst v15  }
0xaa: {  	v26 =	vld [tilespmem:s26+$0xC340];
	[tilespmem:$0x1F1B0] =	vst v16;
	v16 =	vadd.f32 v5, v2  }
0xab: {  	v15 =	vld [tilespmem:s26+$0xC2F0];
	[tilespmem:$0x1F1D0] =	vst v18;
	v18 =	vadd.f32 v8, v3  }
0xac: {  	[tilespmem:$0x1F1C0] =	vst v17;
	v17 =	vld [tilespmem:s26+$0x10340];
	v16 =	vmul.f32 v16, v1  }
0xad: {  	[tilespmem:$0x1F1A0] =	vst v0;
	v5 =	vmul.f32 v5, v2;
	v0 =	vadd.f32 v20, v12;
	v2 =	vld [tilespmem:s26+$0x8350];
	v1 =	vmul.f32 v18, v1  }
0xae: {  	[tilespmem:$0x1F1E0] =	vst v23;
	v3 =	vmul.f32 v8, v3;
	v8 =	vadd.f32 v33, v25;
	v23 =	vld [tilespmem:s26+$0xC350];
	v16 =	vadd.f32 $0.0e+00, v16  }
0xaf: {  	v18 =	vld [tilespmem:s26+$0x4350];
	v1 =	vadd.f32 $0.0e+00, v1  }
0xb0: {  	v0 =	vmul.f32 v0, v9;
	v8 =	vmul.f32 v8, v9;
	v9 =	vld [tilespmem:s26+$0x8360];
	v5 =	vadd.f32 v16, v5  }
0xb1: {  	v16 =	vld [tilespmem:s26+$0x10350];
	v3 =	vadd.f32 v1, v3  }
0xb2: {  	v1 =	vld [tilespmem:s26+$0x360];
	v0 =	vadd.f32 v0, v5;
	v5 =	vmul.f32 v20, v12;
	v12 =	vadd.f32 v38, v36  }
0xb3: {  	v20 =	vld [tilespmem:s26+$0x4360];
	v3 =	vadd.f32 v8, v3;
	v8 =	vmul.f32 v33, v25;
	v33 =	vadd.f32 v39, v37  }
0xb4: {  	v25 =	vld [tilespmem:s26+$0xC360];
	v0 =	vadd.f32 v0, v5  }
0xb5: {  	v5 =	vmul.f32 v12, v35;
	v8 =	vadd.f32 v3, v8;
	v33 =	vmul.f32 v33, v35;
	v12 =	vld [tilespmem:s26+$0x10360]  }
0xb6: {  	v35 =	vmul.f32 v38, v36;
	v36 =	vadd.f32 v47, v42;
	v3 =	vld [tilespmem:s26+$0x370]  }
0xb7: {  	v0 =	vadd.f32 v5, v0;
	v8 =	vadd.f32 v33, v8;
	v5 =	vld [tilespmem:s26+$0x4370]  }
0xb8: {  	v33 =	vmul.f32 v39, v37;
	v37 =	vadd.f32 v48, v43;
	v48 =	vmul.f32 v48, v43;
	v43 =	vld [tilespmem:s26+$0x83A0]  }
0xb9: {  	v0 =	vadd.f32 v0, v35;
	v35 =	vmul.f32 v36, v40;
	v36 =	vld [tilespmem:s26+$0x8370]  }
0xba: {  	v33 =	vadd.f32 v8, v33;
	v40 =	vmul.f32 v37, v40;
	v37 =	vmul.f32 v47, v42;
	v47 =	vld [tilespmem:s26+$0x10370]  }
0xbb: {  	v8 =	vld [tilespmem:s26+$0xC370];
	v0 =	vadd.f32 v35, v0  }
0xbc: {  	v38 =	vadd.f32 v58, v51;
	v42 =	vld [tilespmem:s26+$0x43A0];
	v33 =	vadd.f32 v40, v33  }
0xbd: {  	v40 =	vadd.f32 v59, v55;
	v35 =	vld [tilespmem:s26+$0x380];
	v0 =	vadd.f32 v0, v37  }
0xbe: {  	v48 =	vadd.f32 v33, v48;
	v33 =	vld [tilespmem:s26+$0x8380];
	v37 =	vmul.f32 v58, v51;
	v58 =	vadd.f32 v6, v62;
	[tilespmem:$0x1F1F0] =	vst v36  }
0xbf: {  	[tilespmem:$0x1F200] =	vst v47;
	v47 =	vmul.f32 v38, v49;
	v36 =	vld [tilespmem:s26+$0x4380];
	v49 =	vmul.f32 v40, v49  }
0xc0: {  	v40 =	vadd.f32 v63, v61;
	v38 =	vld [tilespmem:s26+$0x390];
	v51 =	vmul.f32 v58, v60;
	v58 =	vadd.f32 v4, v7  }
0xc1: {  	v55 =	vmul.f32 v59, v55;
	v0 =	vadd.f32 v47, v0;
	v47 =	vld [tilespmem:s26+$0xC380];
	v39 =	vadd.f32 v49, v48  }
0xc2: {  	v48 =	vld [tilespmem:s26+$0x10380]  }
0xc3: {  	v59 =	vmul.f32 v40, v60;
	v60 =	vmul.f32 v58, v10;
	v49 =	vadd.f32 v39, v55;
	v39 =	vld [tilespmem:s26+$0x4390]  }
0xc4: {  	v0 =	vadd.f32 v0, v37;
	v37 =	vld [tilespmem:s26+$0x8390]  }
0xc5: {  	v58 =	vadd.f32 $0.0e+00, v60;
	v60 =	vadd.f32 v13, v57;
	v13 =	vmul.f32 v13, v57;
	v57 =	vld [tilespmem:s26+$0xC3B0]  }
0xc6: {  	v4 =	vmul.f32 v4, v7;
	v40 =	vadd.f32 v51, v49;
	v51 =	vld [tilespmem:s26+$0xC390]  }
0xc7: {  	v6 =	vmul.f32 v6, v62;
	v0 =	vadd.f32 v59, v0;
	v49 =	vld [tilespmem:s26+$0x10390]  }
0xc8: {  	v59 =	vmul.f32 v63, v61;
	v61 =	vadd.f32 v54, v45;
	v4 =	vadd.f32 v58, v4;
	v58 =	vld [tilespmem:s26+$0x103B0]  }
0xc9: {  	v7 =	vadd.f32 v34, v30;
	v6 =	vadd.f32 v40, v6;
	v40 =	vld [tilespmem:s26+$0x3A0]  }
0xca: {  	v55 =	vmul.f32 v61, v44;
	v61 =	vmul.f32 v54, v45;
	v54 =	vld [tilespmem:s26+$0xC3A0]  }
0xcb: {  	v7 =	vmul.f32 v7, v44;
	v63 =	vadd.f32 v56, v52;
	v62 =	vmul.f32 v60, v46;
	v44 =	vld [tilespmem:s26+$0x3B0]  }
0xcc: {  	v0 =	vadd.f32 v0, v59;
	v59 =	vadd.f32 v11, v14;
	v45 =	vld [tilespmem:s26+$0x43B0]  }
0xcd: {  	v60 =	vadd.f32 v53, v50;
	v4 =	vadd.f32 v62, v4;
	v62 =	vmul.f32 v63, v46;
	v46 =	vld [tilespmem:s26+$0x83B0]  }
0xce: {  	v0 =	vadd.f32 v55, v0;
	v10 =	vmul.f32 v59, v10;
	v59 =	vld [tilespmem:$0x1F190]  }
0xcf: {  	v63 =	vmul.f32 v60, v41;
	v55 =	vld [tilespmem:s26+$0x103A0]  }
0xd0: {  	v4 =	vadd.f32 v4, v13;
	v0 =	vadd.f32 v0, v61;
	v61 =	vmul.f32 v56, v52;
	v56 =	vld [tilespmem:$0x1F1A0]  }
0xd1: {  	v11 =	vmul.f32 v11, v14;
	v13 =	vmul.f32 v34, v30;
	v30 =	vld [tilespmem:s26+$0x3C0];
	v10 =	vadd.f32 $0.0e+00, v10  }
0xd2: {  	v50 =	vmul.f32 v53, v50;
	v34 =	vld [tilespmem:s26+$0x43C0];
	v4 =	vadd.f32 v63, v4  }
0xd3: {  	v52 =	vld [tilespmem:$0x1F1C0];
	v10 =	vadd.f32 v10, v11;
	v60 =	vadd.f32 v15, v59  }
0xd4: {  	v63 =	vadd.f32 v32, v29;
	v4 =	vadd.f32 v4, v50;
	v50 =	vld [tilespmem:s26+$0xC3C0]  }
0xd5: {  	v15 =	vmul.f32 v15, v59;
	v59 =	vld [tilespmem:$0x1F1D0];
	v10 =	vadd.f32 v62, v10;
	v14 =	vmul.f32 v60, v56  }
0xd6: {  	v62 =	vadd.f32 v31, v28;
	v60 =	vmul.f32 v63, v27;
	v63 =	vmul.f32 v32, v29;
	v32 =	vld [tilespmem:$0x1F1B0]  }
0xd7: {  	v29 =	vld [tilespmem:s26+$0x83D0]  }
0xd8: {  	v6 =	vadd.f32 v7, v6;
	v7 =	vmul.f32 v62, v41;
	v41 =	vld [tilespmem:s26+$0x83C0]  }
0xd9: {  	v10 =	vadd.f32 v10, v61;
	v61 =	vmul.f32 v31, v28;
	v31 =	vld [tilespmem:s26+$0x103C0];
	v4 =	vadd.f32 v60, v4  }
0xda: {  	v62 =	vadd.f32 v24, v21;
	v28 =	vld [tilespmem:s26+$0x3D0]  }
0xdb: {  	v7 =	vadd.f32 v7, v10;
	v4 =	vadd.f32 v4, v63;
	v63 =	vmul.f32 v24, v21;
	v24 =	vld [tilespmem:s26+$0xC3D0]  }
0xdc: {  	v60 =	vadd.f32 v26, v22;
	v21 =	vld [tilespmem:s26+$0x43E0]  }
0xdd: {  	v7 =	vadd.f32 v7, v61;
	v61 =	vmul.f32 v62, v27;
	v27 =	vld [tilespmem:s26+$0x43D0]  }
0xde: {  	v0 =	vadd.f32 v14, v0;
	v62 =	vmul.f32 v60, v19;
	v60 =	vmul.f32 v26, v22;
	v22 =	vld [tilespmem:s26+$0x103D0]  }
0xdf: {  	v53 =	vadd.f32 v17, v59;
	v26 =	vld [tilespmem:s26+$0xC410];
	v10 =	vadd.f32 v61, v7  }
0xe0: {  	v7 =	vadd.f32 v0, v15;
	v15 =	vld [tilespmem:s26+$0x83E0]  }
0xe1: {  	v4 =	vadd.f32 v62, v4;
	v62 =	vadd.f32 v10, v63;
	v63 =	vmul.f32 v53, v19;
	v19 =	vld [tilespmem:s26+$0x3E0]  }
0xe2: {  	v6 =	vadd.f32 v6, v13;
	v13 =	vadd.f32 v52, v32;
	v53 =	vld [tilespmem:$0x1F1E0]  }
0xe3: {  	v61 =	vadd.f32 v23, v18;
	v4 =	vadd.f32 v4, v60;
	v60 =	vmul.f32 v17, v59;
	v17 =	vld [tilespmem:s26+$0x103E0]  }
0xe4: {  	v13 =	vmul.f32 v13, v56;
	v10 =	vld [tilespmem:s26+$0x103F0];
	v0 =	vadd.f32 v63, v62;
	v62 =	vmul.f32 v23, v18  }
0xe5: {  	v63 =	vadd.f32 v25, v20;
	v18 =	vld [tilespmem:s26+$0xC3E0];
	v20 =	vmul.f32 v25, v20;
	v25 =	vadd.f32 v47, v36  }
0xe6: {  	v23 =	vld [tilespmem:s26+$0x400];
	v0 =	vadd.f32 v0, v60;
	v60 =	vmul.f32 v52, v32;
	v32 =	vadd.f32 v48, v33  }
0xe7: {  	v52 =	vmul.f32 v25, v35;
	v25 =	vld [tilespmem:s26+$0xC400];
	v56 =	vmul.f32 v61, v53;
	v61 =	vadd.f32 v16, v2  }
0xe8: {  	v33 =	vmul.f32 v48, v33;
	v14 =	vmul.f32 v32, v35;
	v32 =	vld [tilespmem:s26+$0x4400]  }
0xe9: {  	v48 =	vadd.f32 v54, v42;
	v2 =	vmul.f32 v16, v2;
	v35 =	vld [tilespmem:s26+$0x8430];
	v59 =	vmul.f32 v61, v53  }
0xea: {  	v4 =	vadd.f32 v56, v4;
	v56 =	vadd.f32 v13, v6;
	v61 =	vmul.f32 v63, v1;
	v13 =	vld [tilespmem:s26+$0x3F0]  }
0xeb: {  	v53 =	vadd.f32 v8, v5;
	v5 =	vmul.f32 v8, v5;
	v6 =	vadd.f32 v59, v0;
	v0 =	vld [tilespmem:s26+$0x43F0]  }
0xec: {  	v14 =	vadd.f32 $0.0e+00, v14;
	v11 =	vadd.f32 v56, v60;
	v56 =	vmul.f32 v47, v36;
	v36 =	vld [tilespmem:s26+$0x8400]  }
0xed: {  	v4 =	vadd.f32 v4, v62;
	v59 =	vadd.f32 v51, v39;
	v47 =	vmul.f32 v51, v39;
	v39 =	vld [tilespmem:s26+$0x4410]  }
0xee: {  	v62 =	vadd.f32 v12, v9;
	v60 =	vadd.f32 v49, v37;
	v49 =	vmul.f32 v49, v37;
	v37 =	vld [tilespmem:s26+$0x10410]  }
0xef: {  	v9 =	vmul.f32 v12, v9;
	v14 =	vadd.f32 v14, v33;
	v33 =	vld [tilespmem:s26+$0x10400];
	v63 =	vadd.f32 v61, v4  }
0xf0: {  	v51 =	vadd.f32 v55, v43;
	v4 =	vld [tilespmem:s26+$0x83F0];
	v2 =	vadd.f32 v6, v2;
	v1 =	vmul.f32 v62, v1  }
0xf1: {  	v6 =	vld [tilespmem:s26+$0xC3F0];
	v62 =	vmul.f32 v59, v38;
	v16 =	vadd.f32 v63, v20;
	v20 =	vadd.f32 $0.0e+00, v52  }
0xf2: {  	v59 =	vmul.f32 v54, v42;
	v42 =	vld [tilespmem:s26+$0x420];
	v1 =	vadd.f32 v1, v2;
	v63 =	vmul.f32 v60, v38  }
0xf3: {  	v54 =	vld [tilespmem:$0x1F200];
	v2 =	vmul.f32 v53, v3;
	v60 =	vadd.f32 v57, v45;
	v61 =	vadd.f32 v20, v56  }
0xf4: {  	v38 =	vld [tilespmem:s26+$0x410];
	v53 =	vmul.f32 v48, v40;
	v14 =	vadd.f32 v63, v14;
	v1 =	vadd.f32 v1, v9  }
0xf5: {  	v57 =	vmul.f32 v57, v45;
	v20 =	vld [tilespmem:s26+$0x8410];
	v2 =	vadd.f32 v2, v16;
	v12 =	vadd.f32 v62, v61  }
0xf6: {  	v56 =	vmul.f32 v51, v40;
	v40 =	vld [tilespmem:s26+$0x8420];
	v51 =	vadd.f32 v22, v29;
	v14 =	vadd.f32 v14, v49  }
0xf7: {  	v45 =	vmul.f32 v50, v34;
	v16 =	vld [tilespmem:s26+$0x10440];
	v62 =	vadd.f32 v58, v46;
	v52 =	vadd.f32 v12, v47  }
0xf8: {  	v61 =	vmul.f32 v55, v43;
	v5 =	vadd.f32 v2, v5;
	v14 =	vadd.f32 v56, v14;
	v12 =	vld [tilespmem:s26+$0x4420]  }
0xf9: {  	v49 =	vadd.f32 v24, v27;
	v56 =	vmul.f32 v62, v44;
	v9 =	vadd.f32 v53, v52;
	v53 =	vld [tilespmem:$0x1F1F0]  }
0xfa: {  	v52 =	vmul.f32 v60, v44;
	v14 =	vadd.f32 v14, v61;
	v44 =	vld [tilespmem:s26+$0xC420];
	v61 =	vadd.f32 v31, v41  }
0xfb: {  	v60 =	vmul.f32 v58, v46;
	v46 =	vld [tilespmem:s26+$0x10420];
	v58 =	vadd.f32 v25, v32;
	v63 =	vadd.f32 v9, v59  }
0xfc: {  	v59 =	vadd.f32 v50, v34;
	v14 =	vadd.f32 v56, v14;
	v9 =	vld [tilespmem:s26+$0x430];
	v43 =	vmul.f32 v61, v30  }
0xfd: {  	v50 =	vmul.f32 v31, v41;
	v41 =	vld [tilespmem:s26+$0xC430];
	v56 =	vadd.f32 v18, v21;
	v8 =	vadd.f32 v52, v63  }
0xfe: {  	v31 =	vld [tilespmem:s26+$0xC440];
	v63 =	vmul.f32 v59, v30;
	v14 =	vadd.f32 v14, v60;
	v52 =	vmul.f32 v49, v28  }
0xff: {  	v30 =	vld [tilespmem:s26+$0x4430];
	v60 =	vadd.f32 v33, v36;
	v49 =	vmul.f32 v25, v32;
	v55 =	vadd.f32 v54, v53  }
0x100: {  	v32 =	vld [tilespmem:s26+$0x4450];
	v53 =	vmul.f32 v54, v53;
	v54 =	vmul.f32 v51, v28;
	v51 =	vadd.f32 v37, v20  }
0x101: {  	v59 =	vmul.f32 v56, v19;
	v25 =	vld [tilespmem:s26+$0x10450];
	v62 =	vadd.f32 v8, v57;
	v14 =	vadd.f32 v43, v14  }
0x102: {  	v28 =	vld [tilespmem:s26+$0x440];
	v56 =	vadd.f32 v44, v12;
	v57 =	vmul.f32 v22, v29;
	v48 =	vmul.f32 v60, v23  }
0x103: {  	v8 =	vld [tilespmem:s26+$0x10430];
	v3 =	vmul.f32 v55, v3;
	v2 =	vadd.f32 v63, v62;
	v14 =	vadd.f32 v14, v50  }
0x104: {  	v29 =	vld [tilespmem:s26+$0x8440];
	v55 =	vmul.f32 v24, v27;
	v63 =	vadd.f32 v17, v15;
	v50 =	vadd.f32 v26, v39  }
0x105: {  	v27 =	vld [tilespmem:s26+$0x4440];
	v62 =	vmul.f32 v58, v23;
	v22 =	vadd.f32 $0.0e+00, v48;
	v14 =	vadd.f32 v54, v14  }
0x106: {  	v33 =	vmul.f32 v33, v36;
	v24 =	vld [tilespmem:s26+$0xC450];
	v1 =	vadd.f32 v3, v1;
	v2 =	vadd.f32 v2, v45  }
0x107: {  	v23 =	vld [tilespmem:s26+$0x450];
	v61 =	vadd.f32 v14, v57;
	v14 =	vadd.f32 $0.0e+00, v62  }
0x108: {  	v45 =	vld [tilespmem:s26+$0x8450];
	v43 =	vadd.f32 v1, v53;
	v53 =	vadd.f32 v22, v33  }
0x109: {  	v33 =	vld [tilespmem:s26+$0x460];
	v2 =	vadd.f32 v52, v2;
	v52 =	vmul.f32 v50, v38;
	v14 =	vadd.f32 v14, v49  }
0x10a: {  	v58 =	vmul.f32 v56, v42;
	v54 =	vmul.f32 v51, v38;
	v57 =	vadd.f32 v46, v40;
	v38 =	vld [tilespmem:s26+$0x4460]  }
0x10b: {  	v2 =	vadd.f32 v2, v55;
	v55 =	vmul.f32 v26, v39;
	v39 =	vld [tilespmem:s26+$0x8460];
	v14 =	vadd.f32 v52, v14  }
0x10c: {  	v3 =	vmul.f32 v63, v19;
	v60 =	vmul.f32 v57, v42;
	v42 =	vld [tilespmem:s26+$0x10460]  }
0x10d: {  	v14 =	vadd.f32 v14, v55  }
0x10e: {  	v1 =	vadd.f32 v3, v61;
	v61 =	vadd.f32 v41, v30  }
0x10f: {  	v12 =	vmul.f32 v44, v12;
	v63 =	vadd.f32 v8, v35;
	v14 =	vadd.f32 v58, v14  }
0x110: {  	v18 =	vmul.f32 v18, v21;
	v21 =	vmul.f32 v61, v9  }
0x111: {  	v9 =	vmul.f32 v63, v9;
	v63 =	vadd.f32 v42, v39;
	v12 =	vadd.f32 v14, v12;
	_ =	sdelay $0x1  }
0x112: {  	v12 =	vadd.f32 v21, v12;
	v21 =	vmul.f32 v63, v33;
	v63 =	vld [tilespmem:s26+$0x550];
	_ =	sdelay $0x4  }
0x113: {  	[tilespmem:$0x1F280] =	vst v63;
	v63 =	vld [tilespmem:s26+$0x10550];
	_ =	sdelay $0x4  }
0x114: {  	[tilespmem:$0x1F2A0] =	vst v63;
	v63 =	vld [tilespmem:s26+$0x4560];
	_ =	sdelay $0x4  }
0x115: {  	[tilespmem:$0x1F2F0] =	vst v63;
	v63 =	vld [tilespmem:s26+$0xC560];
	_ =	sdelay $0x4  }
0x116: {  	[tilespmem:$0x1F300] =	vst v63;
	v63 =	vld [tilespmem:s26+$0x570];
	_ =	sdelay $0x4  }
0x117: {  	[tilespmem:$0x1F420] =	vst v63;
	v63 =	vld [tilespmem:s26+$0x8570];
	_ =	sdelay $0x4  }
0x118: {  	[tilespmem:$0x1F460] =	vst v63;
	v63 =	vld [tilespmem:s26+$0x10570];
	_ =	sdelay $0x4  }
0x119: {  	[tilespmem:$0x1F470] =	vst v63;
	v63 =	vld [tilespmem:s26+$0x4580];
	_ =	sdelay $0x4  }
0x11a: {  	[tilespmem:$0x1F2B0] =	vst v63;
	v63 =	vld [tilespmem:s26+$0x10580];
	_ =	sdelay $0x4  }
0x11b: {  	[tilespmem:$0x1F2E0] =	vst v63;
	v63 =	vld [tilespmem:s26+$0x590];
	_ =	sdelay $0x4  }
0x11c: {  	[tilespmem:$0x1F340] =	vst v63;
	v63 =	vld [tilespmem:s26+$0x4590];
	_ =	sdelay $0x4  }
0x11d: {  	[tilespmem:$0x1F310] =	vst v63;
	v63 =	vld [tilespmem:s26+$0x8590];
	_ =	sdelay $0x4  }
0x11e: {  	[tilespmem:$0x1F370] =	vst v63;
	v63 =	vld [tilespmem:s26+$0xC590];
	_ =	sdelay $0x4  }
0x11f: {  	[tilespmem:$0x1F320] =	vst v63;
	v63 =	vld [tilespmem:s26+$0x10590];
	_ =	sdelay $0x4  }
0x120: {  	[tilespmem:$0x1F380] =	vst v63;
	v63 =	vld [tilespmem:s26+$0x5A0];
	_ =	sdelay $0x4  }
0x121: {  	[tilespmem:$0x1F3B0] =	vst v63;
	v63 =	vld [tilespmem:s26+$0x45A0];
	_ =	sdelay $0x4  }
0x122: {  	[tilespmem:$0x1F390] =	vst v63;
	v63 =	vld [tilespmem:s26+$0x85A0];
	_ =	sdelay $0x4  }
0x123: {  	[tilespmem:$0x1F3E0] =	vst v63;
	v63 =	vld [tilespmem:s26+$0xC5A0];
	_ =	sdelay $0x4  }
0x124: {  	[tilespmem:$0x1F3A0] =	vst v63;
	v63 =	vld [tilespmem:s26+$0x105A0];
	_ =	sdelay $0x4  }
0x125: {  	[tilespmem:$0x1F3F0] =	vst v63;
	v63 =	vld [tilespmem:s26+$0x5B0];
	_ =	sdelay $0x4  }
0x126: {  	[tilespmem:$0x1F430] =	vst v63;
	v63 =	vld [tilespmem:s26+$0x45B0];
	_ =	sdelay $0x4  }
0x127: {  	[tilespmem:$0x1F400] =	vst v63;
	v63 =	vld [tilespmem:s26+$0x85B0];
	_ =	sdelay $0x4  }
0x128: {  	[tilespmem:$0x1F440] =	vst v63;
	v63 =	vld [tilespmem:s26+$0xC5B0];
	_ =	sdelay $0x4  }
0x129: {  	[tilespmem:$0x1F410] =	vst v63;
	v63 =	vld [tilespmem:s26+$0x105B0];
	_ =	sdelay $0x4  }
0x12a: {  	[tilespmem:$0x1F450] =	vst v63;
	v63 =	vld [tilespmem:s26+$0x5C0];
	_ =	sdelay $0x4  }
0x12b: {  	[tilespmem:$0x1F4A0] =	vst v63;
	v63 =	vld [tilespmem:s26+$0x45C0]  }
0x12c: {  	v22 =	vld [tilespmem:s26+$0xC460]  }
0x12d: {  	v62 =	vmul.f32 v46, v40;
	v40 =	vld [tilespmem:s26+$0x470]  }
0x12e: {  	v15 =	vmul.f32 v17, v15;
	v17 =	vld [tilespmem:s26+$0x4470]  }
0x12f: {  	v30 =	vmul.f32 v41, v30;
	v41 =	vld [tilespmem:s26+$0xC470]  }
0x130: {  	[tilespmem:$0x1F480] =	vst v63;
	v63 =	vld [tilespmem:s26+$0x85C0]  }
0x131: {  	v48 =	vld [tilespmem:s26+$0x10470]  }
0x132: {  	v46 =	vld [tilespmem:s26+$0x480]  }
0x133: {  	v34 =	vld [tilespmem:s26+$0x4480]  }
0x134: {  	v44 =	vld [tilespmem:s26+$0x8480]  }
0x135: {  	v20 =	vmul.f32 v37, v20;
	v37 =	vadd.f32 v16, v29;
	[tilespmem:$0x1F4B0] =	vst v63;
	v63 =	vld [tilespmem:s26+$0xC5C0]  }
0x136: {  	v36 =	vadd.f32 v31, v27;
	v19 =	vadd.f32 v54, v53;
	v53 =	vmul.f32 v31, v27;
	v31 =	vld [tilespmem:s26+$0x10480]  }
0x137: {  	v51 =	vmul.f32 v37, v28;
	v37 =	vld [tilespmem:s26+$0x490]  }
0x138: {  	v27 =	vld [tilespmem:s26+$0x4490]  }
0x139: {  	v49 =	vmul.f32 v36, v28;
	v36 =	vld [tilespmem:s26+$0x8490]  }
0x13a: {  	[tilespmem:$0x1F490] =	vst v63;
	v63 =	vld [tilespmem:s26+$0x105C0]  }
0x13b: {  	v28 =	vld [tilespmem:s26+$0x4D0]  }
0x13c: {  	(xrf2) =	vadd.scan.msk.f32 $0xffff, v7;
	v7 =	vld [tilespmem:s26+$0x4500]  }
0x13d: {  	v8 =	vmul.f32 v8, v35;
	v35 =	vld [tilespmem:s26+$0x510]  }
0x13e: {  	(xrf2) =	vadd.scan.msk.f32 $0xffff, v11;
	v11 =	vld [tilespmem:s26+$0xC4D0]  }
0x13f: {  	v26 =	vadd.f32 v6, v0;
	[tilespmem:$0x1F4C0] =	vst v63;
	v63 =	vld [tilespmem:s26+$0x5D0]  }
0x140: {  	v2 =	vadd.f32 v59, v2;
	v59 =	vadd.f32 v19, v20;
	v19 =	vld [tilespmem:s26+$0x8470]  }
0x141: {  	v50 =	vmul.f32 v26, v13;
	v26 =	vld [tilespmem:s26+$0xC480]  }
0x142: {  	v1 =	vadd.f32 v1, v15;
	v15 =	vld [tilespmem:s26+$0x44A0]  }
0x143: {  	(xrf2) =	vadd.scan.msk.f32 $0xffff, v5;
	v5 =	vld [tilespmem:s26+$0x44B0]  }
0x144: {  	[tilespmem:$0x1F510] =	vst v63;
	v63 =	vld [tilespmem:s26+$0x45D0]  }
0x145: {  	(xrf2) =	vadd.scan.msk.f32 $0xffff, v43;
	v43 =	vld [tilespmem:s26+$0x4520]  }
0x146: {  	v54 =	vadd.f32 v24, v32;
	v3 =	vadd.f32 v60, v59;
	v60 =	vmul.f32 v24, v32;
	v24 =	vld [tilespmem:s26+$0x10490]  }
0x147: {  	v55 =	vmul.f32 v16, v29;
	v16 =	vld [tilespmem:s26+$0x104C0]  }
0x148: {  	v56 =	vadd.f32 v25, v45;
	v29 =	vld [tilespmem:s26+$0x84D0]  }
0x149: {  	v57 =	vmul.f32 v54, v23;
	[tilespmem:$0x1F4D0] =	vst v63;
	v63 =	vld [tilespmem:s26+$0x85D0]  }
0x14a: {  	v59 =	vmul.f32 v56, v23;
	v61 =	vadd.f32 v22, v38;
	v23 =	vmul.f32 v22, v38;
	v22 =	vld [tilespmem:s26+$0x84C0]  }
0x14b: {  	v3 =	vadd.f32 v3, v62;
	v58 =	vadd.f32 v10, v4;
	v4 =	vmul.f32 v10, v4;
	v10 =	vld [tilespmem:s26+$0xC4A0]  }
0x14c: {  	v62 =	vmul.f32 v25, v45;
	v25 =	vadd.f32 v41, v17;
	v45 =	vmul.f32 v41, v17;
	v17 =	vld [tilespmem:s26+$0x44D0]  }
0x14d: {  	v41 =	vld [tilespmem:s26+$0xC520]  }
0x14e: {  	v2 =	vadd.f32 v2, v18;
	[tilespmem:$0x1F520] =	vst v63;
	v63 =	vld [tilespmem:s26+$0xC5D0]  }
0x14f: {  	v0 =	vmul.f32 v6, v0;
	v20 =	vmul.f32 v61, v33;
	v61 =	vld [tilespmem:s26+$0x104F0]  }
0x150: {  	v32 =	vmul.f32 v42, v39;
	v2 =	vadd.f32 v50, v2;
	v39 =	vmul.f32 v25, v40;
	v25 =	vld [tilespmem:s26+$0x84A0]  }
0x151: {  	v14 =	vld [tilespmem:s26+$0x84B0]  }
0x152: {  	v0 =	vadd.f32 v2, v0;
	v2 =	vld [tilespmem:s26+$0xC4B0]  }
0x153: {  	v13 =	vmul.f32 v58, v13;
	[tilespmem:$0x1F4E0] =	vst v63;
	v63 =	vld [tilespmem:s26+$0x105D0]  }
0x154: {  	v3 =	vadd.f32 v9, v3;
	v58 =	vld [tilespmem:s26+$0x44F0]  }
0x155: {  	v38 =	vadd.f32 v13, v1;
	v13 =	vld [tilespmem:s26+$0x4B0]  }
0x156: {  	v3 =	vadd.f32 v3, v8;
	v8 =	vld [tilespmem:s26+$0x44C0]  }
0x157: {  	v47 =	vmul.f32 v48, v19;
	v33 =	vadd.f32 v48, v19;
	v19 =	vld [tilespmem:s26+$0x500]  }
0x158: {  	v1 =	vadd.f32 v31, v44;
	[tilespmem:$0x1F530] =	vst v63;
	v63 =	vld [tilespmem:s26+$0x5E0]  }
0x159: {  	v31 =	vmul.f32 v31, v44;
	v44 =	vadd.f32 v10, v15;
	v10 =	vmul.f32 v10, v15;
	v15 =	vld [tilespmem:s26+$0x86A0]  }
0x15a: {  	v12 =	vadd.f32 v12, v30;
	v30 =	vld [tilespmem:s26+$0x4A0]  }
0x15b: {  	v4 =	vadd.f32 v38, v4;
	v38 =	vld [tilespmem:s26+$0xC4E0]  }
0x15c: {  	v40 =	vmul.f32 v33, v40;
	v33 =	vld [tilespmem:s26+$0x4510]  }
0x15d: {  	(xrf2) =	vadd.scan.msk.f32 $0xffff, v0;
	v0 =	vadd.f32 v26, v34;
	[tilespmem:$0x1F670] =	vst v63;
	v63 =	vld [tilespmem:s26+$0x45E0]  }
0x15e: {  	[tilespmem:$0x1F250] =	vst v61;
	v61 =	vld [tilespmem:s26+$0x10540]  }
0x15f: {  	v0 =	vmul.f32 v0, v46;
	v1 =	vmul.f32 v1, v46;
	v46 =	vld [tilespmem:s26+$0x8670]  }
0x160: {  	[tilespmem:$0x1F210] =	vst v58;
	v58 =	vld [tilespmem:s26+$0x4540]  }
0x161: {  	v3 =	vadd.f32 v51, v3;
	v52 =	vadd.f32 v49, v12;
	v12 =	vld [tilespmem:s26+$0xC490]  }
0x162: {  	[tilespmem:$0x1F610] =	vst v63;
	v63 =	vld [tilespmem:s26+$0x85E0]  }
0x163: {  	v3 =	vadd.f32 v3, v55;
	(xrf2) =	vadd.scan.msk.f32 $0xffff, v4;
	v49, _, _ =	vpop (xrf2);
	v4 =	vld [tilespmem:s26+$0xC500]  }
0x164: {  	[tilespmem:$0x1FA40] =	vst v49;
	v49 =	vld [tilespmem:s26+$0x84E0]  }
0x165: {  	v50, _, _ =	vpop (xrf2);
	v3 =	vadd.f32 v59, v3;
	v59 =	vld [tilespmem:s26+$0x84F0]  }
0x166: {  	v1 =	vadd.f32 $0.0e+00, v1;
	[tilespmem:$0x1FB10] =	vst v50;
	v50 =	vld [tilespmem:s26+$0x10520]  }
0x167: {  	[tilespmem:$0x1F680] =	vst v63;
	v63 =	vld [tilespmem:s26+$0xC5E0]  }
0x168: {  	v9 =	vadd.f32 v52, v53;
	v51, _, _ =	vpop (xrf2);
	v1 =	vadd.f32 v1, v31;
	v31 =	vld [tilespmem:s26+$0x8680]  }
0x169: {  	[tilespmem:$0x1FA50] =	vst v51;
	v51 =	vld [tilespmem:s26+$0xC530]  }
0x16a: {  	v9 =	vadd.f32 v57, v9;
	v57 =	vld [tilespmem:s26+$0x4F0]  }
0x16b: {  	v3 =	vadd.f32 v3, v62;
	v62 =	vld [tilespmem:s26+$0x8540]  }
0x16c: {  	v52, _, _ =	vpop (xrf2);
	[tilespmem:$0x1F620] =	vst v63;
	v63 =	vld [tilespmem:s26+$0x105E0]  }
0x16d: {  	[tilespmem:$0x1FB20] =	vst v52;
	v52 =	vld [tilespmem:s26+$0x8520]  }
0x16e: {  	v26 =	vmul.f32 v26, v34;
	v34 =	vadd.f32 v12, v27;
	v12 =	vmul.f32 v12, v27;
	v27 =	vld [tilespmem:s26+$0x10680]  }
0x16f: {  	v18 =	vadd.f32 v9, v60;
	v9 =	vld [tilespmem:s26+$0x104A0]  }
0x170: {  	v60 =	vld [tilespmem:s26+$0xC4F0]  }
0x171: {  	[tilespmem:$0x1F690] =	vst v63;
	v63 =	vld [tilespmem:s26+$0x5F0]  }
0x172: {  	v0 =	vadd.f32 $0.0e+00, v0;
	v3 =	vadd.f32 v21, v3;
	v53, _, _ =	vpop (xrf2);
	v21 =	vld [tilespmem:s26+$0x8500]  }
0x173: {  	[tilespmem:$0x1FC60] =	vst v53;
	v53 =	vld [tilespmem:s26+$0x4530]  }
0x174: {  	v0 =	vadd.f32 v0, v26;
	[tilespmem:$0x1F240] =	vst v59;
	v59 =	vld [tilespmem:s26+$0x540]  }
0x175: {  	v26 =	vmul.f32 v34, v37;
	v34 =	vadd.f32 v24, v36;
	v24 =	vmul.f32 v24, v36;
	v36 =	vld [tilespmem:s26+$0xC680]  }
0x176: {  	[tilespmem:$0x1F780] =	vst v63;
	v63 =	vld [tilespmem:s26+$0x45F0]  }
0x177: {  	[tilespmem:$0x1F800] =	vst v31;
	v31 =	vld [tilespmem:s26+$0x690]  }
0x178: {  	v6 =	vadd.f32 v20, v18;
	v18 =	vld [tilespmem:s26+$0x4C0]  }
0x179: {  	v20 =	vld [tilespmem:s26+$0x10500]  }
0x17a: {  	v3 =	vadd.f32 v3, v32;
	v32 =	vld [tilespmem:s26+$0xC510]  }
0x17b: {  	[tilespmem:$0x1F700] =	vst v63;
	v63 =	vld [tilespmem:s26+$0x85F0]  }
0x17c: {  	[tilespmem:$0x1F230] =	vst v57;
	v57 =	vld [tilespmem:s26+$0x8530]  }
0x17d: {  	[tilespmem:$0x1F260] =	vst v62;
	v62 =	vld [tilespmem:s26+$0x8550]  }
0x17e: {  	v34 =	vmul.f32 v34, v37;
	v37 =	vld [tilespmem:s26+$0x4680]  }
0x17f: {  	v0 =	vadd.f32 v26, v0;
	v26 =	vld [tilespmem:s26+$0xC690]  }
0x180: {  	[tilespmem:$0x1F740] =	vst v63;
	v63 =	vld [tilespmem:s26+$0xC5F0]  }
0x181: {  	v6 =	vadd.f32 v6, v23;
	v23 =	vld [tilespmem:s26+$0x104D0]  }
0x182: {  	v3 =	vadd.f32 v40, v3;
	v54, _, _ =	vpop (xrf2);
	v40 =	vld [tilespmem:s26+$0x10510]  }
0x183: {  	[tilespmem:$0x1FCA0] =	vst v54;
	v54 =	vld [tilespmem:s26+$0x530]  }
0x184: {  	[tilespmem:$0x1F220] =	vst v60;
	v60 =	vld [tilespmem:s26+$0x4550]  }
0x185: {  	[tilespmem:$0x1F710] =	vst v63;
	v63 =	vld [tilespmem:s26+$0x105F0]  }
0x186: {  	v0 =	vadd.f32 v0, v12;
	v12 =	vld [tilespmem:s26+$0x46A0]  }
0x187: {  	v42 =	vadd.f32 v39, v6;
	v6 =	vld [tilespmem:s26+$0x104B0]  }
0x188: {  	v39 =	vld [tilespmem:s26+$0x44E0]  }
0x189: {  	v1 =	vadd.f32 v34, v1;
	v3 =	vadd.f32 v3, v47;
	v47 =	vld [tilespmem:s26+$0x520]  }
0x18a: {  	[tilespmem:$0x1F750] =	vst v63;
	v63 =	vld [tilespmem:s26+$0x600]  }
0x18b: {  	v1 =	vadd.f32 v1, v24;
	v24 =	vld [tilespmem:s26+$0x8690]  }
0x18c: {  	v48 =	vadd.f32 v42, v45;
	v45 =	vld [tilespmem:s26+$0x4E0]  }
0x18d: {  	v34 =	vadd.f32 v9, v25;
	v42 =	vld [tilespmem:s26+$0x8510]  }
0x18e: {  	[tilespmem:$0x1F290] =	vst v62;
	v62 =	vld [tilespmem:s26+$0xC550]  }
0x18f: {  	v44 =	vmul.f32 v44, v30;
	v30 =	vmul.f32 v34, v30;
	[tilespmem:$0x1F560] =	vst v63;
	v63 =	vld [tilespmem:s26+$0x4600]  }
0x190: {  	[tilespmem:$0x1F7F0] =	vst v37;
	v37 =	vld [tilespmem:s26+$0x4690]  }
0x191: {  	v1 =	vadd.f32 v30, v1;
	v30 =	vld [tilespmem:s26+$0x10690]  }
0x192: {  	(xrf2) =	vadd.scan.msk.f32 $0xffff, v48;
	v48 =	vld [tilespmem:s26+$0x104E0]  }
0x193: {  	v0 =	vadd.f32 v44, v0;
	v44 =	vadd.f32 v2, v5;
	[tilespmem:$0x1F270] =	vst v60;
	v60 =	vld [tilespmem:s26+$0x560]  }
0x194: {  	[tilespmem:$0x1F4F0] =	vst v63;
	v63 =	vld [tilespmem:s26+$0x8600]  }
0x195: {  	v0 =	vadd.f32 v0, v10;
	v34 =	vmul.f32 v44, v13;
	[tilespmem:$0x1F8A0] =	vst v12;
	v12 =	vld [tilespmem:s26+$0x46B0]  }
0x196: {  	(xrf2) =	vadd.scan.msk.f32 $0xffff, v3;
	v3 =	vld [tilespmem:s26+$0xC4C0];
	v44 =	vadd.f32 v6, v14  }
0x197: {  	[tilespmem:$0x1F810] =	vst v27;
	v9 =	vmul.f32 v9, v25;
	v0 =	vadd.f32 v34, v0;
	v34 =	vld [tilespmem:s26+$0x6A0]  }
0x198: {  	v27 =	vmul.f32 v44, v13;
	v44 =	vadd.f32 v16, v22;
	[tilespmem:$0x1F850] =	vst v30;
	v30 =	vmul.f32 v16, v22;
	v16 =	vld [tilespmem:s26+$0xC6B0]  }
0x199: {  	[tilespmem:$0x1F540] =	vst v63;
	v63 =	vld [tilespmem:s26+$0xC600]  }
0x19a: {  	v1 =	vadd.f32 v1, v9;
	[tilespmem:$0x1F820] =	vst v37;
	v22 =	vld [tilespmem:s26+$0x106B0]  }
0x19b: {  	v37 =	vmul.f32 v6, v14;
	v14 =	vadd.f32 v11, v17;
	[tilespmem:$0x1F330] =	vst v60;
	v60 =	vld [tilespmem:s26+$0x8560]  }
0x19c: {  	[tilespmem:$0x1F830] =	vst v26;
	v1 =	vadd.f32 v27, v1;
	v27 =	vld [tilespmem:s26+$0x106A0]  }
0x19d: {  	[tilespmem:$0x1F840] =	vst v24;
	v26 =	vmul.f32 v14, v28;
	v14 =	vld [tilespmem:s26+$0x86B0]  }
0x19e: {  	[tilespmem:$0x1F500] =	vst v63;
	v63 =	vld [tilespmem:s26+$0x10600]  }
0x19f: {  	[tilespmem:$0x1F900] =	vst v12;
	v12 =	vld [tilespmem:s26+$0x6D0];
	v25 =	vadd.f32 v3, v8  }
0x1a0: {  	v24 =	vmul.f32 v44, v18;
	[tilespmem:$0x1F8F0] =	vst v34;
	v34 =	vld [tilespmem:s26+$0x6B0];
	v1 =	vadd.f32 v1, v37  }
0x1a1: {  	[tilespmem:$0x1F860] =	vst v31;
	v31 =	vmul.f32 v25, v18;
	v25 =	vld [tilespmem:s26+$0xC6A0]  }
0x1a2: {  	v1 =	vadd.f32 v24, v1;
	v24 =	vld [tilespmem:s26+$0x6C0]  }
0x1a3: {  	[tilespmem:$0x1F550] =	vst v63;
	v63 =	vld [tilespmem:s26+$0x610]  }
0x1a4: {  	[tilespmem:$0x1F910] =	vst v16;
	v16 =	vld [tilespmem:s26+$0x46D0]  }
0x1a5: {  	v2 =	vmul.f32 v2, v5;
	[tilespmem:$0x1F930] =	vst v22;
	v22 =	vld [tilespmem:$0x1F220]  }
0x1a6: {  	[tilespmem:$0x1F350] =	vst v60;
	v60 =	vld [tilespmem:s26+$0x10560]  }
0x1a7: {  	v0 =	vadd.f32 v0, v2;
	[tilespmem:$0x1F8E0] =	vst v27;
	v27 =	vld [tilespmem:s26+$0x46C0]  }
0x1a8: {  	v37 =	vmul.f32 v11, v17;
	[tilespmem:$0x1F5B0] =	vst v63;
	v63 =	vld [tilespmem:s26+$0x4610]  }
0x1a9: {  	v17 =	vmul.f32 v23, v29;
	v55, _, _ =	vpop (xrf2);
	v0 =	vadd.f32 v31, v0;
	v31 =	vadd.f32 v23, v29;
	v29 =	vld [tilespmem:s26+$0x86C0]  }
0x1aa: {  	[tilespmem:$0x1FCB0] =	vst v55;
	v55 =	vld [tilespmem:s26+$0xC540]  }
0x1ab: {  	v23 =	vadd.f32 v38, v39;
	[tilespmem:$0x1F940] =	vst v34;
	v34 =	vmul.f32 v38, v39;
	v39 =	vld [tilespmem:s26+$0x106C0]  }
0x1ac: {  	v38 =	vld [tilespmem:s26+$0x86D0]  }
0x1ad: {  	v13 =	vmul.f32 v3, v8;
	v56, _, _ =	vpop (xrf2);
	[tilespmem:$0x1F570] =	vst v63;
	v63 =	vld [tilespmem:s26+$0x8610]  }
0x1ae: {  	[tilespmem:$0x1FDE0] =	vst v56;
	v56 =	vld [tilespmem:s26+$0x10530]  }
0x1af: {  	v44 =	vadd.f32 v4, v7;
	v0 =	vadd.f32 v0, v13;
	v13 =	vmul.f32 v31, v28;
	v31 =	vld [tilespmem:s26+$0xC6C0]  }
0x1b0: {  	v18 =	vadd.f32 v20, v21;
	v28 =	vmul.f32 v20, v21;
	v21 =	vld [tilespmem:$0x1F210]  }
0x1b1: {  	[tilespmem:$0x1F8D0] =	vst v15;
	v15 =	vmul.f32 v44, v19;
	v44 =	vadd.f32 v40, v42;
	v20 =	vmul.f32 v40, v42;
	v40 =	vld [tilespmem:s26+$0x106E0]  }
0x1b2: {  	[tilespmem:$0x1F590] =	vst v63;
	v63 =	vld [tilespmem:s26+$0xC610]  }
0x1b3: {  	v1 =	vadd.f32 v1, v30;
	v30 =	vadd.f32 v48, v49;
	v42 =	vld [tilespmem:$0x1F240]  }
0x1b4: {  	v2 =	vadd.f32 $0.0e+00, v15;
	v15 =	vadd.f32 v41, v43;
	[tilespmem:$0x1F8B0] =	vst v25;
	v25 =	vmul.f32 v18, v19;
	v19 =	vld [tilespmem:s26+$0xC6D0]  }
0x1b5: {  	v4 =	vmul.f32 v4, v7;
	v7 =	vmul.f32 v30, v45;
	v30 =	vld [tilespmem:$0x1F230]  }
0x1b6: {  	v18 =	vmul.f32 v15, v47;
	v15 =	vld [tilespmem:s26+$0x10700]  }
0x1b7: {  	v0 =	vadd.f32 v26, v0;
	[tilespmem:$0x1F580] =	vst v63;
	v63 =	vld [tilespmem:s26+$0x10610]  }
0x1b8: {  	v1 =	vadd.f32 v13, v1;
	v26 =	vadd.f32 v32, v33;
	v13 =	vmul.f32 v32, v33;
	v33 =	vld [tilespmem:s26+$0x86E0]  }
0x1b9: {  	[tilespmem:$0x1F360] =	vst v60;
	v60 =	vld [tilespmem:s26+$0x4570]  }
0x1ba: {  	v3 =	vadd.f32 $0.0e+00, v25;
	v25 =	vld [tilespmem:s26+$0x106D0]  }
0x1bb: {  	[tilespmem:$0x1F980] =	vst v24;
	v24 =	vadd.f32 v50, v52;
	v5 =	vmul.f32 v26, v35;
	v26 =	vmul.f32 v41, v43;
	v43 =	vld [tilespmem:$0x1F250]  }
0x1bc: {  	[tilespmem:$0x1F5A0] =	vst v63;
	v63 =	vld [tilespmem:s26+$0x620]  }
0x1bd: {  	[tilespmem:$0x1F970] =	vst v29;
	v29 =	vmul.f32 v24, v47;
	v47 =	vld [tilespmem:s26+$0x6F0]  }
0x1be: {  	v1 =	vadd.f32 v1, v17;
	v17 =	vmul.f32 v48, v49;
	v49 =	vld [tilespmem:s26+$0x46F0]  }
0x1bf: {  	[tilespmem:$0x1F920] =	vst v14;
	v14 =	vmul.f32 v44, v35;
	v35 =	vmul.f32 v50, v52;
	v52 =	vld [tilespmem:s26+$0x86F0]  }
0x1c0: {  	v24 =	vld [tilespmem:$0x1F280]  }
0x1c1: {  	[tilespmem:$0x1F600] =	vst v63;
	v63 =	vld [tilespmem:s26+$0x4620]  }
0x1c2: {  	[tilespmem:$0x1F950] =	vst v27;
	v3 =	vadd.f32 v3, v28;
	v28 =	vld [tilespmem:s26+$0x6E0]  }
0x1c3: {  	v27 =	vadd.f32 v51, v53;
	v0 =	vadd.f32 v0, v37;
	[tilespmem:$0x1F960] =	vst v31;
	v31 =	vld [tilespmem:s26+$0x46E0]  }
0x1c4: {  	v41 =	vmul.f32 v51, v53;
	v37 =	vadd.f32 v56, v57;
	v53 =	vmul.f32 v56, v57;
	v57 =	vld [tilespmem:s26+$0xC6F0]  }
0x1c5: {  	v6 =	vmul.f32 v23, v45;
	v23 =	vadd.f32 v22, v21;
	v48 =	vmul.f32 v22, v21;
	v22 =	vld [tilespmem:s26+$0x700]  }
0x1c6: {  	[tilespmem:$0x1F5C0] =	vst v63;
	v63 =	vld [tilespmem:s26+$0x8620]  }
0x1c7: {  	v32 =	vmul.f32 v27, v54;
	v27 =	vld [tilespmem:$0x1F290]  }
0x1c8: {  	v2 =	vadd.f32 v2, v4;
	v0 =	vadd.f32 v6, v0;
	v4 =	vmul.f32 v37, v54;
	v54 =	vld [tilespmem:$0x1F260]  }
0x1c9: {  	[tilespmem:$0x1F3C0] =	vst v60;
	v60 =	vld [tilespmem:s26+$0xC570]  }
0x1ca: {  	v3 =	vadd.f32 v14, v3;
	v0 =	vadd.f32 v0, v34;
	v34 =	vld [tilespmem:s26+$0xC6E0]  }
0x1cb: {  	v2 =	vadd.f32 v5, v2;
	[tilespmem:$0x1F5E0] =	vst v63;
	v63 =	vld [tilespmem:s26+$0xC620]  }
0x1cc: {  	v1 =	vadd.f32 v7, v1;
	v3 =	vadd.f32 v3, v20;
	v20 =	vld [tilespmem:s26+$0x106F0]  }
0x1cd: {  	v7 =	vmul.f32 v23, v30;
	v44 =	vadd.f32 v43, v42;
	v23 =	vmul.f32 v43, v42;
	v43 =	vld [tilespmem:s26+$0x710]  }
0x1ce: {  	[tilespmem:$0x1FAC0] =	vst v52;
	v52 =	vld [tilespmem:$0x1F2F0]  }
0x1cf: {  	v2 =	vadd.f32 v2, v13;
	v1 =	vadd.f32 v1, v17;
	v17 =	vld [tilespmem:$0x1F3C0]  }
0x1d0: {  	[tilespmem:$0x1F5D0] =	vst v63;
	v63 =	vld [tilespmem:s26+$0x10620]  }
0x1d1: {  	v2 =	vadd.f32 v18, v2;
	v18 =	vld [tilespmem:$0x1F270]  }
0x1d2: {  	[tilespmem:$0x1FA00] =	vst v28;
	v28 =	vld [tilespmem:$0x1F2A0]  }
0x1d3: {  	[tilespmem:$0x1FA80] =	vst v57;
	v57 =	vld [tilespmem:s26+$0x8700]  }
0x1d4: {  	[tilespmem:$0x1F9E0] =	vst v31;
	v31 =	vld [tilespmem:$0x1F2B0]  }
0x1d5: {  	v3 =	vadd.f32 v29, v3;
	[tilespmem:$0x1F5F0] =	vst v63;
	v63 =	vld [tilespmem:s26+$0x630]  }
0x1d6: {  	v45 =	vadd.f32 v55, v58;
	v56 =	vadd.f32 v61, v54;
	[tilespmem:$0x1F3D0] =	vst v60;
	v60 =	vld [tilespmem:s26+$0x580]  }
0x1d7: {  	[tilespmem:$0x1FA70] =	vst v49;
	v3 =	vadd.f32 v3, v35;
	v49 =	vld [tilespmem:$0x1F2E0]  }
0x1d8: {  	v51 =	vmul.f32 v45, v59;
	v21 =	vmul.f32 v56, v59;
	v59 =	vld [tilespmem:s26+$0x8710]  }
0x1d9: {  	v3 =	vadd.f32 v4, v3;
	v4 =	vld [tilespmem:s26+$0xC700]  }
0x1da: {  	v2 =	vadd.f32 v2, v26;
	[tilespmem:$0x1F6A0] =	vst v63;
	v63 =	vld [tilespmem:s26+$0x4630]  }
0x1db: {  	[tilespmem:$0x1FAB0] =	vst v47;
	v29 =	vadd.f32 v28, v27;
	v47 =	vmul.f32 v28, v27;
	v27 =	vld [tilespmem:s26+$0xC710]  }
0x1dc: {  	v2 =	vadd.f32 v32, v2;
	v28 =	vld [tilespmem:$0x1F350]  }
0x1dd: {  	[tilespmem:$0x1F9A0] =	vst v19;
	v50 =	vmul.f32 v44, v30;
	v19 =	vadd.f32 v62, v18;
	v30 =	vmul.f32 v62, v18;
	v62 =	vld [tilespmem:s26+$0x8720]  }
0x1de: {  	v2 =	vadd.f32 v2, v41;
	v41 =	vld [tilespmem:s26+$0x10710]  }
0x1df: {  	[tilespmem:$0x1F630] =	vst v63;
	v63 =	vld [tilespmem:s26+$0x8630]  }
0x1e0: {  	[tilespmem:$0x1F9C0] =	vst v25;
	v3 =	vadd.f32 v3, v53;
	v53 =	vld [tilespmem:$0x1F300]  }
0x1e1: {  	[tilespmem:$0x1F9F0] =	vst v34;
	v25 =	vmul.f32 v19, v24;
	v34 =	vmul.f32 v29, v24;
	v24 =	vld [tilespmem:$0x1F330]  }
0x1e2: {  	v29 =	vld [tilespmem:$0x1F360]  }
0x1e3: {  	[tilespmem:$0x1F2C0] =	vst v60;
	v60 =	vld [tilespmem:s26+$0x8580]  }
0x1e4: {  	[tilespmem:$0x1F650] =	vst v63;
	v63 =	vld [tilespmem:s26+$0xC630]  }
0x1e5: {  	v58 =	vmul.f32 v55, v58;
	v2 =	vadd.f32 v51, v2;
	v37 =	vld [tilespmem:$0x1F2C0]  }
0x1e6: {  	v26 =	vmul.f32 v61, v54;
	v3 =	vadd.f32 v21, v3;
	v21 =	vld [tilespmem:$0x1F3D0]  }
0x1e7: {  	v6 =	vadd.f32 v2, v58;
	v2 =	vld [tilespmem:s26+$0x4700]  }
0x1e8: {  	[tilespmem:$0x1FA10] =	vst v33;
	v33 =	vadd.f32 v3, v26;
	v26 =	vld [tilespmem:$0x1F340]  }
0x1e9: {  	v0 =	vadd.f32 v7, v0;
	[tilespmem:$0x1F640] =	vst v63;
	v63 =	vld [tilespmem:s26+$0x10630]  }
0x1ea: {  	v6 =	vadd.f32 v25, v6;
	[tilespmem:$0x1F2D0] =	vst v60;
	v60 =	vld [tilespmem:s26+$0xC580]  }
0x1eb: {  	v0 =	vadd.f32 v0, v48;
	v48 =	vld [tilespmem:$0x1F2D0]  }
0x1ec: {  	v35 =	vadd.f32 v6, v30;
	v6 =	vld [tilespmem:s26+$0x4710]  }
0x1ed: {  	v56 =	vld [tilespmem:$0x1F310]  }
0x1ee: {  	v54 =	vadd.f32 v53, v52;
	v30 =	vadd.f32 v29, v28;
	[tilespmem:$0x1F660] =	vst v63;
	v63 =	vld [tilespmem:s26+$0x640]  }
0x1ef: {  	v44 =	vmul.f32 v29, v28;
	v29 =	vld [tilespmem:s26+$0x4740]  }
0x1f0: {  	v25 =	vmul.f32 v54, v24;
	v9 =	vmul.f32 v30, v24;
	v24 =	vld [tilespmem:s26+$0xC720]  }
0x1f1: {  	v58 =	vld [tilespmem:$0x1F320]  }
0x1f2: {  	v32 =	vadd.f32 v60, v31;
	v51 =	vmul.f32 v60, v31;
	v60 =	vld [tilespmem:s26+$0x720]  }
0x1f3: {  	v1 =	vadd.f32 v50, v1;
	v50 =	vadd.f32 v49, v48;
	[tilespmem:$0x1F6F0] =	vst v63;
	v63 =	vld [tilespmem:s26+$0x4640]  }
0x1f4: {  	v31 =	vld [tilespmem:$0x1F370];
	v45 =	vmul.f32 v32, v37  }
0x1f5: {  	v1 =	vadd.f32 v1, v23;
	v10 =	vmul.f32 v49, v48;
	v48 =	vld [tilespmem:s26+$0x730];
	v55 =	vmul.f32 v50, v37  }
0x1f6: {  	v5 =	vadd.f32 $0.0e+00, v45;
	v23 =	vadd.f32 v58, v56;
	v32 =	vld [tilespmem:$0x1F380]  }
0x1f7: {  	v3 =	vadd.f32 $0.0e+00, v55;
	v55 =	vld [tilespmem:s26+$0x10720]  }
0x1f8: {  	v8 =	vadd.f32 v5, v51;
	v7 =	vmul.f32 v23, v26;
	[tilespmem:$0x1F6B0] =	vst v63;
	v63 =	vld [tilespmem:s26+$0x8640]  }
0x1f9: {  	v5 =	vld [tilespmem:s26+$0x4720]  }
0x1fa: {  	[tilespmem:$0x1FDF0] =	vst v0;
	v0 =	vadd.f32 v34, v33;
	v34 =	vmul.f32 v58, v56;
	v7 =	vadd.f32 v7, v8;
	v45 =	vld [tilespmem:$0x1F3B0]  }
0x1fb: {  	v33 =	vadd.f32 v32, v31;
	v50 =	vmul.f32 v32, v31;
	v32 =	vld [tilespmem:s26+$0x8730]  }
0x1fc: {  	v8 =	vadd.f32 v7, v34;
	v7 =	vld [tilespmem:s26+$0x4730]  }
0x1fd: {  	[tilespmem:$0x1F6D0] =	vst v63;
	v63 =	vld [tilespmem:s26+$0xC640]  }
0x1fe: {  	[tilespmem:$0x1FEF0] =	vst v1;
	v1 =	vadd.f32 v25, v35;
	v35 =	vmul.f32 v33, v26;
	v33 =	vld [tilespmem:$0x1F420]  }
0x1ff: {  	v3 =	vadd.f32 v3, v10;
	v37 =	vld [tilespmem:$0x1F390]  }
0x200: {  	[tilespmem:$0x1FA30] =	vst v32;
	v32 =	vld [tilespmem:s26+$0x10740]  }
0x201: {  	[tilespmem:$0x1FA20] =	vst v40;
	v11 =	vmul.f32 v53, v52;
	v3 =	vadd.f32 v35, v3;
	v40 =	vld [tilespmem:$0x1F3A0]  }
0x202: {  	v51 =	vadd.f32 v21, v17;
	[tilespmem:$0x1F6C0] =	vst v63;
	v63 =	vld [tilespmem:s26+$0x10640]  }
0x203: {  	v1 =	vadd.f32 v1, v11;
	v11 =	vadd.f32 v3, v50;
	v3 =	vld [tilespmem:s26+$0x10730]  }
0x204: {  	[tilespmem:$0x1F9B0] =	vst v12;
	v50 =	vld [tilespmem:$0x1F460];
	v12 =	vmul.f32 v51, v33  }
0x205: {  	v51 =	vld [tilespmem:$0x1F470]  }
0x206: {  	v1 =	vadd.f32 v12, v1;
	v12 =	vld [tilespmem:s26+$0xC740]  }
0x207: {  	v42 =	vadd.f32 v40, v37;
	[tilespmem:$0x1F6E0] =	vst v63;
	v63 =	vld [tilespmem:s26+$0x650]  }
0x208: {  	v52 =	vld [tilespmem:$0x1F3E0]  }
0x209: {  	v0 =	vadd.f32 v0, v47;
	v53 =	vld [tilespmem:$0x1F3F0];
	v47 =	vmul.f32 v42, v45  }
0x20a: {  	v56 =	vmul.f32 v40, v37;
	v40 =	vld [tilespmem:s26+$0x740]  }
0x20b: {  	v10 =	vadd.f32 v47, v8;
	v8 =	vld [tilespmem:s26+$0xC730]  }
0x20c: {  	[tilespmem:$0x1F790] =	vst v63;
	v63 =	vld [tilespmem:s26+$0x4650]  }
0x20d: {  	v0 =	vadd.f32 v9, v0;
	v58 =	vld [tilespmem:$0x1F400]  }
0x20e: {  	v54 =	vadd.f32 v53, v52;
	v42 =	vmul.f32 v53, v52;
	v52 =	vadd.f32 v51, v50;
	v61 =	vld [tilespmem:$0x1F410]  }
0x20f: {  	v35 =	vld [tilespmem:$0x1F430]  }
0x210: {  	v0 =	vadd.f32 v0, v44;
	[tilespmem:$0x1FA60] =	vst v40;
	v40 =	vld [tilespmem:s26+$0x750];
	v14 =	vmul.f32 v52, v33  }
0x211: {  	[tilespmem:$0x1F720] =	vst v63;
	v63 =	vld [tilespmem:s26+$0x8650]  }
0x212: {  	v0 =	vadd.f32 v14, v0;
	v14 =	vld [tilespmem:s26+$0xC750]  }
0x213: {  	v44 =	vld [tilespmem:$0x1F440];
	v31 =	vadd.f32 v61, v58  }
0x214: {  	v13 =	vmul.f32 v54, v45;
	v45 =	vld [tilespmem:$0x1F450]  }
0x215: {  	v34 =	vadd.f32 v10, v56;
	v49 =	vmul.f32 v61, v58;
	v58 =	vld [tilespmem:s26+$0x8740];
	v37 =	vmul.f32 v31, v35  }
0x216: {  	[tilespmem:$0x1F760] =	vst v63;
	v63 =	vld [tilespmem:s26+$0xC650]  }
0x217: {  	v9 =	vadd.f32 v37, v34;
	v53 =	vld [tilespmem:$0x1F480]  }
0x218: {  	v11 =	vadd.f32 v13, v11;
	v54 =	vld [tilespmem:$0x1F490]  }
0x219: {  	v47 =	vadd.f32 v45, v44;
	v9 =	vadd.f32 v9, v49;
	v49 =	vld [tilespmem:s26+$0x8750]  }
0x21a: {  	v61 =	vld [tilespmem:$0x1F4A0]  }
0x21b: {  	v11 =	vadd.f32 v11, v42;
	v10 =	vmul.f32 v47, v35;
	[tilespmem:$0x1F730] =	vst v63;
	v63 =	vld [tilespmem:s26+$0x10650]  }
0x21c: {  	v33 =	vmul.f32 v45, v44;
	v45 =	vld [tilespmem:s26+$0x4750]  }
0x21d: {  	v10 =	vadd.f32 v10, v11;
	v11 =	vld [tilespmem:s26+$0x10750];
	v56 =	vadd.f32 v54, v53  }
0x21e: {  	[tilespmem:$0x1FB00] =	vst v49;
	v49 =	vld [tilespmem:s26+$0x8760]  }
0x21f: {  	v17 =	vmul.f32 v21, v17;
	v34 =	vld [tilespmem:$0x1F4B0];
	v31 =	vmul.f32 v56, v61  }
0x220: {  	[tilespmem:$0x1F770] =	vst v63;
	v63 =	vld [tilespmem:s26+$0x660]  }
0x221: {  	v1 =	vadd.f32 v1, v17;
	v35 =	vld [tilespmem:$0x1F4C0];
	v44 =	vmul.f32 v54, v53;
	v42 =	vadd.f32 v31, v9  }
0x222: {  	[tilespmem:$0x1FA90] =	vst v58;
	v58 =	vld [tilespmem:$0x1F510]  }
0x223: {  	[tilespmem:$0x1FF30] =	vst v1;
	v1 =	vadd.f32 v42, v44;
	v44 =	vld [tilespmem:s26+$0x4760]  }
0x224: {  	[tilespmem:$0x1FAD0] =	vst v20;
	v20 =	vld [tilespmem:$0x1F4D0]  }
0x225: {  	[tilespmem:$0x1F7C0] =	vst v63;
	v63 =	vld [tilespmem:s26+$0x4660]  }
0x226: {  	v21 =	vld [tilespmem:$0x1F520]  }
0x227: {  	v23 =	vld [tilespmem:$0x1F4E0]  }
0x228: {  	[tilespmem:$0x1F9D0] =	vst v22;
	v22 =	vld [tilespmem:$0x1F530]  }
0x229: {  	v50 =	vmul.f32 v51, v50;
	v37 =	vadd.f32 v35, v34;
	v53 =	vld [tilespmem:$0x1F4F0]  }
0x22a: {  	[tilespmem:$0x1F7A0] =	vst v63;
	v63 =	vld [tilespmem:s26+$0x8660]  }
0x22b: {  	v0 =	vadd.f32 v0, v50;
	v10 =	vadd.f32 v10, v33;
	v47 =	vmul.f32 v37, v61;
	v33 =	vld [tilespmem:$0x1F540]  }
0x22c: {  	[tilespmem:$0x1FAF0] =	vst v40;
	v52 =	vmul.f32 v35, v34;
	v34 =	vld [tilespmem:$0x1F550]  }
0x22d: {  	[tilespmem:$0x1FF40] =	vst v0;
	v10 =	vadd.f32 v47, v10;
	v61 =	vadd.f32 v22, v21;
	v54 =	vld [tilespmem:$0x1F500]  }
0x22e: {  	[tilespmem:$0x1FAE0] =	vst v45;
	v40 =	vld [tilespmem:$0x1F560]  }
0x22f: {  	v0 =	vadd.f32 v10, v52;
	v45 =	vmul.f32 v61, v58;
	[tilespmem:$0x1F7D0] =	vst v63;
	v63 =	vld [tilespmem:s26+$0xC660]  }
0x230: {  	v37 =	vld [tilespmem:s26+$0x760]  }
0x231: {  	v0 =	vadd.f32 v45, v0;
	v45 =	vld [tilespmem:s26+$0x4770];
	v35 =	vadd.f32 v34, v33  }
0x232: {  	v56 =	vadd.f32 v54, v53;
	v50 =	vmul.f32 v54, v53;
	v54 =	vld [tilespmem:s26+$0xC760]  }
0x233: {  	v51 =	vadd.f32 v23, v20;
	v47 =	vmul.f32 v35, v40;
	v35 =	vld [tilespmem:$0x1F5B0]  }
0x234: {  	[tilespmem:$0x1F7B0] =	vst v63;
	v63 =	vld [tilespmem:s26+$0x10660]  }
0x235: {  	v9 =	vmul.f32 v51, v58;
	v51 =	vld [tilespmem:$0x1F570]  }
0x236: {  	v52 =	vld [tilespmem:$0x1F580]  }
0x237: {  	v58 =	vld [tilespmem:$0x1F590]  }
0x238: {  	v61 =	vld [tilespmem:$0x1F5A0]  }
0x239: {  	[tilespmem:$0x1F7E0] =	vst v63;
	v63 =	vld [tilespmem:s26+$0x670]  }
0x23a: {  	v42 =	vmul.f32 v56, v40;
	v56 =	vmul.f32 v34, v33;
	v34 =	vld [tilespmem:s26+$0x10760]  }
0x23b: {  	v40 =	vld [tilespmem:s26+$0x770];
	v53 =	vadd.f32 v52, v51  }
0x23c: {  	[tilespmem:$0x1F990] =	vst v16;
	v13 =	vadd.f32 $0.0e+00, v47;
	v47 =	vmul.f32 v52, v51;
	v52 =	vld [tilespmem:s26+$0x8770]  }
0x23d: {  	[tilespmem:$0x1FB60] =	vst v37;
	v37 =	vmul.f32 v53, v35;
	v33 =	vadd.f32 v61, v58;
	v53 =	vmul.f32 v61, v58;
	v61 =	vld [tilespmem:s26+$0xC770]  }
0x23e: {  	[tilespmem:$0x1F890] =	vst v63;
	v63 =	vld [tilespmem:s26+$0x4670]  }
0x23f: {  	[tilespmem:$0x1FAA0] =	vst v32;
	v31 =	vld [tilespmem:$0x1F600]  }
0x240: {  	[tilespmem:$0x1FB40] =	vst v44;
	v10 =	vadd.f32 $0.0e+00, v42;
	v44 =	vmul.f32 v33, v35;
	v33 =	vld [tilespmem:s26+$0x10770]  }
0x241: {  	[tilespmem:$0x1FB80] =	vst v49;
	v49 =	vld [tilespmem:$0x1F5C0]  }
0x242: {  	[tilespmem:$0x1FBD0] =	vst v45;
	v10 =	vadd.f32 v10, v50;
	v50 =	vld [tilespmem:$0x1F5D0]  }
0x243: {  	[tilespmem:$0x1F870] =	vst v63;
	v63 =	vld [tilespmem:s26+$0xC670]  }
0x244: {  	[tilespmem:$0x1FB50] =	vst v54;
	v54 =	vld [tilespmem:$0x1F5E0]  }
0x245: {  	[tilespmem:$0x1FB90] =	vst v34;
	v42 =	vadd.f32 v13, v56;
	v56 =	vld [tilespmem:$0x1F5F0]  }
0x246: {  	v1 =	vadd.f32 v9, v1;
	[tilespmem:$0x1FC00] =	vst v40;
	v10 =	vadd.f32 v37, v10;
	v35 =	vld [tilespmem:s26+$0x780]  }
0x247: {  	[tilespmem:$0x1FC20] =	vst v52;
	v9 =	vadd.f32 v44, v42;
	v42 =	vld [tilespmem:s26+$0x8780];
	v51 =	vadd.f32 v50, v49  }
0x248: {  	[tilespmem:$0x1F880] =	vst v63;
	v63 =	vld [tilespmem:s26+$0x10670]  }
0x249: {  	v30 =	vmul.f32 v22, v21;
	v22 =	vld [tilespmem:$0x1F610];
	v10 =	vadd.f32 v10, v47;
	[tilespmem:$0x1FBE0] =	vst v61;
	v32 =	vmul.f32 v51, v31  }
0x24a: {  	v28 =	vld [tilespmem:$0x1F620];
	[tilespmem:$0x1FC30] =	vst v33;
	v58 =	vadd.f32 v56, v54  }
0x24b: {  	[tilespmem:$0x1FB30] =	vst v35;
	v16 =	vadd.f32 v32, v10;
	v10 =	vld [tilespmem:s26+$0x4780]  }
0x24c: {  	[tilespmem:$0x1FB70] =	vst v42;
	v34 =	vmul.f32 v58, v31;
	v31 =	vld [tilespmem:$0x1F630]  }
0x24d: {  	[tilespmem:$0x1F8C0] =	vst v63;
	v63 =	vld [tilespmem:s26+$0x680]  }
0x24e: {  	v45 =	vld [tilespmem:$0x1F640]  }
0x24f: {  	v0 =	vadd.f32 v0, v30;
	v30 =	vld [tilespmem:$0x1F650]  }
0x250: {  	v32 =	vld [tilespmem:$0x1F660]  }
0x251: {  	v26 =	vld [tilespmem:s26+$0xC780]  }
0x252: {  	v37 =	vmul.f32 v50, v49;
	v50 =	vld [tilespmem:$0x1F670]  }
0x253: {  	v20 =	vmul.f32 v23, v20;
	v9 =	vadd.f32 v9, v53;
	v23 =	vld [tilespmem:$0x1F680]  }
0x254: {  	v44 =	vmul.f32 v56, v54;
	v56 =	vld [tilespmem:$0x1F690]  }
0x255: {  	v9 =	vadd.f32 v34, v9;
	v53 =	vld [tilespmem:s26+$0x10780]  }
0x256: {  	v61 =	vld [tilespmem:$0x1F6A0]  }
0x257: {  	v9 =	vadd.f32 v9, v44;
	v44 =	vld [tilespmem:s26+$0x790]  }
0x258: {  	v42 =	vld [tilespmem:s26+$0x4790]  }
0x259: {  	v51 =	vld [tilespmem:$0x1F6E0]  }
0x25a: {  	v52 =	vld [tilespmem:s26+$0x87A0]  }
0x25b: {  	v54 =	vld [tilespmem:s26+$0x10790]  }
0x25c: {  	v25 =	vld [tilespmem:$0x1F750]  }
0x25d: {  	v34 =	vld [tilespmem:$0x1F7B0]  }
0x25e: {  	v47 =	vadd.f32 v45, v31;
	v58 =	vadd.f32 v56, v23;
	v45 =	vmul.f32 v45, v31;
	v31 =	vld [tilespmem:$0x1F6D0]  }
0x25f: {  	v49 =	vadd.f32 v32, v30;
	[tilespmem:$0x1FBF0] =	vst v52;
	v52 =	vld [tilespmem:s26+$0x107A0]  }
0x260: {  	v40 =	vadd.f32 v28, v22;
	v17 =	vmul.f32 v58, v50;
	v58 =	vld [tilespmem:$0x1F6B0]  }
0x261: {  	v16 =	vadd.f32 v16, v37;
	v35 =	vmul.f32 v47, v61;
	v37 =	vmul.f32 v49, v61;
	v61 =	vld [tilespmem:$0x1F6C0]  }
0x262: {  	v1 =	vadd.f32 v1, v20;
	v13 =	vmul.f32 v40, v50;
	v47 =	vld [tilespmem:s26+$0x8790]  }
0x263: {  	v9 =	vadd.f32 v37, v9;
	v37 =	vld [tilespmem:$0x1F6F0]  }
0x264: {  	v1 =	vadd.f32 v13, v1;
	v13 =	vmul.f32 v28, v22;
	v22 =	vld [tilespmem:s26+$0xC790]  }
0x265: {  	v28 =	vld [tilespmem:$0x1F700]  }
0x266: {  	v49 =	vmul.f32 v32, v30;
	v30 =	vld [tilespmem:$0x1F710];
	v16 =	vadd.f32 v35, v16;
	v50 =	vadd.f32 v61, v58  }
0x267: {  	v32 =	vld [tilespmem:$0x1F720];
	v0 =	vadd.f32 v17, v0  }
0x268: {  	v35 =	vmul.f32 v56, v23;
	v23 =	vld [tilespmem:$0x1F740];
	v16 =	vadd.f32 v16, v45;
	v40 =	vmul.f32 v50, v37  }
0x269: {  	v9 =	vadd.f32 v9, v49;
	v49 =	vld [tilespmem:s26+$0x7A0]  }
0x26a: {  	v0 =	vadd.f32 v0, v35;
	v35 =	vld [tilespmem:$0x1F760];
	v56 =	vmul.f32 v61, v58;
	v50 =	vadd.f32 v40, v16  }
0x26b: {  	[tilespmem:$0x1FBB0] =	vst v47;
	v47 =	vld [tilespmem:s26+$0x47A0]  }
0x26c: {  	v1 =	vadd.f32 v1, v13;
	v13 =	vadd.f32 v50, v56;
	v56 =	vld [tilespmem:$0x1F780]  }
0x26d: {  	v33 =	vadd.f32 v51, v31;
	v58 =	vadd.f32 v30, v28;
	v18 =	vmul.f32 v30, v28;
	v28 =	vld [tilespmem:$0x1F7E0]  }
0x26e: {  	v30 =	vld [tilespmem:$0x1F7F0]  }
0x26f: {  	v19 =	vmul.f32 v33, v37;
	v37 =	vld [tilespmem:$0x1F770]  }
0x270: {  	[tilespmem:$0x1FBC0] =	vst v49;
	v49 =	vld [tilespmem:s26+$0x7B0]  }
0x271: {  	v16 =	vmul.f32 v58, v56;
	v58 =	vld [tilespmem:$0x1F790]  }
0x272: {  	v33 =	vld [tilespmem:s26+$0xC7A0]  }
0x273: {  	v40 =	vld [tilespmem:$0x1F730]  }
0x274: {  	v9 =	vadd.f32 v19, v9;
	v19 =	vmul.f32 v51, v31;
	v31 =	vld [tilespmem:$0x1F7C0];
	v45 =	vadd.f32 v37, v35  }
0x275: {  	[tilespmem:$0x1FBA0] =	vst v44;
	v44 =	vadd.f32 v25, v23;
	v21 =	vmul.f32 v37, v35;
	v35 =	vld [tilespmem:s26+$0xC7B0]  }
0x276: {  	v9 =	vadd.f32 v9, v19;
	[tilespmem:$0x1FC10] =	vst v49;
	v49 =	vld [tilespmem:s26+$0x7C0];
	v51 =	vmul.f32 v45, v58  }
0x277: {  	v50 =	vmul.f32 v44, v56;
	v44 =	vld [tilespmem:s26+$0x47B0]  }
0x278: {  	v61 =	vadd.f32 v40, v32;
	v56 =	vmul.f32 v40, v32;
	v32 =	vld [tilespmem:$0x1F7A0];
	v9 =	vadd.f32 v51, v9  }
0x279: {  	v0 =	vadd.f32 v50, v0;
	v50 =	vmul.f32 v25, v23;
	v25 =	vld [tilespmem:$0x1F800]  }
0x27a: {  	v9 =	vadd.f32 v9, v21;
	v21 =	vld [tilespmem:$0x1F7D0]  }
0x27b: {  	[tilespmem:$0x1FC40] =	vst v49;
	v49 =	vld [tilespmem:s26+$0x87C0];
	v61 =	vmul.f32 v61, v58  }
0x27c: {  	v23 =	vld [tilespmem:$0x1F820]  }
0x27d: {  	v58 =	vadd.f32 v34, v32;
	v45 =	vld [tilespmem:s26+$0x107B0];
	v13 =	vadd.f32 v61, v13  }
0x27e: {  	v1 =	vadd.f32 v16, v1;
	v61 =	vld [tilespmem:s26+$0x87B0];
	v51 =	vadd.f32 v36, v30  }
0x27f: {  	v37 =	vmul.f32 v58, v31;
	v58 =	vld [tilespmem:s26+$0x47C0];
	v13 =	vadd.f32 v13, v56;
	v40 =	vadd.f32 v28, v21  }
0x280: {  	v1 =	vadd.f32 v1, v18;
	v0 =	vadd.f32 v0, v50;
	[tilespmem:$0x1FC50] =	vst v49;
	v49 =	vld [tilespmem:s26+$0x7E0];
	v50 =	vmul.f32 v51, v63  }
0x281: {  	v56 =	vmul.f32 v34, v32;
	v13 =	vadd.f32 v37, v13;
	v16 =	vmul.f32 v40, v31;
	v31 =	vld [tilespmem:$0x1F810]  }
0x282: {  	[tilespmem:$0x1FF60] =	vst v0;
	v0 =	vadd.f32 $0.0e+00, v50;
	v50 =	vld [tilespmem:$0x1F860]  }
0x283: {  	[tilespmem:$0x1FF50] =	vst v1;
	v1 =	vadd.f32 v13, v56;
	v56 =	vld [tilespmem:s26+$0x7D0]  }
0x284: {  	v40 =	vld [tilespmem:s26+$0xC7C0]  }
0x285: {  	v9 =	vadd.f32 v16, v9;
	v16 =	vmul.f32 v36, v30;
	v30 =	vld [tilespmem:$0x1F830]  }
0x286: {  	v36 =	vld [tilespmem:$0x1F840];
	v37 =	vadd.f32 v31, v25  }
0x287: {  	v25 =	vmul.f32 v31, v25;
	v31 =	vld [tilespmem:$0x1F850]  }
0x288: {  	v51 =	vmul.f32 v37, v63;
	v63 =	vld [tilespmem:s26+$0x107C0]  }
0x289: {  	v37 =	vmul.f32 v28, v21;
	v28 =	vld [tilespmem:s26+$0x87D0]  }
0x28a: {  	v0 =	vadd.f32 v0, v16;
	v17 =	vadd.f32 v30, v23;
	v16 =	vmul.f32 v30, v23;
	v30 =	vld [tilespmem:$0x1F890]  }
0x28b: {  	v21 =	vld [tilespmem:$0x1F8C0];
	v13 =	vadd.f32 $0.0e+00, v51  }
0x28c: {  	v9 =	vadd.f32 v9, v37;
	v37 =	vld [tilespmem:s26+$0x107D0]  }
0x28d: {  	v34 =	vadd.f32 v31, v36;
	v13 =	vadd.f32 v13, v25;
	v25 =	vld [tilespmem:$0x1F870]  }
0x28e: {  	[tilespmem:$0x1FC80] =	vst v28;
	v28 =	vld [tilespmem:$0x1F880]  }
0x28f: {  	v19 =	vmul.f32 v31, v36;
	v36 =	vld [tilespmem:$0x1F8E0];
	v32 =	vmul.f32 v34, v50  }
0x290: {  	v31 =	vld [tilespmem:$0x1F8F0]  }
0x291: {  	[tilespmem:$0x1FC70] =	vst v56;
	v56 =	vmul.f32 v17, v50;
	v13 =	vadd.f32 v32, v13;
	v32 =	vld [tilespmem:$0x1F8A0]  }
0x292: {  	[tilespmem:$0x1FC90] =	vst v37;
	v37 =	vld [tilespmem:$0x1F8B0]  }
0x293: {  	v0 =	vadd.f32 v56, v0;
	v56 =	vld [tilespmem:s26+$0x47E0];
	v34 =	vadd.f32 v28, v25  }
0x294: {  	v25 =	vmul.f32 v28, v25;
	v28 =	vld [tilespmem:s26+$0x47F0]  }
0x295: {  	v17 =	vmul.f32 v34, v30;
	v34 =	vld [tilespmem:$0x1F8D0]  }
0x296: {  	v51 =	vld [tilespmem:s26+$0x47D0]  }
0x297: {  	v50 =	vld [tilespmem:s26+$0xC7D0];
	v20 =	vadd.f32 v21, v46;
	v18 =	vadd.f32 v37, v32  }
0x298: {  	v0 =	vadd.f32 v0, v16;
	[tilespmem:$0x1FCC0] =	vst v56;
	v56 =	vld [tilespmem:s26+$0x87E0]  }
0x299: {  	[tilespmem:$0x1FCF0] =	vst v49;
	v1 =	vadd.f32 v17, v1;
	v49 =	vmul.f32 v18, v31;
	v17 =	vmul.f32 v20, v30;
	v30 =	vld [tilespmem:s26+$0x107E0]  }
0x29a: {  	[tilespmem:$0x1FD50] =	vst v28;
	v28 =	vld [tilespmem:s26+$0xC7F0];
	v23 =	vadd.f32 v36, v34  }
0x29b: {  	v0 =	vadd.f32 v49, v0;
	v49 =	vmul.f32 v37, v32;
	v32 =	vld [tilespmem:$0x1F910]  }
0x29c: {  	v18 =	vmul.f32 v23, v31;
	v31 =	vld [tilespmem:s26+$0xC7E0]  }
0x29d: {  	v37 =	vld [tilespmem:s26+$0x7F0]  }
0x29e: {  	v13 =	vadd.f32 v13, v19;
	v0 =	vadd.f32 v0, v49;
	v49 =	vld [tilespmem:$0x1F940]  }
0x29f: {  	[tilespmem:$0x1FD10] =	vst v30;
	v30 =	vld [tilespmem:$0x1F920]  }
0x2a0: {  	v13 =	vadd.f32 v18, v13;
	v18 =	vmul.f32 v36, v34;
	v34 =	vld [tilespmem:$0x1F930]  }
0x2a1: {  	[tilespmem:$0x1FCD0] =	vst v31;
	v31 =	vld [tilespmem:$0x1F900]  }
0x2a2: {  	v1 =	vadd.f32 v1, v25;
	[tilespmem:$0x1FD90] =	vst v37;
	v37 =	vld [tilespmem:s26+$0x87F0]  }
0x2a3: {  	v9 =	vadd.f32 v17, v9;
	v17 =	vld [tilespmem:s26+$0xC800]  }
0x2a4: {  	[tilespmem:$0x1FF70] =	vst v1;
	v1 =	vld [tilespmem:$0x1F9B0]  }
0x2a5: {  	[tilespmem:$0x1FD00] =	vst v56;
	v23 =	vld [tilespmem:$0x1F950];
	v36 =	vadd.f32 v34, v30  }
0x2a6: {  	[tilespmem:$0x1FD60] =	vst v28;
	v28 =	vld [tilespmem:$0x1F970];
	v56 =	vadd.f32 v32, v31  }
0x2a7: {  	v13 =	vadd.f32 v13, v18;
	v18 =	vld [tilespmem:$0x1F9F0];
	[tilespmem:$0x1FDA0] =	vst v37;
	v37 =	vmul.f32 v21, v46;
	v36 =	vmul.f32 v36, v49  }
0x2a8: {  	v56 =	vmul.f32 v56, v49;
	v49 =	vmul.f32 v32, v31;
	v31 =	vld [tilespmem:$0x1F960]  }
0x2a9: {  	v46 =	vld [tilespmem:$0x1F980]  }
0x2aa: {  	v9 =	vadd.f32 v9, v37;
	v37 =	vld [tilespmem:s26+$0x8800]  }
0x2ab: {  	v13 =	vadd.f32 v36, v13;
	v36 =	vld [tilespmem:s26+$0x107F0];
	v32 =	vmul.f32 v34, v30  }
0x2ac: {  	[tilespmem:$0x1FF80] =	vst v9;
	v9 =	vld [tilespmem:$0x1F9C0];
	v0 =	vadd.f32 v56, v0  }
0x2ad: {  	v30 =	vadd.f32 v13, v32;
	v32 =	vld [tilespmem:$0x1F9A0];
	v56 =	vadd.f32 v31, v23  }
0x2ae: {  	v34 =	vadd.f32 v39, v28;
	v13 =	vld [tilespmem:$0x1F9D0]  }
0x2af: {  	v0 =	vadd.f32 v0, v49;
	v49 =	vld [tilespmem:s26+$0x800];
	v56 =	vmul.f32 v56, v46  }
0x2b0: {  	v46 =	vmul.f32 v34, v46;
	v34 =	vld [tilespmem:s26+$0x4800]  }
0x2b1: {  	v0 =	vadd.f32 v56, v0;
	v56 =	vmul.f32 v31, v23;
	v31 =	vld [tilespmem:$0x1F990]  }
0x2b2: {  	v25 =	vadd.f32 v46, v30;
	v23 =	vld [tilespmem:s26+$0x10800]  }
0x2b3: {  	v30 =	vmul.f32 v39, v28;
	v39 =	vadd.f32 v4, v2;
	v2 =	vmul.f32 v4, v2;
	v4 =	vld [tilespmem:s26+$0x8810]  }
0x2b4: {  	v46 =	vadd.f32 v15, v57;
	v0 =	vadd.f32 v0, v56;
	v56 =	vld [tilespmem:s26+$0x810]  }
0x2b5: {  	v16 =	vadd.f32 v25, v30;
	v25 =	vadd.f32 v9, v38;
	v20 =	vmul.f32 v39, v13;
	v39 =	vld [tilespmem:s26+$0x4810]  }
0x2b6: {  	[tilespmem:$0x1FDB0] =	vst v36;
	v13 =	vmul.f32 v46, v13;
	v36 =	vadd.f32 v32, v31;
	v28 =	vmul.f32 v32, v31;
	v32 =	vld [tilespmem:s26+$0xC810]  }
0x2b7: {  	v21 =	vadd.f32 v27, v6;
	v25 =	vmul.f32 v25, v1;
	v31 =	vld [tilespmem:s26+$0x820]  }
0x2b8: {  	v20 =	vadd.f32 $0.0e+00, v20;
	[tilespmem:$0x1FCE0] =	vst v4;
	v4 =	vadd.f32 $0.0e+00, v13;
	v13 =	vld [tilespmem:$0x1F9E0]  }
0x2b9: {  	v16 =	vadd.f32 v25, v16;
	v25 =	vmul.f32 v9, v38;
	v38 =	vld [tilespmem:s26+$0x10810]  }
0x2ba: {  	v46 =	vmul.f32 v21, v43;
	v2 =	vadd.f32 v20, v2;
	v20 =	vld [tilespmem:s26+$0x4830]  }
0x2bb: {  	v9 =	vadd.f32 v41, v59;
	v19 =	vmul.f32 v36, v1;
	v1 =	vld [tilespmem:$0x1FA20]  }
0x2bc: {  	v15 =	vmul.f32 v15, v57;
	v2 =	vadd.f32 v46, v2;
	v46 =	vld [tilespmem:s26+$0x8820]  }
0x2bd: {  	v57 =	vmul.f32 v9, v43;
	v9 =	vld [tilespmem:$0x1FA00]  }
0x2be: {  	v4 =	vadd.f32 v4, v15;
	v43 =	vld [tilespmem:s26+$0x10820]  }
0x2bf: {  	v15 =	vmul.f32 v41, v59;
	v41 =	vadd.f32 v8, v7;
	v19 =	vadd.f32 v19, v0;
	v0 =	vld [tilespmem:$0x1FA10]  }
0x2c0: {  	v4 =	vadd.f32 v57, v4;
	v57 =	vld [tilespmem:s26+$0x830]  }
0x2c1: {  	v36 =	vadd.f32 v18, v13;
	v59 =	vmul.f32 v18, v13;
	v18 =	vmul.f32 v41, v48;
	v41 =	vld [tilespmem:$0x1FA40]  }
0x2c2: {  	v28 =	vadd.f32 v19, v28;
	v19 =	vld [tilespmem:s26+$0x4820]  }
0x2c3: {  	v4 =	vadd.f32 v4, v15;
	v15 =	vld [tilespmem:$0x1FA90]  }
0x2c4: {  	v30 =	vmul.f32 v36, v9;
	v36 =	vld [tilespmem:s26+$0xC820]  }
0x2c5: {  	v21 =	vadd.f32 v24, v5;
	[tilespmem:$0x1FD40] =	vst v46;
	v46 =	vld [tilespmem:s26+$0x8830]  }
0x2c6: {  	v16 =	vadd.f32 v16, v25;
	v25 =	vadd.f32 v30, v28;
	v30 =	vld [tilespmem:s26+$0x10830]  }
0x2c7: {  	v6 =	vmul.f32 v27, v6;
	v28 =	vld [tilespmem:s26+$0x8840];
	[tilespmem:$0x1FD20] =	vst v19;
	v19 =	vmul.f32 v21, v60;
	v21 =	vadd.f32 v1, v0  }
0x2c8: {  	v59 =	vadd.f32 v25, v59;
	v25 =	vmul.f32 v8, v7;
	v8 =	vmul.f32 v1, v0;
	v1 =	vld [tilespmem:$0x1FA70]  }
0x2c9: {  	v2 =	vadd.f32 v2, v6;
	v6 =	vadd.f32 v55, v62;
	v0 =	vld [tilespmem:$0x1FAB0]  }
0x2ca: {  	[tilespmem:$0x1FD80] =	vst v46;
	v46 =	vld [tilespmem:s26+$0xC830]  }
0x2cb: {  	v6 =	vmul.f32 v6, v60;
	v60 =	vmul.f32 v21, v9;
	v9 =	vld [tilespmem:$0x1FA30]  }
0x2cc: {  	v21 =	vld [tilespmem:s26+$0x840]  }
0x2cd: {  	v2 =	vadd.f32 v19, v2;
	v19 =	vmul.f32 v55, v62;
	v55 =	vld [tilespmem:s26+$0x4840]  }
0x2ce: {  	v5 =	vmul.f32 v24, v5;
	v4 =	vadd.f32 v6, v4;
	v7 =	vadd.f32 v60, v16;
	v16 =	vld [tilespmem:s26+$0xC840]  }
0x2cf: {  	v60 =	vld [tilespmem:$0x1FA50]  }
0x2d0: {  	v2 =	vadd.f32 v2, v5;
	v4 =	vadd.f32 v4, v19;
	v19 =	vld [tilespmem:$0x1FAA0]  }
0x2d1: {  	[tilespmem:$0x1FDC0] =	vst v28;
	v28 =	vld [tilespmem:s26+$0xC850]  }
0x2d2: {  	v2 =	vadd.f32 v18, v2;
	v18 =	vld [tilespmem:$0x1FAE0]  }
0x2d3: {  	[tilespmem:$0x1FD70] =	vst v20;
	v20 =	vadd.f32 v3, v9;
	v3 =	vmul.f32 v3, v9;
	v9 =	vld [tilespmem:$0x1FA60]  }
0x2d4: {  	v5 =	vadd.f32 v2, v25;
	v25 =	vld [tilespmem:$0x1FA80]  }
0x2d5: {  	v2 =	vld [tilespmem:$0x1FAC0];
	v27 =	vmul.f32 v20, v48  }
0x2d6: {  	v48 =	vbroadcast v41, $0xF;
	v62 =	vbroadcast v60, $0xF;
	v41 =	vld [tilespmem:s26+$0x8850]  }
0x2d7: {  	[tilespmem:$0x1FD30] =	vst v31;
	v31 =	vadd.f32 v12, v29;
	v4 =	vadd.f32 v27, v4;
	v27 =	vld [tilespmem:s26+$0x10840]  }
0x2d8: {  	v13 =	vsel vm0, v48, v62;
	v62 =	vadd.f32 v19, v15;
	v48 =	vld [tilespmem:s26+$0x4850]  }
0x2d9: {  	[tilespmem:$0x1FDD0] =	vst v21;
	v21 =	vmul.f32 v31, v9;
	v31 =	vld [tilespmem:s26+$0x850]  }
0x2da: {  	v6 =	vadd.f32 v7, v8;
	v60 =	vadd.f32 v25, v1;
	v7 =	vmul.f32 v62, v9;
	v9 =	vld [tilespmem:$0x1FAD0]  }
0x2db: {  	v8 =	vmul.f32 v12, v29;
	v3 =	vadd.f32 v4, v3;
	v29 =	vmul.f32 v25, v1;
	v25 =	vld [tilespmem:s26+$0x10850]  }
0x2dc: {  	v20 =	vmul.f32 v60, v0;
	v60 =	vld [tilespmem:s26+$0x860]  }
0x2dd: {  	v3 =	vadd.f32 v7, v3;
	v7 =	vmul.f32 v19, v15;
	v15 =	vld [tilespmem:$0x1FAF0]  }
0x2de: {  	v4 =	vadd.f32 v21, v5;
	v19 =	vld [tilespmem:$0x1FB10];
	v5 =	vadd.f32 v20, v59  }
0x2df: {  	v59 =	vadd.f32 v14, v18;
	v3 =	vadd.f32 v3, v7;
	v7 =	vmul.f32 v14, v18;
	v18 =	vld [tilespmem:s26+$0x10860]  }
0x2e0: {  	v20 =	vld [tilespmem:$0x1FB20];
	v21 =	vadd.f32 v9, v2  }
0x2e1: {  	v1 =	vadd.f32 v5, v29;
	v29 =	vld [tilespmem:s26+$0xC860]  }
0x2e2: {  	v12 =	vmul.f32 v21, v0;
	v21 =	vld [tilespmem:$0x1FB00]  }
0x2e3: {  	v62 =	vmul.f32 v59, v15;
	v59 =	vld [tilespmem:s26+$0x4860]  }
0x2e4: {  	[tilespmem:$0x1FE00] =	vst v60;
	v60 =	vld [tilespmem:s26+$0x8860]  }
0x2e5: {  	[tilespmem:$0x1FF90] =	vst v1;
	v1 =	vld [tilespmem:$0x1FB80]  }
0x2e6: {  	[tilespmem:$0x1FE20] =	vst v18;
	v18 =	vld [tilespmem:$0x1FB30]  }
0x2e7: {  	v5 =	vadd.f32 v12, v6;
	v6 =	vmul.f32 v9, v2;
	v9 =	vld [tilespmem:$0x1FB60]  }
0x2e8: {  	v12 =	vld [tilespmem:$0x1FB70]  }
0x2e9: {  	v4 =	vadd.f32 v4, v8;
	v2 =	vld [tilespmem:$0x1FB90]  }
0x2ea: {  	v24 =	vadd.f32 v11, v21;
	v8 =	vmul.f32 v11, v21;
	v11 =	vld [tilespmem:$0x1FB40]  }
0x2eb: {  	v4 =	vadd.f32 v62, v4;
	v62 =	vadd.f32 v26, v10;
	v21 =	vbroadcast v20, $0xF;
	v20 =	vld [tilespmem:s26+$0x4870]  }
0x2ec: {  	[tilespmem:$0x1FE10] =	vst v60;
	v60 =	vadd.f32 v5, v6;
	v0 =	vmul.f32 v24, v15;
	v24 =	vld [tilespmem:s26+$0x870]  }
0x2ed: {  	v62 =	vmul.f32 v62, v18;
	v15 =	vld [tilespmem:$0x1FB50];
	v6 =	vadd.f32 v53, v12  }
0x2ee: {  	[tilespmem:$0x1FFA0] =	vst v60;
	v60 =	vmul.f32 v26, v10;
	v10 =	vld [tilespmem:$0x1FBF0];
	v0 =	vadd.f32 v0, v3;
	v3 =	vbroadcast v19, $0xF  }
0x2ef: {  	v5 =	vadd.f32 $0.0e+00, v62;
	v6 =	vmul.f32 v6, v18;
	v18 =	vld [tilespmem:$0x1FBC0]  }
0x2f0: {  	v14 =	vsel vm0, v3, v21;
	v21 =	vld [tilespmem:s26+$0x8870]  }
0x2f1: {  	v5 =	vadd.f32 v5, v60;
	v60 =	vmul.f32 v53, v12;
	v53 =	vld [tilespmem:s26+$0x8880]  }
0x2f2: {  	v62 =	vadd.f32 v2, v1;
	v12 =	vld [tilespmem:$0x1FBD0];
	v19 =	vadd.f32 v15, v11  }
0x2f3: {  	v3 =	vadd.f32 v4, v7;
	[tilespmem:$0x1FE70] =	vst v24;
	v24 =	vld [tilespmem:s26+$0xC870]  }
0x2f4: {  	v0 =	vadd.f32 v0, v8;
	v8 =	vmul.f32 v62, v9;
	v4 =	vmul.f32 v19, v9;
	v9 =	vld [tilespmem:$0x1FBB0]  }
0x2f5: {  	v19 =	vld [tilespmem:s26+$0xC880]  }
0x2f6: {  	v3 =	vadd.f32 v4, v3;
	v4 =	vmul.f32 v15, v11;
	v15 =	vld [tilespmem:$0x1FBA0]  }
0x2f7: {  	[tilespmem:$0x1FEA0] =	vst v21;
	v21 =	vadd.f32 v22, v42;
	v22 =	vmul.f32 v22, v42;
	v42 =	vld [tilespmem:s26+$0x4890]  }
0x2f8: {  	v11 =	vadd.f32 v33, v47;
	v33 =	vmul.f32 v33, v47;
	v47 =	vld [tilespmem:s26+$0x10890]  }
0x2f9: {  	v6 =	vadd.f32 $0.0e+00, v6;
	[tilespmem:$0x1FE60] =	vst v24;
	v24 =	vld [tilespmem:s26+$0x10870]  }
0x2fa: {  	v62 =	vadd.f32 v54, v9;
	v54 =	vmul.f32 v54, v9;
	v9 =	vld [tilespmem:s26+$0x8890]  }
0x2fb: {  	v7 =	vadd.f32 v3, v4;
	v4 =	vadd.f32 v6, v60;
	v60 =	vld [tilespmem:s26+$0x890]  }
0x2fc: {  	v3 =	vadd.f32 v8, v0;
	v0 =	vld [tilespmem:$0x1FC20]  }
0x2fd: {  	v26 =	vmul.f32 v21, v15;
	v15 =	vmul.f32 v62, v15;
	v62 =	vld [tilespmem:$0x1FBE0]  }
0x2fe: {  	v21 =	vld [tilespmem:s26+$0x4880]  }
0x2ff: {  	v5 =	vadd.f32 v26, v5;
	[tilespmem:$0x1FE30] =	vst v9;
	v9 =	vld [tilespmem:$0x1FC00]  }
0x300: {  	[tilespmem:$0x1FEB0] =	vst v24;
	v24 =	vld [tilespmem:s26+$0x880]  }
0x301: {  	v26 =	vld [tilespmem:s26+$0x10880];
	v5 =	vadd.f32 v5, v22;
	v22 =	vmul.f32 v11, v18  }
0x302: {  	[tilespmem:$0x1FE50] =	vst v20;
	v6 =	vadd.f32 v15, v4;
	v4 =	vld [tilespmem:$0x1FC10];
	v20 =	vadd.f32 v62, v12  }
0x303: {  	v15 =	vld [tilespmem:s26+$0xC890];
	v5 =	vadd.f32 v22, v5;
	v22 =	vadd.f32 v52, v10  }
0x304: {  	v2 =	vmul.f32 v2, v1;
	v11 =	vmul.f32 v20, v9;
	v20 =	vadd.f32 v6, v54;
	v54 =	vld [tilespmem:s26+$0x8A0]  }
0x305: {  	v1 =	vadd.f32 v35, v44;
	v22 =	vmul.f32 v22, v18;
	v6 =	vmul.f32 v52, v10;
	v52 =	vld [tilespmem:s26+$0x88A0]  }
0x306: {  	v2 =	vadd.f32 v3, v2;
	v18 =	vld [tilespmem:s26+$0xC8A0]  }
0x307: {  	v1 =	vmul.f32 v1, v4;
	v5 =	vadd.f32 v5, v33;
	v3 =	vadd.f32 v22, v20;
	v22 =	vld [tilespmem:s26+$0x48A0]  }
0x308: {  	v8 =	vadd.f32 v11, v7;
	v7 =	vadd.f32 v45, v61;
	v20 =	vld [tilespmem:$0x1FC30]  }
0x309: {  	v1 =	vadd.f32 v1, v5;
	v5 =	vmul.f32 v35, v44;
	v44 =	vadd.f32 v40, v58;
	v35 =	vld [tilespmem:s26+$0x88B0]  }
0x30a: {  	v40 =	vmul.f32 v40, v58;
	v58 =	vld [tilespmem:s26+$0x108B0];
	v6 =	vadd.f32 v3, v6;
	v7 =	vmul.f32 v7, v4  }
0x30b: {  	v4 =	vmul.f32 v62, v12;
	v12 =	vld [tilespmem:$0x1FC40]  }
0x30c: {  	v1 =	vadd.f32 v1, v5;
	v5 =	vadd.f32 v7, v6;
	v7 =	vld [tilespmem:s26+$0x8B0]  }
0x30d: {  	[tilespmem:$0x1FE40] =	vst v52;
	v52 =	vld [tilespmem:s26+$0x108A0]  }
0x30e: {  	v6 =	vmul.f32 v45, v61;
	v61 =	vld [tilespmem:s26+$0x48B0];
	v33 =	vadd.f32 v20, v0  }
0x30f: {  	[tilespmem:$0x1FE90] =	vst v35;
	v35 =	vld [tilespmem:s26+$0xC8C0]  }
0x310: {  	v33 =	vmul.f32 v33, v9;
	v44 =	vmul.f32 v44, v12;
	v9 =	vld [tilespmem:$0x1FC70]  }
0x311: {  	[tilespmem:$0x1FE80] =	vst v7;
	v7 =	vld [tilespmem:$0x1FC50]  }
0x312: {  	v6 =	vadd.f32 v5, v6;
	v5 =	vld [tilespmem:$0x1FC80];
	v11 =	vadd.f32 v44, v1  }
0x313: {  	v3 =	vadd.f32 v33, v2;
	v33 =	vmul.f32 v20, v0;
	v20 =	vld [tilespmem:$0x1FC60];
	v44 =	vadd.f32 v50, v51  }
0x314: {  	v2 =	vadd.f32 v11, v40;
	v40 =	vld [tilespmem:s26+$0x48C0]  }
0x315: {  	v4 =	vadd.f32 v8, v4;
	v11 =	vld [tilespmem:$0x1FCA0];
	v1 =	vmul.f32 v44, v9  }
0x316: {  	v62 =	vadd.f32 v17, v34;
	v44 =	vmul.f32 v17, v34;
	v17 =	vld [tilespmem:s26+$0xC8D0];
	v10 =	vadd.f32 v63, v7  }
0x317: {  	[tilespmem:$0x1FFB0] =	vst v4;
	v4 =	vmul.f32 v63, v7;
	v7 =	vld [tilespmem:$0x1FC90];
	v1 =	vadd.f32 v1, v2;
	v63 =	vmul.f32 v50, v51  }
0x318: {  	v45 =	vmul.f32 v10, v12;
	v12 =	vld [tilespmem:s26+$0xC8B0]  }
0x319: {  	v51 =	vmul.f32 v62, v49;
	v1 =	vadd.f32 v1, v63;
	v63 =	vld [tilespmem:s26+$0x108C0]  }
0x31a: {  	v3 =	vadd.f32 v3, v33;
	v0 =	vbroadcast v20, $0xF;
	v20 =	vbroadcast v11, $0xF;
	v11 =	vld [tilespmem:s26+$0x8D0]  }
0x31b: {  	v62 =	vadd.f32 $0.0e+00, v51;
	v51 =	vld [tilespmem:s26+$0x88D0]  }
0x31c: {  	[tilespmem:$0x1FFC0] =	vst v3;
	v0 =	vsel vm1, v13, v0;
	v13 =	vadd.f32 v32, v39;
	v3 =	vadd.f32 v45, v6;
	v45 =	vld [tilespmem:s26+$0x8C0]  }
0x31d: {  	v10 =	vsel vm1, v14, v20;
	v14 =	vld [tilespmem:$0x1FCB0]  }
0x31e: {  	v34 =	vadd.f32 v62, v44;
	v44 =	vmul.f32 v13, v56;
	v13 =	vld [tilespmem:s26+$0x108D0]  }
0x31f: {  	v6 =	vadd.f32 v7, v5;
	v33 =	vmul.f32 v7, v5;
	v5 =	vld [tilespmem:$0x1FCC0]  }
0x320: {  	v20 =	vadd.f32 v23, v37;
	v7 =	vld [tilespmem:$0x1FCD0]  }
0x321: {  	v23 =	vmul.f32 v23, v37;
	v37 =	vadd.f32 v44, v34;
	v44 =	vld [tilespmem:$0x1FCF0]  }
0x322: {  	v3 =	vadd.f32 v3, v4;
	v8 =	vmul.f32 v20, v49;
	v4 =	vld [tilespmem:$0x1FD00];
	v20 =	vbroadcast v14, $0xF  }
0x323: {  	v34 =	vld [tilespmem:s26+$0x48E0]  }
0x324: {  	v50 =	vmul.f32 v6, v9;
	v14 =	vsel vm2, v0, v20;
	v20 =	vld [tilespmem:$0x1FCE0]  }
0x325: {  	v8 =	vadd.f32 $0.0e+00, v8;
	[tilespmem:$0x1FEC0] =	vst v45;
	v45 =	vld [tilespmem:s26+$0x88C0]  }
0x326: {  	v3 =	vadd.f32 v50, v3;
	v50 =	vld [tilespmem:s26+$0x48D0];
	v62 =	vadd.f32 v7, v5  }
0x327: {  	v9 =	vadd.f32 v8, v23;
	v23 =	vld [tilespmem:s26+$0x8E0]  }
0x328: {  	v8 =	vld [tilespmem:$0x1FD20];
	v49 =	vmul.f32 v62, v44  }
0x329: {  	v2 =	vadd.f32 v3, v33;
	v33 =	vld [tilespmem:s26+$0x88E0];
	v6 =	vadd.f32 v38, v20  }
0x32a: {  	v1 =	vadd.f32 v49, v1;
	v49 =	vmul.f32 v7, v5;
	v7 =	vld [tilespmem:$0x1FD30]  }
0x32b: {  	v3 =	vmul.f32 v6, v56;
	v6 =	vld [tilespmem:$0x1FD10]  }
0x32c: {  	v32 =	vmul.f32 v32, v39;
	v62 =	vld [tilespmem:s26+$0x8F0]  }
0x32d: {  	[tilespmem:$0x1FED0] =	vst v11;
	v11 =	vadd.f32 v36, v8;
	v36 =	vmul.f32 v36, v8;
	v8 =	vld [tilespmem:$0x1FD60]  }
0x32e: {  	v32 =	vadd.f32 v37, v32;
	v37 =	vmul.f32 v38, v20;
	v20 =	vld [tilespmem:$0x1FD40]  }
0x32f: {  	[tilespmem:$0x1FEE0] =	vst v33;
	v33 =	vld [tilespmem:s26+$0x108E0];
	v38 =	vmul.f32 v11, v7;
	v3 =	vadd.f32 v3, v9  }
0x330: {  	v9 =	vadd.f32 v1, v49;
	v49 =	vld [tilespmem:s26+$0x48F0];
	v56 =	vadd.f32 v6, v4  }
0x331: {  	v1 =	vadd.f32 v38, v32;
	v32 =	vld [tilespmem:s26+$0xC8F0]  }
0x332: {  	v5 =	vmul.f32 v6, v4;
	v6 =	vld [tilespmem:$0x1FD50];
	v39 =	vmul.f32 v56, v44  }
0x333: {  	v44 =	vadd.f32 v43, v20;
	v43 =	vmul.f32 v43, v20;
	v20 =	vadd.f32 v1, v36;
	v1 =	vld [tilespmem:$0x1FD90]  }
0x334: {  	v39 =	vadd.f32 v39, v2;
	v2 =	vadd.f32 v3, v37;
	v3 =	vld [tilespmem:$0x1FD70]  }
0x335: {  	v0 =	vmul.f32 v44, v7;
	v37 =	vld [tilespmem:s26+$0x108F0]  }
0x336: {  	v56 =	vld [tilespmem:s26+$0xC8E0]  }
0x337: {  	v11 =	vadd.f32 v8, v6;
	v4 =	vadd.f32 v0, v2;
	v0 =	vld [tilespmem:$0x1FD80]  }
0x338: {  	v44 =	vld [tilespmem:s26+$0x88F0]  }
0x339: {  	v7 =	vadd.f32 v39, v5;
	v39 =	vld [tilespmem:s26+$0x8900];
	v11 =	vmul.f32 v11, v1;
	v38 =	vadd.f32 v46, v3  }
0x33a: {  	[tilespmem:$0x1FF10] =	vst v37;
	v37 =	vld [tilespmem:s26+$0x900]  }
0x33b: {  	v5 =	vadd.f32 v11, v9;
	v11 =	vmul.f32 v46, v3;
	v3 =	vld [tilespmem:$0x1FDC0];
	v38 =	vmul.f32 v38, v57  }
0x33c: {  	v2 =	vadd.f32 v30, v0;
	v30 =	vmul.f32 v30, v0;
	v0 =	vld [tilespmem:$0x1FDB0]  }
0x33d: {  	v36 =	vmul.f32 v8, v6;
	v8 =	vadd.f32 v38, v20;
	v20 =	vld [tilespmem:s26+$0x4900]  }
0x33e: {  	[tilespmem:$0x1FF00] =	vst v44;
	v44 =	vadd.f32 v4, v43;
	v2 =	vmul.f32 v2, v57;
	v57 =	vld [tilespmem:s26+$0xC900]  }
0x33f: {  	v38 =	vld [tilespmem:$0x1FDD0]  }
0x340: {  	v9 =	vadd.f32 v28, v48;
	v43 =	vadd.f32 v2, v44;
	v2 =	vld [tilespmem:$0x1FDA0]  }
0x341: {  	v5 =	vadd.f32 v5, v36;
	v36 =	vadd.f32 v8, v11;
	v11 =	vld [tilespmem:s26+$0x10900]  }
0x342: {  	v6 =	vadd.f32 v16, v55;
	v8 =	vmul.f32 v16, v55;
	v55 =	vadd.f32 v25, v41;
	v16 =	vld [tilespmem:s26+$0xC910]  }
0x343: {  	v9 =	vmul.f32 v9, v31;
	v4 =	vadd.f32 v27, v3;
	v41 =	vmul.f32 v25, v41;
	v25 =	vld [tilespmem:s26+$0x8920]  }
0x344: {  	[tilespmem:$0x1FFD0] =	vst v5;
	v30 =	vadd.f32 v43, v30;
	v43 =	vmul.f32 v55, v31;
	v31 =	vld [tilespmem:s26+$0x10910];
	v5 =	vmul.f32 v6, v38  }
0x345: {  	v44 =	vmul.f32 v4, v38;
	v38 =	vld [tilespmem:s26+$0x910]  }
0x346: {  	v46 =	vadd.f32 v0, v2;
	v6 =	vadd.f32 v5, v36;
	v36 =	vld [tilespmem:s26+$0x4910]  }
0x347: {  	v5 =	vmul.f32 v28, v48;
	v48 =	vld [tilespmem:s26+$0x4920]  }
0x348: {  	v28 =	vld [tilespmem:s26+$0x930];
	v46 =	vmul.f32 v46, v1  }
0x349: {  	v1 =	vadd.f32 v44, v30;
	v30 =	vmul.f32 v27, v3;
	v27 =	vld [tilespmem:s26+$0x8910];
	v8 =	vadd.f32 v6, v8  }
0x34a: {  	v6 =	vld [tilespmem:$0x1FE20]  }
0x34b: {  	v3 =	vadd.f32 v9, v8;
	v8 =	vld [tilespmem:$0x1FDE0]  }
0x34c: {  	v4 =	vadd.f32 v46, v7;
	v46 =	vmul.f32 v0, v2;
	v0 =	vld [tilespmem:$0x1FE00]  }
0x34d: {  	v1 =	vadd.f32 v1, v30;
	v2 =	vld [tilespmem:$0x1FE10]  }
0x34e: {  	v55 =	vadd.f32 v19, v21;
	v44 =	vld [tilespmem:s26+$0x8930]  }
0x34f: {  	v30 =	vld [tilespmem:s26+$0x920];
	v1 =	vadd.f32 v43, v1;
	v4 =	vadd.f32 v4, v46  }
0x350: {  	v46 =	vmul.f32 v55, v24;
	v55 =	vadd.f32 v29, v59;
	v9 =	vbroadcast v8, $0xF;
	v8 =	vld [tilespmem:$0x1FDF0]  }
0x351: {  	v3 =	vadd.f32 v3, v5;
	v43 =	vld [tilespmem:s26+$0xC920];
	v1 =	vadd.f32 v1, v41  }
0x352: {  	v41 =	vld [tilespmem:s26+$0x10920];
	v5 =	vmul.f32 v55, v0;
	v7 =	vsel vm2, v10, v9;
	v9 =	vadd.f32 v6, v2  }
0x353: {  	v21 =	vmul.f32 v19, v21;
	v55 =	vld [tilespmem:s26+$0x4940]  }
0x354: {  	[tilespmem:$0x1FFE0] =	vst v4;
	v3 =	vadd.f32 v5, v3;
	v5 =	vmul.f32 v29, v59;
	v29 =	vmul.f32 v9, v0;
	v9 =	vld [tilespmem:$0x1FE30]  }
0x355: {  	v4 =	vadd.f32 $0.0e+00, v46;
	v59 =	vld [tilespmem:s26+$0xC930];
	[tilespmem:$0x1FF20] =	vst v7;
	v7 =	vadd.f32 v26, v53;
	(xrf2) =	vadd.scan.msk.f32 $0xffff, v8  }
0x356: {  	v10 =	vadd.f32 v15, v42;
	v26 =	vmul.f32 v26, v53;
	v53 =	vld [tilespmem:s26+$0x10930]  }
0x357: {  	v4 =	vadd.f32 v4, v21;
	v21 =	vadd.f32 v18, v22;
	v7 =	vmul.f32 v7, v24;
	v24 =	vld [tilespmem:s26+$0x4930]  }
0x358: {  	v19 =	vmul.f32 v10, v60;
	v8 =	vadd.f32 v3, v5;
	v5 =	vadd.f32 v29, v1;
	v29 =	vld [tilespmem:s26+$0x8940]  }
0x359: {  	v15 =	vmul.f32 v15, v42;
	v1 =	vld [tilespmem:$0x1FE60];
	v7 =	vadd.f32 $0.0e+00, v7;
	v46 =	vadd.f32 v47, v9  }
0x35a: {  	v10 =	vmul.f32 v21, v54;
	v4 =	vadd.f32 v19, v4;
	v21 =	vmul.f32 v47, v9;
	v9 =	vld [tilespmem:$0x1FE50]  }
0x35b: {  	v19 =	vmul.f32 v6, v2;
	v6 =	vld [tilespmem:s26+$0x10940];
	v42 =	vadd.f32 v7, v26;
	v0 =	vmul.f32 v46, v60  }
0x35c: {  	v2 =	vld [tilespmem:$0x1FE70]  }
0x35d: {  	v4 =	vadd.f32 v4, v15;
	v7 =	vadd.f32 v0, v42;
	v0 =	vld [tilespmem:$0x1FE40]  }
0x35e: {  	v26 =	vld [tilespmem:s26+$0x940]  }
0x35f: {  	v4 =	vadd.f32 v10, v4;
	v10 =	vmul.f32 v18, v22;
	v22 =	vld [tilespmem:$0x1FE80];
	v46 =	vadd.f32 v1, v9;
	v47, _, _ =	vpop (xrf2)  }
0x360: {  	v60 =	vld [tilespmem:s26+$0xC940];
	v7 =	vadd.f32 v7, v21;
	v21 =	vbroadcast v47, $0xF  }
0x361: {  	v15 =	vmul.f32 v46, v2;
	v46 =	vld [tilespmem:s26+$0x950]  }
0x362: {  	v47 =	vld [tilespmem:s26+$0x10950];
	v42 =	vadd.f32 v52, v0;
	v14 =	vsel vm3, v14, v21  }
0x363: {  	[tilespmem:$0x1FFF0] =	vst v14;
	v14 =	vmul.f32 v52, v0;
	v0 =	vld [tilespmem:$0x1FEA0]  }
0x364: {  	v18 =	vmul.f32 v42, v54;
	v54 =	vadd.f32 v12, v61;
	v12 =	vmul.f32 v12, v61;
	v61 =	vld [tilespmem:$0x1FEB0]  }
0x365: {  	v3 =	vadd.f32 v5, v19;
	v5 =	vadd.f32 v15, v8;
	v8 =	vld [tilespmem:$0x1FE90]  }
0x366: {  	v4 =	vadd.f32 v4, v10;
	v52 =	vld [tilespmem:s26+$0xC950];
	v19 =	vmul.f32 v54, v22  }
0x367: {  	v42 =	vld [tilespmem:s26+$0x8950];
	v7 =	vadd.f32 v18, v7  }
0x368: {  	v54 =	vld [tilespmem:s26+$0x4950];
	v18 =	vadd.f32 v35, v40;
	v4 =	vadd.f32 v19, v4  }
0x369: {  	v19 =	vmul.f32 v1, v9;
	v7 =	vadd.f32 v7, v14;
	v14 =	vld [tilespmem:s26+$0x4960];
	v15 =	vadd.f32 v61, v0  }
0x36a: {  	v21 =	vadd.f32 v58, v8;
	v9 =	vmul.f32 v35, v40;
	v35 =	vmul.f32 v61, v0;
	v0 =	vld [tilespmem:$0x1FED0]  }
0x36b: {  	v15 =	vmul.f32 v15, v2;
	v2 =	vld [tilespmem:$0x1FEC0]  }
0x36c: {  	v40 =	vld [tilespmem:s26+$0xC960];
	v10 =	vmul.f32 v21, v22  }
0x36d: {  	v22 =	vld [tilespmem:s26+$0x960];
	v4 =	vadd.f32 v4, v12  }
0x36e: {  	v12 =	vadd.f32 v17, v50;
	v7 =	vadd.f32 v10, v7;
	v10 =	vmul.f32 v58, v8;
	v58 =	vld [tilespmem:s26+$0x8960]  }
0x36f: {  	v21 =	vadd.f32 v63, v45;
	v8 =	vld [tilespmem:s26+$0xC990]  }
0x370: {  	v10 =	vadd.f32 v7, v10;
	v7 =	vld [tilespmem:s26+$0x970];
	v61 =	vmul.f32 v12, v0;
	v1 =	vmul.f32 v18, v2  }
0x371: {  	v12 =	vld [tilespmem:s26+$0x4970];
	v18 =	vmul.f32 v21, v2;
	v2 =	vmul.f32 v17, v50;
	v17 =	vadd.f32 v57, v20  }
0x372: {  	v21 =	vld [tilespmem:s26+$0x10960];
	v57 =	vmul.f32 v57, v20;
	v4 =	vadd.f32 v1, v4;
	v1 =	vadd.f32 v15, v3  }
0x373: {  	v20 =	vld [tilespmem:s26+$0xC980];
	v10 =	vadd.f32 v18, v10;
	v15 =	vmul.f32 v63, v45;
	v45 =	vadd.f32 v13, v51  }
0x374: {  	v3 =	vld [tilespmem:$0x1FEE0];
	v4 =	vadd.f32 v4, v9  }
0x375: {  	v50 =	vadd.f32 v10, v15;
	v63 =	vmul.f32 v45, v0;
	v10 =	vld [tilespmem:s26+$0xC970]  }
0x376: {  	v18 =	vadd.f32 v5, v19;
	v45 =	vmul.f32 v17, v37;
	v17 =	vld [tilespmem:s26+$0x10970];
	v4 =	vadd.f32 v61, v4  }
0x377: {  	v15 =	vld [tilespmem:s26+$0x980];
	v5 =	vadd.f32 v63, v50;
	v50 =	vmul.f32 v13, v51;
	v51 =	vadd.f32 v11, v39  }
0x378: {  	v19 =	vadd.f32 v1, v35;
	v35 =	vld [tilespmem:s26+$0x4980];
	v63 =	vadd.f32 v56, v34  }
0x379: {  	v61 =	vld [tilespmem:s26+$0x8970];
	v1 =	vadd.f32 v4, v2;
	v4 =	vadd.f32 $0.0e+00, v45;
	v45 =	vmul.f32 v51, v37  }
0x37a: {  	v5 =	vadd.f32 v5, v50;
	v50 =	vadd.f32 v16, v36;
	v37 =	vld [tilespmem:s26+$0x8980]  }
0x37b: {  	v9 =	vadd.f32 $0.0e+00, v45;
	v45 =	vld [tilespmem:s26+$0x10980]  }
0x37c: {  	v51 =	vmul.f32 v63, v23;
	v13 =	vmul.f32 v50, v38;
	v50 =	vld [tilespmem:s26+$0x990]  }
0x37d: {  	v2 =	vadd.f32 v4, v57;
	v4 =	vmul.f32 v56, v34;
	v56 =	vmul.f32 v16, v36;
	v36 =	vld [tilespmem:s26+$0x8990]  }
0x37e: {  	v0 =	vmul.f32 v11, v39;
	v16 =	vld [tilespmem:s26+$0x10990]  }
0x37f: {  	v63 =	vadd.f32 v31, v27;
	v1 =	vadd.f32 v51, v1;
	v51 =	vmul.f32 v31, v27;
	v31 =	vld [tilespmem:s26+$0x109B0]  }
0x380: {  	v57 =	vadd.f32 v33, v3;
	v34 =	vld [tilespmem:s26+$0x89C0]  }
0x381: {  	v11 =	vadd.f32 v59, v24;
	v0 =	vadd.f32 v9, v0;
	v9 =	vld [tilespmem:s26+$0x4990]  }
0x382: {  	v23 =	vmul.f32 v57, v23;
	v2 =	vadd.f32 v13, v2;
	v57 =	vmul.f32 v63, v38;
	v38 =	vld [tilespmem:s26+$0x49A0]  }
0x383: {  	v63 =	vadd.f32 v43, v48;
	v1 =	vadd.f32 v1, v4;
	v13 =	vld [tilespmem:s26+$0xC9A0]  }
0x384: {  	v4 =	vadd.f32 v23, v5;
	v5 =	vmul.f32 v33, v3;
	v2 =	vadd.f32 v2, v56;
	v33 =	vld [tilespmem:s26+$0x9A0]  }
0x385: {  	v0 =	vadd.f32 v57, v0;
	v39 =	vmul.f32 v63, v30;
	v63 =	vmul.f32 v43, v48;
	v48 =	vld [tilespmem:$0x1FEF0]  }
0x386: {  	v56 =	vadd.f32 v32, v49;
	v57 =	vadd.f32 v41, v25;
	v43 =	vmul.f32 v11, v28;
	v23 =	vld [tilespmem:s26+$0x109A0]  }
0x387: {  	v49 =	vmul.f32 v32, v49;
	v25 =	vmul.f32 v41, v25;
	v32 =	vld [tilespmem:s26+$0x9B0];
	v2 =	vadd.f32 v39, v2  }
0x388: {  	v3 =	vld [tilespmem:$0x1FF00];
	v0 =	vadd.f32 v0, v51;
	v27 =	vmul.f32 v56, v62;
	v5 =	vadd.f32 v4, v5  }
0x389: {  	v41 =	vld [tilespmem:s26+$0x49B0];
	v39 =	vmul.f32 v57, v30;
	v51 =	vadd.f32 v53, v44;
	v2 =	vadd.f32 v2, v63  }
0x38a: {  	v30 =	vld [tilespmem:s26+$0x89A0];
	v56 =	vmul.f32 v59, v24;
	v59 =	vadd.f32 v60, v55;
	v1 =	vadd.f32 v27, v1  }
0x38b: {  	v55 =	vmul.f32 v60, v55;
	v0 =	vadd.f32 v39, v0;
	v2 =	vadd.f32 v43, v2;
	v43 =	vld [tilespmem:$0x1FF10]  }
0x38c: {  	v24 =	vld [tilespmem:s26+$0x49C0];
	v63 =	vmul.f32 v51, v28;
	v51 =	vmul.f32 v53, v44;
	v53 =	vadd.f32 v6, v29  }
0x38d: {  	v60 =	vmul.f32 v6, v29;
	v28 =	vld [tilespmem:s26+$0xC9B0];
	v6 =	vadd.f32 v8, v9;
	v0 =	vadd.f32 v0, v25  }
0x38e: {  	v39 =	vld [tilespmem:s26+$0x9C0];
	(xrf2) =	vadd.scan.msk.f32 $0xffff, v48;
	v4 =	vadd.f32 v1, v49;
	v49 =	vmul.f32 v59, v26;
	v2 =	vadd.f32 v2, v56  }
0x38f: {  	v29 =	vld [tilespmem:s26+$0xC9C0];
	v0 =	vadd.f32 v63, v0;
	v56 =	vadd.f32 v52, v54  }
0x390: {  	v8 =	vmul.f32 v8, v9;
	v9 =	vld [tilespmem:s26+$0x89F0];
	v2 =	vadd.f32 v49, v2;
	v57 =	vadd.f32 v43, v3  }
0x391: {  	v25 =	vld [tilespmem:s26+$0x89B0];
	v0 =	vadd.f32 v0, v51;
	v59 =	vmul.f32 v56, v46  }
0x392: {  	v51 =	vld [tilespmem:s26+$0x49D0];
	v2 =	vadd.f32 v2, v55;
	v48 =	vmul.f32 v57, v62;
	v57 =	vmul.f32 v53, v26  }
0x393: {  	v53 =	vmul.f32 v52, v54;
	v54 =	vadd.f32 v40, v14;
	v14 =	vmul.f32 v40, v14;
	v40 =	vld [tilespmem:s26+$0xC9E0]  }
0x394: {  	v62 =	vadd.f32 v47, v42;
	v2 =	vadd.f32 v59, v2;
	v59 =	vmul.f32 v47, v42;
	v47 =	vld [tilespmem:s26+$0x9E0]  }
0x395: {  	v27 =	vadd.f32 v48, v5;
	v48 =	vld [tilespmem:s26+$0x109C0]  }
0x396: {  	v26 =	vmul.f32 v43, v3;
	v55 =	vmul.f32 v62, v46;
	v46 =	vld [tilespmem:s26+$0x9D0]  }
0x397: {  	v56 =	vadd.f32 v20, v35;
	v0 =	vadd.f32 v57, v0;
	v57 =	vld [tilespmem:$0x1FF20]  }
0x398: {  	v63, _, _ =	vpop (xrf2);
	v62 =	vadd.f32 v21, v58;
	v3 =	vadd.f32 v27, v26;
	v26 =	vld [tilespmem:s26+$0x89D0]  }
0x399: {  	v43 =	vmul.f32 v54, v22;
	v11 =	vbroadcast v63, $0xF;
	v2 =	vadd.f32 v2, v53;
	v27 =	vld [tilespmem:s26+$0xC9D0]  }
0x39a: {  	v63 =	vadd.f32 v45, v37;
	v0 =	vadd.f32 v0, v60;
	v49 =	vmul.f32 v62, v22;
	v22 =	vld [tilespmem:s26+$0x89E0]  }
0x39b: {  	v20 =	vmul.f32 v20, v35;
	v60 =	vmul.f32 v56, v15;
	v2 =	vadd.f32 v43, v2;
	v43 =	vld [tilespmem:s26+$0x109D0]  }
0x39c: {  	v56 =	vadd.f32 v10, v12;
	v44 =	vmul.f32 v63, v15;
	v15 =	vld [tilespmem:s26+$0x9F0];
	v0 =	vadd.f32 v55, v0  }
0x39d: {  	v52 =	vmul.f32 v6, v50;
	v55 =	vadd.f32 v13, v38;
	v2 =	vadd.f32 v2, v14;
	v14 =	vld [tilespmem:s26+$0x49E0]  }
0x39e: {  	v5 =	vsel vm3, v57, v11;
	v11 =	vadd.f32 $0.0e+00, v60;
	v60 =	vmul.f32 v13, v38;
	v13 =	vld [tilespmem:s26+$0x109F0]  }
0x39f: {  	v42 =	vadd.f32 v31, v25;
	v63 =	vmul.f32 v56, v7;
	v56 =	vadd.f32 v17, v61;
	v38 =	vld [tilespmem:s26+$0x8A00]  }
0x3a0: {  	v1 =	vadd.f32 $0.0e+00, v44;
	v44 =	vadd.f32 v29, v24;
	v24 =	vmul.f32 v29, v24;
	v29 =	vld [tilespmem:s26+$0x4A10]  }
0x3a1: {  	v0 =	vadd.f32 v0, v59;
	v59 =	vadd.f32 v23, v30;
	v23 =	vmul.f32 v23, v30;
	v30 =	vld [tilespmem:s26+$0x10A00]  }
0x3a2: {  	v54 =	vadd.f32 v16, v36;
	v53 =	vmul.f32 v45, v37;
	v7 =	vmul.f32 v56, v7;
	v56 =	vld [tilespmem:s26+$0xA40]  }
0x3a3: {  	v21 =	vmul.f32 v21, v58;
	v62 =	vadd.f32 v28, v41;
	v11 =	vadd.f32 v11, v20;
	v20 =	vld [tilespmem:s26+$0x109E0]  }
0x3a4: {  	v37 =	vmul.f32 v54, v50;
	v28 =	vmul.f32 v28, v41;
	v35 =	vadd.f32 v1, v53;
	v1 =	vld [tilespmem:s26+$0x49F0]  }
0x3a5: {  	v6 =	vmul.f32 v62, v32;
	v58 =	vmul.f32 v48, v34;
	v53 =	vadd.f32 v48, v34;
	v34 =	vld [tilespmem:s26+$0x10A10]  }
0x3a6: {  	v57 =	vmul.f32 v55, v33;
	v0 =	vadd.f32 v49, v0;
	v49 =	vmul.f32 v42, v32;
	v32 =	vld [tilespmem:s26+$0x4A20]  }
0x3a7: {  	v33 =	vmul.f32 v59, v33;
	v59 =	vadd.f32 v43, v26;
	v41 =	vmul.f32 v43, v26;
	v43 =	vld [tilespmem:s26+$0x10A20]  }
0x3a8: {  	v26 =	vld [tilespmem:s26+$0x8A50]  }
0x3a9: {  	v35 =	vadd.f32 v37, v35;
	v37 =	vld [tilespmem:s26+$0xA00]  }
0x3aa: {  	v50 =	vmul.f32 v44, v39;
	v11 =	vadd.f32 v52, v11;
	v52 =	vmul.f32 v31, v25;
	v31 =	vld [tilespmem:s26+$0xA10]  }
0x3ab: {  	v55 =	vmul.f32 v53, v39;
	v39 =	vmul.f32 v17, v61;
	v17 =	vld [tilespmem:s26+$0xCA20]  }
0x3ac: {  	v16 =	vmul.f32 v16, v36;
	v25 =	vld [tilespmem:s26+$0x4A60]  }
0x3ad: {  	v62 =	vadd.f32 v40, v14;
	v8 =	vadd.f32 v11, v8;
	v11 =	vld [tilespmem:s26+$0xC9F0]  }
0x3ae: {  	v16 =	vadd.f32 v35, v16;
	v35 =	vld [tilespmem:s26+$0xA20]  }
0x3af: {  	v54 =	vadd.f32 v27, v51;
	v36 =	vmul.f32 v62, v47;
	v44 =	vadd.f32 v20, v22;
	v62 =	vld [tilespmem:s26+$0xCA40]  }
0x3b0: {  	v8 =	vadd.f32 v57, v8;
	v16 =	vadd.f32 v33, v16;
	v33 =	vld [tilespmem:s26+$0x4A00]  }
0x3b1: {  	v57 =	vmul.f32 v54, v46;
	v54 =	vld [tilespmem:s26+$0x10A30]  }
0x3b2: {  	v48 =	vmul.f32 v44, v47;
	v44 =	vld [tilespmem:s26+$0xCA50];
	v8 =	vadd.f32 v8, v60  }
0x3b3: {  	v47 =	vld [tilespmem:$0x1FF40]  }
0x3b4: {  	v45 =	vadd.f32 v16, v23;
	v23 =	vld [tilespmem:s26+$0xCA00];
	v8 =	vadd.f32 v6, v8  }
0x3b5: {  	v21 =	vadd.f32 v0, v21;
	v16 =	vld [tilespmem:s26+$0x8A10]  }
0x3b6: {  	v60 =	vmul.f32 v27, v51;
	v27 =	vld [tilespmem:s26+$0xA30];
	v0 =	vadd.f32 v49, v45;
	v8 =	vadd.f32 v8, v28  }
0x3b7: {  	v45 =	vadd.f32 v30, v38;
	v28 =	vld [tilespmem:s26+$0xCA10]  }
0x3b8: {  	v0 =	vadd.f32 v0, v52;
	v52 =	vld [tilespmem:s26+$0xCA30];
	v8 =	vadd.f32 v50, v8  }
0x3b9: {  	v2 =	vadd.f32 v63, v2;
	v7 =	vadd.f32 v7, v21;
	v49 =	vmul.f32 v45, v37;
	v45 =	vld [tilespmem:$0x1FF30]  }
0x3ba: {  	v53 =	vadd.f32 v34, v16;
	v16 =	vmul.f32 v34, v16;
	v34 =	vld [tilespmem:s26+$0x4A70];
	v8 =	vadd.f32 v8, v24  }
0x3bb: {  	v10 =	vmul.f32 v10, v12;
	v42 =	vadd.f32 v23, v33;
	v0 =	vadd.f32 v55, v0;
	v50 =	vld [tilespmem:s26+$0x8A30]  }
0x3bc: {  	v30 =	vmul.f32 v30, v38;
	v21 =	vadd.f32 $0.0e+00, v49;
	v49 =	vld [tilespmem:$0x1FF50];
	v8 =	vadd.f32 v57, v8  }
0x3bd: {  	v63 =	vmul.f32 v59, v46;
	v12 =	vadd.f32 v0, v58;
	v0 =	vadd.f32 v2, v10;
	v10 =	vld [tilespmem:s26+$0x8A20]  }
0x3be: {  	v21 =	vadd.f32 v21, v30;
	v30 =	vld [tilespmem:s26+$0x4A50];
	v24 =	vadd.f32 v8, v60;
	v8 =	vmul.f32 v42, v37  }
0x3bf: {  	v58 =	vmul.f32 v53, v31;
	v51 =	vadd.f32 v28, v29;
	v59 =	vmul.f32 v28, v29;
	v29 =	vld [tilespmem:s26+$0x8A40]  }
0x3c0: {  	v6 =	vadd.f32 v7, v39;
	v23 =	vmul.f32 v23, v33;
	v28 =	vld [tilespmem:s26+$0xA50];
	v8 =	vadd.f32 $0.0e+00, v8  }
0x3c1: {  	v14 =	vmul.f32 v40, v14;
	(xrf2) =	vadd.scan.msk.f32 $0xffff, v45;
	v12 =	vadd.f32 v63, v12;
	v21 =	vadd.f32 v58, v21;
	v58 =	vld [tilespmem:$0x1FF80]  }
0x3c2: {  	v57 =	vadd.f32 v11, v1;
	(xrf2) =	vadd.scan.msk.f32 $0xffff, v47;
	v47 =	vld [tilespmem:$0x1FFD0];
	v55 =	vmul.f32 v51, v31;
	v8 =	vadd.f32 v8, v23  }
0x3c3: {  	v20 =	vmul.f32 v20, v22;
	v46 =	vadd.f32 v12, v41;
	v12 =	vld [tilespmem:s26+$0x4A30];
	v60 =	vadd.f32 v17, v32  }
0x3c4: {  	v40 =	vmul.f32 v17, v32;
	v31 =	vld [tilespmem:s26+$0x4A40];
	v16 =	vadd.f32 v21, v16;
	v8 =	vadd.f32 v55, v8  }
0x3c5: {  	v38 =	vmul.f32 v57, v15;
	v42 =	vadd.f32 v54, v50;
	v21 =	vld [tilespmem:s26+$0xA60];
	v61 =	vadd.f32 v43, v10  }
0x3c6: {  	v50 =	vmul.f32 v54, v50;
	v54 =	vld [tilespmem:$0x1FF70];
	v63 =	vmul.f32 v60, v35;
	v8 =	vadd.f32 v8, v59  }
0x3c7: {  	v57 =	vld [tilespmem:s26+$0xCA60];
	v2 =	vadd.f32 v36, v24;
	v7 =	vadd.f32 v48, v46;
	v39 =	vmul.f32 v61, v35  }
0x3c8: {  	v10 =	vmul.f32 v43, v10;
	v36 =	vld [tilespmem:s26+$0x10A40];
	v41 =	vadd.f32 v52, v12;
	v8 =	vadd.f32 v63, v8  }
0x3c9: {  	v46 =	vmul.f32 v42, v27;
	v16 =	vadd.f32 v39, v16;
	v12 =	vmul.f32 v52, v12;
	v52 =	vld [tilespmem:$0x1FF60]  }
0x3ca: {  	v42 =	vld [tilespmem:$0x1FFC0];
	v2 =	vadd.f32 v2, v14;
	v43 =	vmul.f32 v41, v27;
	v8 =	vadd.f32 v8, v40  }
0x3cb: {  	v7 =	vadd.f32 v7, v20;
	v20 =	vld [tilespmem:s26+$0x10A50];
	v10 =	vadd.f32 v16, v10  }
0x3cc: {  	v48 =	vadd.f32 v62, v31;
	v59 =	vmul.f32 v62, v31;
	v62 =	vld [tilespmem:$0x1FF90];
	v8 =	vadd.f32 v43, v8  }
0x3cd: {  	(xrf2) =	vadd.scan.msk.f32 $0xffff, v49;
	v35 =	vld [tilespmem:$0x1FFA0];
	v51 =	vadd.f32 v36, v29;
	v10 =	vadd.f32 v46, v10  }
0x3ce: {  	v60 =	vadd.f32 v44, v30;
	v39 =	vld [tilespmem:$0x1FFB0];
	v53 =	vmul.f32 v48, v56;
	(xrf2) =	vadd.scan.msk.f32 $0xffff, v52;
	v8 =	vadd.f32 v8, v12  }
0x3cf: {  	v61 =	vld [tilespmem:s26+$0x10A60];
	v2 =	vadd.f32 v38, v2;
	v56 =	vmul.f32 v51, v56;
	(xrf2) =	vadd.scan.msk.f32 $0xffff, v54;
	v10 =	vadd.f32 v10, v50  }
0x3d0: {  	v1 =	vmul.f32 v11, v1;
	v55 =	vadd.f32 v13, v9;
	(xrf2) =	vadd.scan.msk.f32 $0xffff, v58;
	v12 =	vld [tilespmem:s26+$0x8A60];
	v8 =	vadd.f32 v53, v8  }
0x3d1: {  	v33 =	vadd.f32 v20, v26;
	v63 =	vmul.f32 v36, v29;
	v52 =	vld [tilespmem:$0x1FFE0];
	(xrf2) =	vadd.scan.msk.f32 $0xffff, v62;
	v10 =	vadd.f32 v56, v10  }
0x3d2: {  	v45 =	vld [tilespmem:s26+$0x10A70];
	v37 =	vmul.f32 v60, v28;
	v1 =	vadd.f32 v2, v1;
	(xrf2) =	vadd.scan.msk.f32 $0xffff, v35;
	v36 =	vadd.f32 v8, v59  }
0x3d3: {  	v41 =	vld [tilespmem:s26+$0xCA70];
	v14 =	vmul.f32 v55, v15;
	v40 =	vmul.f32 v33, v28;
	(xrf2) =	vadd.scan.msk.f32 $0xffff, v39;
	v10 =	vadd.f32 v10, v63  }
0x3d4: {  	v38 =	vld [tilespmem:s26+$0x8A70];
	v43 =	vmul.f32 v44, v30;
	v44 =	vadd.f32 v57, v25;
	(xrf2) =	vadd.scan.msk.f32 $0xffff, v42;
	v2 =	vadd.f32 v37, v36  }
0x3d5: {  	v46, _, _ =	vpop (xrf2);
	v48 =	vmul.f32 v20, v26;
	v50 =	vld [tilespmem:s26+$0xA70];
	(xrf2) =	vadd.scan.msk.f32 $0xffff, v47;
	v10 =	vadd.f32 v40, v10;
	v49 =	vadd.f32 v61, v12  }
0x3d6: {  	v9 =	vmul.f32 v13, v9;
	v51, _, _ =	vpop (xrf2);
	(xrf2) =	vadd.scan.msk.f32 $0xffff, v52;
	v53 =	vmul.f32 v44, v21;
	v2 =	vadd.f32 v2, v43  }
0x3d7: {  	v7 =	vadd.f32 v14, v7;
	v54, _, _ =	vpop (xrf2);
	(xrf2) =	vadd.scan.msk.f32 $0xffff, v18;
	v10 =	vadd.f32 v10, v48;
	v55 =	vmul.f32 v49, v21  }
0x3d8: {  	v58 =	vadd.f32 v41, v34;
	v57 =	vmul.f32 v57, v25;
	v56, _, _ =	vpop (xrf2);
	(xrf2) =	vadd.scan.msk.f32 $0xffff, v19;
	v2 =	vadd.f32 v53, v2  }
0x3d9: {  	v32 =	vld [tilespmem:$0x1FFF0];
	v62 =	vadd.f32 v45, v38;
	v59, _, _ =	vpop (xrf2);
	(xrf2) =	vadd.scan.msk.f32 $0xffff, v4;
	v61 =	vmul.f32 v61, v12;
	v60 =	vadd.f32 v55, v10  }
0x3da: {  	v31 =	vbroadcast v51, $0xF;
	v20 =	vmul.f32 v58, v50;
	v63, _, _ =	vpop (xrf2);
	(xrf2) =	vadd.scan.msk.f32 $0xffff, v3;
	v2 =	vadd.f32 v2, v57  }
0x3db: {  	v25 =	vbroadcast v46, $0xF;
	v26 =	vmul.f32 v62, v50;
	v21, _, _ =	vpop (xrf2);
	(xrf2) =	vadd.scan.msk.f32 $0xffff, v0;
	v23 =	vadd.f32 v60, v61  }
0x3dc: {  	v30 =	vmul.f32 v41, v34;
	v19 =	vadd.f32 v7, v9;
	v27, _, _ =	vpop (xrf2);
	(xrf2) =	vadd.scan.msk.f32 $0xffff, v6;
	v2 =	vadd.f32 v20, v2  }
0x3dd: {  	v34 =	vmul.f32 v45, v38;
	v5 =	vsel vm4, v5, v31;
	v33, _, _ =	vpop (xrf2);
	(xrf2) =	vadd.scan.msk.f32 $0xffff, v1;
	v0 =	vadd.f32 v26, v23  }
0x3de: {  	v4 =	vsel vm4, v32, v25;
	v36 =	vbroadcast v54, $0xF;
	v35, _, _ =	vpop (xrf2);
	(xrf2) =	vadd.scan.msk.f32 $0xffff, v19;
	v2 =	vadd.f32 v2, v30  }
0x3df: {  	v38 =	vbroadcast v56, $0xF;
	v39 =	vbroadcast v59, $0xF;
	v37, _, _ =	vpop (xrf2);
	v0 =	vadd.f32 v0, v34  }
0x3e0: {  	v41 =	vbroadcast v63, $0xF;
	v3 =	vsel vm5, v4, v36;
	v8 =	vbroadcast v21, $0xF;
	v40, _, _ =	vpop (xrf2);
	(xrf2) =	vadd.scan.msk.f32 $0xffff, v2  }
0x3e1: {  	v1 =	vsel vm5, v5, v38;
	v3 =	vsel vm6, v3, v39;
	v42 =	vbroadcast v27, $0xF;
	v43, _, _ =	vpop (xrf2);
	(xrf2) =	vadd.scan.msk.f32 $0xffff, v0  }
0x3e2: {  	v1 =	vsel vm6, v1, v41;
	v45 =	vsel vm7, v3, v8;
	v48 =	vbroadcast v35, $0xF;
	v44, _, _ =	vpop (xrf2)  }
0x3e3: {  	v46 =	vbroadcast v33, $0xF;
	v1 =	vsel vm7, v1, v42;
	v50 =	vbroadcast v40, $0xF;
	v47, _, _ =	vpop (xrf2)  }
0x3e4: {  	v6 =	vbroadcast v37, $0xF;
	v1 =	vsel vm8, v1, v48;
	v51 =	vbroadcast v43, $0xF;
	v49, _, _ =	vpop (xrf2)  }
0x3e5: {  	v1 =	vsel vm9, v1, v50;
	v54 =	vbroadcast v47, $0xF;
	v52, _, _ =	vpop (xrf2);
	v2 =	vsel vm8, v45, v46  }
0x3e6: {  	v56 =	vbroadcast v49, $0xF;
	v53, _, _ =	vpop (xrf2);
	v2 =	vsel vm9, v2, v6;
	v0 =	vbroadcast v44, $0xF  }
0x3e7: {  	s26 =	sshll.u32 s25, $0x4;
	s25 =	sadd.s32 $0x1, s25;
	v57 =	vbroadcast v52, $0xF;
	v55, _, _ =	vpop (xrf2);
	v59 =	vbroadcast v53, $0xF;
	v2 =	vsel vm10, v2, v51  }
0x3e8: {  	p0 =	sne.s32 s25, $0x8;
	v58, _, _ =	vpop (xrf2);
	v4 =	vbroadcast v55, $0xF;
	v0 =	vsel vm10, v1, v0;
	v2 =	vsel vm11, v2, v54  }
.Ltmp3:
0x3e9: {  	v61 =	vbroadcast v58, $0xF;
	v0 =	vsel vm11, v0, v56;
	v60 =	vsel vm12, v2, v57;
	(pc) =	sbr.rel @!p0 .LBB2_13-.Ltmp3, $4  }
0x3ea: {  	v0 =	vsel vm12, v0, v59;
	v1 =	vsel vm13, v60, v4;
	v62, _, _ =	vpop (xrf2)  }
0x3eb: {  	v0 =	vsel vm13, v0, v61;
	v1 =	vsel vm14, v1, v62;
	v63, _, _ =	vpop (xrf2)  }
0x3ec: {  	v0 =	vsel vm14, v0, v63;
	[tilespmem:s26+$0x14280] =	vst v1  }
0x3ed: {  	[tilespmem:s26+$0x14300] =	vst v0  }
.LBB2_2:
0x3ee: {  	p0 =	sgt.s32 s25, $0x3  }
.Ltmp4:
0x3ef: {  	_ = 	snop;
	(pc) =	sbr.rel @p0 .LBB2_5-.Ltmp4, $1  }
0x3f0: {  	_ =	sdelay $0x3  }
0x3f1: {  	p0 =	seq.s32 s25, $0x0  }
.Ltmp5:
0x3f2: {  	_ = 	snop;
	(pc) =	sbr.rel @p0 .LBB2_4-.Ltmp5, $1  }
0x3f3: {  	_ =	sdelay $0x3  }
0x3f4: {  	p0 =	seq.s32 s25, $0x2  }
.Ltmp6:
0x3f5: {  	_ = 	snop;
	(pc) =	sbr.rel @!p0 .LBB2_12-.Ltmp6, $1  }
0x3f6: {  	_ =	sdelay $0x3  }
.Ltmp7:
0x3f7: {  	(pc) =	sbr.rel .LBB2_11-.Ltmp7, $2  }
0x3f8: {  	_ =	sdelay $0x2  }
0x3f9: {  	s26 =	simm.s32 $0x2  }
.LBB2_5:
0x3fa: {  	p0 =	seq.s32 s25, $0x4  }
.Ltmp8:
0x3fb: {  	_ = 	snop;
	(pc) =	sbr.rel @p0 .LBB2_10-.Ltmp8, $1  }
0x3fc: {  	_ =	sdelay $0x3  }
0x3fd: {  	p0 =	seq.s32 s25, $0x6  }
.Ltmp9:
0x3fe: {  	_ = 	snop;
	(pc) =	sbr.rel @!p0 .LBB2_12-.Ltmp9, $1  }
0x3ff: {  	_ =	sdelay $0x3  }
.Ltmp10:
0x400: {  	(pc) =	sbr.rel .LBB2_11-.Ltmp10, $2  }
0x401: {  	_ =	sdelay $0x2  }
0x402: {  	s26 =	simm.s32 $0x4  }
.LBB2_4:
.Ltmp11:
0x403: {  	(pc) =	sbr.rel .LBB2_11-.Ltmp11, $2  }
0x404: {  	_ =	sdelay $0x2  }
0x405: {  	s26 =	simm.s32 $0x1  }
.LBB2_14:
0x406: {  	_ =	sfence.sel $0x180000  }
0x407: {  	[bflag:$0x0] =	sbarrier.arrive $0xFFFF  }
0x408: {  	_ =	strace $0x90000047  }
0x409: {  	s0 =	stileid.u32;
	[bflag:$0x2] =	sbarrier.arrive $0xFFFF  }
0x40a: {  	p0 =	sne.s32 s0, $0x0;
	s0 =	rddreg [dreg:$0x8]  }
0x40b: {  	s0 =	sadd.s32 @!p0 $0x100000, s0  }
0x40c: {  	[sflag:s0] =	ssyncadd.tile.s32 @!p0 $0x1;
	_ =	shalt  }
.Lfunc_end2:
_tile_overlayer_lowered:
.L_overlay_start_2:
0x40d: {  	(tag) =	ssettag $0x2  }
0x40e: {  	s0 =	rddreg [dreg:$0x0];
	s2 =	stileid.u32  }
0x40f: {  	s1 =	rddreg [dreg:$0x1];
	p0 =	sne.s32 s2, $0x0  }
0x410: {  	s3 =	rddreg [dreg:$0x2];
	[bflag:$0x3] =	sbarrier.arrive $0xFFFF;
	s2 =	simm.s32 @!p0 $0x1C05  }
0x411: {  	[timem:s3], [sflag:s2] =	dma.local @!p0 [hbm:s0], s1  }
0x412: {  	s0 =	simm.s32 @!p0 $0x5  }
0x413: {  	_ =	swait.ge @!p0 [sflag:s0], s1  }
0x414: {  	s1 =	ssub.s32 @!p0 $0x0, s1;
	[sflag:s0] =	ssyncset.done @!p0 $0x0  }
0x415: {  	[sflag:s0] =	ssyncadd.s32 @!p0 s1  }
0x416: {  	[bflag:$0x3] =	sbarrier.arrive $0xFFFF  }
0x417: {  	_ =	shalt  }

</sc_bundles>
